<compile_context>
chip_gen: v7x
topology: tpu7x:2x2x1
jax: 0.10.2.dev20260603
libtpu: 0.0.44.dev20260713+nightly
codegen_flags: <defaults>
</compile_context>

<pallas_src>
import functools

import jax
import jax.numpy as jnp
from jax import lax
from jax.experimental import pallas as pl
from jax.experimental.pallas import tpu as pltpu
from jax.experimental.pallas import tpu_sc as plsc

N = 10000
E = 320000
FIN = 128
H = 64
C = 10
K = 3
B = 128

NC = 2
NS = 16
NT = NC * NS
CH = 128
NPAD = 10240
EPAD = 327680
NCHW = EPAD // (NT * CH)
NCHWS = EPAD // (NS * CH)
RPT = NPAD // NS
NBUF = 5
LAG = 3
SLAG = 2

CHS = 64
TOTCH = EPAD // CHS
SLOW_CID = 1
NCH_SLOW = TOTCH // NT
NCH_FAST = (TOTCH - NS * NCH_SLOW) // NS

@functools.cache
def _mesh():
    return plsc.VectorSubcoreMesh(
        core_axis_name="c", subcore_axis_name="s",
        num_cores=NC, num_subcores=NS)


@functools.cache
def _mesh1():
    return plsc.VectorSubcoreMesh(
        core_axis_name="c", subcore_axis_name="s",
        num_cores=1, num_subcores=NS)


@functools.cache
def _sc_degree_call():
    return pl.kernel(
        _sc_degree_body,
        out_type=jax.ShapeDtypeStruct((NT, NPAD), jnp.float32),
        mesh=_mesh(),
        compiler_params=pltpu.CompilerParams(
            needs_layout_passes=False, use_tc_tiling_on_sc=False),
        scratch_types=[
            pltpu.VMEM((NPAD,), jnp.float32),
            pltpu.VMEM((TOTCH // NT, CHS), jnp.int32),
        ],
    )


def _sc_degree_body(dst_hbm, out_hbm, hist, dbuf):
    cid = lax.axis_index("c")
    sid = lax.axis_index("s")
    wid = sid * NC + cid

    zeros16 = jnp.zeros((16,), jnp.float32)

    def zero_body(i, _):
        hist[pl.ds(i * 16, 16)] = zeros16
        return 0

    lax.fori_loop(0, NPAD // 16, zero_body, 0)

    pltpu.sync_copy(dst_hbm.at[pl.ds(wid * (TOTCH // NT), TOTCH // NT)], dbuf)

    ones16 = jnp.ones((16,), jnp.float32)

    def chunk_body(c, _):
        for g in range(CHS // 16):
            idx = dbuf[c, pl.ds(g * 16, 16)]
            plsc.addupdate_scatter(hist, [idx], ones16)
        return 0

    lax.fori_loop(0, TOTCH // NT, chunk_body, 0)
    pltpu.sync_copy(hist, out_hbm.at[wid])


@functools.cache
def _sc_scatter_call():
    return pl.kernel(
        _sc_scatter_body,
        out_type=jax.ShapeDtypeStruct((NC, NPAD, H), jnp.float32),
        mesh=_mesh(),
        compiler_params=pltpu.CompilerParams(
            needs_layout_passes=False, use_tc_tiling_on_sc=False),
        scratch_types=[
            pltpu.VMEM((NCH_FAST, CHS), jnp.int32),
            pltpu.VMEM((NCH_FAST, CHS), jnp.int32),
            [pltpu.VMEM((CHS, H), jnp.float32) for _ in range(NBUF)],
            pltpu.VMEM_SHARED((NPAD, H), jnp.float32),
            pltpu.VMEM_SHARED((NPAD, H), jnp.float32),
            [pltpu.SemaphoreType.DMA for _ in range(NBUF)],
            [pltpu.SemaphoreType.DMA for _ in range(NBUF)],
        ],
    )


def _sc_scatter_body(u_hbm, src_hbm, dst_hbm, zrows_hbm, out_hbm,
                     sidx, didx, rows, acc, ush, gsem, ssem):
    cid = lax.axis_index("c")
    sid = lax.axis_index("s")

    slow = cid == SLOW_CID
    nch = jnp.where(slow, NCH_SLOW, NCH_FAST)
    start = jnp.where(slow, sid * NCH_SLOW, NS * NCH_SLOW + sid * NCH_FAST)

    pltpu.sync_copy(u_hbm.at[pl.ds(sid * RPT, RPT)],
                    ush.at[pl.ds(sid * RPT, RPT)])
    for z in range(RPT // CH):
        pltpu.sync_copy(zrows_hbm, acc.at[pl.ds(sid * RPT + z * CH, CH)])

    pltpu.sync_copy(src_hbm.at[pl.ds(start, NCH_FAST)], sidx)
    pltpu.sync_copy(dst_hbm.at[pl.ds(start, NCH_FAST)], didx)
    plsc.subcore_barrier()

    def gather(c, b):
        pltpu.async_copy(ush.at[sidx.at[c]], rows[b], gsem[b])

    def gather_wait(c, b):
        pltpu.make_async_copy(ush.at[sidx.at[c]], rows[b], gsem[b]).wait()

    def scatter(c, b):
        pltpu.async_copy(rows[b], acc.at[didx.at[c]], ssem[b], add=True)

    def scatter_wait(c, b):
        pltpu.make_async_copy(rows[b], acc.at[didx.at[c]], ssem[b]).wait()

    for b in range(LAG):
        gather(b, b)
    for b in range(NBUF):
        gather_wait(b, b)
        scatter(b, b)
        if b >= SLAG:
            scatter_wait(b - SLAG, b - SLAG)
        gather(b + LAG, (b + LAG) % NBUF)

    def main_body(t, _):
        c0 = t * NBUF
        for b in range(NBUF):
            c = c0 + b
            gather_wait(c, b)
            scatter(c, b)
            scatter_wait(c - SLAG, (b - SLAG) % NBUF)
            gather(c + LAG, (b + LAG) % NBUF)
        return 0

    lax.fori_loop(1, nch // NBUF - 1, main_body, 0)

    cz = nch - NBUF
    for b in range(NBUF):
        c = cz + b
        gather_wait(c, b)
        scatter(c, b)
        if b < NBUF - LAG:
            scatter_wait(c - SLAG, (b - SLAG) % NBUF)
            gather(c + LAG, (b + LAG) % NBUF)
    for b in range(NBUF):
        scatter_wait(cz + b, b)

    plsc.subcore_barrier()
    pltpu.sync_copy(acc.at[pl.ds(sid * RPT, RPT)],
                    out_hbm.at[cid, pl.ds(sid * RPT, RPT)])


def _tc_prelude_body(degp_ref, x_ref, w1_ref, u1_ref, dinv_ref):
    ones32 = jnp.ones((NT, 1), jnp.float32)
    deg = lax.dot_general(degp_ref[...], ones32, (((0,), (0,)), ((), ())),
                          preferred_element_type=jnp.float32)
    dinv = lax.rsqrt(deg + 1.0)
    dinv_ref[...] = dinv
    xp = jnp.concatenate(
        [x_ref[...], jnp.zeros((NPAD - N, FIN), jnp.float32)], axis=0)
    u1_ref[...] = jnp.dot(dinv * xp, w1_ref[...],
                          preferred_element_type=jnp.float32)


def _tc_fixup_body(s_ref, u_ref, dinv_ref, b_ref, w_ref, un_ref):
    dinv = dinv_ref[...]
    h = dinv * (s_ref[0] + s_ref[1] + u_ref[...]) + b_ref[...]
    h = jnp.maximum(h, 0.0)
    un_ref[...] = jnp.dot(dinv * h, w_ref[...],
                          preferred_element_type=jnp.float32)


def _tc_head_body(s_ref, u_ref, dinv_ref, b_ref, batch_ref, cent_ref, rb_ref,
                  out_ref):
    h = dinv_ref[...] * (s_ref[0] + s_ref[1] + u_ref[...]) + b_ref[...]
    seg = lax.broadcasted_iota(jnp.int32, (NPAD, B), 1)
    onehot = (batch_ref[...] == seg).astype(jnp.float32)
    dims = (((0,), (0,)), ((), ()))
    sums = lax.dot_general(onehot, h, dims,
                           preferred_element_type=jnp.float32)
    cnt = lax.dot_general(onehot, jnp.ones((NPAD, 1), jnp.float32), dims,
                          preferred_element_type=jnp.float32)
    emb = sums / jnp.maximum(cnt, 1.0)
    esq = jnp.sum(emb * emb, axis=1, keepdims=True)
    embA = jnp.concatenate([-2.0 * emb, jnp.ones((B, 1), jnp.float32)], axis=1)
    onescol = jnp.ones((H, 1), jnp.float32)
    mind = None
    for k in range(K):
        ck = cent_ref[k]
        csq = jnp.dot(ck * ck, onescol,
                      preferred_element_type=jnp.float32)
        cA = jnp.concatenate([ck, csq], axis=1)
        cross = lax.dot_general(embA, cA, (((1,), (1,)), ((), ())),
                                preferred_element_type=jnp.float32)
        d2k = esq + cross
        mind = d2k if mind is None else jnp.minimum(mind, d2k)
    logits = -mind
    rej = rb_ref[...] * jnp.ones((B, 1), jnp.float32)
    out_ref[...] = jnp.concatenate([logits, rej], axis=1)


_tc_prelude = pl.pallas_call(
    _tc_prelude_body,
    out_shape=[jax.ShapeDtypeStruct((NPAD, H), jnp.float32),
               jax.ShapeDtypeStruct((NPAD, 1), jnp.float32)],
)

_tc_fixup = pl.pallas_call(
    _tc_fixup_body,
    out_shape=jax.ShapeDtypeStruct((NPAD, H), jnp.float32),
)

_tc_head = pl.pallas_call(
    _tc_head_body,
    out_shape=jax.ShapeDtypeStruct((B, C + 1), jnp.float32),
)


def kernel(x, edge_index, batch, W1, b1, W2, b2, W3, b3, centroids, reject_bias):
    f32 = jnp.float32
    pad_e = EPAD - E
    src_flat = jnp.concatenate([edge_index[0], jnp.full((pad_e,), N, jnp.int32)])
    dst_flat = jnp.concatenate([edge_index[1], jnp.full((pad_e,), N, jnp.int32)])
    src = src_flat.reshape(TOTCH, CHS)
    dst = dst_flat.reshape(TOTCH, CHS)
    batch2d = jnp.concatenate(
        [batch, jnp.full((NPAD - N,), B, jnp.int32)]).reshape(NPAD, 1)
    zrows = jnp.zeros((CH, H), f32)
    centK = centroids.reshape(C, K, H).transpose(1, 0, 2)
    rb2d = reject_bias.reshape(1, 1).astype(f32)

    degp = _sc_degree_call()(dst)
    u1, dinv = _tc_prelude(degp, x, W1)

    scat = _sc_scatter_call()
    s1 = scat(u1, src, dst, zrows)
    u2 = _tc_fixup(s1, u1, dinv, b1.reshape(1, H), W2)
    s2 = scat(u2, src, dst, zrows)
    u3 = _tc_fixup(s2, u2, dinv, b2.reshape(1, H), W3)
    s3 = scat(u3, src, dst, zrows)

    return _tc_head(s3, u3, dinv, b3.reshape(1, H), batch2d, centK, rb2d)

# --- scband reference (transcript-rebuilt; emitter-appended) ---
"""Pipeline reference for scband-malware-gnn-65481071395054 (READ-ONLY COPY).

The authoritative reference and input builder live on the scoring server;
editing this copy changes nothing except your own understanding.
"""

import jax, jax.numpy as jnp
import numpy as np

N = 10000
E = 320000
F_IN = 128
H = 64
C = 10
K = 3
B = 128


def setup_inputs(seed: int = 0) -> dict:
    key = jax.random.key(seed)
    ks = jax.random.split(key, 12)
    x = jax.random.normal(ks[0], (N, F_IN), dtype=jnp.float32)
    edge_index = jax.random.randint(ks[1], (2, E), 0, N, dtype=jnp.int32)
    batch = jnp.sort(jax.random.randint(ks[2], (N,), 0, B, dtype=jnp.int32))
    W1 = jax.random.normal(ks[3], (F_IN, H), dtype=jnp.float32) * 0.05
    b1 = jnp.zeros((H,), dtype=jnp.float32)
    W2 = jax.random.normal(ks[4], (H, H), dtype=jnp.float32) * 0.05
    b2 = jnp.zeros((H,), dtype=jnp.float32)
    W3 = jax.random.normal(ks[5], (H, H), dtype=jnp.float32) * 0.05
    b3 = jnp.zeros((H,), dtype=jnp.float32)
    centroids = jax.random.normal(ks[6], (C * K, H), dtype=jnp.float32)
    reject_bias = jnp.zeros((), dtype=jnp.float32)
    return {"x": x, "edge_index": edge_index, "batch": batch,
            "W1": W1, "b1": b1, "W2": W2, "b2": b2, "W3": W3, "b3": b3,
            "centroids": centroids, "reject_bias": reject_bias}


def reference(x, edge_index, batch, W1, b1, W2, b2, W3, b3, centroids, reject_bias):
    n = x.shape[0]
    loop = jnp.arange(n, dtype=edge_index.dtype)
    src = jnp.concatenate([edge_index[0], loop])
    dst = jnp.concatenate([edge_index[1], loop])
    deg = jnp.zeros((n,), jnp.float32).at[dst].add(1.0)
    dinv = jax.lax.rsqrt(deg)
    norm = (dinv[src] * dinv[dst])[:, None]

    def gcn(h, W, b):
        hw = h @ W
        msg = hw[src] * norm
        agg = jnp.zeros((n, W.shape[1]), jnp.float32).at[dst].add(msg)
        return agg + b

    h = jax.nn.relu(gcn(x, W1, b1))
    h = jax.nn.relu(gcn(h, W2, b2))
    h = gcn(h, W3, b3)
    # global_mean_pool over graph ids
    sums = jax.ops.segment_sum(h, batch, num_segments=B)
    cnt = jax.ops.segment_sum(jnp.ones((n, 1), jnp.float32), batch, num_segments=B)
    emb = sums / jnp.maximum(cnt, 1.0)
    # CentroidLayer: squared distances to per-class centroids, min over centroids
    d2 = (jnp.sum(emb * emb, axis=1, keepdims=True)
          - 2.0 * emb @ centroids.T
          + jnp.sum(centroids * centroids, axis=1)[None, :])
    d2 = d2.reshape(B, C, K)
    mind = jnp.min(d2, axis=2)
    logits = -mind
    rej = reject_bias * jnp.ones((B, 1), jnp.float32)
    return jnp.concatenate([logits, rej], axis=1)

if __name__ == "__main__":
    import jax
    _d = setup_inputs()
    print(jax.jit(kernel)(*tuple(_d.values())))

</pallas_src>

<mosaic_0001>
#map = affine_map<(d0, d1) -> (0, 0)>
#map1 = affine_map<(d0, d1) -> (0, 0, 0)>
module attributes {stable_mosaic.version = 14 : i64} {
  func.func @_sc_scatter_body(%arg0: i32, %arg1: i32, %arg2: memref<10240x64xf32, #tpu.memory_space<hbm>>, %arg3: memref<5120x64xi32, #tpu.memory_space<hbm>>, %arg4: memref<5120x64xi32, #tpu.memory_space<hbm>>, %arg5: memref<128x64xf32, #tpu.memory_space<hbm>>, %arg6: memref<2x10240x64xf32, #tpu.memory_space<hbm>>, %arg7: memref<160x64xi32, #tpu.memory_space<vmem>>, %arg8: memref<160x64xi32, #tpu.memory_space<vmem>>, %arg9: memref<64x64xf32, #tpu.memory_space<vmem>>, %arg10: memref<64x64xf32, #tpu.memory_space<vmem>>, %arg11: memref<64x64xf32, #tpu.memory_space<vmem>>, %arg12: memref<64x64xf32, #tpu.memory_space<vmem>>, %arg13: memref<64x64xf32, #tpu.memory_space<vmem>>, %arg14: memref<10240x64xf32, #tpu.memory_space<vmem_shared>>, %arg15: memref<10240x64xf32, #tpu.memory_space<vmem_shared>>, %arg16: memref<!tpu.dma_semaphore, #tpu.memory_space<semaphore_mem>>, %arg17: memref<!tpu.dma_semaphore, #tpu.memory_space<semaphore_mem>>, %arg18: memref<!tpu.dma_semaphore, #tpu.memory_space<semaphore_mem>>, %arg19: memref<!tpu.dma_semaphore, #tpu.memory_space<semaphore_mem>>, %arg20: memref<!tpu.dma_semaphore, #tpu.memory_space<semaphore_mem>>, %arg21: memref<!tpu.dma_semaphore, #tpu.memory_space<semaphore_mem>>, %arg22: memref<!tpu.dma_semaphore, #tpu.memory_space<semaphore_mem>>, %arg23: memref<!tpu.dma_semaphore, #tpu.memory_space<semaphore_mem>>, %arg24: memref<!tpu.dma_semaphore, #tpu.memory_space<semaphore_mem>>, %arg25: memref<!tpu.dma_semaphore, #tpu.memory_space<semaphore_mem>>) attributes {dimension_semantics = [#tpu.dimension_semantics<core_parallel>, #tpu.dimension_semantics<subcore_parallel>], iteration_bounds = array<i64: 2, 16>, scalar_prefetch = 0 : i64, scratch_operands = 19 : i64, tpu.core_type = #tpu.core_type<sc_vector_subcore>, window_params = [{transform_indices = #map}, {transform_indices = #map}, {transform_indices = #map}, {transform_indices = #map}, {transform_indices = #map1}]} {
    %eq3A = arith.constant 1 : i32
    %eq3A_0 = arith.cmpi eq, %arg0, %eq3A : i32
    %jit3A = arith.constant 160 : i32
    %jit3A_1 = arith.constant 160 : i32
    %select_n3A = arith.select %eq3A_0, %jit3A, %jit3A_1 : i32
    %mul3A = arith.constant 160 : i32
    %mul3A_2 = arith.muli %arg1, %mul3A : i32
    %mul3A_3 = arith.constant 160 : i32
    %mul3A_4 = arith.muli %arg1, %mul3A_3 : i32
    %add3A = arith.constant 2560 : i32
    %add3A_5 = arith.addi %add3A, %mul3A_4 : i32
    %select_n3A_6 = arith.select %eq3A_0, %mul3A_2, %add3A_5 : i32
    %mul3A_7 = arith.constant 640 : i32
    %mul3A_8 = arith.muli %arg1, %mul3A_7 : i32
    %mul3A_9 = arith.constant 640 : i32
    %mul3A_10 = arith.muli %arg1, %mul3A_9 : i32
    "tpu.region"() ({
      %run_scoped3A = tpu.sem_alloc : memref<!tpu.dma_semaphore, #tpu.memory_space<semaphore_mem>>
      %dma_start3A_356 = arith.constant 0 : i32
      %dma_start3A_357 = tpu.memref_slice %arg15[%mul3A_10, %dma_start3A_356] : memref<10240x64xf32, #tpu.memory_space<vmem_shared>> -> memref<640x64xf32, #tpu.memory_space<vmem_shared>>
      %dma_start3A_358 = arith.constant 0 : i32
      %dma_start3A_359 = tpu.memref_slice %arg2[%mul3A_8, %dma_start3A_358] : memref<10240x64xf32, #tpu.memory_space<hbm>> -> memref<640x64xf32, #tpu.memory_space<hbm>>
      tpu.enqueue_dma source(%dma_start3A_359 : memref<640x64xf32, #tpu.memory_space<hbm>>) target(%dma_start3A_357 : memref<640x64xf32, #tpu.memory_space<vmem_shared>>) target_semaphore(%run_scoped3A : memref<!tpu.dma_semaphore, #tpu.memory_space<semaphore_mem>>)
      %dma_wait3A_360 = arith.constant 0 : i32
      %dma_wait3A_361 = tpu.memref_slice %arg15[%mul3A_10, %dma_wait3A_360] : memref<10240x64xf32, #tpu.memory_space<vmem_shared>> -> memref<640x64xf32, #tpu.memory_space<vmem_shared>>
      %dma_wait3A_362 = arith.constant 0 : i32
      %dma_wait3A_363 = tpu.memref_slice %arg2[%mul3A_8, %dma_wait3A_362] : memref<10240x64xf32, #tpu.memory_space<hbm>> -> memref<640x64xf32, #tpu.memory_space<hbm>>
      tpu.wait_dma2 semaphore(%run_scoped3A : memref<!tpu.dma_semaphore, #tpu.memory_space<semaphore_mem>>) src(%dma_wait3A_363 : memref<640x64xf32, #tpu.memory_space<hbm>>) dst(%dma_wait3A_361 : memref<640x64xf32, #tpu.memory_space<vmem_shared>>)
      tpu.yield
    }) : () -> ()
    %mul3A_11 = arith.constant 640 : i32
    %mul3A_12 = arith.muli %arg1, %mul3A_11 : i32
    %add3A_13 = arith.constant 0 : i32
    %add3A_14 = arith.addi %mul3A_12, %add3A_13 : i32
    "tpu.region"() ({
      %run_scoped3A = tpu.sem_alloc : memref<!tpu.dma_semaphore, #tpu.memory_space<semaphore_mem>>
      %dma_start3A_356 = arith.constant 0 : i32
      %dma_start3A_357 = tpu.memref_slice %arg14[%add3A_14, %dma_start3A_356] : memref<10240x64xf32, #tpu.memory_space<vmem_shared>> -> memref<128x64xf32, #tpu.memory_space<vmem_shared>>
      tpu.enqueue_dma source(%arg5 : memref<128x64xf32, #tpu.memory_space<hbm>>) target(%dma_start3A_357 : memref<128x64xf32, #tpu.memory_space<vmem_shared>>) target_semaphore(%run_scoped3A : memref<!tpu.dma_semaphore, #tpu.memory_space<semaphore_mem>>)
      %dma_wait3A_358 = arith.constant 0 : i32
      %dma_wait3A_359 = tpu.memref_slice %arg14[%add3A_14, %dma_wait3A_358] : memref<10240x64xf32, #tpu.memory_space<vmem_shared>> -> memref<128x64xf32, #tpu.memory_space<vmem_shared>>
      tpu.wait_dma2 semaphore(%run_scoped3A : memref<!tpu.dma_semaphore, #tpu.memory_space<semaphore_mem>>) src(%arg5 : memref<128x64xf32, #tpu.memory_space<hbm>>) dst(%dma_wait3A_359 : memref<128x64xf32, #tpu.memory_space<vmem_shared>>)
      tpu.yield
    }) : () -> ()
    %mul3A_15 = arith.constant 640 : i32
    %mul3A_16 = arith.muli %arg1, %mul3A_15 : i32
    %add3A_17 = arith.constant 128 : i32
    %add3A_18 = arith.addi %mul3A_16, %add3A_17 : i32
    "tpu.region"() ({
      %run_scoped3A = tpu.sem_alloc : memref<!tpu.dma_semaphore, #tpu.memory_space<semaphore_mem>>
      %dma_start3A_356 = arith.constant 0 : i32
      %dma_start3A_357 = tpu.memref_slice %arg14[%add3A_18, %dma_start3A_356] : memref<10240x64xf32, #tpu.memory_space<vmem_shared>> -> memref<128x64xf32, #tpu.memory_space<vmem_shared>>
      tpu.enqueue_dma source(%arg5 : memref<128x64xf32, #tpu.memory_space<hbm>>) target(%dma_start3A_357 : memref<128x64xf32, #tpu.memory_space<vmem_shared>>) target_semaphore(%run_scoped3A : memref<!tpu.dma_semaphore, #tpu.memory_space<semaphore_mem>>)
      %dma_wait3A_358 = arith.constant 0 : i32
      %dma_wait3A_359 = tpu.memref_slice %arg14[%add3A_18, %dma_wait3A_358] : memref<10240x64xf32, #tpu.memory_space<vmem_shared>> -> memref<128x64xf32, #tpu.memory_space<vmem_shared>>
      tpu.wait_dma2 semaphore(%run_scoped3A : memref<!tpu.dma_semaphore, #tpu.memory_space<semaphore_mem>>) src(%arg5 : memref<128x64xf32, #tpu.memory_space<hbm>>) dst(%dma_wait3A_359 : memref<128x64xf32, #tpu.memory_space<vmem_shared>>)
      tpu.yield
    }) : () -> ()
    %mul3A_19 = arith.constant 640 : i32
    %mul3A_20 = arith.muli %arg1, %mul3A_19 : i32
    %add3A_21 = arith.constant 256 : i32
    %add3A_22 = arith.addi %mul3A_20, %add3A_21 : i32
    "tpu.region"() ({
      %run_scoped3A = tpu.sem_alloc : memref<!tpu.dma_semaphore, #tpu.memory_space<semaphore_mem>>
      %dma_start3A_356 = arith.constant 0 : i32
      %dma_start3A_357 = tpu.memref_slice %arg14[%add3A_22, %dma_start3A_356] : memref<10240x64xf32, #tpu.memory_space<vmem_shared>> -> memref<128x64xf32, #tpu.memory_space<vmem_shared>>
      tpu.enqueue_dma source(%arg5 : memref<128x64xf32, #tpu.memory_space<hbm>>) target(%dma_start3A_357 : memref<128x64xf32, #tpu.memory_space<vmem_shared>>) target_semaphore(%run_scoped3A : memref<!tpu.dma_semaphore, #tpu.memory_space<semaphore_mem>>)
      %dma_wait3A_358 = arith.constant 0 : i32
      %dma_wait3A_359 = tpu.memref_slice %arg14[%add3A_22, %dma_wait3A_358] : memref<10240x64xf32, #tpu.memory_space<vmem_shared>> -> memref<128x64xf32, #tpu.memory_space<vmem_shared>>
      tpu.wait_dma2 semaphore(%run_scoped3A : memref<!tpu.dma_semaphore, #tpu.memory_space<semaphore_mem>>) src(%arg5 : memref<128x64xf32, #tpu.memory_space<hbm>>) dst(%dma_wait3A_359 : memref<128x64xf32, #tpu.memory_space<vmem_shared>>)
      tpu.yield
    }) : () -> ()
    %mul3A_23 = arith.constant 640 : i32
    %mul3A_24 = arith.muli %arg1, %mul3A_23 : i32
    %add3A_25 = arith.constant 384 : i32
    %add3A_26 = arith.addi %mul3A_24, %add3A_25 : i32
    "tpu.region"() ({
      %run_scoped3A = tpu.sem_alloc : memref<!tpu.dma_semaphore, #tpu.memory_space<semaphore_mem>>
      %dma_start3A_356 = arith.constant 0 : i32
      %dma_start3A_357 = tpu.memref_slice %arg14[%add3A_26, %dma_start3A_356] : memref<10240x64xf32, #tpu.memory_space<vmem_shared>> -> memref<128x64xf32, #tpu.memory_space<vmem_shared>>
      tpu.enqueue_dma source(%arg5 : memref<128x64xf32, #tpu.memory_space<hbm>>) target(%dma_start3A_357 : memref<128x64xf32, #tpu.memory_space<vmem_shared>>) target_semaphore(%run_scoped3A : memref<!tpu.dma_semaphore, #tpu.memory_space<semaphore_mem>>)
      %dma_wait3A_358 = arith.constant 0 : i32
      %dma_wait3A_359 = tpu.memref_slice %arg14[%add3A_26, %dma_wait3A_358] : memref<10240x64xf32, #tpu.memory_space<vmem_shared>> -> memref<128x64xf32, #tpu.memory_space<vmem_shared>>
      tpu.wait_dma2 semaphore(%run_scoped3A : memref<!tpu.dma_semaphore, #tpu.memory_space<semaphore_mem>>) src(%arg5 : memref<128x64xf32, #tpu.memory_space<hbm>>) dst(%dma_wait3A_359 : memref<128x64xf32, #tpu.memory_space<vmem_shared>>)
      tpu.yield
    }) : () -> ()
    %mul3A_27 = arith.constant 640 : i32
    %mul3A_28 = arith.muli %arg1, %mul3A_27 : i32
    %add3A_29 = arith.constant 512 : i32
    %add3A_30 = arith.addi %mul3A_28, %add3A_29 : i32
    "tpu.region"() ({
      %run_scoped3A = tpu.sem_alloc : memref<!tpu.dma_semaphore, #tpu.memory_space<semaphore_mem>>
      %dma_start3A_356 = arith.constant 0 : i32
      %dma_start3A_357 = tpu.memref_slice %arg14[%add3A_30, %dma_start3A_356] : memref<10240x64xf32, #tpu.memory_space<vmem_shared>> -> memref<128x64xf32, #tpu.memory_space<vmem_shared>>
      tpu.enqueue_dma source(%arg5 : memref<128x64xf32, #tpu.memory_space<hbm>>) target(%dma_start3A_357 : memref<128x64xf32, #tpu.memory_space<vmem_shared>>) target_semaphore(%run_scoped3A : memref<!tpu.dma_semaphore, #tpu.memory_space<semaphore_mem>>)
      %dma_wait3A_358 = arith.constant 0 : i32
      %dma_wait3A_359 = tpu.memref_slice %arg14[%add3A_30, %dma_wait3A_358] : memref<10240x64xf32, #tpu.memory_space<vmem_shared>> -> memref<128x64xf32, #tpu.memory_space<vmem_shared>>
      tpu.wait_dma2 semaphore(%run_scoped3A : memref<!tpu.dma_semaphore, #tpu.memory_space<semaphore_mem>>) src(%arg5 : memref<128x64xf32, #tpu.memory_space<hbm>>) dst(%dma_wait3A_359 : memref<128x64xf32, #tpu.memory_space<vmem_shared>>)
      tpu.yield
    }) : () -> ()
    "tpu.region"() ({
      %run_scoped3A = tpu.sem_alloc : memref<!tpu.dma_semaphore, #tpu.memory_space<semaphore_mem>>
      %dma_start3A_356 = arith.constant 0 : i32
      %dma_start3A_357 = tpu.memref_slice %arg3[%select_n3A_6, %dma_start3A_356] : memref<5120x64xi32, #tpu.memory_space<hbm>> -> memref<160x64xi32, #tpu.memory_space<hbm>>
      %dma_start3A_358 = arith.constant 0 : i32
      %dma_start3A_359 = tpu.memref_slice %arg3[%select_n3A_6, %dma_start3A_358] : memref<5120x64xi32, #tpu.memory_space<hbm>> -> memref<160x64xi32, #tpu.memory_space<hbm>>
      tpu.enqueue_dma source(%dma_start3A_359 : memref<160x64xi32, #tpu.memory_space<hbm>>) target(%arg7 : memref<160x64xi32, #tpu.memory_space<vmem>>) target_semaphore(%run_scoped3A : memref<!tpu.dma_semaphore, #tpu.memory_space<semaphore_mem>>)
      %dma_wait3A_360 = arith.constant 0 : i32
      %dma_wait3A_361 = tpu.memref_slice %arg3[%select_n3A_6, %dma_wait3A_360] : memref<5120x64xi32, #tpu.memory_space<hbm>> -> memref<160x64xi32, #tpu.memory_space<hbm>>
      %dma_wait3A_362 = arith.constant 0 : i32
      %dma_wait3A_363 = tpu.memref_slice %arg3[%select_n3A_6, %dma_wait3A_362] : memref<5120x64xi32, #tpu.memory_space<hbm>> -> memref<160x64xi32, #tpu.memory_space<hbm>>
      tpu.wait_dma2 semaphore(%run_scoped3A : memref<!tpu.dma_semaphore, #tpu.memory_space<semaphore_mem>>) src(%dma_wait3A_363 : memref<160x64xi32, #tpu.memory_space<hbm>>) dst(%arg7 : memref<160x64xi32, #tpu.memory_space<vmem>>)
      tpu.yield
    }) : () -> ()
    "tpu.region"() ({
      %run_scoped3A = tpu.sem_alloc : memref<!tpu.dma_semaphore, #tpu.memory_space<semaphore_mem>>
      %dma_start3A_356 = arith.constant 0 : i32
      %dma_start3A_357 = tpu.memref_slice %arg4[%select_n3A_6, %dma_start3A_356] : memref<5120x64xi32, #tpu.memory_space<hbm>> -> memref<160x64xi32, #tpu.memory_space<hbm>>
      %dma_start3A_358 = arith.constant 0 : i32
      %dma_start3A_359 = tpu.memref_slice %arg4[%select_n3A_6, %dma_start3A_358] : memref<5120x64xi32, #tpu.memory_space<hbm>> -> memref<160x64xi32, #tpu.memory_space<hbm>>
      tpu.enqueue_dma source(%dma_start3A_359 : memref<160x64xi32, #tpu.memory_space<hbm>>) target(%arg8 : memref<160x64xi32, #tpu.memory_space<vmem>>) target_semaphore(%run_scoped3A : memref<!tpu.dma_semaphore, #tpu.memory_space<semaphore_mem>>)
      %dma_wait3A_360 = arith.constant 0 : i32
      %dma_wait3A_361 = tpu.memref_slice %arg4[%select_n3A_6, %dma_wait3A_360] : memref<5120x64xi32, #tpu.memory_space<hbm>> -> memref<160x64xi32, #tpu.memory_space<hbm>>
      %dma_wait3A_362 = arith.constant 0 : i32
      %dma_wait3A_363 = tpu.memref_slice %arg4[%select_n3A_6, %dma_wait3A_362] : memref<5120x64xi32, #tpu.memory_space<hbm>> -> memref<160x64xi32, #tpu.memory_space<hbm>>
      tpu.wait_dma2 semaphore(%run_scoped3A : memref<!tpu.dma_semaphore, #tpu.memory_space<semaphore_mem>>) src(%dma_wait3A_363 : memref<160x64xi32, #tpu.memory_space<hbm>>) dst(%arg8 : memref<160x64xi32, #tpu.memory_space<vmem>>)
      tpu.yield
    }) : () -> ()
    %barrier3A = arith.constant 0 : index
    tpu.barrier barrier_id(%barrier3A)
    %dma_start3A = arith.constant 0 : i32
    %dma_start3A_31 = arith.constant 0 : i32
    %dma_start3A_32 = tpu.memref_slice %arg7[%dma_start3A, %dma_start3A_31] : memref<160x64xi32, #tpu.memory_space<vmem>> -> memref<1x64xi32, #tpu.memory_space<vmem>>
    %dma_start3A_33 = tpu.memref_squeeze %dma_start3A_32 : memref<1x64xi32, #tpu.memory_space<vmem>> -> memref<64xi32, #tpu.memory_space<vmem>>
    %dma_start3A_34 = arith.constant 0 : i32
    %dma_start3A_35 = arith.constant 0 : i32
    %dma_start3A_36 = tpu.memref_slice %arg15[%dma_start3A_34, %dma_start3A_35] : memref<10240x64xf32, #tpu.memory_space<vmem_shared>> -> memref<10240x64xf32, #tpu.memory_space<vmem_shared>>
    tpu.enqueue_indirect_dma source(%dma_start3A_36 : memref<10240x64xf32, #tpu.memory_space<vmem_shared>>) target(%arg9 : memref<64x64xf32, #tpu.memory_space<vmem>>) offsets(%dma_start3A_33 : memref<64xi32, #tpu.memory_space<vmem>>) semaphore(%arg16 : memref<!tpu.dma_semaphore, #tpu.memory_space<semaphore_mem>>)
    %dma_start3A_37 = arith.constant 1 : i32
    %dma_start3A_38 = arith.constant 0 : i32
    %dma_start3A_39 = tpu.memref_slice %arg7[%dma_start3A_37, %dma_start3A_38] : memref<160x64xi32, #tpu.memory_space<vmem>> -> memref<1x64xi32, #tpu.memory_space<vmem>>
    %dma_start3A_40 = tpu.memref_squeeze %dma_start3A_39 : memref<1x64xi32, #tpu.memory_space<vmem>> -> memref<64xi32, #tpu.memory_space<vmem>>
    %dma_start3A_41 = arith.constant 0 : i32
    %dma_start3A_42 = arith.constant 0 : i32
    %dma_start3A_43 = tpu.memref_slice %arg15[%dma_start3A_41, %dma_start3A_42] : memref<10240x64xf32, #tpu.memory_space<vmem_shared>> -> memref<10240x64xf32, #tpu.memory_space<vmem_shared>>
    tpu.enqueue_indirect_dma source(%dma_start3A_43 : memref<10240x64xf32, #tpu.memory_space<vmem_shared>>) target(%arg10 : memref<64x64xf32, #tpu.memory_space<vmem>>) offsets(%dma_start3A_40 : memref<64xi32, #tpu.memory_space<vmem>>) semaphore(%arg17 : memref<!tpu.dma_semaphore, #tpu.memory_space<semaphore_mem>>)
    %dma_start3A_44 = arith.constant 2 : i32
    %dma_start3A_45 = arith.constant 0 : i32
    %dma_start3A_46 = tpu.memref_slice %arg7[%dma_start3A_44, %dma_start3A_45] : memref<160x64xi32, #tpu.memory_space<vmem>> -> memref<1x64xi32, #tpu.memory_space<vmem>>
    %dma_start3A_47 = tpu.memref_squeeze %dma_start3A_46 : memref<1x64xi32, #tpu.memory_space<vmem>> -> memref<64xi32, #tpu.memory_space<vmem>>
    %dma_start3A_48 = arith.constant 0 : i32
    %dma_start3A_49 = arith.constant 0 : i32
    %dma_start3A_50 = tpu.memref_slice %arg15[%dma_start3A_48, %dma_start3A_49] : memref<10240x64xf32, #tpu.memory_space<vmem_shared>> -> memref<10240x64xf32, #tpu.memory_space<vmem_shared>>
    tpu.enqueue_indirect_dma source(%dma_start3A_50 : memref<10240x64xf32, #tpu.memory_space<vmem_shared>>) target(%arg11 : memref<64x64xf32, #tpu.memory_space<vmem>>) offsets(%dma_start3A_47 : memref<64xi32, #tpu.memory_space<vmem>>) semaphore(%arg18 : memref<!tpu.dma_semaphore, #tpu.memory_space<semaphore_mem>>)
    %dma_wait3A = arith.constant 0 : i32
    %dma_wait3A_51 = arith.constant 0 : i32
    %dma_wait3A_52 = tpu.memref_slice %arg7[%dma_wait3A, %dma_wait3A_51] : memref<160x64xi32, #tpu.memory_space<vmem>> -> memref<1x64xi32, #tpu.memory_space<vmem>>
    %dma_wait3A_53 = tpu.memref_squeeze %dma_wait3A_52 : memref<1x64xi32, #tpu.memory_space<vmem>> -> memref<64xi32, #tpu.memory_space<vmem>>
    %dma_wait3A_54 = arith.constant 0 : i32
    %dma_wait3A_55 = arith.constant 0 : i32
    %dma_wait3A_56 = tpu.memref_slice %arg15[%dma_wait3A_54, %dma_wait3A_55] : memref<10240x64xf32, #tpu.memory_space<vmem_shared>> -> memref<10240x64xf32, #tpu.memory_space<vmem_shared>>
    tpu.wait_indirect_dma semaphore(%arg16 : memref<!tpu.dma_semaphore, #tpu.memory_space<semaphore_mem>>) src(%dma_wait3A_56 : memref<10240x64xf32, #tpu.memory_space<vmem_shared>>) dst(%arg9 : memref<64x64xf32, #tpu.memory_space<vmem>>)
    %dma_start3A_57 = arith.constant 0 : i32
    %dma_start3A_58 = arith.constant 0 : i32
    %dma_start3A_59 = tpu.memref_slice %arg8[%dma_start3A_57, %dma_start3A_58] : memref<160x64xi32, #tpu.memory_space<vmem>> -> memref<1x64xi32, #tpu.memory_space<vmem>>
    %dma_start3A_60 = tpu.memref_squeeze %dma_start3A_59 : memref<1x64xi32, #tpu.memory_space<vmem>> -> memref<64xi32, #tpu.memory_space<vmem>>
    %dma_start3A_61 = arith.constant 0 : i32
    %dma_start3A_62 = arith.constant 0 : i32
    %dma_start3A_63 = tpu.memref_slice %arg14[%dma_start3A_61, %dma_start3A_62] : memref<10240x64xf32, #tpu.memory_space<vmem_shared>> -> memref<10240x64xf32, #tpu.memory_space<vmem_shared>>
    tpu.enqueue_indirect_dma source(%arg9 : memref<64x64xf32, #tpu.memory_space<vmem>>) target(%dma_start3A_63 : memref<10240x64xf32, #tpu.memory_space<vmem_shared>>) offsets(%dma_start3A_60 : memref<64xi32, #tpu.memory_space<vmem>>) semaphore(%arg21 : memref<!tpu.dma_semaphore, #tpu.memory_space<semaphore_mem>>) {add = true}
    %dma_start3A_64 = arith.constant 3 : i32
    %dma_start3A_65 = arith.constant 0 : i32
    %dma_start3A_66 = tpu.memref_slice %arg7[%dma_start3A_64, %dma_start3A_65] : memref<160x64xi32, #tpu.memory_space<vmem>> -> memref<1x64xi32, #tpu.memory_space<vmem>>
    %dma_start3A_67 = tpu.memref_squeeze %dma_start3A_66 : memref<1x64xi32, #tpu.memory_space<vmem>> -> memref<64xi32, #tpu.memory_space<vmem>>
    %dma_start3A_68 = arith.constant 0 : i32
    %dma_start3A_69 = arith.constant 0 : i32
    %dma_start3A_70 = tpu.memref_slice %arg15[%dma_start3A_68, %dma_start3A_69] : memref<10240x64xf32, #tpu.memory_space<vmem_shared>> -> memref<10240x64xf32, #tpu.memory_space<vmem_shared>>
    tpu.enqueue_indirect_dma source(%dma_start3A_70 : memref<10240x64xf32, #tpu.memory_space<vmem_shared>>) target(%arg12 : memref<64x64xf32, #tpu.memory_space<vmem>>) offsets(%dma_start3A_67 : memref<64xi32, #tpu.memory_space<vmem>>) semaphore(%arg19 : memref<!tpu.dma_semaphore, #tpu.memory_space<semaphore_mem>>)
    %dma_wait3A_71 = arith.constant 1 : i32
    %dma_wait3A_72 = arith.constant 0 : i32
    %dma_wait3A_73 = tpu.memref_slice %arg7[%dma_wait3A_71, %dma_wait3A_72] : memref<160x64xi32, #tpu.memory_space<vmem>> -> memref<1x64xi32, #tpu.memory_space<vmem>>
    %dma_wait3A_74 = tpu.memref_squeeze %dma_wait3A_73 : memref<1x64xi32, #tpu.memory_space<vmem>> -> memref<64xi32, #tpu.memory_space<vmem>>
    %dma_wait3A_75 = arith.constant 0 : i32
    %dma_wait3A_76 = arith.constant 0 : i32
    %dma_wait3A_77 = tpu.memref_slice %arg15[%dma_wait3A_75, %dma_wait3A_76] : memref<10240x64xf32, #tpu.memory_space<vmem_shared>> -> memref<10240x64xf32, #tpu.memory_space<vmem_shared>>
    tpu.wait_indirect_dma semaphore(%arg17 : memref<!tpu.dma_semaphore, #tpu.memory_space<semaphore_mem>>) src(%dma_wait3A_77 : memref<10240x64xf32, #tpu.memory_space<vmem_shared>>) dst(%arg10 : memref<64x64xf32, #tpu.memory_space<vmem>>)
    %dma_start3A_78 = arith.constant 1 : i32
    %dma_start3A_79 = arith.constant 0 : i32
    %dma_start3A_80 = tpu.memref_slice %arg8[%dma_start3A_78, %dma_start3A_79] : memref<160x64xi32, #tpu.memory_space<vmem>> -> memref<1x64xi32, #tpu.memory_space<vmem>>
    %dma_start3A_81 = tpu.memref_squeeze %dma_start3A_80 : memref<1x64xi32, #tpu.memory_space<vmem>> -> memref<64xi32, #tpu.memory_space<vmem>>
    %dma_start3A_82 = arith.constant 0 : i32
    %dma_start3A_83 = arith.constant 0 : i32
    %dma_start3A_84 = tpu.memref_slice %arg14[%dma_start3A_82, %dma_start3A_83] : memref<10240x64xf32, #tpu.memory_space<vmem_shared>> -> memref<10240x64xf32, #tpu.memory_space<vmem_shared>>
    tpu.enqueue_indirect_dma source(%arg10 : memref<64x64xf32, #tpu.memory_space<vmem>>) target(%dma_start3A_84 : memref<10240x64xf32, #tpu.memory_space<vmem_shared>>) offsets(%dma_start3A_81 : memref<64xi32, #tpu.memory_space<vmem>>) semaphore(%arg22 : memref<!tpu.dma_semaphore, #tpu.memory_space<semaphore_mem>>) {add = true}
    %dma_start3A_85 = arith.constant 4 : i32
    %dma_start3A_86 = arith.constant 0 : i32
    %dma_start3A_87 = tpu.memref_slice %arg7[%dma_start3A_85, %dma_start3A_86] : memref<160x64xi32, #tpu.memory_space<vmem>> -> memref<1x64xi32, #tpu.memory_space<vmem>>
    %dma_start3A_88 = tpu.memref_squeeze %dma_start3A_87 : memref<1x64xi32, #tpu.memory_space<vmem>> -> memref<64xi32, #tpu.memory_space<vmem>>
    %dma_start3A_89 = arith.constant 0 : i32
    %dma_start3A_90 = arith.constant 0 : i32
    %dma_start3A_91 = tpu.memref_slice %arg15[%dma_start3A_89, %dma_start3A_90] : memref<10240x64xf32, #tpu.memory_space<vmem_shared>> -> memref<10240x64xf32, #tpu.memory_space<vmem_shared>>
    tpu.enqueue_indirect_dma source(%dma_start3A_91 : memref<10240x64xf32, #tpu.memory_space<vmem_shared>>) target(%arg13 : memref<64x64xf32, #tpu.memory_space<vmem>>) offsets(%dma_start3A_88 : memref<64xi32, #tpu.memory_space<vmem>>) semaphore(%arg20 : memref<!tpu.dma_semaphore, #tpu.memory_space<semaphore_mem>>)
    %dma_wait3A_92 = arith.constant 2 : i32
    %dma_wait3A_93 = arith.constant 0 : i32
    %dma_wait3A_94 = tpu.memref_slice %arg7[%dma_wait3A_92, %dma_wait3A_93] : memref<160x64xi32, #tpu.memory_space<vmem>> -> memref<1x64xi32, #tpu.memory_space<vmem>>
    %dma_wait3A_95 = tpu.memref_squeeze %dma_wait3A_94 : memref<1x64xi32, #tpu.memory_space<vmem>> -> memref<64xi32, #tpu.memory_space<vmem>>
    %dma_wait3A_96 = arith.constant 0 : i32
    %dma_wait3A_97 = arith.constant 0 : i32
    %dma_wait3A_98 = tpu.memref_slice %arg15[%dma_wait3A_96, %dma_wait3A_97] : memref<10240x64xf32, #tpu.memory_space<vmem_shared>> -> memref<10240x64xf32, #tpu.memory_space<vmem_shared>>
    tpu.wait_indirect_dma semaphore(%arg18 : memref<!tpu.dma_semaphore, #tpu.memory_space<semaphore_mem>>) src(%dma_wait3A_98 : memref<10240x64xf32, #tpu.memory_space<vmem_shared>>) dst(%arg11 : memref<64x64xf32, #tpu.memory_space<vmem>>)
    %dma_start3A_99 = arith.constant 2 : i32
    %dma_start3A_100 = arith.constant 0 : i32
    %dma_start3A_101 = tpu.memref_slice %arg8[%dma_start3A_99, %dma_start3A_100] : memref<160x64xi32, #tpu.memory_space<vmem>> -> memref<1x64xi32, #tpu.memory_space<vmem>>
    %dma_start3A_102 = tpu.memref_squeeze %dma_start3A_101 : memref<1x64xi32, #tpu.memory_space<vmem>> -> memref<64xi32, #tpu.memory_space<vmem>>
    %dma_start3A_103 = arith.constant 0 : i32
    %dma_start3A_104 = arith.constant 0 : i32
    %dma_start3A_105 = tpu.memref_slice %arg14[%dma_start3A_103, %dma_start3A_104] : memref<10240x64xf32, #tpu.memory_space<vmem_shared>> -> memref<10240x64xf32, #tpu.memory_space<vmem_shared>>
    tpu.enqueue_indirect_dma source(%arg11 : memref<64x64xf32, #tpu.memory_space<vmem>>) target(%dma_start3A_105 : memref<10240x64xf32, #tpu.memory_space<vmem_shared>>) offsets(%dma_start3A_102 : memref<64xi32, #tpu.memory_space<vmem>>) semaphore(%arg23 : memref<!tpu.dma_semaphore, #tpu.memory_space<semaphore_mem>>) {add = true}
    %dma_wait3A_106 = arith.constant 0 : i32
    %dma_wait3A_107 = arith.constant 0 : i32
    %dma_wait3A_108 = tpu.memref_slice %arg8[%dma_wait3A_106, %dma_wait3A_107] : memref<160x64xi32, #tpu.memory_space<vmem>> -> memref<1x64xi32, #tpu.memory_space<vmem>>
    %dma_wait3A_109 = tpu.memref_squeeze %dma_wait3A_108 : memref<1x64xi32, #tpu.memory_space<vmem>> -> memref<64xi32, #tpu.memory_space<vmem>>
    %dma_wait3A_110 = arith.constant 0 : i32
    %dma_wait3A_111 = arith.constant 0 : i32
    %dma_wait3A_112 = tpu.memref_slice %arg14[%dma_wait3A_110, %dma_wait3A_111] : memref<10240x64xf32, #tpu.memory_space<vmem_shared>> -> memref<10240x64xf32, #tpu.memory_space<vmem_shared>>
    tpu.wait_indirect_dma semaphore(%arg21 : memref<!tpu.dma_semaphore, #tpu.memory_space<semaphore_mem>>) src(%arg9 : memref<64x64xf32, #tpu.memory_space<vmem>>) dst(%dma_wait3A_112 : memref<10240x64xf32, #tpu.memory_space<vmem_shared>>)
    %dma_start3A_113 = arith.constant 5 : i32
    %dma_start3A_114 = arith.constant 0 : i32
    %dma_start3A_115 = tpu.memref_slice %arg7[%dma_start3A_113, %dma_start3A_114] : memref<160x64xi32, #tpu.memory_space<vmem>> -> memref<1x64xi32, #tpu.memory_space<vmem>>
    %dma_start3A_116 = tpu.memref_squeeze %dma_start3A_115 : memref<1x64xi32, #tpu.memory_space<vmem>> -> memref<64xi32, #tpu.memory_space<vmem>>
    %dma_start3A_117 = arith.constant 0 : i32
    %dma_start3A_118 = arith.constant 0 : i32
    %dma_start3A_119 = tpu.memref_slice %arg15[%dma_start3A_117, %dma_start3A_118] : memref<10240x64xf32, #tpu.memory_space<vmem_shared>> -> memref<10240x64xf32, #tpu.memory_space<vmem_shared>>
    tpu.enqueue_indirect_dma source(%dma_start3A_119 : memref<10240x64xf32, #tpu.memory_space<vmem_shared>>) target(%arg9 : memref<64x64xf32, #tpu.memory_space<vmem>>) offsets(%dma_start3A_116 : memref<64xi32, #tpu.memory_space<vmem>>) semaphore(%arg16 : memref<!tpu.dma_semaphore, #tpu.memory_space<semaphore_mem>>)
    %dma_wait3A_120 = arith.constant 3 : i32
    %dma_wait3A_121 = arith.constant 0 : i32
    %dma_wait3A_122 = tpu.memref_slice %arg7[%dma_wait3A_120, %dma_wait3A_121] : memref<160x64xi32, #tpu.memory_space<vmem>> -> memref<1x64xi32, #tpu.memory_space<vmem>>
    %dma_wait3A_123 = tpu.memref_squeeze %dma_wait3A_122 : memref<1x64xi32, #tpu.memory_space<vmem>> -> memref<64xi32, #tpu.memory_space<vmem>>
    %dma_wait3A_124 = arith.constant 0 : i32
    %dma_wait3A_125 = arith.constant 0 : i32
    %dma_wait3A_126 = tpu.memref_slice %arg15[%dma_wait3A_124, %dma_wait3A_125] : memref<10240x64xf32, #tpu.memory_space<vmem_shared>> -> memref<10240x64xf32, #tpu.memory_space<vmem_shared>>
    tpu.wait_indirect_dma semaphore(%arg19 : memref<!tpu.dma_semaphore, #tpu.memory_space<semaphore_mem>>) src(%dma_wait3A_126 : memref<10240x64xf32, #tpu.memory_space<vmem_shared>>) dst(%arg12 : memref<64x64xf32, #tpu.memory_space<vmem>>)
    %dma_start3A_127 = arith.constant 3 : i32
    %dma_start3A_128 = arith.constant 0 : i32
    %dma_start3A_129 = tpu.memref_slice %arg8[%dma_start3A_127, %dma_start3A_128] : memref<160x64xi32, #tpu.memory_space<vmem>> -> memref<1x64xi32, #tpu.memory_space<vmem>>
    %dma_start3A_130 = tpu.memref_squeeze %dma_start3A_129 : memref<1x64xi32, #tpu.memory_space<vmem>> -> memref<64xi32, #tpu.memory_space<vmem>>
    %dma_start3A_131 = arith.constant 0 : i32
    %dma_start3A_132 = arith.constant 0 : i32
    %dma_start3A_133 = tpu.memref_slice %arg14[%dma_start3A_131, %dma_start3A_132] : memref<10240x64xf32, #tpu.memory_space<vmem_shared>> -> memref<10240x64xf32, #tpu.memory_space<vmem_shared>>
    tpu.enqueue_indirect_dma source(%arg12 : memref<64x64xf32, #tpu.memory_space<vmem>>) target(%dma_start3A_133 : memref<10240x64xf32, #tpu.memory_space<vmem_shared>>) offsets(%dma_start3A_130 : memref<64xi32, #tpu.memory_space<vmem>>) semaphore(%arg24 : memref<!tpu.dma_semaphore, #tpu.memory_space<semaphore_mem>>) {add = true}
    %dma_wait3A_134 = arith.constant 1 : i32
    %dma_wait3A_135 = arith.constant 0 : i32
    %dma_wait3A_136 = tpu.memref_slice %arg8[%dma_wait3A_134, %dma_wait3A_135] : memref<160x64xi32, #tpu.memory_space<vmem>> -> memref<1x64xi32, #tpu.memory_space<vmem>>
    %dma_wait3A_137 = tpu.memref_squeeze %dma_wait3A_136 : memref<1x64xi32, #tpu.memory_space<vmem>> -> memref<64xi32, #tpu.memory_space<vmem>>
    %dma_wait3A_138 = arith.constant 0 : i32
    %dma_wait3A_139 = arith.constant 0 : i32
    %dma_wait3A_140 = tpu.memref_slice %arg14[%dma_wait3A_138, %dma_wait3A_139] : memref<10240x64xf32, #tpu.memory_space<vmem_shared>> -> memref<10240x64xf32, #tpu.memory_space<vmem_shared>>
    tpu.wait_indirect_dma semaphore(%arg22 : memref<!tpu.dma_semaphore, #tpu.memory_space<semaphore_mem>>) src(%arg10 : memref<64x64xf32, #tpu.memory_space<vmem>>) dst(%dma_wait3A_140 : memref<10240x64xf32, #tpu.memory_space<vmem_shared>>)
    %dma_start3A_141 = arith.constant 6 : i32
    %dma_start3A_142 = arith.constant 0 : i32
    %dma_start3A_143 = tpu.memref_slice %arg7[%dma_start3A_141, %dma_start3A_142] : memref<160x64xi32, #tpu.memory_space<vmem>> -> memref<1x64xi32, #tpu.memory_space<vmem>>
    %dma_start3A_144 = tpu.memref_squeeze %dma_start3A_143 : memref<1x64xi32, #tpu.memory_space<vmem>> -> memref<64xi32, #tpu.memory_space<vmem>>
    %dma_start3A_145 = arith.constant 0 : i32
    %dma_start3A_146 = arith.constant 0 : i32
    %dma_start3A_147 = tpu.memref_slice %arg15[%dma_start3A_145, %dma_start3A_146] : memref<10240x64xf32, #tpu.memory_space<vmem_shared>> -> memref<10240x64xf32, #tpu.memory_space<vmem_shared>>
    tpu.enqueue_indirect_dma source(%dma_start3A_147 : memref<10240x64xf32, #tpu.memory_space<vmem_shared>>) target(%arg10 : memref<64x64xf32, #tpu.memory_space<vmem>>) offsets(%dma_start3A_144 : memref<64xi32, #tpu.memory_space<vmem>>) semaphore(%arg17 : memref<!tpu.dma_semaphore, #tpu.memory_space<semaphore_mem>>)
    %dma_wait3A_148 = arith.constant 4 : i32
    %dma_wait3A_149 = arith.constant 0 : i32
    %dma_wait3A_150 = tpu.memref_slice %arg7[%dma_wait3A_148, %dma_wait3A_149] : memref<160x64xi32, #tpu.memory_space<vmem>> -> memref<1x64xi32, #tpu.memory_space<vmem>>
    %dma_wait3A_151 = tpu.memref_squeeze %dma_wait3A_150 : memref<1x64xi32, #tpu.memory_space<vmem>> -> memref<64xi32, #tpu.memory_space<vmem>>
    %dma_wait3A_152 = arith.constant 0 : i32
    %dma_wait3A_153 = arith.constant 0 : i32
    %dma_wait3A_154 = tpu.memref_slice %arg15[%dma_wait3A_152, %dma_wait3A_153] : memref<10240x64xf32, #tpu.memory_space<vmem_shared>> -> memref<10240x64xf32, #tpu.memory_space<vmem_shared>>
    tpu.wait_indirect_dma semaphore(%arg20 : memref<!tpu.dma_semaphore, #tpu.memory_space<semaphore_mem>>) src(%dma_wait3A_154 : memref<10240x64xf32, #tpu.memory_space<vmem_shared>>) dst(%arg13 : memref<64x64xf32, #tpu.memory_space<vmem>>)
    %dma_start3A_155 = arith.constant 4 : i32
    %dma_start3A_156 = arith.constant 0 : i32
    %dma_start3A_157 = tpu.memref_slice %arg8[%dma_start3A_155, %dma_start3A_156] : memref<160x64xi32, #tpu.memory_space<vmem>> -> memref<1x64xi32, #tpu.memory_space<vmem>>
    %dma_start3A_158 = tpu.memref_squeeze %dma_start3A_157 : memref<1x64xi32, #tpu.memory_space<vmem>> -> memref<64xi32, #tpu.memory_space<vmem>>
    %dma_start3A_159 = arith.constant 0 : i32
    %dma_start3A_160 = arith.constant 0 : i32
    %dma_start3A_161 = tpu.memref_slice %arg14[%dma_start3A_159, %dma_start3A_160] : memref<10240x64xf32, #tpu.memory_space<vmem_shared>> -> memref<10240x64xf32, #tpu.memory_space<vmem_shared>>
    tpu.enqueue_indirect_dma source(%arg13 : memref<64x64xf32, #tpu.memory_space<vmem>>) target(%dma_start3A_161 : memref<10240x64xf32, #tpu.memory_space<vmem_shared>>) offsets(%dma_start3A_158 : memref<64xi32, #tpu.memory_space<vmem>>) semaphore(%arg25 : memref<!tpu.dma_semaphore, #tpu.memory_space<semaphore_mem>>) {add = true}
    %dma_wait3A_162 = arith.constant 2 : i32
    %dma_wait3A_163 = arith.constant 0 : i32
    %dma_wait3A_164 = tpu.memref_slice %arg8[%dma_wait3A_162, %dma_wait3A_163] : memref<160x64xi32, #tpu.memory_space<vmem>> -> memref<1x64xi32, #tpu.memory_space<vmem>>
    %dma_wait3A_165 = tpu.memref_squeeze %dma_wait3A_164 : memref<1x64xi32, #tpu.memory_space<vmem>> -> memref<64xi32, #tpu.memory_space<vmem>>
    %dma_wait3A_166 = arith.constant 0 : i32
    %dma_wait3A_167 = arith.constant 0 : i32
    %dma_wait3A_168 = tpu.memref_slice %arg14[%dma_wait3A_166, %dma_wait3A_167] : memref<10240x64xf32, #tpu.memory_space<vmem_shared>> -> memref<10240x64xf32, #tpu.memory_space<vmem_shared>>
    tpu.wait_indirect_dma semaphore(%arg23 : memref<!tpu.dma_semaphore, #tpu.memory_space<semaphore_mem>>) src(%arg11 : memref<64x64xf32, #tpu.memory_space<vmem>>) dst(%dma_wait3A_168 : memref<10240x64xf32, #tpu.memory_space<vmem_shared>>)
    %dma_start3A_169 = arith.constant 7 : i32
    %dma_start3A_170 = arith.constant 0 : i32
    %dma_start3A_171 = tpu.memref_slice %arg7[%dma_start3A_169, %dma_start3A_170] : memref<160x64xi32, #tpu.memory_space<vmem>> -> memref<1x64xi32, #tpu.memory_space<vmem>>
    %dma_start3A_172 = tpu.memref_squeeze %dma_start3A_171 : memref<1x64xi32, #tpu.memory_space<vmem>> -> memref<64xi32, #tpu.memory_space<vmem>>
    %dma_start3A_173 = arith.constant 0 : i32
    %dma_start3A_174 = arith.constant 0 : i32
    %dma_start3A_175 = tpu.memref_slice %arg15[%dma_start3A_173, %dma_start3A_174] : memref<10240x64xf32, #tpu.memory_space<vmem_shared>> -> memref<10240x64xf32, #tpu.memory_space<vmem_shared>>
    tpu.enqueue_indirect_dma source(%dma_start3A_175 : memref<10240x64xf32, #tpu.memory_space<vmem_shared>>) target(%arg11 : memref<64x64xf32, #tpu.memory_space<vmem>>) offsets(%dma_start3A_172 : memref<64xi32, #tpu.memory_space<vmem>>) semaphore(%arg18 : memref<!tpu.dma_semaphore, #tpu.memory_space<semaphore_mem>>)
    %jit3A_176 = arith.constant 5 : i32
    %div3A = arith.divsi %select_n3A, %jit3A_176 : i32
    %sign3A = arith.constant 0 : i32
    %sign3A_177 = arith.cmpi sgt, %select_n3A, %sign3A : i32
    %sign3A_178 = arith.extui %sign3A_177 : i1 to i32
    %sign3A_179 = arith.constant 0 : i32
    %sign3A_180 = arith.cmpi slt, %select_n3A, %sign3A_179 : i32
    %sign3A_181 = arith.extui %sign3A_180 : i1 to i32
    %sign3A_182 = arith.subi %sign3A_178, %sign3A_181 : i32
    %sign3A_183 = arith.constant 0 : i32
    %sign3A_184 = arith.cmpi sgt, %jit3A_176, %sign3A_183 : i32
    %sign3A_185 = arith.extui %sign3A_184 : i1 to i32
    %sign3A_186 = arith.constant 0 : i32
    %sign3A_187 = arith.cmpi slt, %jit3A_176, %sign3A_186 : i32
    %sign3A_188 = arith.extui %sign3A_187 : i1 to i32
    %sign3A_189 = arith.subi %sign3A_185, %sign3A_188 : i32
    %ne3A = arith.cmpi ne, %sign3A_182, %sign3A_189 : i32
    %rem3A = arith.remsi %select_n3A, %jit3A_176 : i32
    %ne3A_190 = arith.constant 0 : i32
    %ne3A_191 = arith.cmpi ne, %rem3A, %ne3A_190 : i32
    %and3A = arith.andi %ne3A, %ne3A_191 : i1
    %sub3A = arith.constant 1 : i32
    %sub3A_192 = arith.subi %div3A, %sub3A : i32
    %select_n3A_193 = arith.select %and3A, %sub3A_192, %div3A : i32
    %sub3A_194 = arith.constant 1 : i32
    %sub3A_195 = arith.subi %select_n3A_193, %sub3A_194 : i32
    %while3A = arith.constant 1 : i32
    %while3A_196 = arith.constant 0 : i32
    %while3A_197 = arith.subi %sub3A_195, %while3A : i32
    %while3A_198 = arith.addi %while3A, %while3A_197 : i32
    %while3A_199 = arith.constant 1 : i32
    %while3A_200 = arith.divsi %while3A_197, %while3A_199 : i32
    %while3A_201 = arith.muli %while3A_200, %while3A_199 : i32
    %while3A_202 = arith.addi %while3A, %while3A_201 : i32
    %while3A_203 = arith.constant 1 : i32
    %while3A_204 = scf.for %while3A_356 = %while3A to %while3A_202 step %while3A_203 iter_args(%while3A_357 = %while3A_196) -> (i32)  : i32 {
      %mul3A_358 = arith.constant 5 : i32
      %mul3A_359 = arith.muli %while3A_356, %mul3A_358 : i32
      %add3A_360 = arith.constant 0 : i32
      %add3A_361 = arith.addi %mul3A_359, %add3A_360 : i32
      %dma_wait3A_362 = arith.constant 0 : i32
      %dma_wait3A_363 = tpu.memref_slice %arg7[%add3A_361, %dma_wait3A_362] : memref<160x64xi32, #tpu.memory_space<vmem>> -> memref<1x64xi32, #tpu.memory_space<vmem>>
      %dma_wait3A_364 = tpu.memref_squeeze %dma_wait3A_363 : memref<1x64xi32, #tpu.memory_space<vmem>> -> memref<64xi32, #tpu.memory_space<vmem>>
      %dma_wait3A_365 = arith.constant 0 : i32
      %dma_wait3A_366 = arith.constant 0 : i32
      %dma_wait3A_367 = tpu.memref_slice %arg15[%dma_wait3A_365, %dma_wait3A_366] : memref<10240x64xf32, #tpu.memory_space<vmem_shared>> -> memref<10240x64xf32, #tpu.memory_space<vmem_shared>>
      tpu.wait_indirect_dma semaphore(%arg16 : memref<!tpu.dma_semaphore, #tpu.memory_space<semaphore_mem>>) src(%dma_wait3A_367 : memref<10240x64xf32, #tpu.memory_space<vmem_shared>>) dst(%arg9 : memref<64x64xf32, #tpu.memory_space<vmem>>)
      %dma_start3A_368 = arith.constant 0 : i32
      %dma_start3A_369 = tpu.memref_slice %arg8[%add3A_361, %dma_start3A_368] : memref<160x64xi32, #tpu.memory_space<vmem>> -> memref<1x64xi32, #tpu.memory_space<vmem>>
      %dma_start3A_370 = tpu.memref_squeeze %dma_start3A_369 : memref<1x64xi32, #tpu.memory_space<vmem>> -> memref<64xi32, #tpu.memory_space<vmem>>
      %dma_start3A_371 = arith.constant 0 : i32
      %dma_start3A_372 = arith.constant 0 : i32
      %dma_start3A_373 = tpu.memref_slice %arg14[%dma_start3A_371, %dma_start3A_372] : memref<10240x64xf32, #tpu.memory_space<vmem_shared>> -> memref<10240x64xf32, #tpu.memory_space<vmem_shared>>
      tpu.enqueue_indirect_dma source(%arg9 : memref<64x64xf32, #tpu.memory_space<vmem>>) target(%dma_start3A_373 : memref<10240x64xf32, #tpu.memory_space<vmem_shared>>) offsets(%dma_start3A_370 : memref<64xi32, #tpu.memory_space<vmem>>) semaphore(%arg21 : memref<!tpu.dma_semaphore, #tpu.memory_space<semaphore_mem>>) {add = true}
      %sub3A_374 = arith.constant 2 : i32
      %sub3A_375 = arith.subi %add3A_361, %sub3A_374 : i32
      %dma_wait3A_376 = arith.constant 0 : i32
      %dma_wait3A_377 = tpu.memref_slice %arg8[%sub3A_375, %dma_wait3A_376] : memref<160x64xi32, #tpu.memory_space<vmem>> -> memref<1x64xi32, #tpu.memory_space<vmem>>
      %dma_wait3A_378 = tpu.memref_squeeze %dma_wait3A_377 : memref<1x64xi32, #tpu.memory_space<vmem>> -> memref<64xi32, #tpu.memory_space<vmem>>
      %dma_wait3A_379 = arith.constant 0 : i32
      %dma_wait3A_380 = arith.constant 0 : i32
      %dma_wait3A_381 = tpu.memref_slice %arg14[%dma_wait3A_379, %dma_wait3A_380] : memref<10240x64xf32, #tpu.memory_space<vmem_shared>> -> memref<10240x64xf32, #tpu.memory_space<vmem_shared>>
      tpu.wait_indirect_dma semaphore(%arg24 : memref<!tpu.dma_semaphore, #tpu.memory_space<semaphore_mem>>) src(%arg12 : memref<64x64xf32, #tpu.memory_space<vmem>>) dst(%dma_wait3A_381 : memref<10240x64xf32, #tpu.memory_space<vmem_shared>>)
      %add3A_382 = arith.constant 3 : i32
      %add3A_383 = arith.addi %add3A_361, %add3A_382 : i32
      %dma_start3A_384 = arith.constant 0 : i32
      %dma_start3A_385 = tpu.memref_slice %arg7[%add3A_383, %dma_start3A_384] : memref<160x64xi32, #tpu.memory_space<vmem>> -> memref<1x64xi32, #tpu.memory_space<vmem>>
      %dma_start3A_386 = tpu.memref_squeeze %dma_start3A_385 : memref<1x64xi32, #tpu.memory_space<vmem>> -> memref<64xi32, #tpu.memory_space<vmem>>
      %dma_start3A_387 = arith.constant 0 : i32
      %dma_start3A_388 = arith.constant 0 : i32
      %dma_start3A_389 = tpu.memref_slice %arg15[%dma_start3A_387, %dma_start3A_388] : memref<10240x64xf32, #tpu.memory_space<vmem_shared>> -> memref<10240x64xf32, #tpu.memory_space<vmem_shared>>
      tpu.enqueue_indirect_dma source(%dma_start3A_389 : memref<10240x64xf32, #tpu.memory_space<vmem_shared>>) target(%arg12 : memref<64x64xf32, #tpu.memory_space<vmem>>) offsets(%dma_start3A_386 : memref<64xi32, #tpu.memory_space<vmem>>) semaphore(%arg19 : memref<!tpu.dma_semaphore, #tpu.memory_space<semaphore_mem>>)
      %add3A_390 = arith.constant 1 : i32
      %add3A_391 = arith.addi %mul3A_359, %add3A_390 : i32
      %dma_wait3A_392 = arith.constant 0 : i32
      %dma_wait3A_393 = tpu.memref_slice %arg7[%add3A_391, %dma_wait3A_392] : memref<160x64xi32, #tpu.memory_space<vmem>> -> memref<1x64xi32, #tpu.memory_space<vmem>>
      %dma_wait3A_394 = tpu.memref_squeeze %dma_wait3A_393 : memref<1x64xi32, #tpu.memory_space<vmem>> -> memref<64xi32, #tpu.memory_space<vmem>>
      %dma_wait3A_395 = arith.constant 0 : i32
      %dma_wait3A_396 = arith.constant 0 : i32
      %dma_wait3A_397 = tpu.memref_slice %arg15[%dma_wait3A_395, %dma_wait3A_396] : memref<10240x64xf32, #tpu.memory_space<vmem_shared>> -> memref<10240x64xf32, #tpu.memory_space<vmem_shared>>
      tpu.wait_indirect_dma semaphore(%arg17 : memref<!tpu.dma_semaphore, #tpu.memory_space<semaphore_mem>>) src(%dma_wait3A_397 : memref<10240x64xf32, #tpu.memory_space<vmem_shared>>) dst(%arg10 : memref<64x64xf32, #tpu.memory_space<vmem>>)
      %dma_start3A_398 = arith.constant 0 : i32
      %dma_start3A_399 = tpu.memref_slice %arg8[%add3A_391, %dma_start3A_398] : memref<160x64xi32, #tpu.memory_space<vmem>> -> memref<1x64xi32, #tpu.memory_space<vmem>>
      %dma_start3A_400 = tpu.memref_squeeze %dma_start3A_399 : memref<1x64xi32, #tpu.memory_space<vmem>> -> memref<64xi32, #tpu.memory_space<vmem>>
      %dma_start3A_401 = arith.constant 0 : i32
      %dma_start3A_402 = arith.constant 0 : i32
      %dma_start3A_403 = tpu.memref_slice %arg14[%dma_start3A_401, %dma_start3A_402] : memref<10240x64xf32, #tpu.memory_space<vmem_shared>> -> memref<10240x64xf32, #tpu.memory_space<vmem_shared>>
      tpu.enqueue_indirect_dma source(%arg10 : memref<64x64xf32, #tpu.memory_space<vmem>>) target(%dma_start3A_403 : memref<10240x64xf32, #tpu.memory_space<vmem_shared>>) offsets(%dma_start3A_400 : memref<64xi32, #tpu.memory_space<vmem>>) semaphore(%arg22 : memref<!tpu.dma_semaphore, #tpu.memory_space<semaphore_mem>>) {add = true}
      %sub3A_404 = arith.constant 2 : i32
      %sub3A_405 = arith.subi %add3A_391, %sub3A_404 : i32
      %dma_wait3A_406 = arith.constant 0 : i32
      %dma_wait3A_407 = tpu.memref_slice %arg8[%sub3A_405, %dma_wait3A_406] : memref<160x64xi32, #tpu.memory_space<vmem>> -> memref<1x64xi32, #tpu.memory_space<vmem>>
      %dma_wait3A_408 = tpu.memref_squeeze %dma_wait3A_407 : memref<1x64xi32, #tpu.memory_space<vmem>> -> memref<64xi32, #tpu.memory_space<vmem>>
      %dma_wait3A_409 = arith.constant 0 : i32
      %dma_wait3A_410 = arith.constant 0 : i32
      %dma_wait3A_411 = tpu.memref_slice %arg14[%dma_wait3A_409, %dma_wait3A_410] : memref<10240x64xf32, #tpu.memory_space<vmem_shared>> -> memref<10240x64xf32, #tpu.memory_space<vmem_shared>>
      tpu.wait_indirect_dma semaphore(%arg25 : memref<!tpu.dma_semaphore, #tpu.memory_space<semaphore_mem>>) src(%arg13 : memref<64x64xf32, #tpu.memory_space<vmem>>) dst(%dma_wait3A_411 : memref<10240x64xf32, #tpu.memory_space<vmem_shared>>)
      %add3A_412 = arith.constant 3 : i32
      %add3A_413 = arith.addi %add3A_391, %add3A_412 : i32
      %dma_start3A_414 = arith.constant 0 : i32
      %dma_start3A_415 = tpu.memref_slice %arg7[%add3A_413, %dma_start3A_414] : memref<160x64xi32, #tpu.memory_space<vmem>> -> memref<1x64xi32, #tpu.memory_space<vmem>>
      %dma_start3A_416 = tpu.memref_squeeze %dma_start3A_415 : memref<1x64xi32, #tpu.memory_space<vmem>> -> memref<64xi32, #tpu.memory_space<vmem>>
      %dma_start3A_417 = arith.constant 0 : i32
      %dma_start3A_418 = arith.constant 0 : i32
      %dma_start3A_419 = tpu.memref_slice %arg15[%dma_start3A_417, %dma_start3A_418] : memref<10240x64xf32, #tpu.memory_space<vmem_shared>> -> memref<10240x64xf32, #tpu.memory_space<vmem_shared>>
      tpu.enqueue_indirect_dma source(%dma_start3A_419 : memref<10240x64xf32, #tpu.memory_space<vmem_shared>>) target(%arg13 : memref<64x64xf32, #tpu.memory_space<vmem>>) offsets(%dma_start3A_416 : memref<64xi32, #tpu.memory_space<vmem>>) semaphore(%arg20 : memref<!tpu.dma_semaphore, #tpu.memory_space<semaphore_mem>>)
      %add3A_420 = arith.constant 2 : i32
      %add3A_421 = arith.addi %mul3A_359, %add3A_420 : i32
      %dma_wait3A_422 = arith.constant 0 : i32
      %dma_wait3A_423 = tpu.memref_slice %arg7[%add3A_421, %dma_wait3A_422] : memref<160x64xi32, #tpu.memory_space<vmem>> -> memref<1x64xi32, #tpu.memory_space<vmem>>
      %dma_wait3A_424 = tpu.memref_squeeze %dma_wait3A_423 : memref<1x64xi32, #tpu.memory_space<vmem>> -> memref<64xi32, #tpu.memory_space<vmem>>
      %dma_wait3A_425 = arith.constant 0 : i32
      %dma_wait3A_426 = arith.constant 0 : i32
      %dma_wait3A_427 = tpu.memref_slice %arg15[%dma_wait3A_425, %dma_wait3A_426] : memref<10240x64xf32, #tpu.memory_space<vmem_shared>> -> memref<10240x64xf32, #tpu.memory_space<vmem_shared>>
      tpu.wait_indirect_dma semaphore(%arg18 : memref<!tpu.dma_semaphore, #tpu.memory_space<semaphore_mem>>) src(%dma_wait3A_427 : memref<10240x64xf32, #tpu.memory_space<vmem_shared>>) dst(%arg11 : memref<64x64xf32, #tpu.memory_space<vmem>>)
      %dma_start3A_428 = arith.constant 0 : i32
      %dma_start3A_429 = tpu.memref_slice %arg8[%add3A_421, %dma_start3A_428] : memref<160x64xi32, #tpu.memory_space<vmem>> -> memref<1x64xi32, #tpu.memory_space<vmem>>
      %dma_start3A_430 = tpu.memref_squeeze %dma_start3A_429 : memref<1x64xi32, #tpu.memory_space<vmem>> -> memref<64xi32, #tpu.memory_space<vmem>>
      %dma_start3A_431 = arith.constant 0 : i32
      %dma_start3A_432 = arith.constant 0 : i32
      %dma_start3A_433 = tpu.memref_slice %arg14[%dma_start3A_431, %dma_start3A_432] : memref<10240x64xf32, #tpu.memory_space<vmem_shared>> -> memref<10240x64xf32, #tpu.memory_space<vmem_shared>>
      tpu.enqueue_indirect_dma source(%arg11 : memref<64x64xf32, #tpu.memory_space<vmem>>) target(%dma_start3A_433 : memref<10240x64xf32, #tpu.memory_space<vmem_shared>>) offsets(%dma_start3A_430 : memref<64xi32, #tpu.memory_space<vmem>>) semaphore(%arg23 : memref<!tpu.dma_semaphore, #tpu.memory_space<semaphore_mem>>) {add = true}
      %sub3A_434 = arith.constant 2 : i32
      %sub3A_435 = arith.subi %add3A_421, %sub3A_434 : i32
      %dma_wait3A_436 = arith.constant 0 : i32
      %dma_wait3A_437 = tpu.memref_slice %arg8[%sub3A_435, %dma_wait3A_436] : memref<160x64xi32, #tpu.memory_space<vmem>> -> memref<1x64xi32, #tpu.memory_space<vmem>>
      %dma_wait3A_438 = tpu.memref_squeeze %dma_wait3A_437 : memref<1x64xi32, #tpu.memory_space<vmem>> -> memref<64xi32, #tpu.memory_space<vmem>>
      %dma_wait3A_439 = arith.constant 0 : i32
      %dma_wait3A_440 = arith.constant 0 : i32
      %dma_wait3A_441 = tpu.memref_slice %arg14[%dma_wait3A_439, %dma_wait3A_440] : memref<10240x64xf32, #tpu.memory_space<vmem_shared>> -> memref<10240x64xf32, #tpu.memory_space<vmem_shared>>
      tpu.wait_indirect_dma semaphore(%arg21 : memref<!tpu.dma_semaphore, #tpu.memory_space<semaphore_mem>>) src(%arg9 : memref<64x64xf32, #tpu.memory_space<vmem>>) dst(%dma_wait3A_441 : memref<10240x64xf32, #tpu.memory_space<vmem_shared>>)
      %add3A_442 = arith.constant 3 : i32
      %add3A_443 = arith.addi %add3A_421, %add3A_442 : i32
      %dma_start3A_444 = arith.constant 0 : i32
      %dma_start3A_445 = tpu.memref_slice %arg7[%add3A_443, %dma_start3A_444] : memref<160x64xi32, #tpu.memory_space<vmem>> -> memref<1x64xi32, #tpu.memory_space<vmem>>
      %dma_start3A_446 = tpu.memref_squeeze %dma_start3A_445 : memref<1x64xi32, #tpu.memory_space<vmem>> -> memref<64xi32, #tpu.memory_space<vmem>>
      %dma_start3A_447 = arith.constant 0 : i32
      %dma_start3A_448 = arith.constant 0 : i32
      %dma_start3A_449 = tpu.memref_slice %arg15[%dma_start3A_447, %dma_start3A_448] : memref<10240x64xf32, #tpu.memory_space<vmem_shared>> -> memref<10240x64xf32, #tpu.memory_space<vmem_shared>>
      tpu.enqueue_indirect_dma source(%dma_start3A_449 : memref<10240x64xf32, #tpu.memory_space<vmem_shared>>) target(%arg9 : memref<64x64xf32, #tpu.memory_space<vmem>>) offsets(%dma_start3A_446 : memref<64xi32, #tpu.memory_space<vmem>>) semaphore(%arg16 : memref<!tpu.dma_semaphore, #tpu.memory_space<semaphore_mem>>)
      %add3A_450 = arith.constant 3 : i32
      %add3A_451 = arith.addi %mul3A_359, %add3A_450 : i32
      %dma_wait3A_452 = arith.constant 0 : i32
      %dma_wait3A_453 = tpu.memref_slice %arg7[%add3A_451, %dma_wait3A_452] : memref<160x64xi32, #tpu.memory_space<vmem>> -> memref<1x64xi32, #tpu.memory_space<vmem>>
      %dma_wait3A_454 = tpu.memref_squeeze %dma_wait3A_453 : memref<1x64xi32, #tpu.memory_space<vmem>> -> memref<64xi32, #tpu.memory_space<vmem>>
      %dma_wait3A_455 = arith.constant 0 : i32
      %dma_wait3A_456 = arith.constant 0 : i32
      %dma_wait3A_457 = tpu.memref_slice %arg15[%dma_wait3A_455, %dma_wait3A_456] : memref<10240x64xf32, #tpu.memory_space<vmem_shared>> -> memref<10240x64xf32, #tpu.memory_space<vmem_shared>>
      tpu.wait_indirect_dma semaphore(%arg19 : memref<!tpu.dma_semaphore, #tpu.memory_space<semaphore_mem>>) src(%dma_wait3A_457 : memref<10240x64xf32, #tpu.memory_space<vmem_shared>>) dst(%arg12 : memref<64x64xf32, #tpu.memory_space<vmem>>)
      %dma_start3A_458 = arith.constant 0 : i32
      %dma_start3A_459 = tpu.memref_slice %arg8[%add3A_451, %dma_start3A_458] : memref<160x64xi32, #tpu.memory_space<vmem>> -> memref<1x64xi32, #tpu.memory_space<vmem>>
      %dma_start3A_460 = tpu.memref_squeeze %dma_start3A_459 : memref<1x64xi32, #tpu.memory_space<vmem>> -> memref<64xi32, #tpu.memory_space<vmem>>
      %dma_start3A_461 = arith.constant 0 : i32
      %dma_start3A_462 = arith.constant 0 : i32
      %dma_start3A_463 = tpu.memref_slice %arg14[%dma_start3A_461, %dma_start3A_462] : memref<10240x64xf32, #tpu.memory_space<vmem_shared>> -> memref<10240x64xf32, #tpu.memory_space<vmem_shared>>
      tpu.enqueue_indirect_dma source(%arg12 : memref<64x64xf32, #tpu.memory_space<vmem>>) target(%dma_start3A_463 : memref<10240x64xf32, #tpu.memory_space<vmem_shared>>) offsets(%dma_start3A_460 : memref<64xi32, #tpu.memory_space<vmem>>) semaphore(%arg24 : memref<!tpu.dma_semaphore, #tpu.memory_space<semaphore_mem>>) {add = true}
      %sub3A_464 = arith.constant 2 : i32
      %sub3A_465 = arith.subi %add3A_451, %sub3A_464 : i32
      %dma_wait3A_466 = arith.constant 0 : i32
      %dma_wait3A_467 = tpu.memref_slice %arg8[%sub3A_465, %dma_wait3A_466] : memref<160x64xi32, #tpu.memory_space<vmem>> -> memref<1x64xi32, #tpu.memory_space<vmem>>
      %dma_wait3A_468 = tpu.memref_squeeze %dma_wait3A_467 : memref<1x64xi32, #tpu.memory_space<vmem>> -> memref<64xi32, #tpu.memory_space<vmem>>
      %dma_wait3A_469 = arith.constant 0 : i32
      %dma_wait3A_470 = arith.constant 0 : i32
      %dma_wait3A_471 = tpu.memref_slice %arg14[%dma_wait3A_469, %dma_wait3A_470] : memref<10240x64xf32, #tpu.memory_space<vmem_shared>> -> memref<10240x64xf32, #tpu.memory_space<vmem_shared>>
      tpu.wait_indirect_dma semaphore(%arg22 : memref<!tpu.dma_semaphore, #tpu.memory_space<semaphore_mem>>) src(%arg10 : memref<64x64xf32, #tpu.memory_space<vmem>>) dst(%dma_wait3A_471 : memref<10240x64xf32, #tpu.memory_space<vmem_shared>>)
      %add3A_472 = arith.constant 3 : i32
      %add3A_473 = arith.addi %add3A_451, %add3A_472 : i32
      %dma_start3A_474 = arith.constant 0 : i32
      %dma_start3A_475 = tpu.memref_slice %arg7[%add3A_473, %dma_start3A_474] : memref<160x64xi32, #tpu.memory_space<vmem>> -> memref<1x64xi32, #tpu.memory_space<vmem>>
      %dma_start3A_476 = tpu.memref_squeeze %dma_start3A_475 : memref<1x64xi32, #tpu.memory_space<vmem>> -> memref<64xi32, #tpu.memory_space<vmem>>
      %dma_start3A_477 = arith.constant 0 : i32
      %dma_start3A_478 = arith.constant 0 : i32
      %dma_start3A_479 = tpu.memref_slice %arg15[%dma_start3A_477, %dma_start3A_478] : memref<10240x64xf32, #tpu.memory_space<vmem_shared>> -> memref<10240x64xf32, #tpu.memory_space<vmem_shared>>
      tpu.enqueue_indirect_dma source(%dma_start3A_479 : memref<10240x64xf32, #tpu.memory_space<vmem_shared>>) target(%arg10 : memref<64x64xf32, #tpu.memory_space<vmem>>) offsets(%dma_start3A_476 : memref<64xi32, #tpu.memory_space<vmem>>) semaphore(%arg17 : memref<!tpu.dma_semaphore, #tpu.memory_space<semaphore_mem>>)
      %add3A_480 = arith.constant 4 : i32
      %add3A_481 = arith.addi %mul3A_359, %add3A_480 : i32
      %dma_wait3A_482 = arith.constant 0 : i32
      %dma_wait3A_483 = tpu.memref_slice %arg7[%add3A_481, %dma_wait3A_482] : memref<160x64xi32, #tpu.memory_space<vmem>> -> memref<1x64xi32, #tpu.memory_space<vmem>>
      %dma_wait3A_484 = tpu.memref_squeeze %dma_wait3A_483 : memref<1x64xi32, #tpu.memory_space<vmem>> -> memref<64xi32, #tpu.memory_space<vmem>>
      %dma_wait3A_485 = arith.constant 0 : i32
      %dma_wait3A_486 = arith.constant 0 : i32
      %dma_wait3A_487 = tpu.memref_slice %arg15[%dma_wait3A_485, %dma_wait3A_486] : memref<10240x64xf32, #tpu.memory_space<vmem_shared>> -> memref<10240x64xf32, #tpu.memory_space<vmem_shared>>
      tpu.wait_indirect_dma semaphore(%arg20 : memref<!tpu.dma_semaphore, #tpu.memory_space<semaphore_mem>>) src(%dma_wait3A_487 : memref<10240x64xf32, #tpu.memory_space<vmem_shared>>) dst(%arg13 : memref<64x64xf32, #tpu.memory_space<vmem>>)
      %dma_start3A_488 = arith.constant 0 : i32
      %dma_start3A_489 = tpu.memref_slice %arg8[%add3A_481, %dma_start3A_488] : memref<160x64xi32, #tpu.memory_space<vmem>> -> memref<1x64xi32, #tpu.memory_space<vmem>>
      %dma_start3A_490 = tpu.memref_squeeze %dma_start3A_489 : memref<1x64xi32, #tpu.memory_space<vmem>> -> memref<64xi32, #tpu.memory_space<vmem>>
      %dma_start3A_491 = arith.constant 0 : i32
      %dma_start3A_492 = arith.constant 0 : i32
      %dma_start3A_493 = tpu.memref_slice %arg14[%dma_start3A_491, %dma_start3A_492] : memref<10240x64xf32, #tpu.memory_space<vmem_shared>> -> memref<10240x64xf32, #tpu.memory_space<vmem_shared>>
      tpu.enqueue_indirect_dma source(%arg13 : memref<64x64xf32, #tpu.memory_space<vmem>>) target(%dma_start3A_493 : memref<10240x64xf32, #tpu.memory_space<vmem_shared>>) offsets(%dma_start3A_490 : memref<64xi32, #tpu.memory_space<vmem>>) semaphore(%arg25 : memref<!tpu.dma_semaphore, #tpu.memory_space<semaphore_mem>>) {add = true}
      %sub3A_494 = arith.constant 2 : i32
      %sub3A_495 = arith.subi %add3A_481, %sub3A_494 : i32
      %dma_wait3A_496 = arith.constant 0 : i32
      %dma_wait3A_497 = tpu.memref_slice %arg8[%sub3A_495, %dma_wait3A_496] : memref<160x64xi32, #tpu.memory_space<vmem>> -> memref<1x64xi32, #tpu.memory_space<vmem>>
      %dma_wait3A_498 = tpu.memref_squeeze %dma_wait3A_497 : memref<1x64xi32, #tpu.memory_space<vmem>> -> memref<64xi32, #tpu.memory_space<vmem>>
      %dma_wait3A_499 = arith.constant 0 : i32
      %dma_wait3A_500 = arith.constant 0 : i32
      %dma_wait3A_501 = tpu.memref_slice %arg14[%dma_wait3A_499, %dma_wait3A_500] : memref<10240x64xf32, #tpu.memory_space<vmem_shared>> -> memref<10240x64xf32, #tpu.memory_space<vmem_shared>>
      tpu.wait_indirect_dma semaphore(%arg23 : memref<!tpu.dma_semaphore, #tpu.memory_space<semaphore_mem>>) src(%arg11 : memref<64x64xf32, #tpu.memory_space<vmem>>) dst(%dma_wait3A_501 : memref<10240x64xf32, #tpu.memory_space<vmem_shared>>)
      %add3A_502 = arith.constant 3 : i32
      %add3A_503 = arith.addi %add3A_481, %add3A_502 : i32
      %dma_start3A_504 = arith.constant 0 : i32
      %dma_start3A_505 = tpu.memref_slice %arg7[%add3A_503, %dma_start3A_504] : memref<160x64xi32, #tpu.memory_space<vmem>> -> memref<1x64xi32, #tpu.memory_space<vmem>>
      %dma_start3A_506 = tpu.memref_squeeze %dma_start3A_505 : memref<1x64xi32, #tpu.memory_space<vmem>> -> memref<64xi32, #tpu.memory_space<vmem>>
      %dma_start3A_507 = arith.constant 0 : i32
      %dma_start3A_508 = arith.constant 0 : i32
      %dma_start3A_509 = tpu.memref_slice %arg15[%dma_start3A_507, %dma_start3A_508] : memref<10240x64xf32, #tpu.memory_space<vmem_shared>> -> memref<10240x64xf32, #tpu.memory_space<vmem_shared>>
      tpu.enqueue_indirect_dma source(%dma_start3A_509 : memref<10240x64xf32, #tpu.memory_space<vmem_shared>>) target(%arg11 : memref<64x64xf32, #tpu.memory_space<vmem>>) offsets(%dma_start3A_506 : memref<64xi32, #tpu.memory_space<vmem>>) semaphore(%arg18 : memref<!tpu.dma_semaphore, #tpu.memory_space<semaphore_mem>>)
      %while3A_510 = arith.constant 0 : i32
      scf.yield %while3A_510 : i32
    }
    %while3A_205 = arith.constant 1 : i32
    %while3A_206 = scf.for %while3A_356 = %while3A_202 to %while3A_198 step %while3A_205 iter_args(%while3A_357 = %while3A_204) -> (i32)  : i32 {
      %mul3A_358 = arith.constant 5 : i32
      %mul3A_359 = arith.muli %while3A_356, %mul3A_358 : i32
      %add3A_360 = arith.constant 0 : i32
      %add3A_361 = arith.addi %mul3A_359, %add3A_360 : i32
      %dma_wait3A_362 = arith.constant 0 : i32
      %dma_wait3A_363 = tpu.memref_slice %arg7[%add3A_361, %dma_wait3A_362] : memref<160x64xi32, #tpu.memory_space<vmem>> -> memref<1x64xi32, #tpu.memory_space<vmem>>
      %dma_wait3A_364 = tpu.memref_squeeze %dma_wait3A_363 : memref<1x64xi32, #tpu.memory_space<vmem>> -> memref<64xi32, #tpu.memory_space<vmem>>
      %dma_wait3A_365 = arith.constant 0 : i32
      %dma_wait3A_366 = arith.constant 0 : i32
      %dma_wait3A_367 = tpu.memref_slice %arg15[%dma_wait3A_365, %dma_wait3A_366] : memref<10240x64xf32, #tpu.memory_space<vmem_shared>> -> memref<10240x64xf32, #tpu.memory_space<vmem_shared>>
      tpu.wait_indirect_dma semaphore(%arg16 : memref<!tpu.dma_semaphore, #tpu.memory_space<semaphore_mem>>) src(%dma_wait3A_367 : memref<10240x64xf32, #tpu.memory_space<vmem_shared>>) dst(%arg9 : memref<64x64xf32, #tpu.memory_space<vmem>>)
      %dma_start3A_368 = arith.constant 0 : i32
      %dma_start3A_369 = tpu.memref_slice %arg8[%add3A_361, %dma_start3A_368] : memref<160x64xi32, #tpu.memory_space<vmem>> -> memref<1x64xi32, #tpu.memory_space<vmem>>
      %dma_start3A_370 = tpu.memref_squeeze %dma_start3A_369 : memref<1x64xi32, #tpu.memory_space<vmem>> -> memref<64xi32, #tpu.memory_space<vmem>>
      %dma_start3A_371 = arith.constant 0 : i32
      %dma_start3A_372 = arith.constant 0 : i32
      %dma_start3A_373 = tpu.memref_slice %arg14[%dma_start3A_371, %dma_start3A_372] : memref<10240x64xf32, #tpu.memory_space<vmem_shared>> -> memref<10240x64xf32, #tpu.memory_space<vmem_shared>>
      tpu.enqueue_indirect_dma source(%arg9 : memref<64x64xf32, #tpu.memory_space<vmem>>) target(%dma_start3A_373 : memref<10240x64xf32, #tpu.memory_space<vmem_shared>>) offsets(%dma_start3A_370 : memref<64xi32, #tpu.memory_space<vmem>>) semaphore(%arg21 : memref<!tpu.dma_semaphore, #tpu.memory_space<semaphore_mem>>) {add = true}
      %sub3A_374 = arith.constant 2 : i32
      %sub3A_375 = arith.subi %add3A_361, %sub3A_374 : i32
      %dma_wait3A_376 = arith.constant 0 : i32
      %dma_wait3A_377 = tpu.memref_slice %arg8[%sub3A_375, %dma_wait3A_376] : memref<160x64xi32, #tpu.memory_space<vmem>> -> memref<1x64xi32, #tpu.memory_space<vmem>>
      %dma_wait3A_378 = tpu.memref_squeeze %dma_wait3A_377 : memref<1x64xi32, #tpu.memory_space<vmem>> -> memref<64xi32, #tpu.memory_space<vmem>>
      %dma_wait3A_379 = arith.constant 0 : i32
      %dma_wait3A_380 = arith.constant 0 : i32
      %dma_wait3A_381 = tpu.memref_slice %arg14[%dma_wait3A_379, %dma_wait3A_380] : memref<10240x64xf32, #tpu.memory_space<vmem_shared>> -> memref<10240x64xf32, #tpu.memory_space<vmem_shared>>
      tpu.wait_indirect_dma semaphore(%arg24 : memref<!tpu.dma_semaphore, #tpu.memory_space<semaphore_mem>>) src(%arg12 : memref<64x64xf32, #tpu.memory_space<vmem>>) dst(%dma_wait3A_381 : memref<10240x64xf32, #tpu.memory_space<vmem_shared>>)
      %add3A_382 = arith.constant 3 : i32
      %add3A_383 = arith.addi %add3A_361, %add3A_382 : i32
      %dma_start3A_384 = arith.constant 0 : i32
      %dma_start3A_385 = tpu.memref_slice %arg7[%add3A_383, %dma_start3A_384] : memref<160x64xi32, #tpu.memory_space<vmem>> -> memref<1x64xi32, #tpu.memory_space<vmem>>
      %dma_start3A_386 = tpu.memref_squeeze %dma_start3A_385 : memref<1x64xi32, #tpu.memory_space<vmem>> -> memref<64xi32, #tpu.memory_space<vmem>>
      %dma_start3A_387 = arith.constant 0 : i32
      %dma_start3A_388 = arith.constant 0 : i32
      %dma_start3A_389 = tpu.memref_slice %arg15[%dma_start3A_387, %dma_start3A_388] : memref<10240x64xf32, #tpu.memory_space<vmem_shared>> -> memref<10240x64xf32, #tpu.memory_space<vmem_shared>>
      tpu.enqueue_indirect_dma source(%dma_start3A_389 : memref<10240x64xf32, #tpu.memory_space<vmem_shared>>) target(%arg12 : memref<64x64xf32, #tpu.memory_space<vmem>>) offsets(%dma_start3A_386 : memref<64xi32, #tpu.memory_space<vmem>>) semaphore(%arg19 : memref<!tpu.dma_semaphore, #tpu.memory_space<semaphore_mem>>)
      %add3A_390 = arith.constant 1 : i32
      %add3A_391 = arith.addi %mul3A_359, %add3A_390 : i32
      %dma_wait3A_392 = arith.constant 0 : i32
      %dma_wait3A_393 = tpu.memref_slice %arg7[%add3A_391, %dma_wait3A_392] : memref<160x64xi32, #tpu.memory_space<vmem>> -> memref<1x64xi32, #tpu.memory_space<vmem>>
      %dma_wait3A_394 = tpu.memref_squeeze %dma_wait3A_393 : memref<1x64xi32, #tpu.memory_space<vmem>> -> memref<64xi32, #tpu.memory_space<vmem>>
      %dma_wait3A_395 = arith.constant 0 : i32
      %dma_wait3A_396 = arith.constant 0 : i32
      %dma_wait3A_397 = tpu.memref_slice %arg15[%dma_wait3A_395, %dma_wait3A_396] : memref<10240x64xf32, #tpu.memory_space<vmem_shared>> -> memref<10240x64xf32, #tpu.memory_space<vmem_shared>>
      tpu.wait_indirect_dma semaphore(%arg17 : memref<!tpu.dma_semaphore, #tpu.memory_space<semaphore_mem>>) src(%dma_wait3A_397 : memref<10240x64xf32, #tpu.memory_space<vmem_shared>>) dst(%arg10 : memref<64x64xf32, #tpu.memory_space<vmem>>)
      %dma_start3A_398 = arith.constant 0 : i32
      %dma_start3A_399 = tpu.memref_slice %arg8[%add3A_391, %dma_start3A_398] : memref<160x64xi32, #tpu.memory_space<vmem>> -> memref<1x64xi32, #tpu.memory_space<vmem>>
      %dma_start3A_400 = tpu.memref_squeeze %dma_start3A_399 : memref<1x64xi32, #tpu.memory_space<vmem>> -> memref<64xi32, #tpu.memory_space<vmem>>
      %dma_start3A_401 = arith.constant 0 : i32
      %dma_start3A_402 = arith.constant 0 : i32
      %dma_start3A_403 = tpu.memref_slice %arg14[%dma_start3A_401, %dma_start3A_402] : memref<10240x64xf32, #tpu.memory_space<vmem_shared>> -> memref<10240x64xf32, #tpu.memory_space<vmem_shared>>
      tpu.enqueue_indirect_dma source(%arg10 : memref<64x64xf32, #tpu.memory_space<vmem>>) target(%dma_start3A_403 : memref<10240x64xf32, #tpu.memory_space<vmem_shared>>) offsets(%dma_start3A_400 : memref<64xi32, #tpu.memory_space<vmem>>) semaphore(%arg22 : memref<!tpu.dma_semaphore, #tpu.memory_space<semaphore_mem>>) {add = true}
      %sub3A_404 = arith.constant 2 : i32
      %sub3A_405 = arith.subi %add3A_391, %sub3A_404 : i32
      %dma_wait3A_406 = arith.constant 0 : i32
      %dma_wait3A_407 = tpu.memref_slice %arg8[%sub3A_405, %dma_wait3A_406] : memref<160x64xi32, #tpu.memory_space<vmem>> -> memref<1x64xi32, #tpu.memory_space<vmem>>
      %dma_wait3A_408 = tpu.memref_squeeze %dma_wait3A_407 : memref<1x64xi32, #tpu.memory_space<vmem>> -> memref<64xi32, #tpu.memory_space<vmem>>
      %dma_wait3A_409 = arith.constant 0 : i32
      %dma_wait3A_410 = arith.constant 0 : i32
      %dma_wait3A_411 = tpu.memref_slice %arg14[%dma_wait3A_409, %dma_wait3A_410] : memref<10240x64xf32, #tpu.memory_space<vmem_shared>> -> memref<10240x64xf32, #tpu.memory_space<vmem_shared>>
      tpu.wait_indirect_dma semaphore(%arg25 : memref<!tpu.dma_semaphore, #tpu.memory_space<semaphore_mem>>) src(%arg13 : memref<64x64xf32, #tpu.memory_space<vmem>>) dst(%dma_wait3A_411 : memref<10240x64xf32, #tpu.memory_space<vmem_shared>>)
      %add3A_412 = arith.constant 3 : i32
      %add3A_413 = arith.addi %add3A_391, %add3A_412 : i32
      %dma_start3A_414 = arith.constant 0 : i32
      %dma_start3A_415 = tpu.memref_slice %arg7[%add3A_413, %dma_start3A_414] : memref<160x64xi32, #tpu.memory_space<vmem>> -> memref<1x64xi32, #tpu.memory_space<vmem>>
      %dma_start3A_416 = tpu.memref_squeeze %dma_start3A_415 : memref<1x64xi32, #tpu.memory_space<vmem>> -> memref<64xi32, #tpu.memory_space<vmem>>
      %dma_start3A_417 = arith.constant 0 : i32
      %dma_start3A_418 = arith.constant 0 : i32
      %dma_start3A_419 = tpu.memref_slice %arg15[%dma_start3A_417, %dma_start3A_418] : memref<10240x64xf32, #tpu.memory_space<vmem_shared>> -> memref<10240x64xf32, #tpu.memory_space<vmem_shared>>
      tpu.enqueue_indirect_dma source(%dma_start3A_419 : memref<10240x64xf32, #tpu.memory_space<vmem_shared>>) target(%arg13 : memref<64x64xf32, #tpu.memory_space<vmem>>) offsets(%dma_start3A_416 : memref<64xi32, #tpu.memory_space<vmem>>) semaphore(%arg20 : memref<!tpu.dma_semaphore, #tpu.memory_space<semaphore_mem>>)
      %add3A_420 = arith.constant 2 : i32
      %add3A_421 = arith.addi %mul3A_359, %add3A_420 : i32
      %dma_wait3A_422 = arith.constant 0 : i32
      %dma_wait3A_423 = tpu.memref_slice %arg7[%add3A_421, %dma_wait3A_422] : memref<160x64xi32, #tpu.memory_space<vmem>> -> memref<1x64xi32, #tpu.memory_space<vmem>>
      %dma_wait3A_424 = tpu.memref_squeeze %dma_wait3A_423 : memref<1x64xi32, #tpu.memory_space<vmem>> -> memref<64xi32, #tpu.memory_space<vmem>>
      %dma_wait3A_425 = arith.constant 0 : i32
      %dma_wait3A_426 = arith.constant 0 : i32
      %dma_wait3A_427 = tpu.memref_slice %arg15[%dma_wait3A_425, %dma_wait3A_426] : memref<10240x64xf32, #tpu.memory_space<vmem_shared>> -> memref<10240x64xf32, #tpu.memory_space<vmem_shared>>
      tpu.wait_indirect_dma semaphore(%arg18 : memref<!tpu.dma_semaphore, #tpu.memory_space<semaphore_mem>>) src(%dma_wait3A_427 : memref<10240x64xf32, #tpu.memory_space<vmem_shared>>) dst(%arg11 : memref<64x64xf32, #tpu.memory_space<vmem>>)
      %dma_start3A_428 = arith.constant 0 : i32
      %dma_start3A_429 = tpu.memref_slice %arg8[%add3A_421, %dma_start3A_428] : memref<160x64xi32, #tpu.memory_space<vmem>> -> memref<1x64xi32, #tpu.memory_space<vmem>>
      %dma_start3A_430 = tpu.memref_squeeze %dma_start3A_429 : memref<1x64xi32, #tpu.memory_space<vmem>> -> memref<64xi32, #tpu.memory_space<vmem>>
      %dma_start3A_431 = arith.constant 0 : i32
      %dma_start3A_432 = arith.constant 0 : i32
      %dma_start3A_433 = tpu.memref_slice %arg14[%dma_start3A_431, %dma_start3A_432] : memref<10240x64xf32, #tpu.memory_space<vmem_shared>> -> memref<10240x64xf32, #tpu.memory_space<vmem_shared>>
      tpu.enqueue_indirect_dma source(%arg11 : memref<64x64xf32, #tpu.memory_space<vmem>>) target(%dma_start3A_433 : memref<10240x64xf32, #tpu.memory_space<vmem_shared>>) offsets(%dma_start3A_430 : memref<64xi32, #tpu.memory_space<vmem>>) semaphore(%arg23 : memref<!tpu.dma_semaphore, #tpu.memory_space<semaphore_mem>>) {add = true}
      %sub3A_434 = arith.constant 2 : i32
      %sub3A_435 = arith.subi %add3A_421, %sub3A_434 : i32
      %dma_wait3A_436 = arith.constant 0 : i32
      %dma_wait3A_437 = tpu.memref_slice %arg8[%sub3A_435, %dma_wait3A_436] : memref<160x64xi32, #tpu.memory_space<vmem>> -> memref<1x64xi32, #tpu.memory_space<vmem>>
      %dma_wait3A_438 = tpu.memref_squeeze %dma_wait3A_437 : memref<1x64xi32, #tpu.memory_space<vmem>> -> memref<64xi32, #tpu.memory_space<vmem>>
      %dma_wait3A_439 = arith.constant 0 : i32
      %dma_wait3A_440 = arith.constant 0 : i32
      %dma_wait3A_441 = tpu.memref_slice %arg14[%dma_wait3A_439, %dma_wait3A_440] : memref<10240x64xf32, #tpu.memory_space<vmem_shared>> -> memref<10240x64xf32, #tpu.memory_space<vmem_shared>>
      tpu.wait_indirect_dma semaphore(%arg21 : memref<!tpu.dma_semaphore, #tpu.memory_space<semaphore_mem>>) src(%arg9 : memref<64x64xf32, #tpu.memory_space<vmem>>) dst(%dma_wait3A_441 : memref<10240x64xf32, #tpu.memory_space<vmem_shared>>)
      %add3A_442 = arith.constant 3 : i32
      %add3A_443 = arith.addi %add3A_421, %add3A_442 : i32
      %dma_start3A_444 = arith.constant 0 : i32
      %dma_start3A_445 = tpu.memref_slice %arg7[%add3A_443, %dma_start3A_444] : memref<160x64xi32, #tpu.memory_space<vmem>> -> memref<1x64xi32, #tpu.memory_space<vmem>>
      %dma_start3A_446 = tpu.memref_squeeze %dma_start3A_445 : memref<1x64xi32, #tpu.memory_space<vmem>> -> memref<64xi32, #tpu.memory_space<vmem>>
      %dma_start3A_447 = arith.constant 0 : i32
      %dma_start3A_448 = arith.constant 0 : i32
      %dma_start3A_449 = tpu.memref_slice %arg15[%dma_start3A_447, %dma_start3A_448] : memref<10240x64xf32, #tpu.memory_space<vmem_shared>> -> memref<10240x64xf32, #tpu.memory_space<vmem_shared>>
      tpu.enqueue_indirect_dma source(%dma_start3A_449 : memref<10240x64xf32, #tpu.memory_space<vmem_shared>>) target(%arg9 : memref<64x64xf32, #tpu.memory_space<vmem>>) offsets(%dma_start3A_446 : memref<64xi32, #tpu.memory_space<vmem>>) semaphore(%arg16 : memref<!tpu.dma_semaphore, #tpu.memory_space<semaphore_mem>>)
      %add3A_450 = arith.constant 3 : i32
      %add3A_451 = arith.addi %mul3A_359, %add3A_450 : i32
      %dma_wait3A_452 = arith.constant 0 : i32
      %dma_wait3A_453 = tpu.memref_slice %arg7[%add3A_451, %dma_wait3A_452] : memref<160x64xi32, #tpu.memory_space<vmem>> -> memref<1x64xi32, #tpu.memory_space<vmem>>
      %dma_wait3A_454 = tpu.memref_squeeze %dma_wait3A_453 : memref<1x64xi32, #tpu.memory_space<vmem>> -> memref<64xi32, #tpu.memory_space<vmem>>
      %dma_wait3A_455 = arith.constant 0 : i32
      %dma_wait3A_456 = arith.constant 0 : i32
      %dma_wait3A_457 = tpu.memref_slice %arg15[%dma_wait3A_455, %dma_wait3A_456] : memref<10240x64xf32, #tpu.memory_space<vmem_shared>> -> memref<10240x64xf32, #tpu.memory_space<vmem_shared>>
      tpu.wait_indirect_dma semaphore(%arg19 : memref<!tpu.dma_semaphore, #tpu.memory_space<semaphore_mem>>) src(%dma_wait3A_457 : memref<10240x64xf32, #tpu.memory_space<vmem_shared>>) dst(%arg12 : memref<64x64xf32, #tpu.memory_space<vmem>>)
      %dma_start3A_458 = arith.constant 0 : i32
      %dma_start3A_459 = tpu.memref_slice %arg8[%add3A_451, %dma_start3A_458] : memref<160x64xi32, #tpu.memory_space<vmem>> -> memref<1x64xi32, #tpu.memory_space<vmem>>
      %dma_start3A_460 = tpu.memref_squeeze %dma_start3A_459 : memref<1x64xi32, #tpu.memory_space<vmem>> -> memref<64xi32, #tpu.memory_space<vmem>>
      %dma_start3A_461 = arith.constant 0 : i32
      %dma_start3A_462 = arith.constant 0 : i32
      %dma_start3A_463 = tpu.memref_slice %arg14[%dma_start3A_461, %dma_start3A_462] : memref<10240x64xf32, #tpu.memory_space<vmem_shared>> -> memref<10240x64xf32, #tpu.memory_space<vmem_shared>>
      tpu.enqueue_indirect_dma source(%arg12 : memref<64x64xf32, #tpu.memory_space<vmem>>) target(%dma_start3A_463 : memref<10240x64xf32, #tpu.memory_space<vmem_shared>>) offsets(%dma_start3A_460 : memref<64xi32, #tpu.memory_space<vmem>>) semaphore(%arg24 : memref<!tpu.dma_semaphore, #tpu.memory_space<semaphore_mem>>) {add = true}
      %sub3A_464 = arith.constant 2 : i32
      %sub3A_465 = arith.subi %add3A_451, %sub3A_464 : i32
      %dma_wait3A_466 = arith.constant 0 : i32
      %dma_wait3A_467 = tpu.memref_slice %arg8[%sub3A_465, %dma_wait3A_466] : memref<160x64xi32, #tpu.memory_space<vmem>> -> memref<1x64xi32, #tpu.memory_space<vmem>>
      %dma_wait3A_468 = tpu.memref_squeeze %dma_wait3A_467 : memref<1x64xi32, #tpu.memory_space<vmem>> -> memref<64xi32, #tpu.memory_space<vmem>>
      %dma_wait3A_469 = arith.constant 0 : i32
      %dma_wait3A_470 = arith.constant 0 : i32
      %dma_wait3A_471 = tpu.memref_slice %arg14[%dma_wait3A_469, %dma_wait3A_470] : memref<10240x64xf32, #tpu.memory_space<vmem_shared>> -> memref<10240x64xf32, #tpu.memory_space<vmem_shared>>
      tpu.wait_indirect_dma semaphore(%arg22 : memref<!tpu.dma_semaphore, #tpu.memory_space<semaphore_mem>>) src(%arg10 : memref<64x64xf32, #tpu.memory_space<vmem>>) dst(%dma_wait3A_471 : memref<10240x64xf32, #tpu.memory_space<vmem_shared>>)
      %add3A_472 = arith.constant 3 : i32
      %add3A_473 = arith.addi %add3A_451, %add3A_472 : i32
      %dma_start3A_474 = arith.constant 0 : i32
      %dma_start3A_475 = tpu.memref_slice %arg7[%add3A_473, %dma_start3A_474] : memref<160x64xi32, #tpu.memory_space<vmem>> -> memref<1x64xi32, #tpu.memory_space<vmem>>
      %dma_start3A_476 = tpu.memref_squeeze %dma_start3A_475 : memref<1x64xi32, #tpu.memory_space<vmem>> -> memref<64xi32, #tpu.memory_space<vmem>>
      %dma_start3A_477 = arith.constant 0 : i32
      %dma_start3A_478 = arith.constant 0 : i32
      %dma_start3A_479 = tpu.memref_slice %arg15[%dma_start3A_477, %dma_start3A_478] : memref<10240x64xf32, #tpu.memory_space<vmem_shared>> -> memref<10240x64xf32, #tpu.memory_space<vmem_shared>>
      tpu.enqueue_indirect_dma source(%dma_start3A_479 : memref<10240x64xf32, #tpu.memory_space<vmem_shared>>) target(%arg10 : memref<64x64xf32, #tpu.memory_space<vmem>>) offsets(%dma_start3A_476 : memref<64xi32, #tpu.memory_space<vmem>>) semaphore(%arg17 : memref<!tpu.dma_semaphore, #tpu.memory_space<semaphore_mem>>)
      %add3A_480 = arith.constant 4 : i32
      %add3A_481 = arith.addi %mul3A_359, %add3A_480 : i32
      %dma_wait3A_482 = arith.constant 0 : i32
      %dma_wait3A_483 = tpu.memref_slice %arg7[%add3A_481, %dma_wait3A_482] : memref<160x64xi32, #tpu.memory_space<vmem>> -> memref<1x64xi32, #tpu.memory_space<vmem>>
      %dma_wait3A_484 = tpu.memref_squeeze %dma_wait3A_483 : memref<1x64xi32, #tpu.memory_space<vmem>> -> memref<64xi32, #tpu.memory_space<vmem>>
      %dma_wait3A_485 = arith.constant 0 : i32
      %dma_wait3A_486 = arith.constant 0 : i32
      %dma_wait3A_487 = tpu.memref_slice %arg15[%dma_wait3A_485, %dma_wait3A_486] : memref<10240x64xf32, #tpu.memory_space<vmem_shared>> -> memref<10240x64xf32, #tpu.memory_space<vmem_shared>>
      tpu.wait_indirect_dma semaphore(%arg20 : memref<!tpu.dma_semaphore, #tpu.memory_space<semaphore_mem>>) src(%dma_wait3A_487 : memref<10240x64xf32, #tpu.memory_space<vmem_shared>>) dst(%arg13 : memref<64x64xf32, #tpu.memory_space<vmem>>)
      %dma_start3A_488 = arith.constant 0 : i32
      %dma_start3A_489 = tpu.memref_slice %arg8[%add3A_481, %dma_start3A_488] : memref<160x64xi32, #tpu.memory_space<vmem>> -> memref<1x64xi32, #tpu.memory_space<vmem>>
      %dma_start3A_490 = tpu.memref_squeeze %dma_start3A_489 : memref<1x64xi32, #tpu.memory_space<vmem>> -> memref<64xi32, #tpu.memory_space<vmem>>
      %dma_start3A_491 = arith.constant 0 : i32
      %dma_start3A_492 = arith.constant 0 : i32
      %dma_start3A_493 = tpu.memref_slice %arg14[%dma_start3A_491, %dma_start3A_492] : memref<10240x64xf32, #tpu.memory_space<vmem_shared>> -> memref<10240x64xf32, #tpu.memory_space<vmem_shared>>
      tpu.enqueue_indirect_dma source(%arg13 : memref<64x64xf32, #tpu.memory_space<vmem>>) target(%dma_start3A_493 : memref<10240x64xf32, #tpu.memory_space<vmem_shared>>) offsets(%dma_start3A_490 : memref<64xi32, #tpu.memory_space<vmem>>) semaphore(%arg25 : memref<!tpu.dma_semaphore, #tpu.memory_space<semaphore_mem>>) {add = true}
      %sub3A_494 = arith.constant 2 : i32
      %sub3A_495 = arith.subi %add3A_481, %sub3A_494 : i32
      %dma_wait3A_496 = arith.constant 0 : i32
      %dma_wait3A_497 = tpu.memref_slice %arg8[%sub3A_495, %dma_wait3A_496] : memref<160x64xi32, #tpu.memory_space<vmem>> -> memref<1x64xi32, #tpu.memory_space<vmem>>
      %dma_wait3A_498 = tpu.memref_squeeze %dma_wait3A_497 : memref<1x64xi32, #tpu.memory_space<vmem>> -> memref<64xi32, #tpu.memory_space<vmem>>
      %dma_wait3A_499 = arith.constant 0 : i32
      %dma_wait3A_500 = arith.constant 0 : i32
      %dma_wait3A_501 = tpu.memref_slice %arg14[%dma_wait3A_499, %dma_wait3A_500] : memref<10240x64xf32, #tpu.memory_space<vmem_shared>> -> memref<10240x64xf32, #tpu.memory_space<vmem_shared>>
      tpu.wait_indirect_dma semaphore(%arg23 : memref<!tpu.dma_semaphore, #tpu.memory_space<semaphore_mem>>) src(%arg11 : memref<64x64xf32, #tpu.memory_space<vmem>>) dst(%dma_wait3A_501 : memref<10240x64xf32, #tpu.memory_space<vmem_shared>>)
      %add3A_502 = arith.constant 3 : i32
      %add3A_503 = arith.addi %add3A_481, %add3A_502 : i32
      %dma_start3A_504 = arith.constant 0 : i32
      %dma_start3A_505 = tpu.memref_slice %arg7[%add3A_503, %dma_start3A_504] : memref<160x64xi32, #tpu.memory_space<vmem>> -> memref<1x64xi32, #tpu.memory_space<vmem>>
      %dma_start3A_506 = tpu.memref_squeeze %dma_start3A_505 : memref<1x64xi32, #tpu.memory_space<vmem>> -> memref<64xi32, #tpu.memory_space<vmem>>
      %dma_start3A_507 = arith.constant 0 : i32
      %dma_start3A_508 = arith.constant 0 : i32
      %dma_start3A_509 = tpu.memref_slice %arg15[%dma_start3A_507, %dma_start3A_508] : memref<10240x64xf32, #tpu.memory_space<vmem_shared>> -> memref<10240x64xf32, #tpu.memory_space<vmem_shared>>
      tpu.enqueue_indirect_dma source(%dma_start3A_509 : memref<10240x64xf32, #tpu.memory_space<vmem_shared>>) target(%arg11 : memref<64x64xf32, #tpu.memory_space<vmem>>) offsets(%dma_start3A_506 : memref<64xi32, #tpu.memory_space<vmem>>) semaphore(%arg18 : memref<!tpu.dma_semaphore, #tpu.memory_space<semaphore_mem>>)
      %while3A_510 = arith.constant 0 : i32
      scf.yield %while3A_510 : i32
    }
    %sub3A_207 = arith.constant 5 : i32
    %sub3A_208 = arith.subi %select_n3A, %sub3A_207 : i32
    %add3A_209 = arith.constant 0 : i32
    %add3A_210 = arith.addi %sub3A_208, %add3A_209 : i32
    %dma_wait3A_211 = arith.constant 0 : i32
    %dma_wait3A_212 = tpu.memref_slice %arg7[%add3A_210, %dma_wait3A_211] : memref<160x64xi32, #tpu.memory_space<vmem>> -> memref<1x64xi32, #tpu.memory_space<vmem>>
    %dma_wait3A_213 = tpu.memref_squeeze %dma_wait3A_212 : memref<1x64xi32, #tpu.memory_space<vmem>> -> memref<64xi32, #tpu.memory_space<vmem>>
    %dma_wait3A_214 = arith.constant 0 : i32
    %dma_wait3A_215 = arith.constant 0 : i32
    %dma_wait3A_216 = tpu.memref_slice %arg15[%dma_wait3A_214, %dma_wait3A_215] : memref<10240x64xf32, #tpu.memory_space<vmem_shared>> -> memref<10240x64xf32, #tpu.memory_space<vmem_shared>>
    tpu.wait_indirect_dma semaphore(%arg16 : memref<!tpu.dma_semaphore, #tpu.memory_space<semaphore_mem>>) src(%dma_wait3A_216 : memref<10240x64xf32, #tpu.memory_space<vmem_shared>>) dst(%arg9 : memref<64x64xf32, #tpu.memory_space<vmem>>)
    %dma_start3A_217 = arith.constant 0 : i32
    %dma_start3A_218 = tpu.memref_slice %arg8[%add3A_210, %dma_start3A_217] : memref<160x64xi32, #tpu.memory_space<vmem>> -> memref<1x64xi32, #tpu.memory_space<vmem>>
    %dma_start3A_219 = tpu.memref_squeeze %dma_start3A_218 : memref<1x64xi32, #tpu.memory_space<vmem>> -> memref<64xi32, #tpu.memory_space<vmem>>
    %dma_start3A_220 = arith.constant 0 : i32
    %dma_start3A_221 = arith.constant 0 : i32
    %dma_start3A_222 = tpu.memref_slice %arg14[%dma_start3A_220, %dma_start3A_221] : memref<10240x64xf32, #tpu.memory_space<vmem_shared>> -> memref<10240x64xf32, #tpu.memory_space<vmem_shared>>
    tpu.enqueue_indirect_dma source(%arg9 : memref<64x64xf32, #tpu.memory_space<vmem>>) target(%dma_start3A_222 : memref<10240x64xf32, #tpu.memory_space<vmem_shared>>) offsets(%dma_start3A_219 : memref<64xi32, #tpu.memory_space<vmem>>) semaphore(%arg21 : memref<!tpu.dma_semaphore, #tpu.memory_space<semaphore_mem>>) {add = true}
    %sub3A_223 = arith.constant 2 : i32
    %sub3A_224 = arith.subi %add3A_210, %sub3A_223 : i32
    %dma_wait3A_225 = arith.constant 0 : i32
    %dma_wait3A_226 = tpu.memref_slice %arg8[%sub3A_224, %dma_wait3A_225] : memref<160x64xi32, #tpu.memory_space<vmem>> -> memref<1x64xi32, #tpu.memory_space<vmem>>
    %dma_wait3A_227 = tpu.memref_squeeze %dma_wait3A_226 : memref<1x64xi32, #tpu.memory_space<vmem>> -> memref<64xi32, #tpu.memory_space<vmem>>
    %dma_wait3A_228 = arith.constant 0 : i32
    %dma_wait3A_229 = arith.constant 0 : i32
    %dma_wait3A_230 = tpu.memref_slice %arg14[%dma_wait3A_228, %dma_wait3A_229] : memref<10240x64xf32, #tpu.memory_space<vmem_shared>> -> memref<10240x64xf32, #tpu.memory_space<vmem_shared>>
    tpu.wait_indirect_dma semaphore(%arg24 : memref<!tpu.dma_semaphore, #tpu.memory_space<semaphore_mem>>) src(%arg12 : memref<64x64xf32, #tpu.memory_space<vmem>>) dst(%dma_wait3A_230 : memref<10240x64xf32, #tpu.memory_space<vmem_shared>>)
    %add3A_231 = arith.constant 3 : i32
    %add3A_232 = arith.addi %add3A_210, %add3A_231 : i32
    %dma_start3A_233 = arith.constant 0 : i32
    %dma_start3A_234 = tpu.memref_slice %arg7[%add3A_232, %dma_start3A_233] : memref<160x64xi32, #tpu.memory_space<vmem>> -> memref<1x64xi32, #tpu.memory_space<vmem>>
    %dma_start3A_235 = tpu.memref_squeeze %dma_start3A_234 : memref<1x64xi32, #tpu.memory_space<vmem>> -> memref<64xi32, #tpu.memory_space<vmem>>
    %dma_start3A_236 = arith.constant 0 : i32
    %dma_start3A_237 = arith.constant 0 : i32
    %dma_start3A_238 = tpu.memref_slice %arg15[%dma_start3A_236, %dma_start3A_237] : memref<10240x64xf32, #tpu.memory_space<vmem_shared>> -> memref<10240x64xf32, #tpu.memory_space<vmem_shared>>
    tpu.enqueue_indirect_dma source(%dma_start3A_238 : memref<10240x64xf32, #tpu.memory_space<vmem_shared>>) target(%arg12 : memref<64x64xf32, #tpu.memory_space<vmem>>) offsets(%dma_start3A_235 : memref<64xi32, #tpu.memory_space<vmem>>) semaphore(%arg19 : memref<!tpu.dma_semaphore, #tpu.memory_space<semaphore_mem>>)
    %add3A_239 = arith.constant 1 : i32
    %add3A_240 = arith.addi %sub3A_208, %add3A_239 : i32
    %dma_wait3A_241 = arith.constant 0 : i32
    %dma_wait3A_242 = tpu.memref_slice %arg7[%add3A_240, %dma_wait3A_241] : memref<160x64xi32, #tpu.memory_space<vmem>> -> memref<1x64xi32, #tpu.memory_space<vmem>>
    %dma_wait3A_243 = tpu.memref_squeeze %dma_wait3A_242 : memref<1x64xi32, #tpu.memory_space<vmem>> -> memref<64xi32, #tpu.memory_space<vmem>>
    %dma_wait3A_244 = arith.constant 0 : i32
    %dma_wait3A_245 = arith.constant 0 : i32
    %dma_wait3A_246 = tpu.memref_slice %arg15[%dma_wait3A_244, %dma_wait3A_245] : memref<10240x64xf32, #tpu.memory_space<vmem_shared>> -> memref<10240x64xf32, #tpu.memory_space<vmem_shared>>
    tpu.wait_indirect_dma semaphore(%arg17 : memref<!tpu.dma_semaphore, #tpu.memory_space<semaphore_mem>>) src(%dma_wait3A_246 : memref<10240x64xf32, #tpu.memory_space<vmem_shared>>) dst(%arg10 : memref<64x64xf32, #tpu.memory_space<vmem>>)
    %dma_start3A_247 = arith.constant 0 : i32
    %dma_start3A_248 = tpu.memref_slice %arg8[%add3A_240, %dma_start3A_247] : memref<160x64xi32, #tpu.memory_space<vmem>> -> memref<1x64xi32, #tpu.memory_space<vmem>>
    %dma_start3A_249 = tpu.memref_squeeze %dma_start3A_248 : memref<1x64xi32, #tpu.memory_space<vmem>> -> memref<64xi32, #tpu.memory_space<vmem>>
    %dma_start3A_250 = arith.constant 0 : i32
    %dma_start3A_251 = arith.constant 0 : i32
    %dma_start3A_252 = tpu.memref_slice %arg14[%dma_start3A_250, %dma_start3A_251] : memref<10240x64xf32, #tpu.memory_space<vmem_shared>> -> memref<10240x64xf32, #tpu.memory_space<vmem_shared>>
    tpu.enqueue_indirect_dma source(%arg10 : memref<64x64xf32, #tpu.memory_space<vmem>>) target(%dma_start3A_252 : memref<10240x64xf32, #tpu.memory_space<vmem_shared>>) offsets(%dma_start3A_249 : memref<64xi32, #tpu.memory_space<vmem>>) semaphore(%arg22 : memref<!tpu.dma_semaphore, #tpu.memory_space<semaphore_mem>>) {add = true}
    %sub3A_253 = arith.constant 2 : i32
    %sub3A_254 = arith.subi %add3A_240, %sub3A_253 : i32
    %dma_wait3A_255 = arith.constant 0 : i32
    %dma_wait3A_256 = tpu.memref_slice %arg8[%sub3A_254, %dma_wait3A_255] : memref<160x64xi32, #tpu.memory_space<vmem>> -> memref<1x64xi32, #tpu.memory_space<vmem>>
    %dma_wait3A_257 = tpu.memref_squeeze %dma_wait3A_256 : memref<1x64xi32, #tpu.memory_space<vmem>> -> memref<64xi32, #tpu.memory_space<vmem>>
    %dma_wait3A_258 = arith.constant 0 : i32
    %dma_wait3A_259 = arith.constant 0 : i32
    %dma_wait3A_260 = tpu.memref_slice %arg14[%dma_wait3A_258, %dma_wait3A_259] : memref<10240x64xf32, #tpu.memory_space<vmem_shared>> -> memref<10240x64xf32, #tpu.memory_space<vmem_shared>>
    tpu.wait_indirect_dma semaphore(%arg25 : memref<!tpu.dma_semaphore, #tpu.memory_space<semaphore_mem>>) src(%arg13 : memref<64x64xf32, #tpu.memory_space<vmem>>) dst(%dma_wait3A_260 : memref<10240x64xf32, #tpu.memory_space<vmem_shared>>)
    %add3A_261 = arith.constant 3 : i32
    %add3A_262 = arith.addi %add3A_240, %add3A_261 : i32
    %dma_start3A_263 = arith.constant 0 : i32
    %dma_start3A_264 = tpu.memref_slice %arg7[%add3A_262, %dma_start3A_263] : memref<160x64xi32, #tpu.memory_space<vmem>> -> memref<1x64xi32, #tpu.memory_space<vmem>>
    %dma_start3A_265 = tpu.memref_squeeze %dma_start3A_264 : memref<1x64xi32, #tpu.memory_space<vmem>> -> memref<64xi32, #tpu.memory_space<vmem>>
    %dma_start3A_266 = arith.constant 0 : i32
    %dma_start3A_267 = arith.constant 0 : i32
    %dma_start3A_268 = tpu.memref_slice %arg15[%dma_start3A_266, %dma_start3A_267] : memref<10240x64xf32, #tpu.memory_space<vmem_shared>> -> memref<10240x64xf32, #tpu.memory_space<vmem_shared>>
    tpu.enqueue_indirect_dma source(%dma_start3A_268 : memref<10240x64xf32, #tpu.memory_space<vmem_shared>>) target(%arg13 : memref<64x64xf32, #tpu.memory_space<vmem>>) offsets(%dma_start3A_265 : memref<64xi32, #tpu.memory_space<vmem>>) semaphore(%arg20 : memref<!tpu.dma_semaphore, #tpu.memory_space<semaphore_mem>>)
    %add3A_269 = arith.constant 2 : i32
    %add3A_270 = arith.addi %sub3A_208, %add3A_269 : i32
    %dma_wait3A_271 = arith.constant 0 : i32
    %dma_wait3A_272 = tpu.memref_slice %arg7[%add3A_270, %dma_wait3A_271] : memref<160x64xi32, #tpu.memory_space<vmem>> -> memref<1x64xi32, #tpu.memory_space<vmem>>
    %dma_wait3A_273 = tpu.memref_squeeze %dma_wait3A_272 : memref<1x64xi32, #tpu.memory_space<vmem>> -> memref<64xi32, #tpu.memory_space<vmem>>
    %dma_wait3A_274 = arith.constant 0 : i32
    %dma_wait3A_275 = arith.constant 0 : i32
    %dma_wait3A_276 = tpu.memref_slice %arg15[%dma_wait3A_274, %dma_wait3A_275] : memref<10240x64xf32, #tpu.memory_space<vmem_shared>> -> memref<10240x64xf32, #tpu.memory_space<vmem_shared>>
    tpu.wait_indirect_dma semaphore(%arg18 : memref<!tpu.dma_semaphore, #tpu.memory_space<semaphore_mem>>) src(%dma_wait3A_276 : memref<10240x64xf32, #tpu.memory_space<vmem_shared>>) dst(%arg11 : memref<64x64xf32, #tpu.memory_space<vmem>>)
    %dma_start3A_277 = arith.constant 0 : i32
    %dma_start3A_278 = tpu.memref_slice %arg8[%add3A_270, %dma_start3A_277] : memref<160x64xi32, #tpu.memory_space<vmem>> -> memref<1x64xi32, #tpu.memory_space<vmem>>
    %dma_start3A_279 = tpu.memref_squeeze %dma_start3A_278 : memref<1x64xi32, #tpu.memory_space<vmem>> -> memref<64xi32, #tpu.memory_space<vmem>>
    %dma_start3A_280 = arith.constant 0 : i32
    %dma_start3A_281 = arith.constant 0 : i32
    %dma_start3A_282 = tpu.memref_slice %arg14[%dma_start3A_280, %dma_start3A_281] : memref<10240x64xf32, #tpu.memory_space<vmem_shared>> -> memref<10240x64xf32, #tpu.memory_space<vmem_shared>>
    tpu.enqueue_indirect_dma source(%arg11 : memref<64x64xf32, #tpu.memory_space<vmem>>) target(%dma_start3A_282 : memref<10240x64xf32, #tpu.memory_space<vmem_shared>>) offsets(%dma_start3A_279 : memref<64xi32, #tpu.memory_space<vmem>>) semaphore(%arg23 : memref<!tpu.dma_semaphore, #tpu.memory_space<semaphore_mem>>) {add = true}
    %add3A_283 = arith.constant 3 : i32
    %add3A_284 = arith.addi %sub3A_208, %add3A_283 : i32
    %dma_wait3A_285 = arith.constant 0 : i32
    %dma_wait3A_286 = tpu.memref_slice %arg7[%add3A_284, %dma_wait3A_285] : memref<160x64xi32, #tpu.memory_space<vmem>> -> memref<1x64xi32, #tpu.memory_space<vmem>>
    %dma_wait3A_287 = tpu.memref_squeeze %dma_wait3A_286 : memref<1x64xi32, #tpu.memory_space<vmem>> -> memref<64xi32, #tpu.memory_space<vmem>>
    %dma_wait3A_288 = arith.constant 0 : i32
    %dma_wait3A_289 = arith.constant 0 : i32
    %dma_wait3A_290 = tpu.memref_slice %arg15[%dma_wait3A_288, %dma_wait3A_289] : memref<10240x64xf32, #tpu.memory_space<vmem_shared>> -> memref<10240x64xf32, #tpu.memory_space<vmem_shared>>
    tpu.wait_indirect_dma semaphore(%arg19 : memref<!tpu.dma_semaphore, #tpu.memory_space<semaphore_mem>>) src(%dma_wait3A_290 : memref<10240x64xf32, #tpu.memory_space<vmem_shared>>) dst(%arg12 : memref<64x64xf32, #tpu.memory_space<vmem>>)
    %dma_start3A_291 = arith.constant 0 : i32
    %dma_start3A_292 = tpu.memref_slice %arg8[%add3A_284, %dma_start3A_291] : memref<160x64xi32, #tpu.memory_space<vmem>> -> memref<1x64xi32, #tpu.memory_space<vmem>>
    %dma_start3A_293 = tpu.memref_squeeze %dma_start3A_292 : memref<1x64xi32, #tpu.memory_space<vmem>> -> memref<64xi32, #tpu.memory_space<vmem>>
    %dma_start3A_294 = arith.constant 0 : i32
    %dma_start3A_295 = arith.constant 0 : i32
    %dma_start3A_296 = tpu.memref_slice %arg14[%dma_start3A_294, %dma_start3A_295] : memref<10240x64xf32, #tpu.memory_space<vmem_shared>> -> memref<10240x64xf32, #tpu.memory_space<vmem_shared>>
    tpu.enqueue_indirect_dma source(%arg12 : memref<64x64xf32, #tpu.memory_space<vmem>>) target(%dma_start3A_296 : memref<10240x64xf32, #tpu.memory_space<vmem_shared>>) offsets(%dma_start3A_293 : memref<64xi32, #tpu.memory_space<vmem>>) semaphore(%arg24 : memref<!tpu.dma_semaphore, #tpu.memory_space<semaphore_mem>>) {add = true}
    %add3A_297 = arith.constant 4 : i32
    %add3A_298 = arith.addi %sub3A_208, %add3A_297 : i32
    %dma_wait3A_299 = arith.constant 0 : i32
    %dma_wait3A_300 = tpu.memref_slice %arg7[%add3A_298, %dma_wait3A_299] : memref<160x64xi32, #tpu.memory_space<vmem>> -> memref<1x64xi32, #tpu.memory_space<vmem>>
    %dma_wait3A_301 = tpu.memref_squeeze %dma_wait3A_300 : memref<1x64xi32, #tpu.memory_space<vmem>> -> memref<64xi32, #tpu.memory_space<vmem>>
    %dma_wait3A_302 = arith.constant 0 : i32
    %dma_wait3A_303 = arith.constant 0 : i32
    %dma_wait3A_304 = tpu.memref_slice %arg15[%dma_wait3A_302, %dma_wait3A_303] : memref<10240x64xf32, #tpu.memory_space<vmem_shared>> -> memref<10240x64xf32, #tpu.memory_space<vmem_shared>>
    tpu.wait_indirect_dma semaphore(%arg20 : memref<!tpu.dma_semaphore, #tpu.memory_space<semaphore_mem>>) src(%dma_wait3A_304 : memref<10240x64xf32, #tpu.memory_space<vmem_shared>>) dst(%arg13 : memref<64x64xf32, #tpu.memory_space<vmem>>)
    %dma_start3A_305 = arith.constant 0 : i32
    %dma_start3A_306 = tpu.memref_slice %arg8[%add3A_298, %dma_start3A_305] : memref<160x64xi32, #tpu.memory_space<vmem>> -> memref<1x64xi32, #tpu.memory_space<vmem>>
    %dma_start3A_307 = tpu.memref_squeeze %dma_start3A_306 : memref<1x64xi32, #tpu.memory_space<vmem>> -> memref<64xi32, #tpu.memory_space<vmem>>
    %dma_start3A_308 = arith.constant 0 : i32
    %dma_start3A_309 = arith.constant 0 : i32
    %dma_start3A_310 = tpu.memref_slice %arg14[%dma_start3A_308, %dma_start3A_309] : memref<10240x64xf32, #tpu.memory_space<vmem_shared>> -> memref<10240x64xf32, #tpu.memory_space<vmem_shared>>
    tpu.enqueue_indirect_dma source(%arg13 : memref<64x64xf32, #tpu.memory_space<vmem>>) target(%dma_start3A_310 : memref<10240x64xf32, #tpu.memory_space<vmem_shared>>) offsets(%dma_start3A_307 : memref<64xi32, #tpu.memory_space<vmem>>) semaphore(%arg25 : memref<!tpu.dma_semaphore, #tpu.memory_space<semaphore_mem>>) {add = true}
    %add3A_311 = arith.constant 0 : i32
    %add3A_312 = arith.addi %sub3A_208, %add3A_311 : i32
    %dma_wait3A_313 = arith.constant 0 : i32
    %dma_wait3A_314 = tpu.memref_slice %arg8[%add3A_312, %dma_wait3A_313] : memref<160x64xi32, #tpu.memory_space<vmem>> -> memref<1x64xi32, #tpu.memory_space<vmem>>
    %dma_wait3A_315 = tpu.memref_squeeze %dma_wait3A_314 : memref<1x64xi32, #tpu.memory_space<vmem>> -> memref<64xi32, #tpu.memory_space<vmem>>
    %dma_wait3A_316 = arith.constant 0 : i32
    %dma_wait3A_317 = arith.constant 0 : i32
    %dma_wait3A_318 = tpu.memref_slice %arg14[%dma_wait3A_316, %dma_wait3A_317] : memref<10240x64xf32, #tpu.memory_space<vmem_shared>> -> memref<10240x64xf32, #tpu.memory_space<vmem_shared>>
    tpu.wait_indirect_dma semaphore(%arg21 : memref<!tpu.dma_semaphore, #tpu.memory_space<semaphore_mem>>) src(%arg9 : memref<64x64xf32, #tpu.memory_space<vmem>>) dst(%dma_wait3A_318 : memref<10240x64xf32, #tpu.memory_space<vmem_shared>>)
    %add3A_319 = arith.constant 1 : i32
    %add3A_320 = arith.addi %sub3A_208, %add3A_319 : i32
    %dma_wait3A_321 = arith.constant 0 : i32
    %dma_wait3A_322 = tpu.memref_slice %arg8[%add3A_320, %dma_wait3A_321] : memref<160x64xi32, #tpu.memory_space<vmem>> -> memref<1x64xi32, #tpu.memory_space<vmem>>
    %dma_wait3A_323 = tpu.memref_squeeze %dma_wait3A_322 : memref<1x64xi32, #tpu.memory_space<vmem>> -> memref<64xi32, #tpu.memory_space<vmem>>
    %dma_wait3A_324 = arith.constant 0 : i32
    %dma_wait3A_325 = arith.constant 0 : i32
    %dma_wait3A_326 = tpu.memref_slice %arg14[%dma_wait3A_324, %dma_wait3A_325] : memref<10240x64xf32, #tpu.memory_space<vmem_shared>> -> memref<10240x64xf32, #tpu.memory_space<vmem_shared>>
    tpu.wait_indirect_dma semaphore(%arg22 : memref<!tpu.dma_semaphore, #tpu.memory_space<semaphore_mem>>) src(%arg10 : memref<64x64xf32, #tpu.memory_space<vmem>>) dst(%dma_wait3A_326 : memref<10240x64xf32, #tpu.memory_space<vmem_shared>>)
    %add3A_327 = arith.constant 2 : i32
    %add3A_328 = arith.addi %sub3A_208, %add3A_327 : i32
    %dma_wait3A_329 = arith.constant 0 : i32
    %dma_wait3A_330 = tpu.memref_slice %arg8[%add3A_328, %dma_wait3A_329] : memref<160x64xi32, #tpu.memory_space<vmem>> -> memref<1x64xi32, #tpu.memory_space<vmem>>
    %dma_wait3A_331 = tpu.memref_squeeze %dma_wait3A_330 : memref<1x64xi32, #tpu.memory_space<vmem>> -> memref<64xi32, #tpu.memory_space<vmem>>
    %dma_wait3A_332 = arith.constant 0 : i32
    %dma_wait3A_333 = arith.constant 0 : i32
    %dma_wait3A_334 = tpu.memref_slice %arg14[%dma_wait3A_332, %dma_wait3A_333] : memref<10240x64xf32, #tpu.memory_space<vmem_shared>> -> memref<10240x64xf32, #tpu.memory_space<vmem_shared>>
    tpu.wait_indirect_dma semaphore(%arg23 : memref<!tpu.dma_semaphore, #tpu.memory_space<semaphore_mem>>) src(%arg11 : memref<64x64xf32, #tpu.memory_space<vmem>>) dst(%dma_wait3A_334 : memref<10240x64xf32, #tpu.memory_space<vmem_shared>>)
    %add3A_335 = arith.constant 3 : i32
    %add3A_336 = arith.addi %sub3A_208, %add3A_335 : i32
    %dma_wait3A_337 = arith.constant 0 : i32
    %dma_wait3A_338 = tpu.memref_slice %arg8[%add3A_336, %dma_wait3A_337] : memref<160x64xi32, #tpu.memory_space<vmem>> -> memref<1x64xi32, #tpu.memory_space<vmem>>
    %dma_wait3A_339 = tpu.memref_squeeze %dma_wait3A_338 : memref<1x64xi32, #tpu.memory_space<vmem>> -> memref<64xi32, #tpu.memory_space<vmem>>
    %dma_wait3A_340 = arith.constant 0 : i32
    %dma_wait3A_341 = arith.constant 0 : i32
    %dma_wait3A_342 = tpu.memref_slice %arg14[%dma_wait3A_340, %dma_wait3A_341] : memref<10240x64xf32, #tpu.memory_space<vmem_shared>> -> memref<10240x64xf32, #tpu.memory_space<vmem_shared>>
    tpu.wait_indirect_dma semaphore(%arg24 : memref<!tpu.dma_semaphore, #tpu.memory_space<semaphore_mem>>) src(%arg12 : memref<64x64xf32, #tpu.memory_space<vmem>>) dst(%dma_wait3A_342 : memref<10240x64xf32, #tpu.memory_space<vmem_shared>>)
    %add3A_343 = arith.constant 4 : i32
    %add3A_344 = arith.addi %sub3A_208, %add3A_343 : i32
    %dma_wait3A_345 = arith.constant 0 : i32
    %dma_wait3A_346 = tpu.memref_slice %arg8[%add3A_344, %dma_wait3A_345] : memref<160x64xi32, #tpu.memory_space<vmem>> -> memref<1x64xi32, #tpu.memory_space<vmem>>
    %dma_wait3A_347 = tpu.memref_squeeze %dma_wait3A_346 : memref<1x64xi32, #tpu.memory_space<vmem>> -> memref<64xi32, #tpu.memory_space<vmem>>
    %dma_wait3A_348 = arith.constant 0 : i32
    %dma_wait3A_349 = arith.constant 0 : i32
    %dma_wait3A_350 = tpu.memref_slice %arg14[%dma_wait3A_348, %dma_wait3A_349] : memref<10240x64xf32, #tpu.memory_space<vmem_shared>> -> memref<10240x64xf32, #tpu.memory_space<vmem_shared>>
    tpu.wait_indirect_dma semaphore(%arg25 : memref<!tpu.dma_semaphore, #tpu.memory_space<semaphore_mem>>) src(%arg13 : memref<64x64xf32, #tpu.memory_space<vmem>>) dst(%dma_wait3A_350 : memref<10240x64xf32, #tpu.memory_space<vmem_shared>>)
    %barrier3A_351 = arith.constant 0 : index
    tpu.barrier barrier_id(%barrier3A_351)
    %mul3A_352 = arith.constant 640 : i32
    %mul3A_353 = arith.muli %arg1, %mul3A_352 : i32
    %mul3A_354 = arith.constant 640 : i32
    %mul3A_355 = arith.muli %arg1, %mul3A_354 : i32
    "tpu.region"() ({
      %run_scoped3A = tpu.sem_alloc : memref<!tpu.dma_semaphore, #tpu.memory_space<semaphore_mem>>
      %dma_start3A_356 = arith.constant 0 : i32
      %dma_start3A_357 = tpu.memref_slice %arg6[%arg0, %mul3A_355, %dma_start3A_356] : memref<2x10240x64xf32, #tpu.memory_space<hbm>> -> memref<1x640x64xf32, #tpu.memory_space<hbm>>
      %dma_start3A_358 = tpu.memref_squeeze %dma_start3A_357 : memref<1x640x64xf32, #tpu.memory_space<hbm>> -> memref<640x64xf32, #tpu.memory_space<hbm>>
      %dma_start3A_359 = arith.constant 0 : i32
      %dma_start3A_360 = tpu.memref_slice %arg14[%mul3A_353, %dma_start3A_359] : memref<10240x64xf32, #tpu.memory_space<vmem_shared>> -> memref<640x64xf32, #tpu.memory_space<vmem_shared>>
      tpu.enqueue_dma source(%dma_start3A_360 : memref<640x64xf32, #tpu.memory_space<vmem_shared>>) target(%dma_start3A_358 : memref<640x64xf32, #tpu.memory_space<hbm>>) target_semaphore(%run_scoped3A : memref<!tpu.dma_semaphore, #tpu.memory_space<semaphore_mem>>)
      %dma_wait3A_361 = arith.constant 0 : i32
      %dma_wait3A_362 = tpu.memref_slice %arg6[%arg0, %mul3A_355, %dma_wait3A_361] : memref<2x10240x64xf32, #tpu.memory_space<hbm>> -> memref<1x640x64xf32, #tpu.memory_space<hbm>>
      %dma_wait3A_363 = tpu.memref_squeeze %dma_wait3A_362 : memref<1x640x64xf32, #tpu.memory_space<hbm>> -> memref<640x64xf32, #tpu.memory_space<hbm>>
      %dma_wait3A_364 = arith.constant 0 : i32
      %dma_wait3A_365 = tpu.memref_slice %arg14[%mul3A_353, %dma_wait3A_364] : memref<10240x64xf32, #tpu.memory_space<vmem_shared>> -> memref<640x64xf32, #tpu.memory_space<vmem_shared>>
      tpu.wait_dma2 semaphore(%run_scoped3A : memref<!tpu.dma_semaphore, #tpu.memory_space<semaphore_mem>>) src(%dma_wait3A_365 : memref<640x64xf32, #tpu.memory_space<vmem_shared>>) dst(%dma_wait3A_363 : memref<640x64xf32, #tpu.memory_space<hbm>>)
      tpu.yield
    }) : () -> ()
    return
  }
}

#map = affine_map<(d0, d1) -> (0, 0)>
module attributes {stable_mosaic.version = 14 : i64} {
  func.func @_sc_degree_body(%arg0: i32, %arg1: i32, %arg2: memref<5120x64xi32, #tpu.memory_space<hbm>>, %arg3: memref<32x10240xf32, #tpu.memory_space<hbm>>, %arg4: memref<10240xf32, #tpu.memory_space<vmem>>, %arg5: memref<160x64xi32, #tpu.memory_space<vmem>>) attributes {dimension_semantics = [#tpu.dimension_semantics<core_parallel>, #tpu.dimension_semantics<subcore_parallel>], iteration_bounds = array<i64: 2, 16>, scalar_prefetch = 0 : i64, scratch_operands = 2 : i64, tpu.core_type = #tpu.core_type<sc_vector_subcore>, window_params = [{transform_indices = #map}, {transform_indices = #map}]} {
    %mul3A = arith.constant 2 : i32
    %mul3A_0 = arith.muli %arg1, %mul3A : i32
    %add3A = arith.addi %mul3A_0, %arg0 : i32
    %broadcast_in_dim3A = arith.constant 0.000000e+00 : f32
    %broadcast_in_dim3A_1 = vector.broadcast %broadcast_in_dim3A : f32 to vector<16xf32>
    %scan3A = arith.constant 0 : i32
    %scan3A_2 = arith.constant 0 : i32
    %scan3A_3 = arith.constant 640 : i32
    %scan3A_4 = arith.addi %scan3A_2, %scan3A_3 : i32
    %scan3A_5 = arith.constant 1 : i32
    %scan3A_6 = scf.for %scan3A_19 = %scan3A_2 to %scan3A_4 step %scan3A_5 iter_args(%scan3A_20 = %scan3A) -> (i32)  : i32 {
      %mul3A_21 = arith.constant 16 : i32
      %mul3A_22 = arith.muli %scan3A_19, %mul3A_21 : i32
      %swap3A = arith.index_cast %mul3A_22 : i32 to index
      %swap3A_23 = tpu.vector_load %arg4[%swap3A] {strides = array<i32>} : memref<10240xf32, #tpu.memory_space<vmem>>, vector<16xf32>,
      tpu.vector_store %arg4[%swap3A], %broadcast_in_dim3A_1 {strides = array<i32>} : memref<10240xf32, #tpu.memory_space<vmem>>, vector<16xf32>,
      %scan3A_24 = arith.constant 0 : i32
      scf.yield %scan3A_24 : i32
    }
    %scan3A_7 = arith.constant 640 : i32
    %mul3A_8 = arith.constant 160 : i32
    %mul3A_9 = arith.muli %add3A, %mul3A_8 : i32
    "tpu.region"() ({
      %run_scoped3A = tpu.sem_alloc : memref<!tpu.dma_semaphore, #tpu.memory_space<semaphore_mem>>
      %dma_start3A = arith.constant 0 : i32
      %dma_start3A_19 = tpu.memref_slice %arg2[%mul3A_9, %dma_start3A] : memref<5120x64xi32, #tpu.memory_space<hbm>> -> memref<160x64xi32, #tpu.memory_space<hbm>>
      %dma_start3A_20 = arith.constant 0 : i32
      %dma_start3A_21 = tpu.memref_slice %arg2[%mul3A_9, %dma_start3A_20] : memref<5120x64xi32, #tpu.memory_space<hbm>> -> memref<160x64xi32, #tpu.memory_space<hbm>>
      tpu.enqueue_dma source(%dma_start3A_21 : memref<160x64xi32, #tpu.memory_space<hbm>>) target(%arg5 : memref<160x64xi32, #tpu.memory_space<vmem>>) target_semaphore(%run_scoped3A : memref<!tpu.dma_semaphore, #tpu.memory_space<semaphore_mem>>)
      %dma_wait3A = arith.constant 0 : i32
      %dma_wait3A_22 = tpu.memref_slice %arg2[%mul3A_9, %dma_wait3A] : memref<5120x64xi32, #tpu.memory_space<hbm>> -> memref<160x64xi32, #tpu.memory_space<hbm>>
      %dma_wait3A_23 = arith.constant 0 : i32
      %dma_wait3A_24 = tpu.memref_slice %arg2[%mul3A_9, %dma_wait3A_23] : memref<5120x64xi32, #tpu.memory_space<hbm>> -> memref<160x64xi32, #tpu.memory_space<hbm>>
      tpu.wait_dma2 semaphore(%run_scoped3A : memref<!tpu.dma_semaphore, #tpu.memory_space<semaphore_mem>>) src(%dma_wait3A_24 : memref<160x64xi32, #tpu.memory_space<hbm>>) dst(%arg5 : memref<160x64xi32, #tpu.memory_space<vmem>>)
      tpu.yield
    }) : () -> ()
    %broadcast_in_dim3A_10 = arith.constant 1.000000e+00 : f32
    %broadcast_in_dim3A_11 = vector.broadcast %broadcast_in_dim3A_10 : f32 to vector<16xf32>
    %scan3A_12 = arith.constant 0 : i32
    %scan3A_13 = arith.constant 0 : i32
    %scan3A_14 = arith.constant 160 : i32
    %scan3A_15 = arith.addi %scan3A_13, %scan3A_14 : i32
    %scan3A_16 = arith.constant 1 : i32
    %scan3A_17 = scf.for %scan3A_19 = %scan3A_13 to %scan3A_15 step %scan3A_16 iter_args(%scan3A_20 = %scan3A_12) -> (i32)  : i32 {
      %get3A = arith.index_cast %scan3A_19 : i32 to index
      %get3A_21 = arith.constant 0 : index
      %get3A_22 = tpu.vector_load %arg5[%get3A, %get3A_21] {strides = array<i32>} : memref<160x64xi32, #tpu.memory_space<vmem>>, vector<16xi32>,
      tpu.vector_store_idx %arg4[%get3A_22], %broadcast_in_dim3A_11 {add = true} : memref<10240xf32, #tpu.memory_space<vmem>>[vector<16xi32>], vector<16xf32>,
      %get3A_23 = arith.index_cast %scan3A_19 : i32 to index
      %get3A_24 = arith.constant 16 : index
      %get3A_25 = tpu.vector_load %arg5[%get3A_23, %get3A_24] {strides = array<i32>} : memref<160x64xi32, #tpu.memory_space<vmem>>, vector<16xi32>,
      tpu.vector_store_idx %arg4[%get3A_25], %broadcast_in_dim3A_11 {add = true} : memref<10240xf32, #tpu.memory_space<vmem>>[vector<16xi32>], vector<16xf32>,
      %get3A_26 = arith.index_cast %scan3A_19 : i32 to index
      %get3A_27 = arith.constant 32 : index
      %get3A_28 = tpu.vector_load %arg5[%get3A_26, %get3A_27] {strides = array<i32>} : memref<160x64xi32, #tpu.memory_space<vmem>>, vector<16xi32>,
      tpu.vector_store_idx %arg4[%get3A_28], %broadcast_in_dim3A_11 {add = true} : memref<10240xf32, #tpu.memory_space<vmem>>[vector<16xi32>], vector<16xf32>,
      %get3A_29 = arith.index_cast %scan3A_19 : i32 to index
      %get3A_30 = arith.constant 48 : index
      %get3A_31 = tpu.vector_load %arg5[%get3A_29, %get3A_30] {strides = array<i32>} : memref<160x64xi32, #tpu.memory_space<vmem>>, vector<16xi32>,
      tpu.vector_store_idx %arg4[%get3A_31], %broadcast_in_dim3A_11 {add = true} : memref<10240xf32, #tpu.memory_space<vmem>>[vector<16xi32>], vector<16xf32>,
      %scan3A_32 = arith.constant 0 : i32
      scf.yield %scan3A_32 : i32
    }
    %scan3A_18 = arith.constant 160 : i32
    "tpu.region"() ({
      %run_scoped3A = tpu.sem_alloc : memref<!tpu.dma_semaphore, #tpu.memory_space<semaphore_mem>>
      %dma_start3A = arith.constant 0 : i32
      %dma_start3A_19 = tpu.memref_slice %arg3[%add3A, %dma_start3A] : memref<32x10240xf32, #tpu.memory_space<hbm>> -> memref<1x10240xf32, #tpu.memory_space<hbm>>
      %dma_start3A_20 = tpu.memref_squeeze %dma_start3A_19 : memref<1x10240xf32, #tpu.memory_space<hbm>> -> memref<10240xf32, #tpu.memory_space<hbm>>
      %dma_start3A_21 = arith.constant 0 : i32
      %dma_start3A_22 = tpu.memref_slice %arg3[%add3A, %dma_start3A_21] : memref<32x10240xf32, #tpu.memory_space<hbm>> -> memref<1x10240xf32, #tpu.memory_space<hbm>>
      %dma_start3A_23 = tpu.memref_squeeze %dma_start3A_22 : memref<1x10240xf32, #tpu.memory_space<hbm>> -> memref<10240xf32, #tpu.memory_space<hbm>>
      tpu.enqueue_dma source(%arg4 : memref<10240xf32, #tpu.memory_space<vmem>>) target(%dma_start3A_23 : memref<10240xf32, #tpu.memory_space<hbm>>) target_semaphore(%run_scoped3A : memref<!tpu.dma_semaphore, #tpu.memory_space<semaphore_mem>>)
      %dma_wait3A = arith.constant 0 : i32
      %dma_wait3A_24 = tpu.memref_slice %arg3[%add3A, %dma_wait3A] : memref<32x10240xf32, #tpu.memory_space<hbm>> -> memref<1x10240xf32, #tpu.memory_space<hbm>>
      %dma_wait3A_25 = tpu.memref_squeeze %dma_wait3A_24 : memref<1x10240xf32, #tpu.memory_space<hbm>> -> memref<10240xf32, #tpu.memory_space<hbm>>
      %dma_wait3A_26 = arith.constant 0 : i32
      %dma_wait3A_27 = tpu.memref_slice %arg3[%add3A, %dma_wait3A_26] : memref<32x10240xf32, #tpu.memory_space<hbm>> -> memref<1x10240xf32, #tpu.memory_space<hbm>>
      %dma_wait3A_28 = tpu.memref_squeeze %dma_wait3A_27 : memref<1x10240xf32, #tpu.memory_space<hbm>> -> memref<10240xf32, #tpu.memory_space<hbm>>
      tpu.wait_dma2 semaphore(%run_scoped3A : memref<!tpu.dma_semaphore, #tpu.memory_space<semaphore_mem>>) src(%arg4 : memref<10240xf32, #tpu.memory_space<vmem>>) dst(%dma_wait3A_28 : memref<10240xf32, #tpu.memory_space<hbm>>)
      tpu.yield
    }) : () -> ()
    return
  }
}

#map = affine_map<(d0, d1) -> (0, 0)>
#map1 = affine_map<(d0, d1) -> (0, 0, 0)>
module attributes {stable_mosaic.version = 14 : i64} {
  func.func @_sc_scatter_body(%arg0: i32, %arg1: i32, %arg2: memref<10240x64xf32, #tpu.memory_space<hbm>>, %arg3: memref<5120x64xi32, #tpu.memory_space<hbm>>, %arg4: memref<5120x64xi32, #tpu.memory_space<hbm>>, %arg5: memref<128x64xf32, #tpu.memory_space<hbm>>, %arg6: memref<2x10240x64xf32, #tpu.memory_space<hbm>>, %arg7: memref<160x64xi32, #tpu.memory_space<vmem>>, %arg8: memref<160x64xi32, #tpu.memory_space<vmem>>, %arg9: memref<64x64xf32, #tpu.memory_space<vmem>>, %arg10: memref<64x64xf32, #tpu.memory_space<vmem>>, %arg11: memref<64x64xf32, #tpu.memory_space<vmem>>, %arg12: memref<64x64xf32, #tpu.memory_space<vmem>>, %arg13: memref<64x64xf32, #tpu.memory_space<vmem>>, %arg14: memref<10240x64xf32, #tpu.memory_space<vmem_shared>>, %arg15: memref<10240x64xf32, #tpu.memory_space<vmem_shared>>, %arg16: memref<!tpu.dma_semaphore, #tpu.memory_space<semaphore_mem>>, %arg17: memref<!tpu.dma_semaphore, #tpu.memory_space<semaphore_mem>>, %arg18: memref<!tpu.dma_semaphore, #tpu.memory_space<semaphore_mem>>, %arg19: memref<!tpu.dma_semaphore, #tpu.memory_space<semaphore_mem>>, %arg20: memref<!tpu.dma_semaphore, #tpu.memory_space<semaphore_mem>>, %arg21: memref<!tpu.dma_semaphore, #tpu.memory_space<semaphore_mem>>, %arg22: memref<!tpu.dma_semaphore, #tpu.memory_space<semaphore_mem>>, %arg23: memref<!tpu.dma_semaphore, #tpu.memory_space<semaphore_mem>>, %arg24: memref<!tpu.dma_semaphore, #tpu.memory_space<semaphore_mem>>, %arg25: memref<!tpu.dma_semaphore, #tpu.memory_space<semaphore_mem>>) attributes {dimension_semantics = [#tpu.dimension_semantics<core_parallel>, #tpu.dimension_semantics<subcore_parallel>], iteration_bounds = array<i64: 2, 16>, scalar_prefetch = 0 : i64, scratch_operands = 19 : i64, tpu.core_type = #tpu.core_type<sc_vector_subcore>, window_params = [{transform_indices = #map}, {transform_indices = #map}, {transform_indices = #map}, {transform_indices = #map}, {transform_indices = #map1}]} {
    %eq3A = arith.constant 1 : i32
    %eq3A_0 = arith.cmpi eq, %arg0, %eq3A : i32
    %jit3A = arith.constant 160 : i32
    %jit3A_1 = arith.constant 160 : i32
    %select_n3A = arith.select %eq3A_0, %jit3A, %jit3A_1 : i32
    %mul3A = arith.constant 160 : i32
    %mul3A_2 = arith.muli %arg1, %mul3A : i32
    %mul3A_3 = arith.constant 160 : i32
    %mul3A_4 = arith.muli %arg1, %mul3A_3 : i32
    %add3A = arith.constant 2560 : i32
    %add3A_5 = arith.addi %add3A, %mul3A_4 : i32
    %select_n3A_6 = arith.select %eq3A_0, %mul3A_2, %add3A_5 : i32
    %mul3A_7 = arith.constant 640 : i32
    %mul3A_8 = arith.muli %arg1, %mul3A_7 : i32
    %mul3A_9 = arith.constant 640 : i32
    %mul3A_10 = arith.muli %arg1, %mul3A_9 : i32
    "tpu.region"() ({
      %run_scoped3A = tpu.sem_alloc : memref<!tpu.dma_semaphore, #tpu.memory_space<semaphore_mem>>
      %dma_start3A_356 = arith.constant 0 : i32
      %dma_start3A_357 = tpu.memref_slice %arg15[%mul3A_10, %dma_start3A_356] : memref<10240x64xf32, #tpu.memory_space<vmem_shared>> -> memref<640x64xf32, #tpu.memory_space<vmem_shared>>
      %dma_start3A_358 = arith.constant 0 : i32
      %dma_start3A_359 = tpu.memref_slice %arg2[%mul3A_8, %dma_start3A_358] : memref<10240x64xf32, #tpu.memory_space<hbm>> -> memref<640x64xf32, #tpu.memory_space<hbm>>
      tpu.enqueue_dma source(%dma_start3A_359 : memref<640x64xf32, #tpu.memory_space<hbm>>) target(%dma_start3A_357 : memref<640x64xf32, #tpu.memory_space<vmem_shared>>) target_semaphore(%run_scoped3A : memref<!tpu.dma_semaphore, #tpu.memory_space<semaphore_mem>>)
      %dma_wait3A_360 = arith.constant 0 : i32
      %dma_wait3A_361 = tpu.memref_slice %arg15[%mul3A_10, %dma_wait3A_360] : memref<10240x64xf32, #tpu.memory_space<vmem_shared>> -> memref<640x64xf32, #tpu.memory_space<vmem_shared>>
      %dma_wait3A_362 = arith.constant 0 : i32
      %dma_wait3A_363 = tpu.memref_slice %arg2[%mul3A_8, %dma_wait3A_362] : memref<10240x64xf32, #tpu.memory_space<hbm>> -> memref<640x64xf32, #tpu.memory_space<hbm>>
      tpu.wait_dma2 semaphore(%run_scoped3A : memref<!tpu.dma_semaphore, #tpu.memory_space<semaphore_mem>>) src(%dma_wait3A_363 : memref<640x64xf32, #tpu.memory_space<hbm>>) dst(%dma_wait3A_361 : memref<640x64xf32, #tpu.memory_space<vmem_shared>>)
      tpu.yield
    }) : () -> ()
    %mul3A_11 = arith.constant 640 : i32
    %mul3A_12 = arith.muli %arg1, %mul3A_11 : i32
    %add3A_13 = arith.constant 0 : i32
    %add3A_14 = arith.addi %mul3A_12, %add3A_13 : i32
    "tpu.region"() ({
      %run_scoped3A = tpu.sem_alloc : memref<!tpu.dma_semaphore, #tpu.memory_space<semaphore_mem>>
      %dma_start3A_356 = arith.constant 0 : i32
      %dma_start3A_357 = tpu.memref_slice %arg14[%add3A_14, %dma_start3A_356] : memref<10240x64xf32, #tpu.memory_space<vmem_shared>> -> memref<128x64xf32, #tpu.memory_space<vmem_shared>>
      tpu.enqueue_dma source(%arg5 : memref<128x64xf32, #tpu.memory_space<hbm>>) target(%dma_start3A_357 : memref<128x64xf32, #tpu.memory_space<vmem_shared>>) target_semaphore(%run_scoped3A : memref<!tpu.dma_semaphore, #tpu.memory_space<semaphore_mem>>)
      %dma_wait3A_358 = arith.constant 0 : i32
      %dma_wait3A_359 = tpu.memref_slice %arg14[%add3A_14, %dma_wait3A_358] : memref<10240x64xf32, #tpu.memory_space<vmem_shared>> -> memref<128x64xf32, #tpu.memory_space<vmem_shared>>
      tpu.wait_dma2 semaphore(%run_scoped3A : memref<!tpu.dma_semaphore, #tpu.memory_space<semaphore_mem>>) src(%arg5 : memref<128x64xf32, #tpu.memory_space<hbm>>) dst(%dma_wait3A_359 : memref<128x64xf32, #tpu.memory_space<vmem_shared>>)
      tpu.yield
    }) : () -> ()
    %mul3A_15 = arith.constant 640 : i32
    %mul3A_16 = arith.muli %arg1, %mul3A_15 : i32
    %add3A_17 = arith.constant 128 : i32
    %add3A_18 = arith.addi %mul3A_16, %add3A_17 : i32
    "tpu.region"() ({
      %run_scoped3A = tpu.sem_alloc : memref<!tpu.dma_semaphore, #tpu.memory_space<semaphore_mem>>
      %dma_start3A_356 = arith.constant 0 : i32
      %dma_start3A_357 = tpu.memref_slice %arg14[%add3A_18, %dma_start3A_356] : memref<10240x64xf32, #tpu.memory_space<vmem_shared>> -> memref<128x64xf32, #tpu.memory_space<vmem_shared>>
      tpu.enqueue_dma source(%arg5 : memref<128x64xf32, #tpu.memory_space<hbm>>) target(%dma_start3A_357 : memref<128x64xf32, #tpu.memory_space<vmem_shared>>) target_semaphore(%run_scoped3A : memref<!tpu.dma_semaphore, #tpu.memory_space<semaphore_mem>>)
      %dma_wait3A_358 = arith.constant 0 : i32
      %dma_wait3A_359 = tpu.memref_slice %arg14[%add3A_18, %dma_wait3A_358] : memref<10240x64xf32, #tpu.memory_space<vmem_shared>> -> memref<128x64xf32, #tpu.memory_space<vmem_shared>>
      tpu.wait_dma2 semaphore(%run_scoped3A : memref<!tpu.dma_semaphore, #tpu.memory_space<semaphore_mem>>) src(%arg5 : memref<128x64xf32, #tpu.memory_space<hbm>>) dst(%dma_wait3A_359 : memref<128x64xf32, #tpu.memory_space<vmem_shared>>)
      tpu.yield
    }) : () -> ()
    %mul3A_19 = arith.constant 640 : i32
    %mul3A_20 = arith.muli %arg1, %mul3A_19 : i32
    %add3A_21 = arith.constant 256 : i32
    %add3A_22 = arith.addi %mul3A_20, %add3A_21 : i32
    "tpu.region"() ({
      %run_scoped3A = tpu.sem_alloc : memref<!tpu.dma_semaphore, #tpu.memory_space<semaphore_mem>>
      %dma_start3A_356 = arith.constant 0 : i32
      %dma_start3A_357 = tpu.memref_slice %arg14[%add3A_22, %dma_start3A_356] : memref<10240x64xf32, #tpu.memory_space<vmem_shared>> -> memref<128x64xf32, #tpu.memory_space<vmem_shared>>
      tpu.enqueue_dma source(%arg5 : memref<128x64xf32, #tpu.memory_space<hbm>>) target(%dma_start3A_357 : memref<128x64xf32, #tpu.memory_space<vmem_shared>>) target_semaphore(%run_scoped3A : memref<!tpu.dma_semaphore, #tpu.memory_space<semaphore_mem>>)
      %dma_wait3A_358 = arith.constant 0 : i32
      %dma_wait3A_359 = tpu.memref_slice %arg14[%add3A_22, %dma_wait3A_358] : memref<10240x64xf32, #tpu.memory_space<vmem_shared>> -> memref<128x64xf32, #tpu.memory_space<vmem_shared>>
      tpu.wait_dma2 semaphore(%run_scoped3A : memref<!tpu.dma_semaphore, #tpu.memory_space<semaphore_mem>>) src(%arg5 : memref<128x64xf32, #tpu.memory_space<hbm>>) dst(%dma_wait3A_359 : memref<128x64xf32, #tpu.memory_space<vmem_shared>>)
      tpu.yield
    }) : () -> ()
    %mul3A_23 = arith.constant 640 : i32
    %mul3A_24 = arith.muli %arg1, %mul3A_23 : i32
    %add3A_25 = arith.constant 384 : i32
    %add3A_26 = arith.addi %mul3A_24, %add3A_25 : i32
    "tpu.region"() ({
      %run_scoped3A = tpu.sem_alloc : memref<!tpu.dma_semaphore, #tpu.memory_space<semaphore_mem>>
      %dma_start3A_356 = arith.constant 0 : i32
      %dma_start3A_357 = tpu.memref_slice %arg14[%add3A_26, %dma_start3A_356] : memref<10240x64xf32, #tpu.memory_space<vmem_shared>> -> memref<128x64xf32, #tpu.memory_space<vmem_shared>>
      tpu.enqueue_dma source(%arg5 : memref<128x64xf32, #tpu.memory_space<hbm>>) target(%dma_start3A_357 : memref<128x64xf32, #tpu.memory_space<vmem_shared>>) target_semaphore(%run_scoped3A : memref<!tpu.dma_semaphore, #tpu.memory_space<semaphore_mem>>)
      %dma_wait3A_358 = arith.constant 0 : i32
      %dma_wait3A_359 = tpu.memref_slice %arg14[%add3A_26, %dma_wait3A_358] : memref<10240x64xf32, #tpu.memory_space<vmem_shared>> -> memref<128x64xf32, #tpu.memory_space<vmem_shared>>
      tpu.wait_dma2 semaphore(%run_scoped3A : memref<!tpu.dma_semaphore, #tpu.memory_space<semaphore_mem>>) src(%arg5 : memref<128x64xf32, #tpu.memory_space<hbm>>) dst(%dma_wait3A_359 : memref<128x64xf32, #tpu.memory_space<vmem_shared>>)
      tpu.yield
    }) : () -> ()
    %mul3A_27 = arith.constant 640 : i32
    %mul3A_28 = arith.muli %arg1, %mul3A_27 : i32
    %add3A_29 = arith.constant 512 : i32
    %add3A_30 = arith.addi %mul3A_28, %add3A_29 : i32
    "tpu.region"() ({
      %run_scoped3A = tpu.sem_alloc : memref<!tpu.dma_semaphore, #tpu.memory_space<semaphore_mem>>
      %dma_start3A_356 = arith.constant 0 : i32
      %dma_start3A_357 = tpu.memref_slice %arg14[%add3A_30, %dma_start3A_356] : memref<10240x64xf32, #tpu.memory_space<vmem_shared>> -> memref<128x64xf32, #tpu.memory_space<vmem_shared>>
      tpu.enqueue_dma source(%arg5 : memref<128x64xf32, #tpu.memory_space<hbm>>) target(%dma_start3A_357 : memref<128x64xf32, #tpu.memory_space<vmem_shared>>) target_semaphore(%run_scoped3A : memref<!tpu.dma_semaphore, #tpu.memory_space<semaphore_mem>>)
      %dma_wait3A_358 = arith.constant 0 : i32
      %dma_wait3A_359 = tpu.memref_slice %arg14[%add3A_30, %dma_wait3A_358] : memref<10240x64xf32, #tpu.memory_space<vmem_shared>> -> memref<128x64xf32, #tpu.memory_space<vmem_shared>>
      tpu.wait_dma2 semaphore(%run_scoped3A : memref<!tpu.dma_semaphore, #tpu.memory_space<semaphore_mem>>) src(%arg5 : memref<128x64xf32, #tpu.memory_space<hbm>>) dst(%dma_wait3A_359 : memref<128x64xf32, #tpu.memory_space<vmem_shared>>)
      tpu.yield
    }) : () -> ()
    "tpu.region"() ({
      %run_scoped3A = tpu.sem_alloc : memref<!tpu.dma_semaphore, #tpu.memory_space<semaphore_mem>>
      %dma_start3A_356 = arith.constant 0 : i32
      %dma_start3A_357 = tpu.memref_slice %arg3[%select_n3A_6, %dma_start3A_356] : memref<5120x64xi32, #tpu.memory_space<hbm>> -> memref<160x64xi32, #tpu.memory_space<hbm>>
      %dma_start3A_358 = arith.constant 0 : i32
      %dma_start3A_359 = tpu.memref_slice %arg3[%select_n3A_6, %dma_start3A_358] : memref<5120x64xi32, #tpu.memory_space<hbm>> -> memref<160x64xi32, #tpu.memory_space<hbm>>
      tpu.enqueue_dma source(%dma_start3A_359 : memref<160x64xi32, #tpu.memory_space<hbm>>) target(%arg7 : memref<160x64xi32, #tpu.memory_space<vmem>>) target_semaphore(%run_scoped3A : memref<!tpu.dma_semaphore, #tpu.memory_space<semaphore_mem>>)
      %dma_wait3A_360 = arith.constant 0 : i32
      %dma_wait3A_361 = tpu.memref_slice %arg3[%select_n3A_6, %dma_wait3A_360] : memref<5120x64xi32, #tpu.memory_space<hbm>> -> memref<160x64xi32, #tpu.memory_space<hbm>>
      %dma_wait3A_362 = arith.constant 0 : i32
      %dma_wait3A_363 = tpu.memref_slice %arg3[%select_n3A_6, %dma_wait3A_362] : memref<5120x64xi32, #tpu.memory_space<hbm>> -> memref<160x64xi32, #tpu.memory_space<hbm>>
      tpu.wait_dma2 semaphore(%run_scoped3A : memref<!tpu.dma_semaphore, #tpu.memory_space<semaphore_mem>>) src(%dma_wait3A_363 : memref<160x64xi32, #tpu.memory_space<hbm>>) dst(%arg7 : memref<160x64xi32, #tpu.memory_space<vmem>>)
      tpu.yield
    }) : () -> ()
    "tpu.region"() ({
      %run_scoped3A = tpu.sem_alloc : memref<!tpu.dma_semaphore, #tpu.memory_space<semaphore_mem>>
      %dma_start3A_356 = arith.constant 0 : i32
      %dma_start3A_357 = tpu.memref_slice %arg4[%select_n3A_6, %dma_start3A_356] : memref<5120x64xi32, #tpu.memory_space<hbm>> -> memref<160x64xi32, #tpu.memory_space<hbm>>
      %dma_start3A_358 = arith.constant 0 : i32
      %dma_start3A_359 = tpu.memref_slice %arg4[%select_n3A_6, %dma_start3A_358] : memref<5120x64xi32, #tpu.memory_space<hbm>> -> memref<160x64xi32, #tpu.memory_space<hbm>>
      tpu.enqueue_dma source(%dma_start3A_359 : memref<160x64xi32, #tpu.memory_space<hbm>>) target(%arg8 : memref<160x64xi32, #tpu.memory_space<vmem>>) target_semaphore(%run_scoped3A : memref<!tpu.dma_semaphore, #tpu.memory_space<semaphore_mem>>)
      %dma_wait3A_360 = arith.constant 0 : i32
      %dma_wait3A_361 = tpu.memref_slice %arg4[%select_n3A_6, %dma_wait3A_360] : memref<5120x64xi32, #tpu.memory_space<hbm>> -> memref<160x64xi32, #tpu.memory_space<hbm>>
      %dma_wait3A_362 = arith.constant 0 : i32
      %dma_wait3A_363 = tpu.memref_slice %arg4[%select_n3A_6, %dma_wait3A_362] : memref<5120x64xi32, #tpu.memory_space<hbm>> -> memref<160x64xi32, #tpu.memory_space<hbm>>
      tpu.wait_dma2 semaphore(%run_scoped3A : memref<!tpu.dma_semaphore, #tpu.memory_space<semaphore_mem>>) src(%dma_wait3A_363 : memref<160x64xi32, #tpu.memory_space<hbm>>) dst(%arg8 : memref<160x64xi32, #tpu.memory_space<vmem>>)
      tpu.yield
    }) : () -> ()
    %barrier3A = arith.constant 0 : index
    tpu.barrier barrier_id(%barrier3A)
    %dma_start3A = arith.constant 0 : i32
    %dma_start3A_31 = arith.constant 0 : i32
    %dma_start3A_32 = tpu.memref_slice %arg7[%dma_start3A, %dma_start3A_31] : memref<160x64xi32, #tpu.memory_space<vmem>> -> memref<1x64xi32, #tpu.memory_space<vmem>>
    %dma_start3A_33 = tpu.memref_squeeze %dma_start3A_32 : memref<1x64xi32, #tpu.memory_space<vmem>> -> memref<64xi32, #tpu.memory_space<vmem>>
    %dma_start3A_34 = arith.constant 0 : i32
    %dma_start3A_35 = arith.constant 0 : i32
    %dma_start3A_36 = tpu.memref_slice %arg15[%dma_start3A_34, %dma_start3A_35] : memref<10240x64xf32, #tpu.memory_space<vmem_shared>> -> memref<10240x64xf32, #tpu.memory_space<vmem_shared>>
    tpu.enqueue_indirect_dma source(%dma_start3A_36 : memref<10240x64xf32, #tpu.memory_space<vmem_shared>>) target(%arg9 : memref<64x64xf32, #tpu.memory_space<vmem>>) offsets(%dma_start3A_33 : memref<64xi32, #tpu.memory_space<vmem>>) semaphore(%arg16 : memref<!tpu.dma_semaphore, #tpu.memory_space<semaphore_mem>>)
    %dma_start3A_37 = arith.constant 1 : i32
    %dma_start3A_38 = arith.constant 0 : i32
    %dma_start3A_39 = tpu.memref_slice %arg7[%dma_start3A_37, %dma_start3A_38] : memref<160x64xi32, #tpu.memory_space<vmem>> -> memref<1x64xi32, #tpu.memory_space<vmem>>
    %dma_start3A_40 = tpu.memref_squeeze %dma_start3A_39 : memref<1x64xi32, #tpu.memory_space<vmem>> -> memref<64xi32, #tpu.memory_space<vmem>>
    %dma_start3A_41 = arith.constant 0 : i32
    %dma_start3A_42 = arith.constant 0 : i32
    %dma_start3A_43 = tpu.memref_slice %arg15[%dma_start3A_41, %dma_start3A_42] : memref<10240x64xf32, #tpu.memory_space<vmem_shared>> -> memref<10240x64xf32, #tpu.memory_space<vmem_shared>>
    tpu.enqueue_indirect_dma source(%dma_start3A_43 : memref<10240x64xf32, #tpu.memory_space<vmem_shared>>) target(%arg10 : memref<64x64xf32, #tpu.memory_space<vmem>>) offsets(%dma_start3A_40 : memref<64xi32, #tpu.memory_space<vmem>>) semaphore(%arg17 : memref<!tpu.dma_semaphore, #tpu.memory_space<semaphore_mem>>)
    %dma_start3A_44 = arith.constant 2 : i32
    %dma_start3A_45 = arith.constant 0 : i32
    %dma_start3A_46 = tpu.memref_slice %arg7[%dma_start3A_44, %dma_start3A_45] : memref<160x64xi32, #tpu.memory_space<vmem>> -> memref<1x64xi32, #tpu.memory_space<vmem>>
    %dma_start3A_47 = tpu.memref_squeeze %dma_start3A_46 : memref<1x64xi32, #tpu.memory_space<vmem>> -> memref<64xi32, #tpu.memory_space<vmem>>
    %dma_start3A_48 = arith.constant 0 : i32
    %dma_start3A_49 = arith.constant 0 : i32
    %dma_start3A_50 = tpu.memref_slice %arg15[%dma_start3A_48, %dma_start3A_49] : memref<10240x64xf32, #tpu.memory_space<vmem_shared>> -> memref<10240x64xf32, #tpu.memory_space<vmem_shared>>
    tpu.enqueue_indirect_dma source(%dma_start3A_50 : memref<10240x64xf32, #tpu.memory_space<vmem_shared>>) target(%arg11 : memref<64x64xf32, #tpu.memory_space<vmem>>) offsets(%dma_start3A_47 : memref<64xi32, #tpu.memory_space<vmem>>) semaphore(%arg18 : memref<!tpu.dma_semaphore, #tpu.memory_space<semaphore_mem>>)
    %dma_wait3A = arith.constant 0 : i32
    %dma_wait3A_51 = arith.constant 0 : i32
    %dma_wait3A_52 = tpu.memref_slice %arg7[%dma_wait3A, %dma_wait3A_51] : memref<160x64xi32, #tpu.memory_space<vmem>> -> memref<1x64xi32, #tpu.memory_space<vmem>>
    %dma_wait3A_53 = tpu.memref_squeeze %dma_wait3A_52 : memref<1x64xi32, #tpu.memory_space<vmem>> -> memref<64xi32, #tpu.memory_space<vmem>>
    %dma_wait3A_54 = arith.constant 0 : i32
    %dma_wait3A_55 = arith.constant 0 : i32
    %dma_wait3A_56 = tpu.memref_slice %arg15[%dma_wait3A_54, %dma_wait3A_55] : memref<10240x64xf32, #tpu.memory_space<vmem_shared>> -> memref<10240x64xf32, #tpu.memory_space<vmem_shared>>
    tpu.wait_indirect_dma semaphore(%arg16 : memref<!tpu.dma_semaphore, #tpu.memory_space<semaphore_mem>>) src(%dma_wait3A_56 : memref<10240x64xf32, #tpu.memory_space<vmem_shared>>) dst(%arg9 : memref<64x64xf32, #tpu.memory_space<vmem>>)
    %dma_start3A_57 = arith.constant 0 : i32
    %dma_start3A_58 = arith.constant 0 : i32
    %dma_start3A_59 = tpu.memref_slice %arg8[%dma_start3A_57, %dma_start3A_58] : memref<160x64xi32, #tpu.memory_space<vmem>> -> memref<1x64xi32, #tpu.memory_space<vmem>>
    %dma_start3A_60 = tpu.memref_squeeze %dma_start3A_59 : memref<1x64xi32, #tpu.memory_space<vmem>> -> memref<64xi32, #tpu.memory_space<vmem>>
    %dma_start3A_61 = arith.constant 0 : i32
    %dma_start3A_62 = arith.constant 0 : i32
    %dma_start3A_63 = tpu.memref_slice %arg14[%dma_start3A_61, %dma_start3A_62] : memref<10240x64xf32, #tpu.memory_space<vmem_shared>> -> memref<10240x64xf32, #tpu.memory_space<vmem_shared>>
    tpu.enqueue_indirect_dma source(%arg9 : memref<64x64xf32, #tpu.memory_space<vmem>>) target(%dma_start3A_63 : memref<10240x64xf32, #tpu.memory_space<vmem_shared>>) offsets(%dma_start3A_60 : memref<64xi32, #tpu.memory_space<vmem>>) semaphore(%arg21 : memref<!tpu.dma_semaphore, #tpu.memory_space<semaphore_mem>>) {add = true}
    %dma_start3A_64 = arith.constant 3 : i32
    %dma_start3A_65 = arith.constant 0 : i32
    %dma_start3A_66 = tpu.memref_slice %arg7[%dma_start3A_64, %dma_start3A_65] : memref<160x64xi32, #tpu.memory_space<vmem>> -> memref<1x64xi32, #tpu.memory_space<vmem>>
    %dma_start3A_67 = tpu.memref_squeeze %dma_start3A_66 : memref<1x64xi32, #tpu.memory_space<vmem>> -> memref<64xi32, #tpu.memory_space<vmem>>
    %dma_start3A_68 = arith.constant 0 : i32
    %dma_start3A_69 = arith.constant 0 : i32
    %dma_start3A_70 = tpu.memref_slice %arg15[%dma_start3A_68, %dma_start3A_69] : memref<10240x64xf32, #tpu.memory_space<vmem_shared>> -> memref<10240x64xf32, #tpu.memory_space<vmem_shared>>
    tpu.enqueue_indirect_dma source(%dma_start3A_70 : memref<10240x64xf32, #tpu.memory_space<vmem_shared>>) target(%arg12 : memref<64x64xf32, #tpu.memory_space<vmem>>) offsets(%dma_start3A_67 : memref<64xi32, #tpu.memory_space<vmem>>) semaphore(%arg19 : memref<!tpu.dma_semaphore, #tpu.memory_space<semaphore_mem>>)
    %dma_wait3A_71 = arith.constant 1 : i32
    %dma_wait3A_72 = arith.constant 0 : i32
    %dma_wait3A_73 = tpu.memref_slice %arg7[%dma_wait3A_71, %dma_wait3A_72] : memref<160x64xi32, #tpu.memory_space<vmem>> -> memref<1x64xi32, #tpu.memory_space<vmem>>
    %dma_wait3A_74 = tpu.memref_squeeze %dma_wait3A_73 : memref<1x64xi32, #tpu.memory_space<vmem>> -> memref<64xi32, #tpu.memory_space<vmem>>
    %dma_wait3A_75 = arith.constant 0 : i32
    %dma_wait3A_76 = arith.constant 0 : i32
    %dma_wait3A_77 = tpu.memref_slice %arg15[%dma_wait3A_75, %dma_wait3A_76] : memref<10240x64xf32, #tpu.memory_space<vmem_shared>> -> memref<10240x64xf32, #tpu.memory_space<vmem_shared>>
    tpu.wait_indirect_dma semaphore(%arg17 : memref<!tpu.dma_semaphore, #tpu.memory_space<semaphore_mem>>) src(%dma_wait3A_77 : memref<10240x64xf32, #tpu.memory_space<vmem_shared>>) dst(%arg10 : memref<64x64xf32, #tpu.memory_space<vmem>>)
    %dma_start3A_78 = arith.constant 1 : i32
    %dma_start3A_79 = arith.constant 0 : i32
    %dma_start3A_80 = tpu.memref_slice %arg8[%dma_start3A_78, %dma_start3A_79] : memref<160x64xi32, #tpu.memory_space<vmem>> -> memref<1x64xi32, #tpu.memory_space<vmem>>
    %dma_start3A_81 = tpu.memref_squeeze %dma_start3A_80 : memref<1x64xi32, #tpu.memory_space<vmem>> -> memref<64xi32, #tpu.memory_space<vmem>>
    %dma_start3A_82 = arith.constant 0 : i32
    %dma_start3A_83 = arith.constant 0 : i32
    %dma_start3A_84 = tpu.memref_slice %arg14[%dma_start3A_82, %dma_start3A_83] : memref<10240x64xf32, #tpu.memory_space<vmem_shared>> -> memref<10240x64xf32, #tpu.memory_space<vmem_shared>>
    tpu.enqueue_indirect_dma source(%arg10 : memref<64x64xf32, #tpu.memory_space<vmem>>) target(%dma_start3A_84 : memref<10240x64xf32, #tpu.memory_space<vmem_shared>>) offsets(%dma_start3A_81 : memref<64xi32, #tpu.memory_space<vmem>>) semaphore(%arg22 : memref<!tpu.dma_semaphore, #tpu.memory_space<semaphore_mem>>) {add = true}
    %dma_start3A_85 = arith.constant 4 : i32
    %dma_start3A_86 = arith.constant 0 : i32
    %dma_start3A_87 = tpu.memref_slice %arg7[%dma_start3A_85, %dma_start3A_86] : memref<160x64xi32, #tpu.memory_space<vmem>> -> memref<1x64xi32, #tpu.memory_space<vmem>>
    %dma_start3A_88 = tpu.memref_squeeze %dma_start3A_87 : memref<1x64xi32, #tpu.memory_space<vmem>> -> memref<64xi32, #tpu.memory_space<vmem>>
    %dma_start3A_89 = arith.constant 0 : i32
    %dma_start3A_90 = arith.constant 0 : i32
    %dma_start3A_91 = tpu.memref_slice %arg15[%dma_start3A_89, %dma_start3A_90] : memref<10240x64xf32, #tpu.memory_space<vmem_shared>> -> memref<10240x64xf32, #tpu.memory_space<vmem_shared>>
    tpu.enqueue_indirect_dma source(%dma_start3A_91 : memref<10240x64xf32, #tpu.memory_space<vmem_shared>>) target(%arg13 : memref<64x64xf32, #tpu.memory_space<vmem>>) offsets(%dma_start3A_88 : memref<64xi32, #tpu.memory_space<vmem>>) semaphore(%arg20 : memref<!tpu.dma_semaphore, #tpu.memory_space<semaphore_mem>>)
    %dma_wait3A_92 = arith.constant 2 : i32
    %dma_wait3A_93 = arith.constant 0 : i32
    %dma_wait3A_94 = tpu.memref_slice %arg7[%dma_wait3A_92, %dma_wait3A_93] : memref<160x64xi32, #tpu.memory_space<vmem>> -> memref<1x64xi32, #tpu.memory_space<vmem>>
    %dma_wait3A_95 = tpu.memref_squeeze %dma_wait3A_94 : memref<1x64xi32, #tpu.memory_space<vmem>> -> memref<64xi32, #tpu.memory_space<vmem>>
    %dma_wait3A_96 = arith.constant 0 : i32
    %dma_wait3A_97 = arith.constant 0 : i32
    %dma_wait3A_98 = tpu.memref_slice %arg15[%dma_wait3A_96, %dma_wait3A_97] : memref<10240x64xf32, #tpu.memory_space<vmem_shared>> -> memref<10240x64xf32, #tpu.memory_space<vmem_shared>>
    tpu.wait_indirect_dma semaphore(%arg18 : memref<!tpu.dma_semaphore, #tpu.memory_space<semaphore_mem>>) src(%dma_wait3A_98 : memref<10240x64xf32, #tpu.memory_space<vmem_shared>>) dst(%arg11 : memref<64x64xf32, #tpu.memory_space<vmem>>)
    %dma_start3A_99 = arith.constant 2 : i32
    %dma_start3A_100 = arith.constant 0 : i32
    %dma_start3A_101 = tpu.memref_slice %arg8[%dma_start3A_99, %dma_start3A_100] : memref<160x64xi32, #tpu.memory_space<vmem>> -> memref<1x64xi32, #tpu.memory_space<vmem>>
    %dma_start3A_102 = tpu.memref_squeeze %dma_start3A_101 : memref<1x64xi32, #tpu.memory_space<vmem>> -> memref<64xi32, #tpu.memory_space<vmem>>
    %dma_start3A_103 = arith.constant 0 : i32
    %dma_start3A_104 = arith.constant 0 : i32
    %dma_start3A_105 = tpu.memref_slice %arg14[%dma_start3A_103, %dma_start3A_104] : memref<10240x64xf32, #tpu.memory_space<vmem_shared>> -> memref<10240x64xf32, #tpu.memory_space<vmem_shared>>
    tpu.enqueue_indirect_dma source(%arg11 : memref<64x64xf32, #tpu.memory_space<vmem>>) target(%dma_start3A_105 : memref<10240x64xf32, #tpu.memory_space<vmem_shared>>) offsets(%dma_start3A_102 : memref<64xi32, #tpu.memory_space<vmem>>) semaphore(%arg23 : memref<!tpu.dma_semaphore, #tpu.memory_space<semaphore_mem>>) {add = true}
    %dma_wait3A_106 = arith.constant 0 : i32
    %dma_wait3A_107 = arith.constant 0 : i32
    %dma_wait3A_108 = tpu.memref_slice %arg8[%dma_wait3A_106, %dma_wait3A_107] : memref<160x64xi32, #tpu.memory_space<vmem>> -> memref<1x64xi32, #tpu.memory_space<vmem>>
    %dma_wait3A_109 = tpu.memref_squeeze %dma_wait3A_108 : memref<1x64xi32, #tpu.memory_space<vmem>> -> memref<64xi32, #tpu.memory_space<vmem>>
    %dma_wait3A_110 = arith.constant 0 : i32
    %dma_wait3A_111 = arith.constant 0 : i32
    %dma_wait3A_112 = tpu.memref_slice %arg14[%dma_wait3A_110, %dma_wait3A_111] : memref<10240x64xf32, #tpu.memory_space<vmem_shared>> -> memref<10240x64xf32, #tpu.memory_space<vmem_shared>>
    tpu.wait_indirect_dma semaphore(%arg21 : memref<!tpu.dma_semaphore, #tpu.memory_space<semaphore_mem>>) src(%arg9 : memref<64x64xf32, #tpu.memory_space<vmem>>) dst(%dma_wait3A_112 : memref<10240x64xf32, #tpu.memory_space<vmem_shared>>)
    %dma_start3A_113 = arith.constant 5 : i32
    %dma_start3A_114 = arith.constant 0 : i32
    %dma_start3A_115 = tpu.memref_slice %arg7[%dma_start3A_113, %dma_start3A_114] : memref<160x64xi32, #tpu.memory_space<vmem>> -> memref<1x64xi32, #tpu.memory_space<vmem>>
    %dma_start3A_116 = tpu.memref_squeeze %dma_start3A_115 : memref<1x64xi32, #tpu.memory_space<vmem>> -> memref<64xi32, #tpu.memory_space<vmem>>
    %dma_start3A_117 = arith.constant 0 : i32
    %dma_start3A_118 = arith.constant 0 : i32
    %dma_start3A_119 = tpu.memref_slice %arg15[%dma_start3A_117, %dma_start3A_118] : memref<10240x64xf32, #tpu.memory_space<vmem_shared>> -> memref<10240x64xf32, #tpu.memory_space<vmem_shared>>
    tpu.enqueue_indirect_dma source(%dma_start3A_119 : memref<10240x64xf32, #tpu.memory_space<vmem_shared>>) target(%arg9 : memref<64x64xf32, #tpu.memory_space<vmem>>) offsets(%dma_start3A_116 : memref<64xi32, #tpu.memory_space<vmem>>) semaphore(%arg16 : memref<!tpu.dma_semaphore, #tpu.memory_space<semaphore_mem>>)
    %dma_wait3A_120 = arith.constant 3 : i32
    %dma_wait3A_121 = arith.constant 0 : i32
    %dma_wait3A_122 = tpu.memref_slice %arg7[%dma_wait3A_120, %dma_wait3A_121] : memref<160x64xi32, #tpu.memory_space<vmem>> -> memref<1x64xi32, #tpu.memory_space<vmem>>
    %dma_wait3A_123 = tpu.memref_squeeze %dma_wait3A_122 : memref<1x64xi32, #tpu.memory_space<vmem>> -> memref<64xi32, #tpu.memory_space<vmem>>
    %dma_wait3A_124 = arith.constant 0 : i32
    %dma_wait3A_125 = arith.constant 0 : i32
    %dma_wait3A_126 = tpu.memref_slice %arg15[%dma_wait3A_124, %dma_wait3A_125] : memref<10240x64xf32, #tpu.memory_space<vmem_shared>> -> memref<10240x64xf32, #tpu.memory_space<vmem_shared>>
    tpu.wait_indirect_dma semaphore(%arg19 : memref<!tpu.dma_semaphore, #tpu.memory_space<semaphore_mem>>) src(%dma_wait3A_126 : memref<10240x64xf32, #tpu.memory_space<vmem_shared>>) dst(%arg12 : memref<64x64xf32, #tpu.memory_space<vmem>>)
    %dma_start3A_127 = arith.constant 3 : i32
    %dma_start3A_128 = arith.constant 0 : i32
    %dma_start3A_129 = tpu.memref_slice %arg8[%dma_start3A_127, %dma_start3A_128] : memref<160x64xi32, #tpu.memory_space<vmem>> -> memref<1x64xi32, #tpu.memory_space<vmem>>
    %dma_start3A_130 = tpu.memref_squeeze %dma_start3A_129 : memref<1x64xi32, #tpu.memory_space<vmem>> -> memref<64xi32, #tpu.memory_space<vmem>>
    %dma_start3A_131 = arith.constant 0 : i32
    %dma_start3A_132 = arith.constant 0 : i32
    %dma_start3A_133 = tpu.memref_slice %arg14[%dma_start3A_131, %dma_start3A_132] : memref<10240x64xf32, #tpu.memory_space<vmem_shared>> -> memref<10240x64xf32, #tpu.memory_space<vmem_shared>>
    tpu.enqueue_indirect_dma source(%arg12 : memref<64x64xf32, #tpu.memory_space<vmem>>) target(%dma_start3A_133 : memref<10240x64xf32, #tpu.memory_space<vmem_shared>>) offsets(%dma_start3A_130 : memref<64xi32, #tpu.memory_space<vmem>>) semaphore(%arg24 : memref<!tpu.dma_semaphore, #tpu.memory_space<semaphore_mem>>) {add = true}
    %dma_wait3A_134 = arith.constant 1 : i32
    %dma_wait3A_135 = arith.constant 0 : i32
    %dma_wait3A_136 = tpu.memref_slice %arg8[%dma_wait3A_134, %dma_wait3A_135] : memref<160x64xi32, #tpu.memory_space<vmem>> -> memref<1x64xi32, #tpu.memory_space<vmem>>
    %dma_wait3A_137 = tpu.memref_squeeze %dma_wait3A_136 : memref<1x64xi32, #tpu.memory_space<vmem>> -> memref<64xi32, #tpu.memory_space<vmem>>
    %dma_wait3A_138 = arith.constant 0 : i32
    %dma_wait3A_139 = arith.constant 0 : i32
    %dma_wait3A_140 = tpu.memref_slice %arg14[%dma_wait3A_138, %dma_wait3A_139] : memref<10240x64xf32, #tpu.memory_space<vmem_shared>> -> memref<10240x64xf32, #tpu.memory_space<vmem_shared>>
    tpu.wait_indirect_dma semaphore(%arg22 : memref<!tpu.dma_semaphore, #tpu.memory_space<semaphore_mem>>) src(%arg10 : memref<64x64xf32, #tpu.memory_space<vmem>>) dst(%dma_wait3A_140 : memref<10240x64xf32, #tpu.memory_space<vmem_shared>>)
    %dma_start3A_141 = arith.constant 6 : i32
    %dma_start3A_142 = arith.constant 0 : i32
    %dma_start3A_143 = tpu.memref_slice %arg7[%dma_start3A_141, %dma_start3A_142] : memref<160x64xi32, #tpu.memory_space<vmem>> -> memref<1x64xi32, #tpu.memory_space<vmem>>
    %dma_start3A_144 = tpu.memref_squeeze %dma_start3A_143 : memref<1x64xi32, #tpu.memory_space<vmem>> -> memref<64xi32, #tpu.memory_space<vmem>>
    %dma_start3A_145 = arith.constant 0 : i32
    %dma_start3A_146 = arith.constant 0 : i32
    %dma_start3A_147 = tpu.memref_slice %arg15[%dma_start3A_145, %dma_start3A_146] : memref<10240x64xf32, #tpu.memory_space<vmem_shared>> -> memref<10240x64xf32, #tpu.memory_space<vmem_shared>>
    tpu.enqueue_indirect_dma source(%dma_start3A_147 : memref<10240x64xf32, #tpu.memory_space<vmem_shared>>) target(%arg10 : memref<64x64xf32, #tpu.memory_space<vmem>>) offsets(%dma_start3A_144 : memref<64xi32, #tpu.memory_space<vmem>>) semaphore(%arg17 : memref<!tpu.dma_semaphore, #tpu.memory_space<semaphore_mem>>)
    %dma_wait3A_148 = arith.constant 4 : i32
    %dma_wait3A_149 = arith.constant 0 : i32
    %dma_wait3A_150 = tpu.memref_slice %arg7[%dma_wait3A_148, %dma_wait3A_149] : memref<160x64xi32, #tpu.memory_space<vmem>> -> memref<1x64xi32, #tpu.memory_space<vmem>>
    %dma_wait3A_151 = tpu.memref_squeeze %dma_wait3A_150 : memref<1x64xi32, #tpu.memory_space<vmem>> -> memref<64xi32, #tpu.memory_space<vmem>>
    %dma_wait3A_152 = arith.constant 0 : i32
    %dma_wait3A_153 = arith.constant 0 : i32
    %dma_wait3A_154 = tpu.memref_slice %arg15[%dma_wait3A_152, %dma_wait3A_153] : memref<10240x64xf32, #tpu.memory_space<vmem_shared>> -> memref<10240x64xf32, #tpu.memory_space<vmem_shared>>
    tpu.wait_indirect_dma semaphore(%arg20 : memref<!tpu.dma_semaphore, #tpu.memory_space<semaphore_mem>>) src(%dma_wait3A_154 : memref<10240x64xf32, #tpu.memory_space<vmem_shared>>) dst(%arg13 : memref<64x64xf32, #tpu.memory_space<vmem>>)
    %dma_start3A_155 = arith.constant 4 : i32
    %dma_start3A_156 = arith.constant 0 : i32
    %dma_start3A_157 = tpu.memref_slice %arg8[%dma_start3A_155, %dma_start3A_156] : memref<160x64xi32, #tpu.memory_space<vmem>> -> memref<1x64xi32, #tpu.memory_space<vmem>>
    %dma_start3A_158 = tpu.memref_squeeze %dma_start3A_157 : memref<1x64xi32, #tpu.memory_space<vmem>> -> memref<64xi32, #tpu.memory_space<vmem>>
    %dma_start3A_159 = arith.constant 0 : i32
    %dma_start3A_160 = arith.constant 0 : i32
    %dma_start3A_161 = tpu.memref_slice %arg14[%dma_start3A_159, %dma_start3A_160] : memref<10240x64xf32, #tpu.memory_space<vmem_shared>> -> memref<10240x64xf32, #tpu.memory_space<vmem_shared>>
    tpu.enqueue_indirect_dma source(%arg13 : memref<64x64xf32, #tpu.memory_space<vmem>>) target(%dma_start3A_161 : memref<10240x64xf32, #tpu.memory_space<vmem_shared>>) offsets(%dma_start3A_158 : memref<64xi32, #tpu.memory_space<vmem>>) semaphore(%arg25 : memref<!tpu.dma_semaphore, #tpu.memory_space<semaphore_mem>>) {add = true}
    %dma_wait3A_162 = arith.constant 2 : i32
    %dma_wait3A_163 = arith.constant 0 : i32
    %dma_wait3A_164 = tpu.memref_slice %arg8[%dma_wait3A_162, %dma_wait3A_163] : memref<160x64xi32, #tpu.memory_space<vmem>> -> memref<1x64xi32, #tpu.memory_space<vmem>>
    %dma_wait3A_165 = tpu.memref_squeeze %dma_wait3A_164 : memref<1x64xi32, #tpu.memory_space<vmem>> -> memref<64xi32, #tpu.memory_space<vmem>>
    %dma_wait3A_166 = arith.constant 0 : i32
    %dma_wait3A_167 = arith.constant 0 : i32
    %dma_wait3A_168 = tpu.memref_slice %arg14[%dma_wait3A_166, %dma_wait3A_167] : memref<10240x64xf32, #tpu.memory_space<vmem_shared>> -> memref<10240x64xf32, #tpu.memory_space<vmem_shared>>
    tpu.wait_indirect_dma semaphore(%arg23 : memref<!tpu.dma_semaphore, #tpu.memory_space<semaphore_mem>>) src(%arg11 : memref<64x64xf32, #tpu.memory_space<vmem>>) dst(%dma_wait3A_168 : memref<10240x64xf32, #tpu.memory_space<vmem_shared>>)
    %dma_start3A_169 = arith.constant 7 : i32
    %dma_start3A_170 = arith.constant 0 : i32
    %dma_start3A_171 = tpu.memref_slice %arg7[%dma_start3A_169, %dma_start3A_170] : memref<160x64xi32, #tpu.memory_space<vmem>> -> memref<1x64xi32, #tpu.memory_space<vmem>>
    %dma_start3A_172 = tpu.memref_squeeze %dma_start3A_171 : memref<1x64xi32, #tpu.memory_space<vmem>> -> memref<64xi32, #tpu.memory_space<vmem>>
    %dma_start3A_173 = arith.constant 0 : i32
    %dma_start3A_174 = arith.constant 0 : i32
    %dma_start3A_175 = tpu.memref_slice %arg15[%dma_start3A_173, %dma_start3A_174] : memref<10240x64xf32, #tpu.memory_space<vmem_shared>> -> memref<10240x64xf32, #tpu.memory_space<vmem_shared>>
    tpu.enqueue_indirect_dma source(%dma_start3A_175 : memref<10240x64xf32, #tpu.memory_space<vmem_shared>>) target(%arg11 : memref<64x64xf32, #tpu.memory_space<vmem>>) offsets(%dma_start3A_172 : memref<64xi32, #tpu.memory_space<vmem>>) semaphore(%arg18 : memref<!tpu.dma_semaphore, #tpu.memory_space<semaphore_mem>>)
    %jit3A_176 = arith.constant 5 : i32
    %div3A = arith.divsi %select_n3A, %jit3A_176 : i32
    %sign3A = arith.constant 0 : i32
    %sign3A_177 = arith.cmpi sgt, %select_n3A, %sign3A : i32
    %sign3A_178 = arith.extui %sign3A_177 : i1 to i32
    %sign3A_179 = arith.constant 0 : i32
    %sign3A_180 = arith.cmpi slt, %select_n3A, %sign3A_179 : i32
    %sign3A_181 = arith.extui %sign3A_180 : i1 to i32
    %sign3A_182 = arith.subi %sign3A_178, %sign3A_181 : i32
    %sign3A_183 = arith.constant 0 : i32
    %sign3A_184 = arith.cmpi sgt, %jit3A_176, %sign3A_183 : i32
    %sign3A_185 = arith.extui %sign3A_184 : i1 to i32
    %sign3A_186 = arith.constant 0 : i32
    %sign3A_187 = arith.cmpi slt, %jit3A_176, %sign3A_186 : i32
    %sign3A_188 = arith.extui %sign3A_187 : i1 to i32
    %sign3A_189 = arith.subi %sign3A_185, %sign3A_188 : i32
    %ne3A = arith.cmpi ne, %sign3A_182, %sign3A_189 : i32
    %rem3A = arith.remsi %select_n3A, %jit3A_176 : i32
    %ne3A_190 = arith.constant 0 : i32
    %ne3A_191 = arith.cmpi ne, %rem3A, %ne3A_190 : i32
    %and3A = arith.andi %ne3A, %ne3A_191 : i1
    %sub3A = arith.constant 1 : i32
    %sub3A_192 = arith.subi %div3A, %sub3A : i32
    %select_n3A_193 = arith.select %and3A, %sub3A_192, %div3A : i32
    %sub3A_194 = arith.constant 1 : i32
    %sub3A_195 = arith.subi %select_n3A_193, %sub3A_194 : i32
    %while3A = arith.constant 1 : i32
    %while3A_196 = arith.constant 0 : i32
    %while3A_197 = arith.subi %sub3A_195, %while3A : i32
    %while3A_198 = arith.addi %while3A, %while3A_197 : i32
    %while3A_199 = arith.constant 1 : i32
    %while3A_200 = arith.divsi %while3A_197, %while3A_199 : i32
    %while3A_201 = arith.muli %while3A_200, %while3A_199 : i32
    %while3A_202 = arith.addi %while3A, %while3A_201 : i32
    %while3A_203 = arith.constant 1 : i32
    %while3A_204 = scf.for %while3A_356 = %while3A to %while3A_202 step %while3A_203 iter_args(%while3A_357 = %while3A_196) -> (i32)  : i32 {
      %mul3A_358 = arith.constant 5 : i32
      %mul3A_359 = arith.muli %while3A_356, %mul3A_358 : i32
      %add3A_360 = arith.constant 0 : i32
      %add3A_361 = arith.addi %mul3A_359, %add3A_360 : i32
      %dma_wait3A_362 = arith.constant 0 : i32
      %dma_wait3A_363 = tpu.memref_slice %arg7[%add3A_361, %dma_wait3A_362] : memref<160x64xi32, #tpu.memory_space<vmem>> -> memref<1x64xi32, #tpu.memory_space<vmem>>
      %dma_wait3A_364 = tpu.memref_squeeze %dma_wait3A_363 : memref<1x64xi32, #tpu.memory_space<vmem>> -> memref<64xi32, #tpu.memory_space<vmem>>
      %dma_wait3A_365 = arith.constant 0 : i32
      %dma_wait3A_366 = arith.constant 0 : i32
      %dma_wait3A_367 = tpu.memref_slice %arg15[%dma_wait3A_365, %dma_wait3A_366] : memref<10240x64xf32, #tpu.memory_space<vmem_shared>> -> memref<10240x64xf32, #tpu.memory_space<vmem_shared>>
      tpu.wait_indirect_dma semaphore(%arg16 : memref<!tpu.dma_semaphore, #tpu.memory_space<semaphore_mem>>) src(%dma_wait3A_367 : memref<10240x64xf32, #tpu.memory_space<vmem_shared>>) dst(%arg9 : memref<64x64xf32, #tpu.memory_space<vmem>>)
      %dma_start3A_368 = arith.constant 0 : i32
      %dma_start3A_369 = tpu.memref_slice %arg8[%add3A_361, %dma_start3A_368] : memref<160x64xi32, #tpu.memory_space<vmem>> -> memref<1x64xi32, #tpu.memory_space<vmem>>
      %dma_start3A_370 = tpu.memref_squeeze %dma_start3A_369 : memref<1x64xi32, #tpu.memory_space<vmem>> -> memref<64xi32, #tpu.memory_space<vmem>>
      %dma_start3A_371 = arith.constant 0 : i32
      %dma_start3A_372 = arith.constant 0 : i32
      %dma_start3A_373 = tpu.memref_slice %arg14[%dma_start3A_371, %dma_start3A_372] : memref<10240x64xf32, #tpu.memory_space<vmem_shared>> -> memref<10240x64xf32, #tpu.memory_space<vmem_shared>>
      tpu.enqueue_indirect_dma source(%arg9 : memref<64x64xf32, #tpu.memory_space<vmem>>) target(%dma_start3A_373 : memref<10240x64xf32, #tpu.memory_space<vmem_shared>>) offsets(%dma_start3A_370 : memref<64xi32, #tpu.memory_space<vmem>>) semaphore(%arg21 : memref<!tpu.dma_semaphore, #tpu.memory_space<semaphore_mem>>) {add = true}
      %sub3A_374 = arith.constant 2 : i32
      %sub3A_375 = arith.subi %add3A_361, %sub3A_374 : i32
      %dma_wait3A_376 = arith.constant 0 : i32
      %dma_wait3A_377 = tpu.memref_slice %arg8[%sub3A_375, %dma_wait3A_376] : memref<160x64xi32, #tpu.memory_space<vmem>> -> memref<1x64xi32, #tpu.memory_space<vmem>>
      %dma_wait3A_378 = tpu.memref_squeeze %dma_wait3A_377 : memref<1x64xi32, #tpu.memory_space<vmem>> -> memref<64xi32, #tpu.memory_space<vmem>>
      %dma_wait3A_379 = arith.constant 0 : i32
      %dma_wait3A_380 = arith.constant 0 : i32
      %dma_wait3A_381 = tpu.memref_slice %arg14[%dma_wait3A_379, %dma_wait3A_380] : memref<10240x64xf32, #tpu.memory_space<vmem_shared>> -> memref<10240x64xf32, #tpu.memory_space<vmem_shared>>
      tpu.wait_indirect_dma semaphore(%arg24 : memref<!tpu.dma_semaphore, #tpu.memory_space<semaphore_mem>>) src(%arg12 : memref<64x64xf32, #tpu.memory_space<vmem>>) dst(%dma_wait3A_381 : memref<10240x64xf32, #tpu.memory_space<vmem_shared>>)
      %add3A_382 = arith.constant 3 : i32
      %add3A_383 = arith.addi %add3A_361, %add3A_382 : i32
      %dma_start3A_384 = arith.constant 0 : i32
      %dma_start3A_385 = tpu.memref_slice %arg7[%add3A_383, %dma_start3A_384] : memref<160x64xi32, #tpu.memory_space<vmem>> -> memref<1x64xi32, #tpu.memory_space<vmem>>
      %dma_start3A_386 = tpu.memref_squeeze %dma_start3A_385 : memref<1x64xi32, #tpu.memory_space<vmem>> -> memref<64xi32, #tpu.memory_space<vmem>>
      %dma_start3A_387 = arith.constant 0 : i32
      %dma_start3A_388 = arith.constant 0 : i32
      %dma_start3A_389 = tpu.memref_slice %arg15[%dma_start3A_387, %dma_start3A_388] : memref<10240x64xf32, #tpu.memory_space<vmem_shared>> -> memref<10240x64xf32, #tpu.memory_space<vmem_shared>>
      tpu.enqueue_indirect_dma source(%dma_start3A_389 : memref<10240x64xf32, #tpu.memory_space<vmem_shared>>) target(%arg12 : memref<64x64xf32, #tpu.memory_space<vmem>>) offsets(%dma_start3A_386 : memref<64xi32, #tpu.memory_space<vmem>>) semaphore(%arg19 : memref<!tpu.dma_semaphore, #tpu.memory_space<semaphore_mem>>)
      %add3A_390 = arith.constant 1 : i32
      %add3A_391 = arith.addi %mul3A_359, %add3A_390 : i32
      %dma_wait3A_392 = arith.constant 0 : i32
      %dma_wait3A_393 = tpu.memref_slice %arg7[%add3A_391, %dma_wait3A_392] : memref<160x64xi32, #tpu.memory_space<vmem>> -> memref<1x64xi32, #tpu.memory_space<vmem>>
      %dma_wait3A_394 = tpu.memref_squeeze %dma_wait3A_393 : memref<1x64xi32, #tpu.memory_space<vmem>> -> memref<64xi32, #tpu.memory_space<vmem>>
      %dma_wait3A_395 = arith.constant 0 : i32
      %dma_wait3A_396 = arith.constant 0 : i32
      %dma_wait3A_397 = tpu.memref_slice %arg15[%dma_wait3A_395, %dma_wait3A_396] : memref<10240x64xf32, #tpu.memory_space<vmem_shared>> -> memref<10240x64xf32, #tpu.memory_space<vmem_shared>>
      tpu.wait_indirect_dma semaphore(%arg17 : memref<!tpu.dma_semaphore, #tpu.memory_space<semaphore_mem>>) src(%dma_wait3A_397 : memref<10240x64xf32, #tpu.memory_space<vmem_shared>>) dst(%arg10 : memref<64x64xf32, #tpu.memory_space<vmem>>)
      %dma_start3A_398 = arith.constant 0 : i32
      %dma_start3A_399 = tpu.memref_slice %arg8[%add3A_391, %dma_start3A_398] : memref<160x64xi32, #tpu.memory_space<vmem>> -> memref<1x64xi32, #tpu.memory_space<vmem>>
      %dma_start3A_400 = tpu.memref_squeeze %dma_start3A_399 : memref<1x64xi32, #tpu.memory_space<vmem>> -> memref<64xi32, #tpu.memory_space<vmem>>
      %dma_start3A_401 = arith.constant 0 : i32
      %dma_start3A_402 = arith.constant 0 : i32
      %dma_start3A_403 = tpu.memref_slice %arg14[%dma_start3A_401, %dma_start3A_402] : memref<10240x64xf32, #tpu.memory_space<vmem_shared>> -> memref<10240x64xf32, #tpu.memory_space<vmem_shared>>
      tpu.enqueue_indirect_dma source(%arg10 : memref<64x64xf32, #tpu.memory_space<vmem>>) target(%dma_start3A_403 : memref<10240x64xf32, #tpu.memory_space<vmem_shared>>) offsets(%dma_start3A_400 : memref<64xi32, #tpu.memory_space<vmem>>) semaphore(%arg22 : memref<!tpu.dma_semaphore, #tpu.memory_space<semaphore_mem>>) {add = true}
      %sub3A_404 = arith.constant 2 : i32
      %sub3A_405 = arith.subi %add3A_391, %sub3A_404 : i32
      %dma_wait3A_406 = arith.constant 0 : i32
      %dma_wait3A_407 = tpu.memref_slice %arg8[%sub3A_405, %dma_wait3A_406] : memref<160x64xi32, #tpu.memory_space<vmem>> -> memref<1x64xi32, #tpu.memory_space<vmem>>
      %dma_wait3A_408 = tpu.memref_squeeze %dma_wait3A_407 : memref<1x64xi32, #tpu.memory_space<vmem>> -> memref<64xi32, #tpu.memory_space<vmem>>
      %dma_wait3A_409 = arith.constant 0 : i32
      %dma_wait3A_410 = arith.constant 0 : i32
      %dma_wait3A_411 = tpu.memref_slice %arg14[%dma_wait3A_409, %dma_wait3A_410] : memref<10240x64xf32, #tpu.memory_space<vmem_shared>> -> memref<10240x64xf32, #tpu.memory_space<vmem_shared>>
      tpu.wait_indirect_dma semaphore(%arg25 : memref<!tpu.dma_semaphore, #tpu.memory_space<semaphore_mem>>) src(%arg13 : memref<64x64xf32, #tpu.memory_space<vmem>>) dst(%dma_wait3A_411 : memref<10240x64xf32, #tpu.memory_space<vmem_shared>>)
      %add3A_412 = arith.constant 3 : i32
      %add3A_413 = arith.addi %add3A_391, %add3A_412 : i32
      %dma_start3A_414 = arith.constant 0 : i32
      %dma_start3A_415 = tpu.memref_slice %arg7[%add3A_413, %dma_start3A_414] : memref<160x64xi32, #tpu.memory_space<vmem>> -> memref<1x64xi32, #tpu.memory_space<vmem>>
      %dma_start3A_416 = tpu.memref_squeeze %dma_start3A_415 : memref<1x64xi32, #tpu.memory_space<vmem>> -> memref<64xi32, #tpu.memory_space<vmem>>
      %dma_start3A_417 = arith.constant 0 : i32
      %dma_start3A_418 = arith.constant 0 : i32
      %dma_start3A_419 = tpu.memref_slice %arg15[%dma_start3A_417, %dma_start3A_418] : memref<10240x64xf32, #tpu.memory_space<vmem_shared>> -> memref<10240x64xf32, #tpu.memory_space<vmem_shared>>
      tpu.enqueue_indirect_dma source(%dma_start3A_419 : memref<10240x64xf32, #tpu.memory_space<vmem_shared>>) target(%arg13 : memref<64x64xf32, #tpu.memory_space<vmem>>) offsets(%dma_start3A_416 : memref<64xi32, #tpu.memory_space<vmem>>) semaphore(%arg20 : memref<!tpu.dma_semaphore, #tpu.memory_space<semaphore_mem>>)
      %add3A_420 = arith.constant 2 : i32
      %add3A_421 = arith.addi %mul3A_359, %add3A_420 : i32
      %dma_wait3A_422 = arith.constant 0 : i32
      %dma_wait3A_423 = tpu.memref_slice %arg7[%add3A_421, %dma_wait3A_422] : memref<160x64xi32, #tpu.memory_space<vmem>> -> memref<1x64xi32, #tpu.memory_space<vmem>>
      %dma_wait3A_424 = tpu.memref_squeeze %dma_wait3A_423 : memref<1x64xi32, #tpu.memory_space<vmem>> -> memref<64xi32, #tpu.memory_space<vmem>>
      %dma_wait3A_425 = arith.constant 0 : i32
      %dma_wait3A_426 = arith.constant 0 : i32
      %dma_wait3A_427 = tpu.memref_slice %arg15[%dma_wait3A_425, %dma_wait3A_426] : memref<10240x64xf32, #tpu.memory_space<vmem_shared>> -> memref<10240x64xf32, #tpu.memory_space<vmem_shared>>
      tpu.wait_indirect_dma semaphore(%arg18 : memref<!tpu.dma_semaphore, #tpu.memory_space<semaphore_mem>>) src(%dma_wait3A_427 : memref<10240x64xf32, #tpu.memory_space<vmem_shared>>) dst(%arg11 : memref<64x64xf32, #tpu.memory_space<vmem>>)
      %dma_start3A_428 = arith.constant 0 : i32
      %dma_start3A_429 = tpu.memref_slice %arg8[%add3A_421, %dma_start3A_428] : memref<160x64xi32, #tpu.memory_space<vmem>> -> memref<1x64xi32, #tpu.memory_space<vmem>>
      %dma_start3A_430 = tpu.memref_squeeze %dma_start3A_429 : memref<1x64xi32, #tpu.memory_space<vmem>> -> memref<64xi32, #tpu.memory_space<vmem>>
      %dma_start3A_431 = arith.constant 0 : i32
      %dma_start3A_432 = arith.constant 0 : i32
      %dma_start3A_433 = tpu.memref_slice %arg14[%dma_start3A_431, %dma_start3A_432] : memref<10240x64xf32, #tpu.memory_space<vmem_shared>> -> memref<10240x64xf32, #tpu.memory_space<vmem_shared>>
      tpu.enqueue_indirect_dma source(%arg11 : memref<64x64xf32, #tpu.memory_space<vmem>>) target(%dma_start3A_433 : memref<10240x64xf32, #tpu.memory_space<vmem_shared>>) offsets(%dma_start3A_430 : memref<64xi32, #tpu.memory_space<vmem>>) semaphore(%arg23 : memref<!tpu.dma_semaphore, #tpu.memory_space<semaphore_mem>>) {add = true}
      %sub3A_434 = arith.constant 2 : i32
      %sub3A_435 = arith.subi %add3A_421, %sub3A_434 : i32
      %dma_wait3A_436 = arith.constant 0 : i32
      %dma_wait3A_437 = tpu.memref_slice %arg8[%sub3A_435, %dma_wait3A_436] : memref<160x64xi32, #tpu.memory_space<vmem>> -> memref<1x64xi32, #tpu.memory_space<vmem>>
      %dma_wait3A_438 = tpu.memref_squeeze %dma_wait3A_437 : memref<1x64xi32, #tpu.memory_space<vmem>> -> memref<64xi32, #tpu.memory_space<vmem>>
      %dma_wait3A_439 = arith.constant 0 : i32
      %dma_wait3A_440 = arith.constant 0 : i32
      %dma_wait3A_441 = tpu.memref_slice %arg14[%dma_wait3A_439, %dma_wait3A_440] : memref<10240x64xf32, #tpu.memory_space<vmem_shared>> -> memref<10240x64xf32, #tpu.memory_space<vmem_shared>>
      tpu.wait_indirect_dma semaphore(%arg21 : memref<!tpu.dma_semaphore, #tpu.memory_space<semaphore_mem>>) src(%arg9 : memref<64x64xf32, #tpu.memory_space<vmem>>) dst(%dma_wait3A_441 : memref<10240x64xf32, #tpu.memory_space<vmem_shared>>)
      %add3A_442 = arith.constant 3 : i32
      %add3A_443 = arith.addi %add3A_421, %add3A_442 : i32
      %dma_start3A_444 = arith.constant 0 : i32
      %dma_start3A_445 = tpu.memref_slice %arg7[%add3A_443, %dma_start3A_444] : memref<160x64xi32, #tpu.memory_space<vmem>> -> memref<1x64xi32, #tpu.memory_space<vmem>>
      %dma_start3A_446 = tpu.memref_squeeze %dma_start3A_445 : memref<1x64xi32, #tpu.memory_space<vmem>> -> memref<64xi32, #tpu.memory_space<vmem>>
      %dma_start3A_447 = arith.constant 0 : i32
      %dma_start3A_448 = arith.constant 0 : i32
      %dma_start3A_449 = tpu.memref_slice %arg15[%dma_start3A_447, %dma_start3A_448] : memref<10240x64xf32, #tpu.memory_space<vmem_shared>> -> memref<10240x64xf32, #tpu.memory_space<vmem_shared>>
      tpu.enqueue_indirect_dma source(%dma_start3A_449 : memref<10240x64xf32, #tpu.memory_space<vmem_shared>>) target(%arg9 : memref<64x64xf32, #tpu.memory_space<vmem>>) offsets(%dma_start3A_446 : memref<64xi32, #tpu.memory_space<vmem>>) semaphore(%arg16 : memref<!tpu.dma_semaphore, #tpu.memory_space<semaphore_mem>>)
      %add3A_450 = arith.constant 3 : i32
      %add3A_451 = arith.addi %mul3A_359, %add3A_450 : i32
      %dma_wait3A_452 = arith.constant 0 : i32
      %dma_wait3A_453 = tpu.memref_slice %arg7[%add3A_451, %dma_wait3A_452] : memref<160x64xi32, #tpu.memory_space<vmem>> -> memref<1x64xi32, #tpu.memory_space<vmem>>
      %dma_wait3A_454 = tpu.memref_squeeze %dma_wait3A_453 : memref<1x64xi32, #tpu.memory_space<vmem>> -> memref<64xi32, #tpu.memory_space<vmem>>
      %dma_wait3A_455 = arith.constant 0 : i32
      %dma_wait3A_456 = arith.constant 0 : i32
      %dma_wait3A_457 = tpu.memref_slice %arg15[%dma_wait3A_455, %dma_wait3A_456] : memref<10240x64xf32, #tpu.memory_space<vmem_shared>> -> memref<10240x64xf32, #tpu.memory_space<vmem_shared>>
      tpu.wait_indirect_dma semaphore(%arg19 : memref<!tpu.dma_semaphore, #tpu.memory_space<semaphore_mem>>) src(%dma_wait3A_457 : memref<10240x64xf32, #tpu.memory_space<vmem_shared>>) dst(%arg12 : memref<64x64xf32, #tpu.memory_space<vmem>>)
      %dma_start3A_458 = arith.constant 0 : i32
      %dma_start3A_459 = tpu.memref_slice %arg8[%add3A_451, %dma_start3A_458] : memref<160x64xi32, #tpu.memory_space<vmem>> -> memref<1x64xi32, #tpu.memory_space<vmem>>
      %dma_start3A_460 = tpu.memref_squeeze %dma_start3A_459 : memref<1x64xi32, #tpu.memory_space<vmem>> -> memref<64xi32, #tpu.memory_space<vmem>>
      %dma_start3A_461 = arith.constant 0 : i32
      %dma_start3A_462 = arith.constant 0 : i32
      %dma_start3A_463 = tpu.memref_slice %arg14[%dma_start3A_461, %dma_start3A_462] : memref<10240x64xf32, #tpu.memory_space<vmem_shared>> -> memref<10240x64xf32, #tpu.memory_space<vmem_shared>>
      tpu.enqueue_indirect_dma source(%arg12 : memref<64x64xf32, #tpu.memory_space<vmem>>) target(%dma_start3A_463 : memref<10240x64xf32, #tpu.memory_space<vmem_shared>>) offsets(%dma_start3A_460 : memref<64xi32, #tpu.memory_space<vmem>>) semaphore(%arg24 : memref<!tpu.dma_semaphore, #tpu.memory_space<semaphore_mem>>) {add = true}
      %sub3A_464 = arith.constant 2 : i32
      %sub3A_465 = arith.subi %add3A_451, %sub3A_464 : i32
      %dma_wait3A_466 = arith.constant 0 : i32
      %dma_wait3A_467 = tpu.memref_slice %arg8[%sub3A_465, %dma_wait3A_466] : memref<160x64xi32, #tpu.memory_space<vmem>> -> memref<1x64xi32, #tpu.memory_space<vmem>>
      %dma_wait3A_468 = tpu.memref_squeeze %dma_wait3A_467 : memref<1x64xi32, #tpu.memory_space<vmem>> -> memref<64xi32, #tpu.memory_space<vmem>>
      %dma_wait3A_469 = arith.constant 0 : i32
      %dma_wait3A_470 = arith.constant 0 : i32
      %dma_wait3A_471 = tpu.memref_slice %arg14[%dma_wait3A_469, %dma_wait3A_470] : memref<10240x64xf32, #tpu.memory_space<vmem_shared>> -> memref<10240x64xf32, #tpu.memory_space<vmem_shared>>
      tpu.wait_indirect_dma semaphore(%arg22 : memref<!tpu.dma_semaphore, #tpu.memory_space<semaphore_mem>>) src(%arg10 : memref<64x64xf32, #tpu.memory_space<vmem>>) dst(%dma_wait3A_471 : memref<10240x64xf32, #tpu.memory_space<vmem_shared>>)
      %add3A_472 = arith.constant 3 : i32
      %add3A_473 = arith.addi %add3A_451, %add3A_472 : i32
      %dma_start3A_474 = arith.constant 0 : i32
      %dma_start3A_475 = tpu.memref_slice %arg7[%add3A_473, %dma_start3A_474] : memref<160x64xi32, #tpu.memory_space<vmem>> -> memref<1x64xi32, #tpu.memory_space<vmem>>
      %dma_start3A_476 = tpu.memref_squeeze %dma_start3A_475 : memref<1x64xi32, #tpu.memory_space<vmem>> -> memref<64xi32, #tpu.memory_space<vmem>>
      %dma_start3A_477 = arith.constant 0 : i32
      %dma_start3A_478 = arith.constant 0 : i32
      %dma_start3A_479 = tpu.memref_slice %arg15[%dma_start3A_477, %dma_start3A_478] : memref<10240x64xf32, #tpu.memory_space<vmem_shared>> -> memref<10240x64xf32, #tpu.memory_space<vmem_shared>>
      tpu.enqueue_indirect_dma source(%dma_start3A_479 : memref<10240x64xf32, #tpu.memory_space<vmem_shared>>) target(%arg10 : memref<64x64xf32, #tpu.memory_space<vmem>>) offsets(%dma_start3A_476 : memref<64xi32, #tpu.memory_space<vmem>>) semaphore(%arg17 : memref<!tpu.dma_semaphore, #tpu.memory_space<semaphore_mem>>)
      %add3A_480 = arith.constant 4 : i32
      %add3A_481 = arith.addi %mul3A_359, %add3A_480 : i32
      %dma_wait3A_482 = arith.constant 0 : i32
      %dma_wait3A_483 = tpu.memref_slice %arg7[%add3A_481, %dma_wait3A_482] : memref<160x64xi32, #tpu.memory_space<vmem>> -> memref<1x64xi32, #tpu.memory_space<vmem>>
      %dma_wait3A_484 = tpu.memref_squeeze %dma_wait3A_483 : memref<1x64xi32, #tpu.memory_space<vmem>> -> memref<64xi32, #tpu.memory_space<vmem>>
      %dma_wait3A_485 = arith.constant 0 : i32
      %dma_wait3A_486 = arith.constant 0 : i32
      %dma_wait3A_487 = tpu.memref_slice %arg15[%dma_wait3A_485, %dma_wait3A_486] : memref<10240x64xf32, #tpu.memory_space<vmem_shared>> -> memref<10240x64xf32, #tpu.memory_space<vmem_shared>>
      tpu.wait_indirect_dma semaphore(%arg20 : memref<!tpu.dma_semaphore, #tpu.memory_space<semaphore_mem>>) src(%dma_wait3A_487 : memref<10240x64xf32, #tpu.memory_space<vmem_shared>>) dst(%arg13 : memref<64x64xf32, #tpu.memory_space<vmem>>)
      %dma_start3A_488 = arith.constant 0 : i32
      %dma_start3A_489 = tpu.memref_slice %arg8[%add3A_481, %dma_start3A_488] : memref<160x64xi32, #tpu.memory_space<vmem>> -> memref<1x64xi32, #tpu.memory_space<vmem>>
      %dma_start3A_490 = tpu.memref_squeeze %dma_start3A_489 : memref<1x64xi32, #tpu.memory_space<vmem>> -> memref<64xi32, #tpu.memory_space<vmem>>
      %dma_start3A_491 = arith.constant 0 : i32
      %dma_start3A_492 = arith.constant 0 : i32
      %dma_start3A_493 = tpu.memref_slice %arg14[%dma_start3A_491, %dma_start3A_492] : memref<10240x64xf32, #tpu.memory_space<vmem_shared>> -> memref<10240x64xf32, #tpu.memory_space<vmem_shared>>
      tpu.enqueue_indirect_dma source(%arg13 : memref<64x64xf32, #tpu.memory_space<vmem>>) target(%dma_start3A_493 : memref<10240x64xf32, #tpu.memory_space<vmem_shared>>) offsets(%dma_start3A_490 : memref<64xi32, #tpu.memory_space<vmem>>) semaphore(%arg25 : memref<!tpu.dma_semaphore, #tpu.memory_space<semaphore_mem>>) {add = true}
      %sub3A_494 = arith.constant 2 : i32
      %sub3A_495 = arith.subi %add3A_481, %sub3A_494 : i32
      %dma_wait3A_496 = arith.constant 0 : i32
      %dma_wait3A_497 = tpu.memref_slice %arg8[%sub3A_495, %dma_wait3A_496] : memref<160x64xi32, #tpu.memory_space<vmem>> -> memref<1x64xi32, #tpu.memory_space<vmem>>
      %dma_wait3A_498 = tpu.memref_squeeze %dma_wait3A_497 : memref<1x64xi32, #tpu.memory_space<vmem>> -> memref<64xi32, #tpu.memory_space<vmem>>
      %dma_wait3A_499 = arith.constant 0 : i32
      %dma_wait3A_500 = arith.constant 0 : i32
      %dma_wait3A_501 = tpu.memref_slice %arg14[%dma_wait3A_499, %dma_wait3A_500] : memref<10240x64xf32, #tpu.memory_space<vmem_shared>> -> memref<10240x64xf32, #tpu.memory_space<vmem_shared>>
      tpu.wait_indirect_dma semaphore(%arg23 : memref<!tpu.dma_semaphore, #tpu.memory_space<semaphore_mem>>) src(%arg11 : memref<64x64xf32, #tpu.memory_space<vmem>>) dst(%dma_wait3A_501 : memref<10240x64xf32, #tpu.memory_space<vmem_shared>>)
      %add3A_502 = arith.constant 3 : i32
      %add3A_503 = arith.addi %add3A_481, %add3A_502 : i32
      %dma_start3A_504 = arith.constant 0 : i32
      %dma_start3A_505 = tpu.memref_slice %arg7[%add3A_503, %dma_start3A_504] : memref<160x64xi32, #tpu.memory_space<vmem>> -> memref<1x64xi32, #tpu.memory_space<vmem>>
      %dma_start3A_506 = tpu.memref_squeeze %dma_start3A_505 : memref<1x64xi32, #tpu.memory_space<vmem>> -> memref<64xi32, #tpu.memory_space<vmem>>
      %dma_start3A_507 = arith.constant 0 : i32
      %dma_start3A_508 = arith.constant 0 : i32
      %dma_start3A_509 = tpu.memref_slice %arg15[%dma_start3A_507, %dma_start3A_508] : memref<10240x64xf32, #tpu.memory_space<vmem_shared>> -> memref<10240x64xf32, #tpu.memory_space<vmem_shared>>
      tpu.enqueue_indirect_dma source(%dma_start3A_509 : memref<10240x64xf32, #tpu.memory_space<vmem_shared>>) target(%arg11 : memref<64x64xf32, #tpu.memory_space<vmem>>) offsets(%dma_start3A_506 : memref<64xi32, #tpu.memory_space<vmem>>) semaphore(%arg18 : memref<!tpu.dma_semaphore, #tpu.memory_space<semaphore_mem>>)
      %while3A_510 = arith.constant 0 : i32
      scf.yield %while3A_510 : i32
    }
    %while3A_205 = arith.constant 1 : i32
    %while3A_206 = scf.for %while3A_356 = %while3A_202 to %while3A_198 step %while3A_205 iter_args(%while3A_357 = %while3A_204) -> (i32)  : i32 {
      %mul3A_358 = arith.constant 5 : i32
      %mul3A_359 = arith.muli %while3A_356, %mul3A_358 : i32
      %add3A_360 = arith.constant 0 : i32
      %add3A_361 = arith.addi %mul3A_359, %add3A_360 : i32
      %dma_wait3A_362 = arith.constant 0 : i32
      %dma_wait3A_363 = tpu.memref_slice %arg7[%add3A_361, %dma_wait3A_362] : memref<160x64xi32, #tpu.memory_space<vmem>> -> memref<1x64xi32, #tpu.memory_space<vmem>>
      %dma_wait3A_364 = tpu.memref_squeeze %dma_wait3A_363 : memref<1x64xi32, #tpu.memory_space<vmem>> -> memref<64xi32, #tpu.memory_space<vmem>>
      %dma_wait3A_365 = arith.constant 0 : i32
      %dma_wait3A_366 = arith.constant 0 : i32
      %dma_wait3A_367 = tpu.memref_slice %arg15[%dma_wait3A_365, %dma_wait3A_366] : memref<10240x64xf32, #tpu.memory_space<vmem_shared>> -> memref<10240x64xf32, #tpu.memory_space<vmem_shared>>
      tpu.wait_indirect_dma semaphore(%arg16 : memref<!tpu.dma_semaphore, #tpu.memory_space<semaphore_mem>>) src(%dma_wait3A_367 : memref<10240x64xf32, #tpu.memory_space<vmem_shared>>) dst(%arg9 : memref<64x64xf32, #tpu.memory_space<vmem>>)
      %dma_start3A_368 = arith.constant 0 : i32
      %dma_start3A_369 = tpu.memref_slice %arg8[%add3A_361, %dma_start3A_368] : memref<160x64xi32, #tpu.memory_space<vmem>> -> memref<1x64xi32, #tpu.memory_space<vmem>>
      %dma_start3A_370 = tpu.memref_squeeze %dma_start3A_369 : memref<1x64xi32, #tpu.memory_space<vmem>> -> memref<64xi32, #tpu.memory_space<vmem>>
      %dma_start3A_371 = arith.constant 0 : i32
      %dma_start3A_372 = arith.constant 0 : i32
      %dma_start3A_373 = tpu.memref_slice %arg14[%dma_start3A_371, %dma_start3A_372] : memref<10240x64xf32, #tpu.memory_space<vmem_shared>> -> memref<10240x64xf32, #tpu.memory_space<vmem_shared>>
      tpu.enqueue_indirect_dma source(%arg9 : memref<64x64xf32, #tpu.memory_space<vmem>>) target(%dma_start3A_373 : memref<10240x64xf32, #tpu.memory_space<vmem_shared>>) offsets(%dma_start3A_370 : memref<64xi32, #tpu.memory_space<vmem>>) semaphore(%arg21 : memref<!tpu.dma_semaphore, #tpu.memory_space<semaphore_mem>>) {add = true}
      %sub3A_374 = arith.constant 2 : i32
      %sub3A_375 = arith.subi %add3A_361, %sub3A_374 : i32
      %dma_wait3A_376 = arith.constant 0 : i32
      %dma_wait3A_377 = tpu.memref_slice %arg8[%sub3A_375, %dma_wait3A_376] : memref<160x64xi32, #tpu.memory_space<vmem>> -> memref<1x64xi32, #tpu.memory_space<vmem>>
      %dma_wait3A_378 = tpu.memref_squeeze %dma_wait3A_377 : memref<1x64xi32, #tpu.memory_space<vmem>> -> memref<64xi32, #tpu.memory_space<vmem>>
      %dma_wait3A_379 = arith.constant 0 : i32
      %dma_wait3A_380 = arith.constant 0 : i32
      %dma_wait3A_381 = tpu.memref_slice %arg14[%dma_wait3A_379, %dma_wait3A_380] : memref<10240x64xf32, #tpu.memory_space<vmem_shared>> -> memref<10240x64xf32, #tpu.memory_space<vmem_shared>>
      tpu.wait_indirect_dma semaphore(%arg24 : memref<!tpu.dma_semaphore, #tpu.memory_space<semaphore_mem>>) src(%arg12 : memref<64x64xf32, #tpu.memory_space<vmem>>) dst(%dma_wait3A_381 : memref<10240x64xf32, #tpu.memory_space<vmem_shared>>)
      %add3A_382 = arith.constant 3 : i32
      %add3A_383 = arith.addi %add3A_361, %add3A_382 : i32
      %dma_start3A_384 = arith.constant 0 : i32
      %dma_start3A_385 = tpu.memref_slice %arg7[%add3A_383, %dma_start3A_384] : memref<160x64xi32, #tpu.memory_space<vmem>> -> memref<1x64xi32, #tpu.memory_space<vmem>>
      %dma_start3A_386 = tpu.memref_squeeze %dma_start3A_385 : memref<1x64xi32, #tpu.memory_space<vmem>> -> memref<64xi32, #tpu.memory_space<vmem>>
      %dma_start3A_387 = arith.constant 0 : i32
      %dma_start3A_388 = arith.constant 0 : i32
      %dma_start3A_389 = tpu.memref_slice %arg15[%dma_start3A_387, %dma_start3A_388] : memref<10240x64xf32, #tpu.memory_space<vmem_shared>> -> memref<10240x64xf32, #tpu.memory_space<vmem_shared>>
      tpu.enqueue_indirect_dma source(%dma_start3A_389 : memref<10240x64xf32, #tpu.memory_space<vmem_shared>>) target(%arg12 : memref<64x64xf32, #tpu.memory_space<vmem>>) offsets(%dma_start3A_386 : memref<64xi32, #tpu.memory_space<vmem>>) semaphore(%arg19 : memref<!tpu.dma_semaphore, #tpu.memory_space<semaphore_mem>>)
      %add3A_390 = arith.constant 1 : i32
      %add3A_391 = arith.addi %mul3A_359, %add3A_390 : i32
      %dma_wait3A_392 = arith.constant 0 : i32
      %dma_wait3A_393 = tpu.memref_slice %arg7[%add3A_391, %dma_wait3A_392] : memref<160x64xi32, #tpu.memory_space<vmem>> -> memref<1x64xi32, #tpu.memory_space<vmem>>
      %dma_wait3A_394 = tpu.memref_squeeze %dma_wait3A_393 : memref<1x64xi32, #tpu.memory_space<vmem>> -> memref<64xi32, #tpu.memory_space<vmem>>
      %dma_wait3A_395 = arith.constant 0 : i32
      %dma_wait3A_396 = arith.constant 0 : i32
      %dma_wait3A_397 = tpu.memref_slice %arg15[%dma_wait3A_395, %dma_wait3A_396] : memref<10240x64xf32, #tpu.memory_space<vmem_shared>> -> memref<10240x64xf32, #tpu.memory_space<vmem_shared>>
      tpu.wait_indirect_dma semaphore(%arg17 : memref<!tpu.dma_semaphore, #tpu.memory_space<semaphore_mem>>) src(%dma_wait3A_397 : memref<10240x64xf32, #tpu.memory_space<vmem_shared>>) dst(%arg10 : memref<64x64xf32, #tpu.memory_space<vmem>>)
      %dma_start3A_398 = arith.constant 0 : i32
      %dma_start3A_399 = tpu.memref_slice %arg8[%add3A_391, %dma_start3A_398] : memref<160x64xi32, #tpu.memory_space<vmem>> -> memref<1x64xi32, #tpu.memory_space<vmem>>
      %dma_start3A_400 = tpu.memref_squeeze %dma_start3A_399 : memref<1x64xi32, #tpu.memory_space<vmem>> -> memref<64xi32, #tpu.memory_space<vmem>>
      %dma_start3A_401 = arith.constant 0 : i32
      %dma_start3A_402 = arith.constant 0 : i32
      %dma_start3A_403 = tpu.memref_slice %arg14[%dma_start3A_401, %dma_start3A_402] : memref<10240x64xf32, #tpu.memory_space<vmem_shared>> -> memref<10240x64xf32, #tpu.memory_space<vmem_shared>>
      tpu.enqueue_indirect_dma source(%arg10 : memref<64x64xf32, #tpu.memory_space<vmem>>) target(%dma_start3A_403 : memref<10240x64xf32, #tpu.memory_space<vmem_shared>>) offsets(%dma_start3A_400 : memref<64xi32, #tpu.memory_space<vmem>>) semaphore(%arg22 : memref<!tpu.dma_semaphore, #tpu.memory_space<semaphore_mem>>) {add = true}
      %sub3A_404 = arith.constant 2 : i32
      %sub3A_405 = arith.subi %add3A_391, %sub3A_404 : i32
      %dma_wait3A_406 = arith.constant 0 : i32
      %dma_wait3A_407 = tpu.memref_slice %arg8[%sub3A_405, %dma_wait3A_406] : memref<160x64xi32, #tpu.memory_space<vmem>> -> memref<1x64xi32, #tpu.memory_space<vmem>>
      %dma_wait3A_408 = tpu.memref_squeeze %dma_wait3A_407 : memref<1x64xi32, #tpu.memory_space<vmem>> -> memref<64xi32, #tpu.memory_space<vmem>>
      %dma_wait3A_409 = arith.constant 0 : i32
      %dma_wait3A_410 = arith.constant 0 : i32
      %dma_wait3A_411 = tpu.memref_slice %arg14[%dma_wait3A_409, %dma_wait3A_410] : memref<10240x64xf32, #tpu.memory_space<vmem_shared>> -> memref<10240x64xf32, #tpu.memory_space<vmem_shared>>
      tpu.wait_indirect_dma semaphore(%arg25 : memref<!tpu.dma_semaphore, #tpu.memory_space<semaphore_mem>>) src(%arg13 : memref<64x64xf32, #tpu.memory_space<vmem>>) dst(%dma_wait3A_411 : memref<10240x64xf32, #tpu.memory_space<vmem_shared>>)
      %add3A_412 = arith.constant 3 : i32
      %add3A_413 = arith.addi %add3A_391, %add3A_412 : i32
      %dma_start3A_414 = arith.constant 0 : i32
      %dma_start3A_415 = tpu.memref_slice %arg7[%add3A_413, %dma_start3A_414] : memref<160x64xi32, #tpu.memory_space<vmem>> -> memref<1x64xi32, #tpu.memory_space<vmem>>
      %dma_start3A_416 = tpu.memref_squeeze %dma_start3A_415 : memref<1x64xi32, #tpu.memory_space<vmem>> -> memref<64xi32, #tpu.memory_space<vmem>>
      %dma_start3A_417 = arith.constant 0 : i32
      %dma_start3A_418 = arith.constant 0 : i32
      %dma_start3A_419 = tpu.memref_slice %arg15[%dma_start3A_417, %dma_start3A_418] : memref<10240x64xf32, #tpu.memory_space<vmem_shared>> -> memref<10240x64xf32, #tpu.memory_space<vmem_shared>>
      tpu.enqueue_indirect_dma source(%dma_start3A_419 : memref<10240x64xf32, #tpu.memory_space<vmem_shared>>) target(%arg13 : memref<64x64xf32, #tpu.memory_space<vmem>>) offsets(%dma_start3A_416 : memref<64xi32, #tpu.memory_space<vmem>>) semaphore(%arg20 : memref<!tpu.dma_semaphore, #tpu.memory_space<semaphore_mem>>)
      %add3A_420 = arith.constant 2 : i32
      %add3A_421 = arith.addi %mul3A_359, %add3A_420 : i32
      %dma_wait3A_422 = arith.constant 0 : i32
      %dma_wait3A_423 = tpu.memref_slice %arg7[%add3A_421, %dma_wait3A_422] : memref<160x64xi32, #tpu.memory_space<vmem>> -> memref<1x64xi32, #tpu.memory_space<vmem>>
      %dma_wait3A_424 = tpu.memref_squeeze %dma_wait3A_423 : memref<1x64xi32, #tpu.memory_space<vmem>> -> memref<64xi32, #tpu.memory_space<vmem>>
      %dma_wait3A_425 = arith.constant 0 : i32
      %dma_wait3A_426 = arith.constant 0 : i32
      %dma_wait3A_427 = tpu.memref_slice %arg15[%dma_wait3A_425, %dma_wait3A_426] : memref<10240x64xf32, #tpu.memory_space<vmem_shared>> -> memref<10240x64xf32, #tpu.memory_space<vmem_shared>>
      tpu.wait_indirect_dma semaphore(%arg18 : memref<!tpu.dma_semaphore, #tpu.memory_space<semaphore_mem>>) src(%dma_wait3A_427 : memref<10240x64xf32, #tpu.memory_space<vmem_shared>>) dst(%arg11 : memref<64x64xf32, #tpu.memory_space<vmem>>)
      %dma_start3A_428 = arith.constant 0 : i32
      %dma_start3A_429 = tpu.memref_slice %arg8[%add3A_421, %dma_start3A_428] : memref<160x64xi32, #tpu.memory_space<vmem>> -> memref<1x64xi32, #tpu.memory_space<vmem>>
      %dma_start3A_430 = tpu.memref_squeeze %dma_start3A_429 : memref<1x64xi32, #tpu.memory_space<vmem>> -> memref<64xi32, #tpu.memory_space<vmem>>
      %dma_start3A_431 = arith.constant 0 : i32
      %dma_start3A_432 = arith.constant 0 : i32
      %dma_start3A_433 = tpu.memref_slice %arg14[%dma_start3A_431, %dma_start3A_432] : memref<10240x64xf32, #tpu.memory_space<vmem_shared>> -> memref<10240x64xf32, #tpu.memory_space<vmem_shared>>
      tpu.enqueue_indirect_dma source(%arg11 : memref<64x64xf32, #tpu.memory_space<vmem>>) target(%dma_start3A_433 : memref<10240x64xf32, #tpu.memory_space<vmem_shared>>) offsets(%dma_start3A_430 : memref<64xi32, #tpu.memory_space<vmem>>) semaphore(%arg23 : memref<!tpu.dma_semaphore, #tpu.memory_space<semaphore_mem>>) {add = true}
      %sub3A_434 = arith.constant 2 : i32
      %sub3A_435 = arith.subi %add3A_421, %sub3A_434 : i32
      %dma_wait3A_436 = arith.constant 0 : i32
      %dma_wait3A_437 = tpu.memref_slice %arg8[%sub3A_435, %dma_wait3A_436] : memref<160x64xi32, #tpu.memory_space<vmem>> -> memref<1x64xi32, #tpu.memory_space<vmem>>
      %dma_wait3A_438 = tpu.memref_squeeze %dma_wait3A_437 : memref<1x64xi32, #tpu.memory_space<vmem>> -> memref<64xi32, #tpu.memory_space<vmem>>
      %dma_wait3A_439 = arith.constant 0 : i32
      %dma_wait3A_440 = arith.constant 0 : i32
      %dma_wait3A_441 = tpu.memref_slice %arg14[%dma_wait3A_439, %dma_wait3A_440] : memref<10240x64xf32, #tpu.memory_space<vmem_shared>> -> memref<10240x64xf32, #tpu.memory_space<vmem_shared>>
      tpu.wait_indirect_dma semaphore(%arg21 : memref<!tpu.dma_semaphore, #tpu.memory_space<semaphore_mem>>) src(%arg9 : memref<64x64xf32, #tpu.memory_space<vmem>>) dst(%dma_wait3A_441 : memref<10240x64xf32, #tpu.memory_space<vmem_shared>>)
      %add3A_442 = arith.constant 3 : i32
      %add3A_443 = arith.addi %add3A_421, %add3A_442 : i32
      %dma_start3A_444 = arith.constant 0 : i32
      %dma_start3A_445 = tpu.memref_slice %arg7[%add3A_443, %dma_start3A_444] : memref<160x64xi32, #tpu.memory_space<vmem>> -> memref<1x64xi32, #tpu.memory_space<vmem>>
      %dma_start3A_446 = tpu.memref_squeeze %dma_start3A_445 : memref<1x64xi32, #tpu.memory_space<vmem>> -> memref<64xi32, #tpu.memory_space<vmem>>
      %dma_start3A_447 = arith.constant 0 : i32
      %dma_start3A_448 = arith.constant 0 : i32
      %dma_start3A_449 = tpu.memref_slice %arg15[%dma_start3A_447, %dma_start3A_448] : memref<10240x64xf32, #tpu.memory_space<vmem_shared>> -> memref<10240x64xf32, #tpu.memory_space<vmem_shared>>
      tpu.enqueue_indirect_dma source(%dma_start3A_449 : memref<10240x64xf32, #tpu.memory_space<vmem_shared>>) target(%arg9 : memref<64x64xf32, #tpu.memory_space<vmem>>) offsets(%dma_start3A_446 : memref<64xi32, #tpu.memory_space<vmem>>) semaphore(%arg16 : memref<!tpu.dma_semaphore, #tpu.memory_space<semaphore_mem>>)
      %add3A_450 = arith.constant 3 : i32
      %add3A_451 = arith.addi %mul3A_359, %add3A_450 : i32
      %dma_wait3A_452 = arith.constant 0 : i32
      %dma_wait3A_453 = tpu.memref_slice %arg7[%add3A_451, %dma_wait3A_452] : memref<160x64xi32, #tpu.memory_space<vmem>> -> memref<1x64xi32, #tpu.memory_space<vmem>>
      %dma_wait3A_454 = tpu.memref_squeeze %dma_wait3A_453 : memref<1x64xi32, #tpu.memory_space<vmem>> -> memref<64xi32, #tpu.memory_space<vmem>>
      %dma_wait3A_455 = arith.constant 0 : i32
      %dma_wait3A_456 = arith.constant 0 : i32
      %dma_wait3A_457 = tpu.memref_slice %arg15[%dma_wait3A_455, %dma_wait3A_456] : memref<10240x64xf32, #tpu.memory_space<vmem_shared>> -> memref<10240x64xf32, #tpu.memory_space<vmem_shared>>
      tpu.wait_indirect_dma semaphore(%arg19 : memref<!tpu.dma_semaphore, #tpu.memory_space<semaphore_mem>>) src(%dma_wait3A_457 : memref<10240x64xf32, #tpu.memory_space<vmem_shared>>) dst(%arg12 : memref<64x64xf32, #tpu.memory_space<vmem>>)
      %dma_start3A_458 = arith.constant 0 : i32
      %dma_start3A_459 = tpu.memref_slice %arg8[%add3A_451, %dma_start3A_458] : memref<160x64xi32, #tpu.memory_space<vmem>> -> memref<1x64xi32, #tpu.memory_space<vmem>>
      %dma_start3A_460 = tpu.memref_squeeze %dma_start3A_459 : memref<1x64xi32, #tpu.memory_space<vmem>> -> memref<64xi32, #tpu.memory_space<vmem>>
      %dma_start3A_461 = arith.constant 0 : i32
      %dma_start3A_462 = arith.constant 0 : i32
      %dma_start3A_463 = tpu.memref_slice %arg14[%dma_start3A_461, %dma_start3A_462] : memref<10240x64xf32, #tpu.memory_space<vmem_shared>> -> memref<10240x64xf32, #tpu.memory_space<vmem_shared>>
      tpu.enqueue_indirect_dma source(%arg12 : memref<64x64xf32, #tpu.memory_space<vmem>>) target(%dma_start3A_463 : memref<10240x64xf32, #tpu.memory_space<vmem_shared>>) offsets(%dma_start3A_460 : memref<64xi32, #tpu.memory_space<vmem>>) semaphore(%arg24 : memref<!tpu.dma_semaphore, #tpu.memory_space<semaphore_mem>>) {add = true}
      %sub3A_464 = arith.constant 2 : i32
      %sub3A_465 = arith.subi %add3A_451, %sub3A_464 : i32
      %dma_wait3A_466 = arith.constant 0 : i32
      %dma_wait3A_467 = tpu.memref_slice %arg8[%sub3A_465, %dma_wait3A_466] : memref<160x64xi32, #tpu.memory_space<vmem>> -> memref<1x64xi32, #tpu.memory_space<vmem>>
      %dma_wait3A_468 = tpu.memref_squeeze %dma_wait3A_467 : memref<1x64xi32, #tpu.memory_space<vmem>> -> memref<64xi32, #tpu.memory_space<vmem>>
      %dma_wait3A_469 = arith.constant 0 : i32
      %dma_wait3A_470 = arith.constant 0 : i32
      %dma_wait3A_471 = tpu.memref_slice %arg14[%dma_wait3A_469, %dma_wait3A_470] : memref<10240x64xf32, #tpu.memory_space<vmem_shared>> -> memref<10240x64xf32, #tpu.memory_space<vmem_shared>>
      tpu.wait_indirect_dma semaphore(%arg22 : memref<!tpu.dma_semaphore, #tpu.memory_space<semaphore_mem>>) src(%arg10 : memref<64x64xf32, #tpu.memory_space<vmem>>) dst(%dma_wait3A_471 : memref<10240x64xf32, #tpu.memory_space<vmem_shared>>)
      %add3A_472 = arith.constant 3 : i32
      %add3A_473 = arith.addi %add3A_451, %add3A_472 : i32
      %dma_start3A_474 = arith.constant 0 : i32
      %dma_start3A_475 = tpu.memref_slice %arg7[%add3A_473, %dma_start3A_474] : memref<160x64xi32, #tpu.memory_space<vmem>> -> memref<1x64xi32, #tpu.memory_space<vmem>>
      %dma_start3A_476 = tpu.memref_squeeze %dma_start3A_475 : memref<1x64xi32, #tpu.memory_space<vmem>> -> memref<64xi32, #tpu.memory_space<vmem>>
      %dma_start3A_477 = arith.constant 0 : i32
      %dma_start3A_478 = arith.constant 0 : i32
      %dma_start3A_479 = tpu.memref_slice %arg15[%dma_start3A_477, %dma_start3A_478] : memref<10240x64xf32, #tpu.memory_space<vmem_shared>> -> memref<10240x64xf32, #tpu.memory_space<vmem_shared>>
      tpu.enqueue_indirect_dma source(%dma_start3A_479 : memref<10240x64xf32, #tpu.memory_space<vmem_shared>>) target(%arg10 : memref<64x64xf32, #tpu.memory_space<vmem>>) offsets(%dma_start3A_476 : memref<64xi32, #tpu.memory_space<vmem>>) semaphore(%arg17 : memref<!tpu.dma_semaphore, #tpu.memory_space<semaphore_mem>>)
      %add3A_480 = arith.constant 4 : i32
      %add3A_481 = arith.addi %mul3A_359, %add3A_480 : i32
      %dma_wait3A_482 = arith.constant 0 : i32
      %dma_wait3A_483 = tpu.memref_slice %arg7[%add3A_481, %dma_wait3A_482] : memref<160x64xi32, #tpu.memory_space<vmem>> -> memref<1x64xi32, #tpu.memory_space<vmem>>
      %dma_wait3A_484 = tpu.memref_squeeze %dma_wait3A_483 : memref<1x64xi32, #tpu.memory_space<vmem>> -> memref<64xi32, #tpu.memory_space<vmem>>
      %dma_wait3A_485 = arith.constant 0 : i32
      %dma_wait3A_486 = arith.constant 0 : i32
      %dma_wait3A_487 = tpu.memref_slice %arg15[%dma_wait3A_485, %dma_wait3A_486] : memref<10240x64xf32, #tpu.memory_space<vmem_shared>> -> memref<10240x64xf32, #tpu.memory_space<vmem_shared>>
      tpu.wait_indirect_dma semaphore(%arg20 : memref<!tpu.dma_semaphore, #tpu.memory_space<semaphore_mem>>) src(%dma_wait3A_487 : memref<10240x64xf32, #tpu.memory_space<vmem_shared>>) dst(%arg13 : memref<64x64xf32, #tpu.memory_space<vmem>>)
      %dma_start3A_488 = arith.constant 0 : i32
      %dma_start3A_489 = tpu.memref_slice %arg8[%add3A_481, %dma_start3A_488] : memref<160x64xi32, #tpu.memory_space<vmem>> -> memref<1x64xi32, #tpu.memory_space<vmem>>
      %dma_start3A_490 = tpu.memref_squeeze %dma_start3A_489 : memref<1x64xi32, #tpu.memory_space<vmem>> -> memref<64xi32, #tpu.memory_space<vmem>>
      %dma_start3A_491 = arith.constant 0 : i32
      %dma_start3A_492 = arith.constant 0 : i32
      %dma_start3A_493 = tpu.memref_slice %arg14[%dma_start3A_491, %dma_start3A_492] : memref<10240x64xf32, #tpu.memory_space<vmem_shared>> -> memref<10240x64xf32, #tpu.memory_space<vmem_shared>>
      tpu.enqueue_indirect_dma source(%arg13 : memref<64x64xf32, #tpu.memory_space<vmem>>) target(%dma_start3A_493 : memref<10240x64xf32, #tpu.memory_space<vmem_shared>>) offsets(%dma_start3A_490 : memref<64xi32, #tpu.memory_space<vmem>>) semaphore(%arg25 : memref<!tpu.dma_semaphore, #tpu.memory_space<semaphore_mem>>) {add = true}
      %sub3A_494 = arith.constant 2 : i32
      %sub3A_495 = arith.subi %add3A_481, %sub3A_494 : i32
      %dma_wait3A_496 = arith.constant 0 : i32
      %dma_wait3A_497 = tpu.memref_slice %arg8[%sub3A_495, %dma_wait3A_496] : memref<160x64xi32, #tpu.memory_space<vmem>> -> memref<1x64xi32, #tpu.memory_space<vmem>>
      %dma_wait3A_498 = tpu.memref_squeeze %dma_wait3A_497 : memref<1x64xi32, #tpu.memory_space<vmem>> -> memref<64xi32, #tpu.memory_space<vmem>>
      %dma_wait3A_499 = arith.constant 0 : i32
      %dma_wait3A_500 = arith.constant 0 : i32
      %dma_wait3A_501 = tpu.memref_slice %arg14[%dma_wait3A_499, %dma_wait3A_500] : memref<10240x64xf32, #tpu.memory_space<vmem_shared>> -> memref<10240x64xf32, #tpu.memory_space<vmem_shared>>
      tpu.wait_indirect_dma semaphore(%arg23 : memref<!tpu.dma_semaphore, #tpu.memory_space<semaphore_mem>>) src(%arg11 : memref<64x64xf32, #tpu.memory_space<vmem>>) dst(%dma_wait3A_501 : memref<10240x64xf32, #tpu.memory_space<vmem_shared>>)
      %add3A_502 = arith.constant 3 : i32
      %add3A_503 = arith.addi %add3A_481, %add3A_502 : i32
      %dma_start3A_504 = arith.constant 0 : i32
      %dma_start3A_505 = tpu.memref_slice %arg7[%add3A_503, %dma_start3A_504] : memref<160x64xi32, #tpu.memory_space<vmem>> -> memref<1x64xi32, #tpu.memory_space<vmem>>
      %dma_start3A_506 = tpu.memref_squeeze %dma_start3A_505 : memref<1x64xi32, #tpu.memory_space<vmem>> -> memref<64xi32, #tpu.memory_space<vmem>>
      %dma_start3A_507 = arith.constant 0 : i32
      %dma_start3A_508 = arith.constant 0 : i32
      %dma_start3A_509 = tpu.memref_slice %arg15[%dma_start3A_507, %dma_start3A_508] : memref<10240x64xf32, #tpu.memory_space<vmem_shared>> -> memref<10240x64xf32, #tpu.memory_space<vmem_shared>>
      tpu.enqueue_indirect_dma source(%dma_start3A_509 : memref<10240x64xf32, #tpu.memory_space<vmem_shared>>) target(%arg11 : memref<64x64xf32, #tpu.memory_space<vmem>>) offsets(%dma_start3A_506 : memref<64xi32, #tpu.memory_space<vmem>>) semaphore(%arg18 : memref<!tpu.dma_semaphore, #tpu.memory_space<semaphore_mem>>)
      %while3A_510 = arith.constant 0 : i32
      scf.yield %while3A_510 : i32
    }
    %sub3A_207 = arith.constant 5 : i32
    %sub3A_208 = arith.subi %select_n3A, %sub3A_207 : i32
    %add3A_209 = arith.constant 0 : i32
    %add3A_210 = arith.addi %sub3A_208, %add3A_209 : i32
    %dma_wait3A_211 = arith.constant 0 : i32
    %dma_wait3A_212 = tpu.memref_slice %arg7[%add3A_210, %dma_wait3A_211] : memref<160x64xi32, #tpu.memory_space<vmem>> -> memref<1x64xi32, #tpu.memory_space<vmem>>
    %dma_wait3A_213 = tpu.memref_squeeze %dma_wait3A_212 : memref<1x64xi32, #tpu.memory_space<vmem>> -> memref<64xi32, #tpu.memory_space<vmem>>
    %dma_wait3A_214 = arith.constant 0 : i32
    %dma_wait3A_215 = arith.constant 0 : i32
    %dma_wait3A_216 = tpu.memref_slice %arg15[%dma_wait3A_214, %dma_wait3A_215] : memref<10240x64xf32, #tpu.memory_space<vmem_shared>> -> memref<10240x64xf32, #tpu.memory_space<vmem_shared>>
    tpu.wait_indirect_dma semaphore(%arg16 : memref<!tpu.dma_semaphore, #tpu.memory_space<semaphore_mem>>) src(%dma_wait3A_216 : memref<10240x64xf32, #tpu.memory_space<vmem_shared>>) dst(%arg9 : memref<64x64xf32, #tpu.memory_space<vmem>>)
    %dma_start3A_217 = arith.constant 0 : i32
    %dma_start3A_218 = tpu.memref_slice %arg8[%add3A_210, %dma_start3A_217] : memref<160x64xi32, #tpu.memory_space<vmem>> -> memref<1x64xi32, #tpu.memory_space<vmem>>
    %dma_start3A_219 = tpu.memref_squeeze %dma_start3A_218 : memref<1x64xi32, #tpu.memory_space<vmem>> -> memref<64xi32, #tpu.memory_space<vmem>>
    %dma_start3A_220 = arith.constant 0 : i32
    %dma_start3A_221 = arith.constant 0 : i32
    %dma_start3A_222 = tpu.memref_slice %arg14[%dma_start3A_220, %dma_start3A_221] : memref<10240x64xf32, #tpu.memory_space<vmem_shared>> -> memref<10240x64xf32, #tpu.memory_space<vmem_shared>>
    tpu.enqueue_indirect_dma source(%arg9 : memref<64x64xf32, #tpu.memory_space<vmem>>) target(%dma_start3A_222 : memref<10240x64xf32, #tpu.memory_space<vmem_shared>>) offsets(%dma_start3A_219 : memref<64xi32, #tpu.memory_space<vmem>>) semaphore(%arg21 : memref<!tpu.dma_semaphore, #tpu.memory_space<semaphore_mem>>) {add = true}
    %sub3A_223 = arith.constant 2 : i32
    %sub3A_224 = arith.subi %add3A_210, %sub3A_223 : i32
    %dma_wait3A_225 = arith.constant 0 : i32
    %dma_wait3A_226 = tpu.memref_slice %arg8[%sub3A_224, %dma_wait3A_225] : memref<160x64xi32, #tpu.memory_space<vmem>> -> memref<1x64xi32, #tpu.memory_space<vmem>>
    %dma_wait3A_227 = tpu.memref_squeeze %dma_wait3A_226 : memref<1x64xi32, #tpu.memory_space<vmem>> -> memref<64xi32, #tpu.memory_space<vmem>>
    %dma_wait3A_228 = arith.constant 0 : i32
    %dma_wait3A_229 = arith.constant 0 : i32
    %dma_wait3A_230 = tpu.memref_slice %arg14[%dma_wait3A_228, %dma_wait3A_229] : memref<10240x64xf32, #tpu.memory_space<vmem_shared>> -> memref<10240x64xf32, #tpu.memory_space<vmem_shared>>
    tpu.wait_indirect_dma semaphore(%arg24 : memref<!tpu.dma_semaphore, #tpu.memory_space<semaphore_mem>>) src(%arg12 : memref<64x64xf32, #tpu.memory_space<vmem>>) dst(%dma_wait3A_230 : memref<10240x64xf32, #tpu.memory_space<vmem_shared>>)
    %add3A_231 = arith.constant 3 : i32
    %add3A_232 = arith.addi %add3A_210, %add3A_231 : i32
    %dma_start3A_233 = arith.constant 0 : i32
    %dma_start3A_234 = tpu.memref_slice %arg7[%add3A_232, %dma_start3A_233] : memref<160x64xi32, #tpu.memory_space<vmem>> -> memref<1x64xi32, #tpu.memory_space<vmem>>
    %dma_start3A_235 = tpu.memref_squeeze %dma_start3A_234 : memref<1x64xi32, #tpu.memory_space<vmem>> -> memref<64xi32, #tpu.memory_space<vmem>>
    %dma_start3A_236 = arith.constant 0 : i32
    %dma_start3A_237 = arith.constant 0 : i32
    %dma_start3A_238 = tpu.memref_slice %arg15[%dma_start3A_236, %dma_start3A_237] : memref<10240x64xf32, #tpu.memory_space<vmem_shared>> -> memref<10240x64xf32, #tpu.memory_space<vmem_shared>>
    tpu.enqueue_indirect_dma source(%dma_start3A_238 : memref<10240x64xf32, #tpu.memory_space<vmem_shared>>) target(%arg12 : memref<64x64xf32, #tpu.memory_space<vmem>>) offsets(%dma_start3A_235 : memref<64xi32, #tpu.memory_space<vmem>>) semaphore(%arg19 : memref<!tpu.dma_semaphore, #tpu.memory_space<semaphore_mem>>)
    %add3A_239 = arith.constant 1 : i32
    %add3A_240 = arith.addi %sub3A_208, %add3A_239 : i32
    %dma_wait3A_241 = arith.constant 0 : i32
    %dma_wait3A_242 = tpu.memref_slice %arg7[%add3A_240, %dma_wait3A_241] : memref<160x64xi32, #tpu.memory_space<vmem>> -> memref<1x64xi32, #tpu.memory_space<vmem>>
    %dma_wait3A_243 = tpu.memref_squeeze %dma_wait3A_242 : memref<1x64xi32, #tpu.memory_space<vmem>> -> memref<64xi32, #tpu.memory_space<vmem>>
    %dma_wait3A_244 = arith.constant 0 : i32
    %dma_wait3A_245 = arith.constant 0 : i32
    %dma_wait3A_246 = tpu.memref_slice %arg15[%dma_wait3A_244, %dma_wait3A_245] : memref<10240x64xf32, #tpu.memory_space<vmem_shared>> -> memref<10240x64xf32, #tpu.memory_space<vmem_shared>>
    tpu.wait_indirect_dma semaphore(%arg17 : memref<!tpu.dma_semaphore, #tpu.memory_space<semaphore_mem>>) src(%dma_wait3A_246 : memref<10240x64xf32, #tpu.memory_space<vmem_shared>>) dst(%arg10 : memref<64x64xf32, #tpu.memory_space<vmem>>)
    %dma_start3A_247 = arith.constant 0 : i32
    %dma_start3A_248 = tpu.memref_slice %arg8[%add3A_240, %dma_start3A_247] : memref<160x64xi32, #tpu.memory_space<vmem>> -> memref<1x64xi32, #tpu.memory_space<vmem>>
    %dma_start3A_249 = tpu.memref_squeeze %dma_start3A_248 : memref<1x64xi32, #tpu.memory_space<vmem>> -> memref<64xi32, #tpu.memory_space<vmem>>
    %dma_start3A_250 = arith.constant 0 : i32
    %dma_start3A_251 = arith.constant 0 : i32
    %dma_start3A_252 = tpu.memref_slice %arg14[%dma_start3A_250, %dma_start3A_251] : memref<10240x64xf32, #tpu.memory_space<vmem_shared>> -> memref<10240x64xf32, #tpu.memory_space<vmem_shared>>
    tpu.enqueue_indirect_dma source(%arg10 : memref<64x64xf32, #tpu.memory_space<vmem>>) target(%dma_start3A_252 : memref<10240x64xf32, #tpu.memory_space<vmem_shared>>) offsets(%dma_start3A_249 : memref<64xi32, #tpu.memory_space<vmem>>) semaphore(%arg22 : memref<!tpu.dma_semaphore, #tpu.memory_space<semaphore_mem>>) {add = true}
    %sub3A_253 = arith.constant 2 : i32
    %sub3A_254 = arith.subi %add3A_240, %sub3A_253 : i32
    %dma_wait3A_255 = arith.constant 0 : i32
    %dma_wait3A_256 = tpu.memref_slice %arg8[%sub3A_254, %dma_wait3A_255] : memref<160x64xi32, #tpu.memory_space<vmem>> -> memref<1x64xi32, #tpu.memory_space<vmem>>
    %dma_wait3A_257 = tpu.memref_squeeze %dma_wait3A_256 : memref<1x64xi32, #tpu.memory_space<vmem>> -> memref<64xi32, #tpu.memory_space<vmem>>
    %dma_wait3A_258 = arith.constant 0 : i32
    %dma_wait3A_259 = arith.constant 0 : i32
    %dma_wait3A_260 = tpu.memref_slice %arg14[%dma_wait3A_258, %dma_wait3A_259] : memref<10240x64xf32, #tpu.memory_space<vmem_shared>> -> memref<10240x64xf32, #tpu.memory_space<vmem_shared>>
    tpu.wait_indirect_dma semaphore(%arg25 : memref<!tpu.dma_semaphore, #tpu.memory_space<semaphore_mem>>) src(%arg13 : memref<64x64xf32, #tpu.memory_space<vmem>>) dst(%dma_wait3A_260 : memref<10240x64xf32, #tpu.memory_space<vmem_shared>>)
    %add3A_261 = arith.constant 3 : i32
    %add3A_262 = arith.addi %add3A_240, %add3A_261 : i32
    %dma_start3A_263 = arith.constant 0 : i32
    %dma_start3A_264 = tpu.memref_slice %arg7[%add3A_262, %dma_start3A_263] : memref<160x64xi32, #tpu.memory_space<vmem>> -> memref<1x64xi32, #tpu.memory_space<vmem>>
    %dma_start3A_265 = tpu.memref_squeeze %dma_start3A_264 : memref<1x64xi32, #tpu.memory_space<vmem>> -> memref<64xi32, #tpu.memory_space<vmem>>
    %dma_start3A_266 = arith.constant 0 : i32
    %dma_start3A_267 = arith.constant 0 : i32
    %dma_start3A_268 = tpu.memref_slice %arg15[%dma_start3A_266, %dma_start3A_267] : memref<10240x64xf32, #tpu.memory_space<vmem_shared>> -> memref<10240x64xf32, #tpu.memory_space<vmem_shared>>
    tpu.enqueue_indirect_dma source(%dma_start3A_268 : memref<10240x64xf32, #tpu.memory_space<vmem_shared>>) target(%arg13 : memref<64x64xf32, #tpu.memory_space<vmem>>) offsets(%dma_start3A_265 : memref<64xi32, #tpu.memory_space<vmem>>) semaphore(%arg20 : memref<!tpu.dma_semaphore, #tpu.memory_space<semaphore_mem>>)
    %add3A_269 = arith.constant 2 : i32
    %add3A_270 = arith.addi %sub3A_208, %add3A_269 : i32
    %dma_wait3A_271 = arith.constant 0 : i32
    %dma_wait3A_272 = tpu.memref_slice %arg7[%add3A_270, %dma_wait3A_271] : memref<160x64xi32, #tpu.memory_space<vmem>> -> memref<1x64xi32, #tpu.memory_space<vmem>>
    %dma_wait3A_273 = tpu.memref_squeeze %dma_wait3A_272 : memref<1x64xi32, #tpu.memory_space<vmem>> -> memref<64xi32, #tpu.memory_space<vmem>>
    %dma_wait3A_274 = arith.constant 0 : i32
    %dma_wait3A_275 = arith.constant 0 : i32
    %dma_wait3A_276 = tpu.memref_slice %arg15[%dma_wait3A_274, %dma_wait3A_275] : memref<10240x64xf32, #tpu.memory_space<vmem_shared>> -> memref<10240x64xf32, #tpu.memory_space<vmem_shared>>
    tpu.wait_indirect_dma semaphore(%arg18 : memref<!tpu.dma_semaphore, #tpu.memory_space<semaphore_mem>>) src(%dma_wait3A_276 : memref<10240x64xf32, #tpu.memory_space<vmem_shared>>) dst(%arg11 : memref<64x64xf32, #tpu.memory_space<vmem>>)
    %dma_start3A_277 = arith.constant 0 : i32
    %dma_start3A_278 = tpu.memref_slice %arg8[%add3A_270, %dma_start3A_277] : memref<160x64xi32, #tpu.memory_space<vmem>> -> memref<1x64xi32, #tpu.memory_space<vmem>>
    %dma_start3A_279 = tpu.memref_squeeze %dma_start3A_278 : memref<1x64xi32, #tpu.memory_space<vmem>> -> memref<64xi32, #tpu.memory_space<vmem>>
    %dma_start3A_280 = arith.constant 0 : i32
    %dma_start3A_281 = arith.constant 0 : i32
    %dma_start3A_282 = tpu.memref_slice %arg14[%dma_start3A_280, %dma_start3A_281] : memref<10240x64xf32, #tpu.memory_space<vmem_shared>> -> memref<10240x64xf32, #tpu.memory_space<vmem_shared>>
    tpu.enqueue_indirect_dma source(%arg11 : memref<64x64xf32, #tpu.memory_space<vmem>>) target(%dma_start3A_282 : memref<10240x64xf32, #tpu.memory_space<vmem_shared>>) offsets(%dma_start3A_279 : memref<64xi32, #tpu.memory_space<vmem>>) semaphore(%arg23 : memref<!tpu.dma_semaphore, #tpu.memory_space<semaphore_mem>>) {add = true}
    %add3A_283 = arith.constant 3 : i32
    %add3A_284 = arith.addi %sub3A_208, %add3A_283 : i32
    %dma_wait3A_285 = arith.constant 0 : i32
    %dma_wait3A_286 = tpu.memref_slice %arg7[%add3A_284, %dma_wait3A_285] : memref<160x64xi32, #tpu.memory_space<vmem>> -> memref<1x64xi32, #tpu.memory_space<vmem>>
    %dma_wait3A_287 = tpu.memref_squeeze %dma_wait3A_286 : memref<1x64xi32, #tpu.memory_space<vmem>> -> memref<64xi32, #tpu.memory_space<vmem>>
    %dma_wait3A_288 = arith.constant 0 : i32
    %dma_wait3A_289 = arith.constant 0 : i32
    %dma_wait3A_290 = tpu.memref_slice %arg15[%dma_wait3A_288, %dma_wait3A_289] : memref<10240x64xf32, #tpu.memory_space<vmem_shared>> -> memref<10240x64xf32, #tpu.memory_space<vmem_shared>>
    tpu.wait_indirect_dma semaphore(%arg19 : memref<!tpu.dma_semaphore, #tpu.memory_space<semaphore_mem>>) src(%dma_wait3A_290 : memref<10240x64xf32, #tpu.memory_space<vmem_shared>>) dst(%arg12 : memref<64x64xf32, #tpu.memory_space<vmem>>)
    %dma_start3A_291 = arith.constant 0 : i32
    %dma_start3A_292 = tpu.memref_slice %arg8[%add3A_284, %dma_start3A_291] : memref<160x64xi32, #tpu.memory_space<vmem>> -> memref<1x64xi32, #tpu.memory_space<vmem>>
    %dma_start3A_293 = tpu.memref_squeeze %dma_start3A_292 : memref<1x64xi32, #tpu.memory_space<vmem>> -> memref<64xi32, #tpu.memory_space<vmem>>
    %dma_start3A_294 = arith.constant 0 : i32
    %dma_start3A_295 = arith.constant 0 : i32
    %dma_start3A_296 = tpu.memref_slice %arg14[%dma_start3A_294, %dma_start3A_295] : memref<10240x64xf32, #tpu.memory_space<vmem_shared>> -> memref<10240x64xf32, #tpu.memory_space<vmem_shared>>
    tpu.enqueue_indirect_dma source(%arg12 : memref<64x64xf32, #tpu.memory_space<vmem>>) target(%dma_start3A_296 : memref<10240x64xf32, #tpu.memory_space<vmem_shared>>) offsets(%dma_start3A_293 : memref<64xi32, #tpu.memory_space<vmem>>) semaphore(%arg24 : memref<!tpu.dma_semaphore, #tpu.memory_space<semaphore_mem>>) {add = true}
    %add3A_297 = arith.constant 4 : i32
    %add3A_298 = arith.addi %sub3A_208, %add3A_297 : i32
    %dma_wait3A_299 = arith.constant 0 : i32
    %dma_wait3A_300 = tpu.memref_slice %arg7[%add3A_298, %dma_wait3A_299] : memref<160x64xi32, #tpu.memory_space<vmem>> -> memref<1x64xi32, #tpu.memory_space<vmem>>
    %dma_wait3A_301 = tpu.memref_squeeze %dma_wait3A_300 : memref<1x64xi32, #tpu.memory_space<vmem>> -> memref<64xi32, #tpu.memory_space<vmem>>
    %dma_wait3A_302 = arith.constant 0 : i32
    %dma_wait3A_303 = arith.constant 0 : i32
    %dma_wait3A_304 = tpu.memref_slice %arg15[%dma_wait3A_302, %dma_wait3A_303] : memref<10240x64xf32, #tpu.memory_space<vmem_shared>> -> memref<10240x64xf32, #tpu.memory_space<vmem_shared>>
    tpu.wait_indirect_dma semaphore(%arg20 : memref<!tpu.dma_semaphore, #tpu.memory_space<semaphore_mem>>) src(%dma_wait3A_304 : memref<10240x64xf32, #tpu.memory_space<vmem_shared>>) dst(%arg13 : memref<64x64xf32, #tpu.memory_space<vmem>>)
    %dma_start3A_305 = arith.constant 0 : i32
    %dma_start3A_306 = tpu.memref_slice %arg8[%add3A_298, %dma_start3A_305] : memref<160x64xi32, #tpu.memory_space<vmem>> -> memref<1x64xi32, #tpu.memory_space<vmem>>
    %dma_start3A_307 = tpu.memref_squeeze %dma_start3A_306 : memref<1x64xi32, #tpu.memory_space<vmem>> -> memref<64xi32, #tpu.memory_space<vmem>>
    %dma_start3A_308 = arith.constant 0 : i32
    %dma_start3A_309 = arith.constant 0 : i32
    %dma_start3A_310 = tpu.memref_slice %arg14[%dma_start3A_308, %dma_start3A_309] : memref<10240x64xf32, #tpu.memory_space<vmem_shared>> -> memref<10240x64xf32, #tpu.memory_space<vmem_shared>>
    tpu.enqueue_indirect_dma source(%arg13 : memref<64x64xf32, #tpu.memory_space<vmem>>) target(%dma_start3A_310 : memref<10240x64xf32, #tpu.memory_space<vmem_shared>>) offsets(%dma_start3A_307 : memref<64xi32, #tpu.memory_space<vmem>>) semaphore(%arg25 : memref<!tpu.dma_semaphore, #tpu.memory_space<semaphore_mem>>) {add = true}
    %add3A_311 = arith.constant 0 : i32
    %add3A_312 = arith.addi %sub3A_208, %add3A_311 : i32
    %dma_wait3A_313 = arith.constant 0 : i32
    %dma_wait3A_314 = tpu.memref_slice %arg8[%add3A_312, %dma_wait3A_313] : memref<160x64xi32, #tpu.memory_space<vmem>> -> memref<1x64xi32, #tpu.memory_space<vmem>>
    %dma_wait3A_315 = tpu.memref_squeeze %dma_wait3A_314 : memref<1x64xi32, #tpu.memory_space<vmem>> -> memref<64xi32, #tpu.memory_space<vmem>>
    %dma_wait3A_316 = arith.constant 0 : i32
    %dma_wait3A_317 = arith.constant 0 : i32
    %dma_wait3A_318 = tpu.memref_slice %arg14[%dma_wait3A_316, %dma_wait3A_317] : memref<10240x64xf32, #tpu.memory_space<vmem_shared>> -> memref<10240x64xf32, #tpu.memory_space<vmem_shared>>
    tpu.wait_indirect_dma semaphore(%arg21 : memref<!tpu.dma_semaphore, #tpu.memory_space<semaphore_mem>>) src(%arg9 : memref<64x64xf32, #tpu.memory_space<vmem>>) dst(%dma_wait3A_318 : memref<10240x64xf32, #tpu.memory_space<vmem_shared>>)
    %add3A_319 = arith.constant 1 : i32
    %add3A_320 = arith.addi %sub3A_208, %add3A_319 : i32
    %dma_wait3A_321 = arith.constant 0 : i32
    %dma_wait3A_322 = tpu.memref_slice %arg8[%add3A_320, %dma_wait3A_321] : memref<160x64xi32, #tpu.memory_space<vmem>> -> memref<1x64xi32, #tpu.memory_space<vmem>>
    %dma_wait3A_323 = tpu.memref_squeeze %dma_wait3A_322 : memref<1x64xi32, #tpu.memory_space<vmem>> -> memref<64xi32, #tpu.memory_space<vmem>>
    %dma_wait3A_324 = arith.constant 0 : i32
    %dma_wait3A_325 = arith.constant 0 : i32
    %dma_wait3A_326 = tpu.memref_slice %arg14[%dma_wait3A_324, %dma_wait3A_325] : memref<10240x64xf32, #tpu.memory_space<vmem_shared>> -> memref<10240x64xf32, #tpu.memory_space<vmem_shared>>
    tpu.wait_indirect_dma semaphore(%arg22 : memref<!tpu.dma_semaphore, #tpu.memory_space<semaphore_mem>>) src(%arg10 : memref<64x64xf32, #tpu.memory_space<vmem>>) dst(%dma_wait3A_326 : memref<10240x64xf32, #tpu.memory_space<vmem_shared>>)
    %add3A_327 = arith.constant 2 : i32
    %add3A_328 = arith.addi %sub3A_208, %add3A_327 : i32
    %dma_wait3A_329 = arith.constant 0 : i32
    %dma_wait3A_330 = tpu.memref_slice %arg8[%add3A_328, %dma_wait3A_329] : memref<160x64xi32, #tpu.memory_space<vmem>> -> memref<1x64xi32, #tpu.memory_space<vmem>>
    %dma_wait3A_331 = tpu.memref_squeeze %dma_wait3A_330 : memref<1x64xi32, #tpu.memory_space<vmem>> -> memref<64xi32, #tpu.memory_space<vmem>>
    %dma_wait3A_332 = arith.constant 0 : i32
    %dma_wait3A_333 = arith.constant 0 : i32
    %dma_wait3A_334 = tpu.memref_slice %arg14[%dma_wait3A_332, %dma_wait3A_333] : memref<10240x64xf32, #tpu.memory_space<vmem_shared>> -> memref<10240x64xf32, #tpu.memory_space<vmem_shared>>
    tpu.wait_indirect_dma semaphore(%arg23 : memref<!tpu.dma_semaphore, #tpu.memory_space<semaphore_mem>>) src(%arg11 : memref<64x64xf32, #tpu.memory_space<vmem>>) dst(%dma_wait3A_334 : memref<10240x64xf32, #tpu.memory_space<vmem_shared>>)
    %add3A_335 = arith.constant 3 : i32
    %add3A_336 = arith.addi %sub3A_208, %add3A_335 : i32
    %dma_wait3A_337 = arith.constant 0 : i32
    %dma_wait3A_338 = tpu.memref_slice %arg8[%add3A_336, %dma_wait3A_337] : memref<160x64xi32, #tpu.memory_space<vmem>> -> memref<1x64xi32, #tpu.memory_space<vmem>>
    %dma_wait3A_339 = tpu.memref_squeeze %dma_wait3A_338 : memref<1x64xi32, #tpu.memory_space<vmem>> -> memref<64xi32, #tpu.memory_space<vmem>>
    %dma_wait3A_340 = arith.constant 0 : i32
    %dma_wait3A_341 = arith.constant 0 : i32
    %dma_wait3A_342 = tpu.memref_slice %arg14[%dma_wait3A_340, %dma_wait3A_341] : memref<10240x64xf32, #tpu.memory_space<vmem_shared>> -> memref<10240x64xf32, #tpu.memory_space<vmem_shared>>
    tpu.wait_indirect_dma semaphore(%arg24 : memref<!tpu.dma_semaphore, #tpu.memory_space<semaphore_mem>>) src(%arg12 : memref<64x64xf32, #tpu.memory_space<vmem>>) dst(%dma_wait3A_342 : memref<10240x64xf32, #tpu.memory_space<vmem_shared>>)
    %add3A_343 = arith.constant 4 : i32
    %add3A_344 = arith.addi %sub3A_208, %add3A_343 : i32
    %dma_wait3A_345 = arith.constant 0 : i32
    %dma_wait3A_346 = tpu.memref_slice %arg8[%add3A_344, %dma_wait3A_345] : memref<160x64xi32, #tpu.memory_space<vmem>> -> memref<1x64xi32, #tpu.memory_space<vmem>>
    %dma_wait3A_347 = tpu.memref_squeeze %dma_wait3A_346 : memref<1x64xi32, #tpu.memory_space<vmem>> -> memref<64xi32, #tpu.memory_space<vmem>>
    %dma_wait3A_348 = arith.constant 0 : i32
    %dma_wait3A_349 = arith.constant 0 : i32
    %dma_wait3A_350 = tpu.memref_slice %arg14[%dma_wait3A_348, %dma_wait3A_349] : memref<10240x64xf32, #tpu.memory_space<vmem_shared>> -> memref<10240x64xf32, #tpu.memory_space<vmem_shared>>
    tpu.wait_indirect_dma semaphore(%arg25 : memref<!tpu.dma_semaphore, #tpu.memory_space<semaphore_mem>>) src(%arg13 : memref<64x64xf32, #tpu.memory_space<vmem>>) dst(%dma_wait3A_350 : memref<10240x64xf32, #tpu.memory_space<vmem_shared>>)
    %barrier3A_351 = arith.constant 0 : index
    tpu.barrier barrier_id(%barrier3A_351)
    %mul3A_352 = arith.constant 640 : i32
    %mul3A_353 = arith.muli %arg1, %mul3A_352 : i32
    %mul3A_354 = arith.constant 640 : i32
    %mul3A_355 = arith.muli %arg1, %mul3A_354 : i32
    "tpu.region"() ({
      %run_scoped3A = tpu.sem_alloc : memref<!tpu.dma_semaphore, #tpu.memory_space<semaphore_mem>>
      %dma_start3A_356 = arith.constant 0 : i32
      %dma_start3A_357 = tpu.memref_slice %arg6[%arg0, %mul3A_355, %dma_start3A_356] : memref<2x10240x64xf32, #tpu.memory_space<hbm>> -> memref<1x640x64xf32, #tpu.memory_space<hbm>>
      %dma_start3A_358 = tpu.memref_squeeze %dma_start3A_357 : memref<1x640x64xf32, #tpu.memory_space<hbm>> -> memref<640x64xf32, #tpu.memory_space<hbm>>
      %dma_start3A_359 = arith.constant 0 : i32
      %dma_start3A_360 = tpu.memref_slice %arg14[%mul3A_353, %dma_start3A_359] : memref<10240x64xf32, #tpu.memory_space<vmem_shared>> -> memref<640x64xf32, #tpu.memory_space<vmem_shared>>
      tpu.enqueue_dma source(%dma_start3A_360 : memref<640x64xf32, #tpu.memory_space<vmem_shared>>) target(%dma_start3A_358 : memref<640x64xf32, #tpu.memory_space<hbm>>) target_semaphore(%run_scoped3A : memref<!tpu.dma_semaphore, #tpu.memory_space<semaphore_mem>>)
      %dma_wait3A_361 = arith.constant 0 : i32
      %dma_wait3A_362 = tpu.memref_slice %arg6[%arg0, %mul3A_355, %dma_wait3A_361] : memref<2x10240x64xf32, #tpu.memory_space<hbm>> -> memref<1x640x64xf32, #tpu.memory_space<hbm>>
      %dma_wait3A_363 = tpu.memref_squeeze %dma_wait3A_362 : memref<1x640x64xf32, #tpu.memory_space<hbm>> -> memref<640x64xf32, #tpu.memory_space<hbm>>
      %dma_wait3A_364 = arith.constant 0 : i32
      %dma_wait3A_365 = tpu.memref_slice %arg14[%mul3A_353, %dma_wait3A_364] : memref<10240x64xf32, #tpu.memory_space<vmem_shared>> -> memref<640x64xf32, #tpu.memory_space<vmem_shared>>
      tpu.wait_dma2 semaphore(%run_scoped3A : memref<!tpu.dma_semaphore, #tpu.memory_space<semaphore_mem>>) src(%dma_wait3A_365 : memref<640x64xf32, #tpu.memory_space<vmem_shared>>) dst(%dma_wait3A_363 : memref<640x64xf32, #tpu.memory_space<hbm>>)
      tpu.yield
    }) : () -> ()
    return
  }
}

#map = affine_map<(d0, d1) -> (0, 0)>
#map1 = affine_map<(d0, d1) -> (0, 0, 0)>
module attributes {stable_mosaic.version = 14 : i64} {
  func.func @_sc_scatter_body(%arg0: i32, %arg1: i32, %arg2: memref<10240x64xf32, #tpu.memory_space<hbm>>, %arg3: memref<5120x64xi32, #tpu.memory_space<hbm>>, %arg4: memref<5120x64xi32, #tpu.memory_space<hbm>>, %arg5: memref<128x64xf32, #tpu.memory_space<hbm>>, %arg6: memref<2x10240x64xf32, #tpu.memory_space<hbm>>, %arg7: memref<160x64xi32, #tpu.memory_space<vmem>>, %arg8: memref<160x64xi32, #tpu.memory_space<vmem>>, %arg9: memref<64x64xf32, #tpu.memory_space<vmem>>, %arg10: memref<64x64xf32, #tpu.memory_space<vmem>>, %arg11: memref<64x64xf32, #tpu.memory_space<vmem>>, %arg12: memref<64x64xf32, #tpu.memory_space<vmem>>, %arg13: memref<64x64xf32, #tpu.memory_space<vmem>>, %arg14: memref<10240x64xf32, #tpu.memory_space<vmem_shared>>, %arg15: memref<10240x64xf32, #tpu.memory_space<vmem_shared>>, %arg16: memref<!tpu.dma_semaphore, #tpu.memory_space<semaphore_mem>>, %arg17: memref<!tpu.dma_semaphore, #tpu.memory_space<semaphore_mem>>, %arg18: memref<!tpu.dma_semaphore, #tpu.memory_space<semaphore_mem>>, %arg19: memref<!tpu.dma_semaphore, #tpu.memory_space<semaphore_mem>>, %arg20: memref<!tpu.dma_semaphore, #tpu.memory_space<semaphore_mem>>, %arg21: memref<!tpu.dma_semaphore, #tpu.memory_space<semaphore_mem>>, %arg22: memref<!tpu.dma_semaphore, #tpu.memory_space<semaphore_mem>>, %arg23: memref<!tpu.dma_semaphore, #tpu.memory_space<semaphore_mem>>, %arg24: memref<!tpu.dma_semaphore, #tpu.memory_space<semaphore_mem>>, %arg25: memref<!tpu.dma_semaphore, #tpu.memory_space<semaphore_mem>>) attributes {dimension_semantics = [#tpu.dimension_semantics<core_parallel>, #tpu.dimension_semantics<subcore_parallel>], iteration_bounds = array<i64: 2, 16>, scalar_prefetch = 0 : i64, scratch_operands = 19 : i64, tpu.core_type = #tpu.core_type<sc_vector_subcore>, window_params = [{transform_indices = #map}, {transform_indices = #map}, {transform_indices = #map}, {transform_indices = #map}, {transform_indices = #map1}]} {
    %eq3A = arith.constant 1 : i32
    %eq3A_0 = arith.cmpi eq, %arg0, %eq3A : i32
    %jit3A = arith.constant 160 : i32
    %jit3A_1 = arith.constant 160 : i32
    %select_n3A = arith.select %eq3A_0, %jit3A, %jit3A_1 : i32
    %mul3A = arith.constant 160 : i32
    %mul3A_2 = arith.muli %arg1, %mul3A : i32
    %mul3A_3 = arith.constant 160 : i32
    %mul3A_4 = arith.muli %arg1, %mul3A_3 : i32
    %add3A = arith.constant 2560 : i32
    %add3A_5 = arith.addi %add3A, %mul3A_4 : i32
    %select_n3A_6 = arith.select %eq3A_0, %mul3A_2, %add3A_5 : i32
    %mul3A_7 = arith.constant 640 : i32
    %mul3A_8 = arith.muli %arg1, %mul3A_7 : i32
    %mul3A_9 = arith.constant 640 : i32
    %mul3A_10 = arith.muli %arg1, %mul3A_9 : i32
    "tpu.region"() ({
      %run_scoped3A = tpu.sem_alloc : memref<!tpu.dma_semaphore, #tpu.memory_space<semaphore_mem>>
      %dma_start3A_356 = arith.constant 0 : i32
      %dma_start3A_357 = tpu.memref_slice %arg15[%mul3A_10, %dma_start3A_356] : memref<10240x64xf32, #tpu.memory_space<vmem_shared>> -> memref<640x64xf32, #tpu.memory_space<vmem_shared>>
      %dma_start3A_358 = arith.constant 0 : i32
      %dma_start3A_359 = tpu.memref_slice %arg2[%mul3A_8, %dma_start3A_358] : memref<10240x64xf32, #tpu.memory_space<hbm>> -> memref<640x64xf32, #tpu.memory_space<hbm>>
      tpu.enqueue_dma source(%dma_start3A_359 : memref<640x64xf32, #tpu.memory_space<hbm>>) target(%dma_start3A_357 : memref<640x64xf32, #tpu.memory_space<vmem_shared>>) target_semaphore(%run_scoped3A : memref<!tpu.dma_semaphore, #tpu.memory_space<semaphore_mem>>)
      %dma_wait3A_360 = arith.constant 0 : i32
      %dma_wait3A_361 = tpu.memref_slice %arg15[%mul3A_10, %dma_wait3A_360] : memref<10240x64xf32, #tpu.memory_space<vmem_shared>> -> memref<640x64xf32, #tpu.memory_space<vmem_shared>>
      %dma_wait3A_362 = arith.constant 0 : i32
      %dma_wait3A_363 = tpu.memref_slice %arg2[%mul3A_8, %dma_wait3A_362] : memref<10240x64xf32, #tpu.memory_space<hbm>> -> memref<640x64xf32, #tpu.memory_space<hbm>>
      tpu.wait_dma2 semaphore(%run_scoped3A : memref<!tpu.dma_semaphore, #tpu.memory_space<semaphore_mem>>) src(%dma_wait3A_363 : memref<640x64xf32, #tpu.memory_space<hbm>>) dst(%dma_wait3A_361 : memref<640x64xf32, #tpu.memory_space<vmem_shared>>)
      tpu.yield
    }) : () -> ()
    %mul3A_11 = arith.constant 640 : i32
    %mul3A_12 = arith.muli %arg1, %mul3A_11 : i32
    %add3A_13 = arith.constant 0 : i32
    %add3A_14 = arith.addi %mul3A_12, %add3A_13 : i32
    "tpu.region"() ({
      %run_scoped3A = tpu.sem_alloc : memref<!tpu.dma_semaphore, #tpu.memory_space<semaphore_mem>>
      %dma_start3A_356 = arith.constant 0 : i32
      %dma_start3A_357 = tpu.memref_slice %arg14[%add3A_14, %dma_start3A_356] : memref<10240x64xf32, #tpu.memory_space<vmem_shared>> -> memref<128x64xf32, #tpu.memory_space<vmem_shared>>
      tpu.enqueue_dma source(%arg5 : memref<128x64xf32, #tpu.memory_space<hbm>>) target(%dma_start3A_357 : memref<128x64xf32, #tpu.memory_space<vmem_shared>>) target_semaphore(%run_scoped3A : memref<!tpu.dma_semaphore, #tpu.memory_space<semaphore_mem>>)
      %dma_wait3A_358 = arith.constant 0 : i32
      %dma_wait3A_359 = tpu.memref_slice %arg14[%add3A_14, %dma_wait3A_358] : memref<10240x64xf32, #tpu.memory_space<vmem_shared>> -> memref<128x64xf32, #tpu.memory_space<vmem_shared>>
      tpu.wait_dma2 semaphore(%run_scoped3A : memref<!tpu.dma_semaphore, #tpu.memory_space<semaphore_mem>>) src(%arg5 : memref<128x64xf32, #tpu.memory_space<hbm>>) dst(%dma_wait3A_359 : memref<128x64xf32, #tpu.memory_space<vmem_shared>>)
      tpu.yield
    }) : () -> ()
    %mul3A_15 = arith.constant 640 : i32
    %mul3A_16 = arith.muli %arg1, %mul3A_15 : i32
    %add3A_17 = arith.constant 128 : i32
    %add3A_18 = arith.addi %mul3A_16, %add3A_17 : i32
    "tpu.region"() ({
      %run_scoped3A = tpu.sem_alloc : memref<!tpu.dma_semaphore, #tpu.memory_space<semaphore_mem>>
      %dma_start3A_356 = arith.constant 0 : i32
      %dma_start3A_357 = tpu.memref_slice %arg14[%add3A_18, %dma_start3A_356] : memref<10240x64xf32, #tpu.memory_space<vmem_shared>> -> memref<128x64xf32, #tpu.memory_space<vmem_shared>>
      tpu.enqueue_dma source(%arg5 : memref<128x64xf32, #tpu.memory_space<hbm>>) target(%dma_start3A_357 : memref<128x64xf32, #tpu.memory_space<vmem_shared>>) target_semaphore(%run_scoped3A : memref<!tpu.dma_semaphore, #tpu.memory_space<semaphore_mem>>)
      %dma_wait3A_358 = arith.constant 0 : i32
      %dma_wait3A_359 = tpu.memref_slice %arg14[%add3A_18, %dma_wait3A_358] : memref<10240x64xf32, #tpu.memory_space<vmem_shared>> -> memref<128x64xf32, #tpu.memory_space<vmem_shared>>
      tpu.wait_dma2 semaphore(%run_scoped3A : memref<!tpu.dma_semaphore, #tpu.memory_space<semaphore_mem>>) src(%arg5 : memref<128x64xf32, #tpu.memory_space<hbm>>) dst(%dma_wait3A_359 : memref<128x64xf32, #tpu.memory_space<vmem_shared>>)
      tpu.yield
    }) : () -> ()
    %mul3A_19 = arith.constant 640 : i32
    %mul3A_20 = arith.muli %arg1, %mul3A_19 : i32
    %add3A_21 = arith.constant 256 : i32
    %add3A_22 = arith.addi %mul3A_20, %add3A_21 : i32
    "tpu.region"() ({
      %run_scoped3A = tpu.sem_alloc : memref<!tpu.dma_semaphore, #tpu.memory_space<semaphore_mem>>
      %dma_start3A_356 = arith.constant 0 : i32
      %dma_start3A_357 = tpu.memref_slice %arg14[%add3A_22, %dma_start3A_356] : memref<10240x64xf32, #tpu.memory_space<vmem_shared>> -> memref<128x64xf32, #tpu.memory_space<vmem_shared>>
      tpu.enqueue_dma source(%arg5 : memref<128x64xf32, #tpu.memory_space<hbm>>) target(%dma_start3A_357 : memref<128x64xf32, #tpu.memory_space<vmem_shared>>) target_semaphore(%run_scoped3A : memref<!tpu.dma_semaphore, #tpu.memory_space<semaphore_mem>>)
      %dma_wait3A_358 = arith.constant 0 : i32
      %dma_wait3A_359 = tpu.memref_slice %arg14[%add3A_22, %dma_wait3A_358] : memref<10240x64xf32, #tpu.memory_space<vmem_shared>> -> memref<128x64xf32, #tpu.memory_space<vmem_shared>>
      tpu.wait_dma2 semaphore(%run_scoped3A : memref<!tpu.dma_semaphore, #tpu.memory_space<semaphore_mem>>) src(%arg5 : memref<128x64xf32, #tpu.memory_space<hbm>>) dst(%dma_wait3A_359 : memref<128x64xf32, #tpu.memory_space<vmem_shared>>)
      tpu.yield
    }) : () -> ()
    %mul3A_23 = arith.constant 640 : i32
    %mul3A_24 = arith.muli %arg1, %mul3A_23 : i32
    %add3A_25 = arith.constant 384 : i32
    %add3A_26 = arith.addi %mul3A_24, %add3A_25 : i32
    "tpu.region"() ({
      %run_scoped3A = tpu.sem_alloc : memref<!tpu.dma_semaphore, #tpu.memory_space<semaphore_mem>>
      %dma_start3A_356 = arith.constant 0 : i32
      %dma_start3A_357 = tpu.memref_slice %arg14[%add3A_26, %dma_start3A_356] : memref<10240x64xf32, #tpu.memory_space<vmem_shared>> -> memref<128x64xf32, #tpu.memory_space<vmem_shared>>
      tpu.enqueue_dma source(%arg5 : memref<128x64xf32, #tpu.memory_space<hbm>>) target(%dma_start3A_357 : memref<128x64xf32, #tpu.memory_space<vmem_shared>>) target_semaphore(%run_scoped3A : memref<!tpu.dma_semaphore, #tpu.memory_space<semaphore_mem>>)
      %dma_wait3A_358 = arith.constant 0 : i32
      %dma_wait3A_359 = tpu.memref_slice %arg14[%add3A_26, %dma_wait3A_358] : memref<10240x64xf32, #tpu.memory_space<vmem_shared>> -> memref<128x64xf32, #tpu.memory_space<vmem_shared>>
      tpu.wait_dma2 semaphore(%run_scoped3A : memref<!tpu.dma_semaphore, #tpu.memory_space<semaphore_mem>>) src(%arg5 : memref<128x64xf32, #tpu.memory_space<hbm>>) dst(%dma_wait3A_359 : memref<128x64xf32, #tpu.memory_space<vmem_shared>>)
      tpu.yield
    }) : () -> ()
    %mul3A_27 = arith.constant 640 : i32
    %mul3A_28 = arith.muli %arg1, %mul3A_27 : i32
    %add3A_29 = arith.constant 512 : i32
    %add3A_30 = arith.addi %mul3A_28, %add3A_29 : i32
    "tpu.region"() ({
      %run_scoped3A = tpu.sem_alloc : memref<!tpu.dma_semaphore, #tpu.memory_space<semaphore_mem>>
      %dma_start3A_356 = arith.constant 0 : i32
      %dma_start3A_357 = tpu.memref_slice %arg14[%add3A_30, %dma_start3A_356] : memref<10240x64xf32, #tpu.memory_space<vmem_shared>> -> memref<128x64xf32, #tpu.memory_space<vmem_shared>>
      tpu.enqueue_dma source(%arg5 : memref<128x64xf32, #tpu.memory_space<hbm>>) target(%dma_start3A_357 : memref<128x64xf32, #tpu.memory_space<vmem_shared>>) target_semaphore(%run_scoped3A : memref<!tpu.dma_semaphore, #tpu.memory_space<semaphore_mem>>)
      %dma_wait3A_358 = arith.constant 0 : i32
      %dma_wait3A_359 = tpu.memref_slice %arg14[%add3A_30, %dma_wait3A_358] : memref<10240x64xf32, #tpu.memory_space<vmem_shared>> -> memref<128x64xf32, #tpu.memory_space<vmem_shared>>
      tpu.wait_dma2 semaphore(%run_scoped3A : memref<!tpu.dma_semaphore, #tpu.memory_space<semaphore_mem>>) src(%arg5 : memref<128x64xf32, #tpu.memory_space<hbm>>) dst(%dma_wait3A_359 : memref<128x64xf32, #tpu.memory_space<vmem_shared>>)
      tpu.yield
    }) : () -> ()
    "tpu.region"() ({
      %run_scoped3A = tpu.sem_alloc : memref<!tpu.dma_semaphore, #tpu.memory_space<semaphore_mem>>
      %dma_start3A_356 = arith.constant 0 : i32
      %dma_start3A_357 = tpu.memref_slice %arg3[%select_n3A_6, %dma_start3A_356] : memref<5120x64xi32, #tpu.memory_space<hbm>> -> memref<160x64xi32, #tpu.memory_space<hbm>>
      %dma_start3A_358 = arith.constant 0 : i32
      %dma_start3A_359 = tpu.memref_slice %arg3[%select_n3A_6, %dma_start3A_358] : memref<5120x64xi32, #tpu.memory_space<hbm>> -> memref<160x64xi32, #tpu.memory_space<hbm>>
      tpu.enqueue_dma source(%dma_start3A_359 : memref<160x64xi32, #tpu.memory_space<hbm>>) target(%arg7 : memref<160x64xi32, #tpu.memory_space<vmem>>) target_semaphore(%run_scoped3A : memref<!tpu.dma_semaphore, #tpu.memory_space<semaphore_mem>>)
      %dma_wait3A_360 = arith.constant 0 : i32
      %dma_wait3A_361 = tpu.memref_slice %arg3[%select_n3A_6, %dma_wait3A_360] : memref<5120x64xi32, #tpu.memory_space<hbm>> -> memref<160x64xi32, #tpu.memory_space<hbm>>
      %dma_wait3A_362 = arith.constant 0 : i32
      %dma_wait3A_363 = tpu.memref_slice %arg3[%select_n3A_6, %dma_wait3A_362] : memref<5120x64xi32, #tpu.memory_space<hbm>> -> memref<160x64xi32, #tpu.memory_space<hbm>>
      tpu.wait_dma2 semaphore(%run_scoped3A : memref<!tpu.dma_semaphore, #tpu.memory_space<semaphore_mem>>) src(%dma_wait3A_363 : memref<160x64xi32, #tpu.memory_space<hbm>>) dst(%arg7 : memref<160x64xi32, #tpu.memory_space<vmem>>)
      tpu.yield
    }) : () -> ()
    "tpu.region"() ({
      %run_scoped3A = tpu.sem_alloc : memref<!tpu.dma_semaphore, #tpu.memory_space<semaphore_mem>>
      %dma_start3A_356 = arith.constant 0 : i32
      %dma_start3A_357 = tpu.memref_slice %arg4[%select_n3A_6, %dma_start3A_356] : memref<5120x64xi32, #tpu.memory_space<hbm>> -> memref<160x64xi32, #tpu.memory_space<hbm>>
      %dma_start3A_358 = arith.constant 0 : i32
      %dma_start3A_359 = tpu.memref_slice %arg4[%select_n3A_6, %dma_start3A_358] : memref<5120x64xi32, #tpu.memory_space<hbm>> -> memref<160x64xi32, #tpu.memory_space<hbm>>
      tpu.enqueue_dma source(%dma_start3A_359 : memref<160x64xi32, #tpu.memory_space<hbm>>) target(%arg8 : memref<160x64xi32, #tpu.memory_space<vmem>>) target_semaphore(%run_scoped3A : memref<!tpu.dma_semaphore, #tpu.memory_space<semaphore_mem>>)
      %dma_wait3A_360 = arith.constant 0 : i32
      %dma_wait3A_361 = tpu.memref_slice %arg4[%select_n3A_6, %dma_wait3A_360] : memref<5120x64xi32, #tpu.memory_space<hbm>> -> memref<160x64xi32, #tpu.memory_space<hbm>>
      %dma_wait3A_362 = arith.constant 0 : i32
      %dma_wait3A_363 = tpu.memref_slice %arg4[%select_n3A_6, %dma_wait3A_362] : memref<5120x64xi32, #tpu.memory_space<hbm>> -> memref<160x64xi32, #tpu.memory_space<hbm>>
      tpu.wait_dma2 semaphore(%run_scoped3A : memref<!tpu.dma_semaphore, #tpu.memory_space<semaphore_mem>>) src(%dma_wait3A_363 : memref<160x64xi32, #tpu.memory_space<hbm>>) dst(%arg8 : memref<160x64xi32, #tpu.memory_space<vmem>>)
      tpu.yield
    }) : () -> ()
    %barrier3A = arith.constant 0 : index
    tpu.barrier barrier_id(%barrier3A)
    %dma_start3A = arith.constant 0 : i32
    %dma_start3A_31 = arith.constant 0 : i32
    %dma_start3A_32 = tpu.memref_slice %arg7[%dma_start3A, %dma_start3A_31] : memref<160x64xi32, #tpu.memory_space<vmem>> -> memref<1x64xi32, #tpu.memory_space<vmem>>
    %dma_start3A_33 = tpu.memref_squeeze %dma_start3A_32 : memref<1x64xi32, #tpu.memory_space<vmem>> -> memref<64xi32, #tpu.memory_space<vmem>>
    %dma_start3A_34 = arith.constant 0 : i32
    %dma_start3A_35 = arith.constant 0 : i32
    %dma_start3A_36 = tpu.memref_slice %arg15[%dma_start3A_34, %dma_start3A_35] : memref<10240x64xf32, #tpu.memory_space<vmem_shared>> -> memref<10240x64xf32, #tpu.memory_space<vmem_shared>>
    tpu.enqueue_indirect_dma source(%dma_start3A_36 : memref<10240x64xf32, #tpu.memory_space<vmem_shared>>) target(%arg9 : memref<64x64xf32, #tpu.memory_space<vmem>>) offsets(%dma_start3A_33 : memref<64xi32, #tpu.memory_space<vmem>>) semaphore(%arg16 : memref<!tpu.dma_semaphore, #tpu.memory_space<semaphore_mem>>)
    %dma_start3A_37 = arith.constant 1 : i32
    %dma_start3A_38 = arith.constant 0 : i32
    %dma_start3A_39 = tpu.memref_slice %arg7[%dma_start3A_37, %dma_start3A_38] : memref<160x64xi32, #tpu.memory_space<vmem>> -> memref<1x64xi32, #tpu.memory_space<vmem>>
    %dma_start3A_40 = tpu.memref_squeeze %dma_start3A_39 : memref<1x64xi32, #tpu.memory_space<vmem>> -> memref<64xi32, #tpu.memory_space<vmem>>
    %dma_start3A_41 = arith.constant 0 : i32
    %dma_start3A_42 = arith.constant 0 : i32
    %dma_start3A_43 = tpu.memref_slice %arg15[%dma_start3A_41, %dma_start3A_42] : memref<10240x64xf32, #tpu.memory_space<vmem_shared>> -> memref<10240x64xf32, #tpu.memory_space<vmem_shared>>
    tpu.enqueue_indirect_dma source(%dma_start3A_43 : memref<10240x64xf32, #tpu.memory_space<vmem_shared>>) target(%arg10 : memref<64x64xf32, #tpu.memory_space<vmem>>) offsets(%dma_start3A_40 : memref<64xi32, #tpu.memory_space<vmem>>) semaphore(%arg17 : memref<!tpu.dma_semaphore, #tpu.memory_space<semaphore_mem>>)
    %dma_start3A_44 = arith.constant 2 : i32
    %dma_start3A_45 = arith.constant 0 : i32
    %dma_start3A_46 = tpu.memref_slice %arg7[%dma_start3A_44, %dma_start3A_45] : memref<160x64xi32, #tpu.memory_space<vmem>> -> memref<1x64xi32, #tpu.memory_space<vmem>>
    %dma_start3A_47 = tpu.memref_squeeze %dma_start3A_46 : memref<1x64xi32, #tpu.memory_space<vmem>> -> memref<64xi32, #tpu.memory_space<vmem>>
    %dma_start3A_48 = arith.constant 0 : i32
    %dma_start3A_49 = arith.constant 0 : i32
    %dma_start3A_50 = tpu.memref_slice %arg15[%dma_start3A_48, %dma_start3A_49] : memref<10240x64xf32, #tpu.memory_space<vmem_shared>> -> memref<10240x64xf32, #tpu.memory_space<vmem_shared>>
    tpu.enqueue_indirect_dma source(%dma_start3A_50 : memref<10240x64xf32, #tpu.memory_space<vmem_shared>>) target(%arg11 : memref<64x64xf32, #tpu.memory_space<vmem>>) offsets(%dma_start3A_47 : memref<64xi32, #tpu.memory_space<vmem>>) semaphore(%arg18 : memref<!tpu.dma_semaphore, #tpu.memory_space<semaphore_mem>>)
    %dma_wait3A = arith.constant 0 : i32
    %dma_wait3A_51 = arith.constant 0 : i32
    %dma_wait3A_52 = tpu.memref_slice %arg7[%dma_wait3A, %dma_wait3A_51] : memref<160x64xi32, #tpu.memory_space<vmem>> -> memref<1x64xi32, #tpu.memory_space<vmem>>
    %dma_wait3A_53 = tpu.memref_squeeze %dma_wait3A_52 : memref<1x64xi32, #tpu.memory_space<vmem>> -> memref<64xi32, #tpu.memory_space<vmem>>
    %dma_wait3A_54 = arith.constant 0 : i32
    %dma_wait3A_55 = arith.constant 0 : i32
    %dma_wait3A_56 = tpu.memref_slice %arg15[%dma_wait3A_54, %dma_wait3A_55] : memref<10240x64xf32, #tpu.memory_space<vmem_shared>> -> memref<10240x64xf32, #tpu.memory_space<vmem_shared>>
    tpu.wait_indirect_dma semaphore(%arg16 : memref<!tpu.dma_semaphore, #tpu.memory_space<semaphore_mem>>) src(%dma_wait3A_56 : memref<10240x64xf32, #tpu.memory_space<vmem_shared>>) dst(%arg9 : memref<64x64xf32, #tpu.memory_space<vmem>>)
    %dma_start3A_57 = arith.constant 0 : i32
    %dma_start3A_58 = arith.constant 0 : i32
    %dma_start3A_59 = tpu.memref_slice %arg8[%dma_start3A_57, %dma_start3A_58] : memref<160x64xi32, #tpu.memory_space<vmem>> -> memref<1x64xi32, #tpu.memory_space<vmem>>
    %dma_start3A_60 = tpu.memref_squeeze %dma_start3A_59 : memref<1x64xi32, #tpu.memory_space<vmem>> -> memref<64xi32, #tpu.memory_space<vmem>>
    %dma_start3A_61 = arith.constant 0 : i32
    %dma_start3A_62 = arith.constant 0 : i32
    %dma_start3A_63 = tpu.memref_slice %arg14[%dma_start3A_61, %dma_start3A_62] : memref<10240x64xf32, #tpu.memory_space<vmem_shared>> -> memref<10240x64xf32, #tpu.memory_space<vmem_shared>>
    tpu.enqueue_indirect_dma source(%arg9 : memref<64x64xf32, #tpu.memory_space<vmem>>) target(%dma_start3A_63 : memref<10240x64xf32, #tpu.memory_space<vmem_shared>>) offsets(%dma_start3A_60 : memref<64xi32, #tpu.memory_space<vmem>>) semaphore(%arg21 : memref<!tpu.dma_semaphore, #tpu.memory_space<semaphore_mem>>) {add = true}
    %dma_start3A_64 = arith.constant 3 : i32
    %dma_start3A_65 = arith.constant 0 : i32
    %dma_start3A_66 = tpu.memref_slice %arg7[%dma_start3A_64, %dma_start3A_65] : memref<160x64xi32, #tpu.memory_space<vmem>> -> memref<1x64xi32, #tpu.memory_space<vmem>>
    %dma_start3A_67 = tpu.memref_squeeze %dma_start3A_66 : memref<1x64xi32, #tpu.memory_space<vmem>> -> memref<64xi32, #tpu.memory_space<vmem>>
    %dma_start3A_68 = arith.constant 0 : i32
    %dma_start3A_69 = arith.constant 0 : i32
    %dma_start3A_70 = tpu.memref_slice %arg15[%dma_start3A_68, %dma_start3A_69] : memref<10240x64xf32, #tpu.memory_space<vmem_shared>> -> memref<10240x64xf32, #tpu.memory_space<vmem_shared>>
    tpu.enqueue_indirect_dma source(%dma_start3A_70 : memref<10240x64xf32, #tpu.memory_space<vmem_shared>>) target(%arg12 : memref<64x64xf32, #tpu.memory_space<vmem>>) offsets(%dma_start3A_67 : memref<64xi32, #tpu.memory_space<vmem>>) semaphore(%arg19 : memref<!tpu.dma_semaphore, #tpu.memory_space<semaphore_mem>>)
    %dma_wait3A_71 = arith.constant 1 : i32
    %dma_wait3A_72 = arith.constant 0 : i32
    %dma_wait3A_73 = tpu.memref_slice %arg7[%dma_wait3A_71, %dma_wait3A_72] : memref<160x64xi32, #tpu.memory_space<vmem>> -> memref<1x64xi32, #tpu.memory_space<vmem>>
    %dma_wait3A_74 = tpu.memref_squeeze %dma_wait3A_73 : memref<1x64xi32, #tpu.memory_space<vmem>> -> memref<64xi32, #tpu.memory_space<vmem>>
    %dma_wait3A_75 = arith.constant 0 : i32
    %dma_wait3A_76 = arith.constant 0 : i32
    %dma_wait3A_77 = tpu.memref_slice %arg15[%dma_wait3A_75, %dma_wait3A_76] : memref<10240x64xf32, #tpu.memory_space<vmem_shared>> -> memref<10240x64xf32, #tpu.memory_space<vmem_shared>>
    tpu.wait_indirect_dma semaphore(%arg17 : memref<!tpu.dma_semaphore, #tpu.memory_space<semaphore_mem>>) src(%dma_wait3A_77 : memref<10240x64xf32, #tpu.memory_space<vmem_shared>>) dst(%arg10 : memref<64x64xf32, #tpu.memory_space<vmem>>)
    %dma_start3A_78 = arith.constant 1 : i32
    %dma_start3A_79 = arith.constant 0 : i32
    %dma_start3A_80 = tpu.memref_slice %arg8[%dma_start3A_78, %dma_start3A_79] : memref<160x64xi32, #tpu.memory_space<vmem>> -> memref<1x64xi32, #tpu.memory_space<vmem>>
    %dma_start3A_81 = tpu.memref_squeeze %dma_start3A_80 : memref<1x64xi32, #tpu.memory_space<vmem>> -> memref<64xi32, #tpu.memory_space<vmem>>
    %dma_start3A_82 = arith.constant 0 : i32
    %dma_start3A_83 = arith.constant 0 : i32
    %dma_start3A_84 = tpu.memref_slice %arg14[%dma_start3A_82, %dma_start3A_83] : memref<10240x64xf32, #tpu.memory_space<vmem_shared>> -> memref<10240x64xf32, #tpu.memory_space<vmem_shared>>
    tpu.enqueue_indirect_dma source(%arg10 : memref<64x64xf32, #tpu.memory_space<vmem>>) target(%dma_start3A_84 : memref<10240x64xf32, #tpu.memory_space<vmem_shared>>) offsets(%dma_start3A_81 : memref<64xi32, #tpu.memory_space<vmem>>) semaphore(%arg22 : memref<!tpu.dma_semaphore, #tpu.memory_space<semaphore_mem>>) {add = true}
    %dma_start3A_85 = arith.constant 4 : i32
    %dma_start3A_86 = arith.constant 0 : i32
    %dma_start3A_87 = tpu.memref_slice %arg7[%dma_start3A_85, %dma_start3A_86] : memref<160x64xi32, #tpu.memory_space<vmem>> -> memref<1x64xi32, #tpu.memory_space<vmem>>
    %dma_start3A_88 = tpu.memref_squeeze %dma_start3A_87 : memref<1x64xi32, #tpu.memory_space<vmem>> -> memref<64xi32, #tpu.memory_space<vmem>>
    %dma_start3A_89 = arith.constant 0 : i32
    %dma_start3A_90 = arith.constant 0 : i32
    %dma_start3A_91 = tpu.memref_slice %arg15[%dma_start3A_89, %dma_start3A_90] : memref<10240x64xf32, #tpu.memory_space<vmem_shared>> -> memref<10240x64xf32, #tpu.memory_space<vmem_shared>>
    tpu.enqueue_indirect_dma source(%dma_start3A_91 : memref<10240x64xf32, #tpu.memory_space<vmem_shared>>) target(%arg13 : memref<64x64xf32, #tpu.memory_space<vmem>>) offsets(%dma_start3A_88 : memref<64xi32, #tpu.memory_space<vmem>>) semaphore(%arg20 : memref<!tpu.dma_semaphore, #tpu.memory_space<semaphore_mem>>)
    %dma_wait3A_92 = arith.constant 2 : i32
    %dma_wait3A_93 = arith.constant 0 : i32
    %dma_wait3A_94 = tpu.memref_slice %arg7[%dma_wait3A_92, %dma_wait3A_93] : memref<160x64xi32, #tpu.memory_space<vmem>> -> memref<1x64xi32, #tpu.memory_space<vmem>>
    %dma_wait3A_95 = tpu.memref_squeeze %dma_wait3A_94 : memref<1x64xi32, #tpu.memory_space<vmem>> -> memref<64xi32, #tpu.memory_space<vmem>>
    %dma_wait3A_96 = arith.constant 0 : i32
    %dma_wait3A_97 = arith.constant 0 : i32
    %dma_wait3A_98 = tpu.memref_slice %arg15[%dma_wait3A_96, %dma_wait3A_97] : memref<10240x64xf32, #tpu.memory_space<vmem_shared>> -> memref<10240x64xf32, #tpu.memory_space<vmem_shared>>
    tpu.wait_indirect_dma semaphore(%arg18 : memref<!tpu.dma_semaphore, #tpu.memory_space<semaphore_mem>>) src(%dma_wait3A_98 : memref<10240x64xf32, #tpu.memory_space<vmem_shared>>) dst(%arg11 : memref<64x64xf32, #tpu.memory_space<vmem>>)
    %dma_start3A_99 = arith.constant 2 : i32
    %dma_start3A_100 = arith.constant 0 : i32
    %dma_start3A_101 = tpu.memref_slice %arg8[%dma_start3A_99, %dma_start3A_100] : memref<160x64xi32, #tpu.memory_space<vmem>> -> memref<1x64xi32, #tpu.memory_space<vmem>>
    %dma_start3A_102 = tpu.memref_squeeze %dma_start3A_101 : memref<1x64xi32, #tpu.memory_space<vmem>> -> memref<64xi32, #tpu.memory_space<vmem>>
    %dma_start3A_103 = arith.constant 0 : i32
    %dma_start3A_104 = arith.constant 0 : i32
    %dma_start3A_105 = tpu.memref_slice %arg14[%dma_start3A_103, %dma_start3A_104] : memref<10240x64xf32, #tpu.memory_space<vmem_shared>> -> memref<10240x64xf32, #tpu.memory_space<vmem_shared>>
    tpu.enqueue_indirect_dma source(%arg11 : memref<64x64xf32, #tpu.memory_space<vmem>>) target(%dma_start3A_105 : memref<10240x64xf32, #tpu.memory_space<vmem_shared>>) offsets(%dma_start3A_102 : memref<64xi32, #tpu.memory_space<vmem>>) semaphore(%arg23 : memref<!tpu.dma_semaphore, #tpu.memory_space<semaphore_mem>>) {add = true}
    %dma_wait3A_106 = arith.constant 0 : i32
    %dma_wait3A_107 = arith.constant 0 : i32
    %dma_wait3A_108 = tpu.memref_slice %arg8[%dma_wait3A_106, %dma_wait3A_107] : memref<160x64xi32, #tpu.memory_space<vmem>> -> memref<1x64xi32, #tpu.memory_space<vmem>>
    %dma_wait3A_109 = tpu.memref_squeeze %dma_wait3A_108 : memref<1x64xi32, #tpu.memory_space<vmem>> -> memref<64xi32, #tpu.memory_space<vmem>>
    %dma_wait3A_110 = arith.constant 0 : i32
    %dma_wait3A_111 = arith.constant 0 : i32
    %dma_wait3A_112 = tpu.memref_slice %arg14[%dma_wait3A_110, %dma_wait3A_111] : memref<10240x64xf32, #tpu.memory_space<vmem_shared>> -> memref<10240x64xf32, #tpu.memory_space<vmem_shared>>
    tpu.wait_indirect_dma semaphore(%arg21 : memref<!tpu.dma_semaphore, #tpu.memory_space<semaphore_mem>>) src(%arg9 : memref<64x64xf32, #tpu.memory_space<vmem>>) dst(%dma_wait3A_112 : memref<10240x64xf32, #tpu.memory_space<vmem_shared>>)
    %dma_start3A_113 = arith.constant 5 : i32
    %dma_start3A_114 = arith.constant 0 : i32
    %dma_start3A_115 = tpu.memref_slice %arg7[%dma_start3A_113, %dma_start3A_114] : memref<160x64xi32, #tpu.memory_space<vmem>> -> memref<1x64xi32, #tpu.memory_space<vmem>>
    %dma_start3A_116 = tpu.memref_squeeze %dma_start3A_115 : memref<1x64xi32, #tpu.memory_space<vmem>> -> memref<64xi32, #tpu.memory_space<vmem>>
    %dma_start3A_117 = arith.constant 0 : i32
    %dma_start3A_118 = arith.constant 0 : i32
    %dma_start3A_119 = tpu.memref_slice %arg15[%dma_start3A_117, %dma_start3A_118] : memref<10240x64xf32, #tpu.memory_space<vmem_shared>> -> memref<10240x64xf32, #tpu.memory_space<vmem_shared>>
    tpu.enqueue_indirect_dma source(%dma_start3A_119 : memref<10240x64xf32, #tpu.memory_space<vmem_shared>>) target(%arg9 : memref<64x64xf32, #tpu.memory_space<vmem>>) offsets(%dma_start3A_116 : memref<64xi32, #tpu.memory_space<vmem>>) semaphore(%arg16 : memref<!tpu.dma_semaphore, #tpu.memory_space<semaphore_mem>>)
    %dma_wait3A_120 = arith.constant 3 : i32
    %dma_wait3A_121 = arith.constant 0 : i32
    %dma_wait3A_122 = tpu.memref_slice %arg7[%dma_wait3A_120, %dma_wait3A_121] : memref<160x64xi32, #tpu.memory_space<vmem>> -> memref<1x64xi32, #tpu.memory_space<vmem>>
    %dma_wait3A_123 = tpu.memref_squeeze %dma_wait3A_122 : memref<1x64xi32, #tpu.memory_space<vmem>> -> memref<64xi32, #tpu.memory_space<vmem>>
    %dma_wait3A_124 = arith.constant 0 : i32
    %dma_wait3A_125 = arith.constant 0 : i32
    %dma_wait3A_126 = tpu.memref_slice %arg15[%dma_wait3A_124, %dma_wait3A_125] : memref<10240x64xf32, #tpu.memory_space<vmem_shared>> -> memref<10240x64xf32, #tpu.memory_space<vmem_shared>>
    tpu.wait_indirect_dma semaphore(%arg19 : memref<!tpu.dma_semaphore, #tpu.memory_space<semaphore_mem>>) src(%dma_wait3A_126 : memref<10240x64xf32, #tpu.memory_space<vmem_shared>>) dst(%arg12 : memref<64x64xf32, #tpu.memory_space<vmem>>)
    %dma_start3A_127 = arith.constant 3 : i32
    %dma_start3A_128 = arith.constant 0 : i32
    %dma_start3A_129 = tpu.memref_slice %arg8[%dma_start3A_127, %dma_start3A_128] : memref<160x64xi32, #tpu.memory_space<vmem>> -> memref<1x64xi32, #tpu.memory_space<vmem>>
    %dma_start3A_130 = tpu.memref_squeeze %dma_start3A_129 : memref<1x64xi32, #tpu.memory_space<vmem>> -> memref<64xi32, #tpu.memory_space<vmem>>
    %dma_start3A_131 = arith.constant 0 : i32
    %dma_start3A_132 = arith.constant 0 : i32
    %dma_start3A_133 = tpu.memref_slice %arg14[%dma_start3A_131, %dma_start3A_132] : memref<10240x64xf32, #tpu.memory_space<vmem_shared>> -> memref<10240x64xf32, #tpu.memory_space<vmem_shared>>
    tpu.enqueue_indirect_dma source(%arg12 : memref<64x64xf32, #tpu.memory_space<vmem>>) target(%dma_start3A_133 : memref<10240x64xf32, #tpu.memory_space<vmem_shared>>) offsets(%dma_start3A_130 : memref<64xi32, #tpu.memory_space<vmem>>) semaphore(%arg24 : memref<!tpu.dma_semaphore, #tpu.memory_space<semaphore_mem>>) {add = true}
    %dma_wait3A_134 = arith.constant 1 : i32
    %dma_wait3A_135 = arith.constant 0 : i32
    %dma_wait3A_136 = tpu.memref_slice %arg8[%dma_wait3A_134, %dma_wait3A_135] : memref<160x64xi32, #tpu.memory_space<vmem>> -> memref<1x64xi32, #tpu.memory_space<vmem>>
    %dma_wait3A_137 = tpu.memref_squeeze %dma_wait3A_136 : memref<1x64xi32, #tpu.memory_space<vmem>> -> memref<64xi32, #tpu.memory_space<vmem>>
    %dma_wait3A_138 = arith.constant 0 : i32
    %dma_wait3A_139 = arith.constant 0 : i32
    %dma_wait3A_140 = tpu.memref_slice %arg14[%dma_wait3A_138, %dma_wait3A_139] : memref<10240x64xf32, #tpu.memory_space<vmem_shared>> -> memref<10240x64xf32, #tpu.memory_space<vmem_shared>>
    tpu.wait_indirect_dma semaphore(%arg22 : memref<!tpu.dma_semaphore, #tpu.memory_space<semaphore_mem>>) src(%arg10 : memref<64x64xf32, #tpu.memory_space<vmem>>) dst(%dma_wait3A_140 : memref<10240x64xf32, #tpu.memory_space<vmem_shared>>)
    %dma_start3A_141 = arith.constant 6 : i32
    %dma_start3A_142 = arith.constant 0 : i32
    %dma_start3A_143 = tpu.memref_slice %arg7[%dma_start3A_141, %dma_start3A_142] : memref<160x64xi32, #tpu.memory_space<vmem>> -> memref<1x64xi32, #tpu.memory_space<vmem>>
    %dma_start3A_144 = tpu.memref_squeeze %dma_start3A_143 : memref<1x64xi32, #tpu.memory_space<vmem>> -> memref<64xi32, #tpu.memory_space<vmem>>
    %dma_start3A_145 = arith.constant 0 : i32
    %dma_start3A_146 = arith.constant 0 : i32
    %dma_start3A_147 = tpu.memref_slice %arg15[%dma_start3A_145, %dma_start3A_146] : memref<10240x64xf32, #tpu.memory_space<vmem_shared>> -> memref<10240x64xf32, #tpu.memory_space<vmem_shared>>
    tpu.enqueue_indirect_dma source(%dma_start3A_147 : memref<10240x64xf32, #tpu.memory_space<vmem_shared>>) target(%arg10 : memref<64x64xf32, #tpu.memory_space<vmem>>) offsets(%dma_start3A_144 : memref<64xi32, #tpu.memory_space<vmem>>) semaphore(%arg17 : memref<!tpu.dma_semaphore, #tpu.memory_space<semaphore_mem>>)
    %dma_wait3A_148 = arith.constant 4 : i32
    %dma_wait3A_149 = arith.constant 0 : i32
    %dma_wait3A_150 = tpu.memref_slice %arg7[%dma_wait3A_148, %dma_wait3A_149] : memref<160x64xi32, #tpu.memory_space<vmem>> -> memref<1x64xi32, #tpu.memory_space<vmem>>
    %dma_wait3A_151 = tpu.memref_squeeze %dma_wait3A_150 : memref<1x64xi32, #tpu.memory_space<vmem>> -> memref<64xi32, #tpu.memory_space<vmem>>
    %dma_wait3A_152 = arith.constant 0 : i32
    %dma_wait3A_153 = arith.constant 0 : i32
    %dma_wait3A_154 = tpu.memref_slice %arg15[%dma_wait3A_152, %dma_wait3A_153] : memref<10240x64xf32, #tpu.memory_space<vmem_shared>> -> memref<10240x64xf32, #tpu.memory_space<vmem_shared>>
    tpu.wait_indirect_dma semaphore(%arg20 : memref<!tpu.dma_semaphore, #tpu.memory_space<semaphore_mem>>) src(%dma_wait3A_154 : memref<10240x64xf32, #tpu.memory_space<vmem_shared>>) dst(%arg13 : memref<64x64xf32, #tpu.memory_space<vmem>>)
    %dma_start3A_155 = arith.constant 4 : i32
    %dma_start3A_156 = arith.constant 0 : i32
    %dma_start3A_157 = tpu.memref_slice %arg8[%dma_start3A_155, %dma_start3A_156] : memref<160x64xi32, #tpu.memory_space<vmem>> -> memref<1x64xi32, #tpu.memory_space<vmem>>
    %dma_start3A_158 = tpu.memref_squeeze %dma_start3A_157 : memref<1x64xi32, #tpu.memory_space<vmem>> -> memref<64xi32, #tpu.memory_space<vmem>>
    %dma_start3A_159 = arith.constant 0 : i32
    %dma_start3A_160 = arith.constant 0 : i32
    %dma_start3A_161 = tpu.memref_slice %arg14[%dma_start3A_159, %dma_start3A_160] : memref<10240x64xf32, #tpu.memory_space<vmem_shared>> -> memref<10240x64xf32, #tpu.memory_space<vmem_shared>>
    tpu.enqueue_indirect_dma source(%arg13 : memref<64x64xf32, #tpu.memory_space<vmem>>) target(%dma_start3A_161 : memref<10240x64xf32, #tpu.memory_space<vmem_shared>>) offsets(%dma_start3A_158 : memref<64xi32, #tpu.memory_space<vmem>>) semaphore(%arg25 : memref<!tpu.dma_semaphore, #tpu.memory_space<semaphore_mem>>) {add = true}
    %dma_wait3A_162 = arith.constant 2 : i32
    %dma_wait3A_163 = arith.constant 0 : i32
    %dma_wait3A_164 = tpu.memref_slice %arg8[%dma_wait3A_162, %dma_wait3A_163] : memref<160x64xi32, #tpu.memory_space<vmem>> -> memref<1x64xi32, #tpu.memory_space<vmem>>
    %dma_wait3A_165 = tpu.memref_squeeze %dma_wait3A_164 : memref<1x64xi32, #tpu.memory_space<vmem>> -> memref<64xi32, #tpu.memory_space<vmem>>
    %dma_wait3A_166 = arith.constant 0 : i32
    %dma_wait3A_167 = arith.constant 0 : i32
    %dma_wait3A_168 = tpu.memref_slice %arg14[%dma_wait3A_166, %dma_wait3A_167] : memref<10240x64xf32, #tpu.memory_space<vmem_shared>> -> memref<10240x64xf32, #tpu.memory_space<vmem_shared>>
    tpu.wait_indirect_dma semaphore(%arg23 : memref<!tpu.dma_semaphore, #tpu.memory_space<semaphore_mem>>) src(%arg11 : memref<64x64xf32, #tpu.memory_space<vmem>>) dst(%dma_wait3A_168 : memref<10240x64xf32, #tpu.memory_space<vmem_shared>>)
    %dma_start3A_169 = arith.constant 7 : i32
    %dma_start3A_170 = arith.constant 0 : i32
    %dma_start3A_171 = tpu.memref_slice %arg7[%dma_start3A_169, %dma_start3A_170] : memref<160x64xi32, #tpu.memory_space<vmem>> -> memref<1x64xi32, #tpu.memory_space<vmem>>
    %dma_start3A_172 = tpu.memref_squeeze %dma_start3A_171 : memref<1x64xi32, #tpu.memory_space<vmem>> -> memref<64xi32, #tpu.memory_space<vmem>>
    %dma_start3A_173 = arith.constant 0 : i32
    %dma_start3A_174 = arith.constant 0 : i32
    %dma_start3A_175 = tpu.memref_slice %arg15[%dma_start3A_173, %dma_start3A_174] : memref<10240x64xf32, #tpu.memory_space<vmem_shared>> -> memref<10240x64xf32, #tpu.memory_space<vmem_shared>>
    tpu.enqueue_indirect_dma source(%dma_start3A_175 : memref<10240x64xf32, #tpu.memory_space<vmem_shared>>) target(%arg11 : memref<64x64xf32, #tpu.memory_space<vmem>>) offsets(%dma_start3A_172 : memref<64xi32, #tpu.memory_space<vmem>>) semaphore(%arg18 : memref<!tpu.dma_semaphore, #tpu.memory_space<semaphore_mem>>)
    %jit3A_176 = arith.constant 5 : i32
    %div3A = arith.divsi %select_n3A, %jit3A_176 : i32
    %sign3A = arith.constant 0 : i32
    %sign3A_177 = arith.cmpi sgt, %select_n3A, %sign3A : i32
    %sign3A_178 = arith.extui %sign3A_177 : i1 to i32
    %sign3A_179 = arith.constant 0 : i32
    %sign3A_180 = arith.cmpi slt, %select_n3A, %sign3A_179 : i32
    %sign3A_181 = arith.extui %sign3A_180 : i1 to i32
    %sign3A_182 = arith.subi %sign3A_178, %sign3A_181 : i32
    %sign3A_183 = arith.constant 0 : i32
    %sign3A_184 = arith.cmpi sgt, %jit3A_176, %sign3A_183 : i32
    %sign3A_185 = arith.extui %sign3A_184 : i1 to i32
    %sign3A_186 = arith.constant 0 : i32
    %sign3A_187 = arith.cmpi slt, %jit3A_176, %sign3A_186 : i32
    %sign3A_188 = arith.extui %sign3A_187 : i1 to i32
    %sign3A_189 = arith.subi %sign3A_185, %sign3A_188 : i32
    %ne3A = arith.cmpi ne, %sign3A_182, %sign3A_189 : i32
    %rem3A = arith.remsi %select_n3A, %jit3A_176 : i32
    %ne3A_190 = arith.constant 0 : i32
    %ne3A_191 = arith.cmpi ne, %rem3A, %ne3A_190 : i32
    %and3A = arith.andi %ne3A, %ne3A_191 : i1
    %sub3A = arith.constant 1 : i32
    %sub3A_192 = arith.subi %div3A, %sub3A : i32
    %select_n3A_193 = arith.select %and3A, %sub3A_192, %div3A : i32
    %sub3A_194 = arith.constant 1 : i32
    %sub3A_195 = arith.subi %select_n3A_193, %sub3A_194 : i32
    %while3A = arith.constant 1 : i32
    %while3A_196 = arith.constant 0 : i32
    %while3A_197 = arith.subi %sub3A_195, %while3A : i32
    %while3A_198 = arith.addi %while3A, %while3A_197 : i32
    %while3A_199 = arith.constant 1 : i32
    %while3A_200 = arith.divsi %while3A_197, %while3A_199 : i32
    %while3A_201 = arith.muli %while3A_200, %while3A_199 : i32
    %while3A_202 = arith.addi %while3A, %while3A_201 : i32
    %while3A_203 = arith.constant 1 : i32
    %while3A_204 = scf.for %while3A_356 = %while3A to %while3A_202 step %while3A_203 iter_args(%while3A_357 = %while3A_196) -> (i32)  : i32 {
      %mul3A_358 = arith.constant 5 : i32
      %mul3A_359 = arith.muli %while3A_356, %mul3A_358 : i32
      %add3A_360 = arith.constant 0 : i32
      %add3A_361 = arith.addi %mul3A_359, %add3A_360 : i32
      %dma_wait3A_362 = arith.constant 0 : i32
      %dma_wait3A_363 = tpu.memref_slice %arg7[%add3A_361, %dma_wait3A_362] : memref<160x64xi32, #tpu.memory_space<vmem>> -> memref<1x64xi32, #tpu.memory_space<vmem>>
      %dma_wait3A_364 = tpu.memref_squeeze %dma_wait3A_363 : memref<1x64xi32, #tpu.memory_space<vmem>> -> memref<64xi32, #tpu.memory_space<vmem>>
      %dma_wait3A_365 = arith.constant 0 : i32
      %dma_wait3A_366 = arith.constant 0 : i32
      %dma_wait3A_367 = tpu.memref_slice %arg15[%dma_wait3A_365, %dma_wait3A_366] : memref<10240x64xf32, #tpu.memory_space<vmem_shared>> -> memref<10240x64xf32, #tpu.memory_space<vmem_shared>>
      tpu.wait_indirect_dma semaphore(%arg16 : memref<!tpu.dma_semaphore, #tpu.memory_space<semaphore_mem>>) src(%dma_wait3A_367 : memref<10240x64xf32, #tpu.memory_space<vmem_shared>>) dst(%arg9 : memref<64x64xf32, #tpu.memory_space<vmem>>)
      %dma_start3A_368 = arith.constant 0 : i32
      %dma_start3A_369 = tpu.memref_slice %arg8[%add3A_361, %dma_start3A_368] : memref<160x64xi32, #tpu.memory_space<vmem>> -> memref<1x64xi32, #tpu.memory_space<vmem>>
      %dma_start3A_370 = tpu.memref_squeeze %dma_start3A_369 : memref<1x64xi32, #tpu.memory_space<vmem>> -> memref<64xi32, #tpu.memory_space<vmem>>
      %dma_start3A_371 = arith.constant 0 : i32
      %dma_start3A_372 = arith.constant 0 : i32
      %dma_start3A_373 = tpu.memref_slice %arg14[%dma_start3A_371, %dma_start3A_372] : memref<10240x64xf32, #tpu.memory_space<vmem_shared>> -> memref<10240x64xf32, #tpu.memory_space<vmem_shared>>
      tpu.enqueue_indirect_dma source(%arg9 : memref<64x64xf32, #tpu.memory_space<vmem>>) target(%dma_start3A_373 : memref<10240x64xf32, #tpu.memory_space<vmem_shared>>) offsets(%dma_start3A_370 : memref<64xi32, #tpu.memory_space<vmem>>) semaphore(%arg21 : memref<!tpu.dma_semaphore, #tpu.memory_space<semaphore_mem>>) {add = true}
      %sub3A_374 = arith.constant 2 : i32
      %sub3A_375 = arith.subi %add3A_361, %sub3A_374 : i32
      %dma_wait3A_376 = arith.constant 0 : i32
      %dma_wait3A_377 = tpu.memref_slice %arg8[%sub3A_375, %dma_wait3A_376] : memref<160x64xi32, #tpu.memory_space<vmem>> -> memref<1x64xi32, #tpu.memory_space<vmem>>
      %dma_wait3A_378 = tpu.memref_squeeze %dma_wait3A_377 : memref<1x64xi32, #tpu.memory_space<vmem>> -> memref<64xi32, #tpu.memory_space<vmem>>
      %dma_wait3A_379 = arith.constant 0 : i32
      %dma_wait3A_380 = arith.constant 0 : i32
      %dma_wait3A_381 = tpu.memref_slice %arg14[%dma_wait3A_379, %dma_wait3A_380] : memref<10240x64xf32, #tpu.memory_space<vmem_shared>> -> memref<10240x64xf32, #tpu.memory_space<vmem_shared>>
      tpu.wait_indirect_dma semaphore(%arg24 : memref<!tpu.dma_semaphore, #tpu.memory_space<semaphore_mem>>) src(%arg12 : memref<64x64xf32, #tpu.memory_space<vmem>>) dst(%dma_wait3A_381 : memref<10240x64xf32, #tpu.memory_space<vmem_shared>>)
      %add3A_382 = arith.constant 3 : i32
      %add3A_383 = arith.addi %add3A_361, %add3A_382 : i32
      %dma_start3A_384 = arith.constant 0 : i32
      %dma_start3A_385 = tpu.memref_slice %arg7[%add3A_383, %dma_start3A_384] : memref<160x64xi32, #tpu.memory_space<vmem>> -> memref<1x64xi32, #tpu.memory_space<vmem>>
      %dma_start3A_386 = tpu.memref_squeeze %dma_start3A_385 : memref<1x64xi32, #tpu.memory_space<vmem>> -> memref<64xi32, #tpu.memory_space<vmem>>
      %dma_start3A_387 = arith.constant 0 : i32
      %dma_start3A_388 = arith.constant 0 : i32
      %dma_start3A_389 = tpu.memref_slice %arg15[%dma_start3A_387, %dma_start3A_388] : memref<10240x64xf32, #tpu.memory_space<vmem_shared>> -> memref<10240x64xf32, #tpu.memory_space<vmem_shared>>
      tpu.enqueue_indirect_dma source(%dma_start3A_389 : memref<10240x64xf32, #tpu.memory_space<vmem_shared>>) target(%arg12 : memref<64x64xf32, #tpu.memory_space<vmem>>) offsets(%dma_start3A_386 : memref<64xi32, #tpu.memory_space<vmem>>) semaphore(%arg19 : memref<!tpu.dma_semaphore, #tpu.memory_space<semaphore_mem>>)
      %add3A_390 = arith.constant 1 : i32
      %add3A_391 = arith.addi %mul3A_359, %add3A_390 : i32
      %dma_wait3A_392 = arith.constant 0 : i32
      %dma_wait3A_393 = tpu.memref_slice %arg7[%add3A_391, %dma_wait3A_392] : memref<160x64xi32, #tpu.memory_space<vmem>> -> memref<1x64xi32, #tpu.memory_space<vmem>>
      %dma_wait3A_394 = tpu.memref_squeeze %dma_wait3A_393 : memref<1x64xi32, #tpu.memory_space<vmem>> -> memref<64xi32, #tpu.memory_space<vmem>>
      %dma_wait3A_395 = arith.constant 0 : i32
      %dma_wait3A_396 = arith.constant 0 : i32
      %dma_wait3A_397 = tpu.memref_slice %arg15[%dma_wait3A_395, %dma_wait3A_396] : memref<10240x64xf32, #tpu.memory_space<vmem_shared>> -> memref<10240x64xf32, #tpu.memory_space<vmem_shared>>
      tpu.wait_indirect_dma semaphore(%arg17 : memref<!tpu.dma_semaphore, #tpu.memory_space<semaphore_mem>>) src(%dma_wait3A_397 : memref<10240x64xf32, #tpu.memory_space<vmem_shared>>) dst(%arg10 : memref<64x64xf32, #tpu.memory_space<vmem>>)
      %dma_start3A_398 = arith.constant 0 : i32
      %dma_start3A_399 = tpu.memref_slice %arg8[%add3A_391, %dma_start3A_398] : memref<160x64xi32, #tpu.memory_space<vmem>> -> memref<1x64xi32, #tpu.memory_space<vmem>>
      %dma_start3A_400 = tpu.memref_squeeze %dma_start3A_399 : memref<1x64xi32, #tpu.memory_space<vmem>> -> memref<64xi32, #tpu.memory_space<vmem>>
      %dma_start3A_401 = arith.constant 0 : i32
      %dma_start3A_402 = arith.constant 0 : i32
      %dma_start3A_403 = tpu.memref_slice %arg14[%dma_start3A_401, %dma_start3A_402] : memref<10240x64xf32, #tpu.memory_space<vmem_shared>> -> memref<10240x64xf32, #tpu.memory_space<vmem_shared>>
      tpu.enqueue_indirect_dma source(%arg10 : memref<64x64xf32, #tpu.memory_space<vmem>>) target(%dma_start3A_403 : memref<10240x64xf32, #tpu.memory_space<vmem_shared>>) offsets(%dma_start3A_400 : memref<64xi32, #tpu.memory_space<vmem>>) semaphore(%arg22 : memref<!tpu.dma_semaphore, #tpu.memory_space<semaphore_mem>>) {add = true}
      %sub3A_404 = arith.constant 2 : i32
      %sub3A_405 = arith.subi %add3A_391, %sub3A_404 : i32
      %dma_wait3A_406 = arith.constant 0 : i32
      %dma_wait3A_407 = tpu.memref_slice %arg8[%sub3A_405, %dma_wait3A_406] : memref<160x64xi32, #tpu.memory_space<vmem>> -> memref<1x64xi32, #tpu.memory_space<vmem>>
      %dma_wait3A_408 = tpu.memref_squeeze %dma_wait3A_407 : memref<1x64xi32, #tpu.memory_space<vmem>> -> memref<64xi32, #tpu.memory_space<vmem>>
      %dma_wait3A_409 = arith.constant 0 : i32
      %dma_wait3A_410 = arith.constant 0 : i32
      %dma_wait3A_411 = tpu.memref_slice %arg14[%dma_wait3A_409, %dma_wait3A_410] : memref<10240x64xf32, #tpu.memory_space<vmem_shared>> -> memref<10240x64xf32, #tpu.memory_space<vmem_shared>>
      tpu.wait_indirect_dma semaphore(%arg25 : memref<!tpu.dma_semaphore, #tpu.memory_space<semaphore_mem>>) src(%arg13 : memref<64x64xf32, #tpu.memory_space<vmem>>) dst(%dma_wait3A_411 : memref<10240x64xf32, #tpu.memory_space<vmem_shared>>)
      %add3A_412 = arith.constant 3 : i32
      %add3A_413 = arith.addi %add3A_391, %add3A_412 : i32
      %dma_start3A_414 = arith.constant 0 : i32
      %dma_start3A_415 = tpu.memref_slice %arg7[%add3A_413, %dma_start3A_414] : memref<160x64xi32, #tpu.memory_space<vmem>> -> memref<1x64xi32, #tpu.memory_space<vmem>>
      %dma_start3A_416 = tpu.memref_squeeze %dma_start3A_415 : memref<1x64xi32, #tpu.memory_space<vmem>> -> memref<64xi32, #tpu.memory_space<vmem>>
      %dma_start3A_417 = arith.constant 0 : i32
      %dma_start3A_418 = arith.constant 0 : i32
      %dma_start3A_419 = tpu.memref_slice %arg15[%dma_start3A_417, %dma_start3A_418] : memref<10240x64xf32, #tpu.memory_space<vmem_shared>> -> memref<10240x64xf32, #tpu.memory_space<vmem_shared>>
      tpu.enqueue_indirect_dma source(%dma_start3A_419 : memref<10240x64xf32, #tpu.memory_space<vmem_shared>>) target(%arg13 : memref<64x64xf32, #tpu.memory_space<vmem>>) offsets(%dma_start3A_416 : memref<64xi32, #tpu.memory_space<vmem>>) semaphore(%arg20 : memref<!tpu.dma_semaphore, #tpu.memory_space<semaphore_mem>>)
      %add3A_420 = arith.constant 2 : i32
      %add3A_421 = arith.addi %mul3A_359, %add3A_420 : i32
      %dma_wait3A_422 = arith.constant 0 : i32
      %dma_wait3A_423 = tpu.memref_slice %arg7[%add3A_421, %dma_wait3A_422] : memref<160x64xi32, #tpu.memory_space<vmem>> -> memref<1x64xi32, #tpu.memory_space<vmem>>
      %dma_wait3A_424 = tpu.memref_squeeze %dma_wait3A_423 : memref<1x64xi32, #tpu.memory_space<vmem>> -> memref<64xi32, #tpu.memory_space<vmem>>
      %dma_wait3A_425 = arith.constant 0 : i32
      %dma_wait3A_426 = arith.constant 0 : i32
      %dma_wait3A_427 = tpu.memref_slice %arg15[%dma_wait3A_425, %dma_wait3A_426] : memref<10240x64xf32, #tpu.memory_space<vmem_shared>> -> memref<10240x64xf32, #tpu.memory_space<vmem_shared>>
      tpu.wait_indirect_dma semaphore(%arg18 : memref<!tpu.dma_semaphore, #tpu.memory_space<semaphore_mem>>) src(%dma_wait3A_427 : memref<10240x64xf32, #tpu.memory_space<vmem_shared>>) dst(%arg11 : memref<64x64xf32, #tpu.memory_space<vmem>>)
      %dma_start3A_428 = arith.constant 0 : i32
      %dma_start3A_429 = tpu.memref_slice %arg8[%add3A_421, %dma_start3A_428] : memref<160x64xi32, #tpu.memory_space<vmem>> -> memref<1x64xi32, #tpu.memory_space<vmem>>
      %dma_start3A_430 = tpu.memref_squeeze %dma_start3A_429 : memref<1x64xi32, #tpu.memory_space<vmem>> -> memref<64xi32, #tpu.memory_space<vmem>>
      %dma_start3A_431 = arith.constant 0 : i32
      %dma_start3A_432 = arith.constant 0 : i32
      %dma_start3A_433 = tpu.memref_slice %arg14[%dma_start3A_431, %dma_start3A_432] : memref<10240x64xf32, #tpu.memory_space<vmem_shared>> -> memref<10240x64xf32, #tpu.memory_space<vmem_shared>>
      tpu.enqueue_indirect_dma source(%arg11 : memref<64x64xf32, #tpu.memory_space<vmem>>) target(%dma_start3A_433 : memref<10240x64xf32, #tpu.memory_space<vmem_shared>>) offsets(%dma_start3A_430 : memref<64xi32, #tpu.memory_space<vmem>>) semaphore(%arg23 : memref<!tpu.dma_semaphore, #tpu.memory_space<semaphore_mem>>) {add = true}
      %sub3A_434 = arith.constant 2 : i32
      %sub3A_435 = arith.subi %add3A_421, %sub3A_434 : i32
      %dma_wait3A_436 = arith.constant 0 : i32
      %dma_wait3A_437 = tpu.memref_slice %arg8[%sub3A_435, %dma_wait3A_436] : memref<160x64xi32, #tpu.memory_space<vmem>> -> memref<1x64xi32, #tpu.memory_space<vmem>>
      %dma_wait3A_438 = tpu.memref_squeeze %dma_wait3A_437 : memref<1x64xi32, #tpu.memory_space<vmem>> -> memref<64xi32, #tpu.memory_space<vmem>>
      %dma_wait3A_439 = arith.constant 0 : i32
      %dma_wait3A_440 = arith.constant 0 : i32
      %dma_wait3A_441 = tpu.memref_slice %arg14[%dma_wait3A_439, %dma_wait3A_440] : memref<10240x64xf32, #tpu.memory_space<vmem_shared>> -> memref<10240x64xf32, #tpu.memory_space<vmem_shared>>
      tpu.wait_indirect_dma semaphore(%arg21 : memref<!tpu.dma_semaphore, #tpu.memory_space<semaphore_mem>>) src(%arg9 : memref<64x64xf32, #tpu.memory_space<vmem>>) dst(%dma_wait3A_441 : memref<10240x64xf32, #tpu.memory_space<vmem_shared>>)
      %add3A_442 = arith.constant 3 : i32
      %add3A_443 = arith.addi %add3A_421, %add3A_442 : i32
      %dma_start3A_444 = arith.constant 0 : i32
      %dma_start3A_445 = tpu.memref_slice %arg7[%add3A_443, %dma_start3A_444] : memref<160x64xi32, #tpu.memory_space<vmem>> -> memref<1x64xi32, #tpu.memory_space<vmem>>
      %dma_start3A_446 = tpu.memref_squeeze %dma_start3A_445 : memref<1x64xi32, #tpu.memory_space<vmem>> -> memref<64xi32, #tpu.memory_space<vmem>>
      %dma_start3A_447 = arith.constant 0 : i32
      %dma_start3A_448 = arith.constant 0 : i32
      %dma_start3A_449 = tpu.memref_slice %arg15[%dma_start3A_447, %dma_start3A_448] : memref<10240x64xf32, #tpu.memory_space<vmem_shared>> -> memref<10240x64xf32, #tpu.memory_space<vmem_shared>>
      tpu.enqueue_indirect_dma source(%dma_start3A_449 : memref<10240x64xf32, #tpu.memory_space<vmem_shared>>) target(%arg9 : memref<64x64xf32, #tpu.memory_space<vmem>>) offsets(%dma_start3A_446 : memref<64xi32, #tpu.memory_space<vmem>>) semaphore(%arg16 : memref<!tpu.dma_semaphore, #tpu.memory_space<semaphore_mem>>)
      %add3A_450 = arith.constant 3 : i32
      %add3A_451 = arith.addi %mul3A_359, %add3A_450 : i32
      %dma_wait3A_452 = arith.constant 0 : i32
      %dma_wait3A_453 = tpu.memref_slice %arg7[%add3A_451, %dma_wait3A_452] : memref<160x64xi32, #tpu.memory_space<vmem>> -> memref<1x64xi32, #tpu.memory_space<vmem>>
      %dma_wait3A_454 = tpu.memref_squeeze %dma_wait3A_453 : memref<1x64xi32, #tpu.memory_space<vmem>> -> memref<64xi32, #tpu.memory_space<vmem>>
      %dma_wait3A_455 = arith.constant 0 : i32
      %dma_wait3A_456 = arith.constant 0 : i32
      %dma_wait3A_457 = tpu.memref_slice %arg15[%dma_wait3A_455, %dma_wait3A_456] : memref<10240x64xf32, #tpu.memory_space<vmem_shared>> -> memref<10240x64xf32, #tpu.memory_space<vmem_shared>>
      tpu.wait_indirect_dma semaphore(%arg19 : memref<!tpu.dma_semaphore, #tpu.memory_space<semaphore_mem>>) src(%dma_wait3A_457 : memref<10240x64xf32, #tpu.memory_space<vmem_shared>>) dst(%arg12 : memref<64x64xf32, #tpu.memory_space<vmem>>)
      %dma_start3A_458 = arith.constant 0 : i32
      %dma_start3A_459 = tpu.memref_slice %arg8[%add3A_451, %dma_start3A_458] : memref<160x64xi32, #tpu.memory_space<vmem>> -> memref<1x64xi32, #tpu.memory_space<vmem>>
      %dma_start3A_460 = tpu.memref_squeeze %dma_start3A_459 : memref<1x64xi32, #tpu.memory_space<vmem>> -> memref<64xi32, #tpu.memory_space<vmem>>
      %dma_start3A_461 = arith.constant 0 : i32
      %dma_start3A_462 = arith.constant 0 : i32
      %dma_start3A_463 = tpu.memref_slice %arg14[%dma_start3A_461, %dma_start3A_462] : memref<10240x64xf32, #tpu.memory_space<vmem_shared>> -> memref<10240x64xf32, #tpu.memory_space<vmem_shared>>
      tpu.enqueue_indirect_dma source(%arg12 : memref<64x64xf32, #tpu.memory_space<vmem>>) target(%dma_start3A_463 : memref<10240x64xf32, #tpu.memory_space<vmem_shared>>) offsets(%dma_start3A_460 : memref<64xi32, #tpu.memory_space<vmem>>) semaphore(%arg24 : memref<!tpu.dma_semaphore, #tpu.memory_space<semaphore_mem>>) {add = true}
      %sub3A_464 = arith.constant 2 : i32
      %sub3A_465 = arith.subi %add3A_451, %sub3A_464 : i32
      %dma_wait3A_466 = arith.constant 0 : i32
      %dma_wait3A_467 = tpu.memref_slice %arg8[%sub3A_465, %dma_wait3A_466] : memref<160x64xi32, #tpu.memory_space<vmem>> -> memref<1x64xi32, #tpu.memory_space<vmem>>
      %dma_wait3A_468 = tpu.memref_squeeze %dma_wait3A_467 : memref<1x64xi32, #tpu.memory_space<vmem>> -> memref<64xi32, #tpu.memory_space<vmem>>
      %dma_wait3A_469 = arith.constant 0 : i32
      %dma_wait3A_470 = arith.constant 0 : i32
      %dma_wait3A_471 = tpu.memref_slice %arg14[%dma_wait3A_469, %dma_wait3A_470] : memref<10240x64xf32, #tpu.memory_space<vmem_shared>> -> memref<10240x64xf32, #tpu.memory_space<vmem_shared>>
      tpu.wait_indirect_dma semaphore(%arg22 : memref<!tpu.dma_semaphore, #tpu.memory_space<semaphore_mem>>) src(%arg10 : memref<64x64xf32, #tpu.memory_space<vmem>>) dst(%dma_wait3A_471 : memref<10240x64xf32, #tpu.memory_space<vmem_shared>>)
      %add3A_472 = arith.constant 3 : i32
      %add3A_473 = arith.addi %add3A_451, %add3A_472 : i32
      %dma_start3A_474 = arith.constant 0 : i32
      %dma_start3A_475 = tpu.memref_slice %arg7[%add3A_473, %dma_start3A_474] : memref<160x64xi32, #tpu.memory_space<vmem>> -> memref<1x64xi32, #tpu.memory_space<vmem>>
      %dma_start3A_476 = tpu.memref_squeeze %dma_start3A_475 : memref<1x64xi32, #tpu.memory_space<vmem>> -> memref<64xi32, #tpu.memory_space<vmem>>
      %dma_start3A_477 = arith.constant 0 : i32
      %dma_start3A_478 = arith.constant 0 : i32
      %dma_start3A_479 = tpu.memref_slice %arg15[%dma_start3A_477, %dma_start3A_478] : memref<10240x64xf32, #tpu.memory_space<vmem_shared>> -> memref<10240x64xf32, #tpu.memory_space<vmem_shared>>
      tpu.enqueue_indirect_dma source(%dma_start3A_479 : memref<10240x64xf32, #tpu.memory_space<vmem_shared>>) target(%arg10 : memref<64x64xf32, #tpu.memory_space<vmem>>) offsets(%dma_start3A_476 : memref<64xi32, #tpu.memory_space<vmem>>) semaphore(%arg17 : memref<!tpu.dma_semaphore, #tpu.memory_space<semaphore_mem>>)
      %add3A_480 = arith.constant 4 : i32
      %add3A_481 = arith.addi %mul3A_359, %add3A_480 : i32
      %dma_wait3A_482 = arith.constant 0 : i32
      %dma_wait3A_483 = tpu.memref_slice %arg7[%add3A_481, %dma_wait3A_482] : memref<160x64xi32, #tpu.memory_space<vmem>> -> memref<1x64xi32, #tpu.memory_space<vmem>>
      %dma_wait3A_484 = tpu.memref_squeeze %dma_wait3A_483 : memref<1x64xi32, #tpu.memory_space<vmem>> -> memref<64xi32, #tpu.memory_space<vmem>>
      %dma_wait3A_485 = arith.constant 0 : i32
      %dma_wait3A_486 = arith.constant 0 : i32
      %dma_wait3A_487 = tpu.memref_slice %arg15[%dma_wait3A_485, %dma_wait3A_486] : memref<10240x64xf32, #tpu.memory_space<vmem_shared>> -> memref<10240x64xf32, #tpu.memory_space<vmem_shared>>
      tpu.wait_indirect_dma semaphore(%arg20 : memref<!tpu.dma_semaphore, #tpu.memory_space<semaphore_mem>>) src(%dma_wait3A_487 : memref<10240x64xf32, #tpu.memory_space<vmem_shared>>) dst(%arg13 : memref<64x64xf32, #tpu.memory_space<vmem>>)
      %dma_start3A_488 = arith.constant 0 : i32
      %dma_start3A_489 = tpu.memref_slice %arg8[%add3A_481, %dma_start3A_488] : memref<160x64xi32, #tpu.memory_space<vmem>> -> memref<1x64xi32, #tpu.memory_space<vmem>>
      %dma_start3A_490 = tpu.memref_squeeze %dma_start3A_489 : memref<1x64xi32, #tpu.memory_space<vmem>> -> memref<64xi32, #tpu.memory_space<vmem>>
      %dma_start3A_491 = arith.constant 0 : i32
      %dma_start3A_492 = arith.constant 0 : i32
      %dma_start3A_493 = tpu.memref_slice %arg14[%dma_start3A_491, %dma_start3A_492] : memref<10240x64xf32, #tpu.memory_space<vmem_shared>> -> memref<10240x64xf32, #tpu.memory_space<vmem_shared>>
      tpu.enqueue_indirect_dma source(%arg13 : memref<64x64xf32, #tpu.memory_space<vmem>>) target(%dma_start3A_493 : memref<10240x64xf32, #tpu.memory_space<vmem_shared>>) offsets(%dma_start3A_490 : memref<64xi32, #tpu.memory_space<vmem>>) semaphore(%arg25 : memref<!tpu.dma_semaphore, #tpu.memory_space<semaphore_mem>>) {add = true}
      %sub3A_494 = arith.constant 2 : i32
      %sub3A_495 = arith.subi %add3A_481, %sub3A_494 : i32
      %dma_wait3A_496 = arith.constant 0 : i32
      %dma_wait3A_497 = tpu.memref_slice %arg8[%sub3A_495, %dma_wait3A_496] : memref<160x64xi32, #tpu.memory_space<vmem>> -> memref<1x64xi32, #tpu.memory_space<vmem>>
      %dma_wait3A_498 = tpu.memref_squeeze %dma_wait3A_497 : memref<1x64xi32, #tpu.memory_space<vmem>> -> memref<64xi32, #tpu.memory_space<vmem>>
      %dma_wait3A_499 = arith.constant 0 : i32
      %dma_wait3A_500 = arith.constant 0 : i32
      %dma_wait3A_501 = tpu.memref_slice %arg14[%dma_wait3A_499, %dma_wait3A_500] : memref<10240x64xf32, #tpu.memory_space<vmem_shared>> -> memref<10240x64xf32, #tpu.memory_space<vmem_shared>>
      tpu.wait_indirect_dma semaphore(%arg23 : memref<!tpu.dma_semaphore, #tpu.memory_space<semaphore_mem>>) src(%arg11 : memref<64x64xf32, #tpu.memory_space<vmem>>) dst(%dma_wait3A_501 : memref<10240x64xf32, #tpu.memory_space<vmem_shared>>)
      %add3A_502 = arith.constant 3 : i32
      %add3A_503 = arith.addi %add3A_481, %add3A_502 : i32
      %dma_start3A_504 = arith.constant 0 : i32
      %dma_start3A_505 = tpu.memref_slice %arg7[%add3A_503, %dma_start3A_504] : memref<160x64xi32, #tpu.memory_space<vmem>> -> memref<1x64xi32, #tpu.memory_space<vmem>>
      %dma_start3A_506 = tpu.memref_squeeze %dma_start3A_505 : memref<1x64xi32, #tpu.memory_space<vmem>> -> memref<64xi32, #tpu.memory_space<vmem>>
      %dma_start3A_507 = arith.constant 0 : i32
      %dma_start3A_508 = arith.constant 0 : i32
      %dma_start3A_509 = tpu.memref_slice %arg15[%dma_start3A_507, %dma_start3A_508] : memref<10240x64xf32, #tpu.memory_space<vmem_shared>> -> memref<10240x64xf32, #tpu.memory_space<vmem_shared>>
      tpu.enqueue_indirect_dma source(%dma_start3A_509 : memref<10240x64xf32, #tpu.memory_space<vmem_shared>>) target(%arg11 : memref<64x64xf32, #tpu.memory_space<vmem>>) offsets(%dma_start3A_506 : memref<64xi32, #tpu.memory_space<vmem>>) semaphore(%arg18 : memref<!tpu.dma_semaphore, #tpu.memory_space<semaphore_mem>>)
      %while3A_510 = arith.constant 0 : i32
      scf.yield %while3A_510 : i32
    }
    %while3A_205 = arith.constant 1 : i32
    %while3A_206 = scf.for %while3A_356 = %while3A_202 to %while3A_198 step %while3A_205 iter_args(%while3A_357 = %while3A_204) -> (i32)  : i32 {
      %mul3A_358 = arith.constant 5 : i32
      %mul3A_359 = arith.muli %while3A_356, %mul3A_358 : i32
      %add3A_360 = arith.constant 0 : i32
      %add3A_361 = arith.addi %mul3A_359, %add3A_360 : i32
      %dma_wait3A_362 = arith.constant 0 : i32
      %dma_wait3A_363 = tpu.memref_slice %arg7[%add3A_361, %dma_wait3A_362] : memref<160x64xi32, #tpu.memory_space<vmem>> -> memref<1x64xi32, #tpu.memory_space<vmem>>
      %dma_wait3A_364 = tpu.memref_squeeze %dma_wait3A_363 : memref<1x64xi32, #tpu.memory_space<vmem>> -> memref<64xi32, #tpu.memory_space<vmem>>
      %dma_wait3A_365 = arith.constant 0 : i32
      %dma_wait3A_366 = arith.constant 0 : i32
      %dma_wait3A_367 = tpu.memref_slice %arg15[%dma_wait3A_365, %dma_wait3A_366] : memref<10240x64xf32, #tpu.memory_space<vmem_shared>> -> memref<10240x64xf32, #tpu.memory_space<vmem_shared>>
      tpu.wait_indirect_dma semaphore(%arg16 : memref<!tpu.dma_semaphore, #tpu.memory_space<semaphore_mem>>) src(%dma_wait3A_367 : memref<10240x64xf32, #tpu.memory_space<vmem_shared>>) dst(%arg9 : memref<64x64xf32, #tpu.memory_space<vmem>>)
      %dma_start3A_368 = arith.constant 0 : i32
      %dma_start3A_369 = tpu.memref_slice %arg8[%add3A_361, %dma_start3A_368] : memref<160x64xi32, #tpu.memory_space<vmem>> -> memref<1x64xi32, #tpu.memory_space<vmem>>
      %dma_start3A_370 = tpu.memref_squeeze %dma_start3A_369 : memref<1x64xi32, #tpu.memory_space<vmem>> -> memref<64xi32, #tpu.memory_space<vmem>>
      %dma_start3A_371 = arith.constant 0 : i32
      %dma_start3A_372 = arith.constant 0 : i32
      %dma_start3A_373 = tpu.memref_slice %arg14[%dma_start3A_371, %dma_start3A_372] : memref<10240x64xf32, #tpu.memory_space<vmem_shared>> -> memref<10240x64xf32, #tpu.memory_space<vmem_shared>>
      tpu.enqueue_indirect_dma source(%arg9 : memref<64x64xf32, #tpu.memory_space<vmem>>) target(%dma_start3A_373 : memref<10240x64xf32, #tpu.memory_space<vmem_shared>>) offsets(%dma_start3A_370 : memref<64xi32, #tpu.memory_space<vmem>>) semaphore(%arg21 : memref<!tpu.dma_semaphore, #tpu.memory_space<semaphore_mem>>) {add = true}
      %sub3A_374 = arith.constant 2 : i32
      %sub3A_375 = arith.subi %add3A_361, %sub3A_374 : i32
      %dma_wait3A_376 = arith.constant 0 : i32
      %dma_wait3A_377 = tpu.memref_slice %arg8[%sub3A_375, %dma_wait3A_376] : memref<160x64xi32, #tpu.memory_space<vmem>> -> memref<1x64xi32, #tpu.memory_space<vmem>>
      %dma_wait3A_378 = tpu.memref_squeeze %dma_wait3A_377 : memref<1x64xi32, #tpu.memory_space<vmem>> -> memref<64xi32, #tpu.memory_space<vmem>>
      %dma_wait3A_379 = arith.constant 0 : i32
      %dma_wait3A_380 = arith.constant 0 : i32
      %dma_wait3A_381 = tpu.memref_slice %arg14[%dma_wait3A_379, %dma_wait3A_380] : memref<10240x64xf32, #tpu.memory_space<vmem_shared>> -> memref<10240x64xf32, #tpu.memory_space<vmem_shared>>
      tpu.wait_indirect_dma semaphore(%arg24 : memref<!tpu.dma_semaphore, #tpu.memory_space<semaphore_mem>>) src(%arg12 : memref<64x64xf32, #tpu.memory_space<vmem>>) dst(%dma_wait3A_381 : memref<10240x64xf32, #tpu.memory_space<vmem_shared>>)
      %add3A_382 = arith.constant 3 : i32
      %add3A_383 = arith.addi %add3A_361, %add3A_382 : i32
      %dma_start3A_384 = arith.constant 0 : i32
      %dma_start3A_385 = tpu.memref_slice %arg7[%add3A_383, %dma_start3A_384] : memref<160x64xi32, #tpu.memory_space<vmem>> -> memref<1x64xi32, #tpu.memory_space<vmem>>
      %dma_start3A_386 = tpu.memref_squeeze %dma_start3A_385 : memref<1x64xi32, #tpu.memory_space<vmem>> -> memref<64xi32, #tpu.memory_space<vmem>>
      %dma_start3A_387 = arith.constant 0 : i32
      %dma_start3A_388 = arith.constant 0 : i32
      %dma_start3A_389 = tpu.memref_slice %arg15[%dma_start3A_387, %dma_start3A_388] : memref<10240x64xf32, #tpu.memory_space<vmem_shared>> -> memref<10240x64xf32, #tpu.memory_space<vmem_shared>>
      tpu.enqueue_indirect_dma source(%dma_start3A_389 : memref<10240x64xf32, #tpu.memory_space<vmem_shared>>) target(%arg12 : memref<64x64xf32, #tpu.memory_space<vmem>>) offsets(%dma_start3A_386 : memref<64xi32, #tpu.memory_space<vmem>>) semaphore(%arg19 : memref<!tpu.dma_semaphore, #tpu.memory_space<semaphore_mem>>)
      %add3A_390 = arith.constant 1 : i32
      %add3A_391 = arith.addi %mul3A_359, %add3A_390 : i32
      %dma_wait3A_392 = arith.constant 0 : i32
      %dma_wait3A_393 = tpu.memref_slice %arg7[%add3A_391, %dma_wait3A_392] : memref<160x64xi32, #tpu.memory_space<vmem>> -> memref<1x64xi32, #tpu.memory_space<vmem>>
      %dma_wait3A_394 = tpu.memref_squeeze %dma_wait3A_393 : memref<1x64xi32, #tpu.memory_space<vmem>> -> memref<64xi32, #tpu.memory_space<vmem>>
      %dma_wait3A_395 = arith.constant 0 : i32
      %dma_wait3A_396 = arith.constant 0 : i32
      %dma_wait3A_397 = tpu.memref_slice %arg15[%dma_wait3A_395, %dma_wait3A_396] : memref<10240x64xf32, #tpu.memory_space<vmem_shared>> -> memref<10240x64xf32, #tpu.memory_space<vmem_shared>>
      tpu.wait_indirect_dma semaphore(%arg17 : memref<!tpu.dma_semaphore, #tpu.memory_space<semaphore_mem>>) src(%dma_wait3A_397 : memref<10240x64xf32, #tpu.memory_space<vmem_shared>>) dst(%arg10 : memref<64x64xf32, #tpu.memory_space<vmem>>)
      %dma_start3A_398 = arith.constant 0 : i32
      %dma_start3A_399 = tpu.memref_slice %arg8[%add3A_391, %dma_start3A_398] : memref<160x64xi32, #tpu.memory_space<vmem>> -> memref<1x64xi32, #tpu.memory_space<vmem>>
      %dma_start3A_400 = tpu.memref_squeeze %dma_start3A_399 : memref<1x64xi32, #tpu.memory_space<vmem>> -> memref<64xi32, #tpu.memory_space<vmem>>
      %dma_start3A_401 = arith.constant 0 : i32
      %dma_start3A_402 = arith.constant 0 : i32
      %dma_start3A_403 = tpu.memref_slice %arg14[%dma_start3A_401, %dma_start3A_402] : memref<10240x64xf32, #tpu.memory_space<vmem_shared>> -> memref<10240x64xf32, #tpu.memory_space<vmem_shared>>
      tpu.enqueue_indirect_dma source(%arg10 : memref<64x64xf32, #tpu.memory_space<vmem>>) target(%dma_start3A_403 : memref<10240x64xf32, #tpu.memory_space<vmem_shared>>) offsets(%dma_start3A_400 : memref<64xi32, #tpu.memory_space<vmem>>) semaphore(%arg22 : memref<!tpu.dma_semaphore, #tpu.memory_space<semaphore_mem>>) {add = true}
      %sub3A_404 = arith.constant 2 : i32
      %sub3A_405 = arith.subi %add3A_391, %sub3A_404 : i32
      %dma_wait3A_406 = arith.constant 0 : i32
      %dma_wait3A_407 = tpu.memref_slice %arg8[%sub3A_405, %dma_wait3A_406] : memref<160x64xi32, #tpu.memory_space<vmem>> -> memref<1x64xi32, #tpu.memory_space<vmem>>
      %dma_wait3A_408 = tpu.memref_squeeze %dma_wait3A_407 : memref<1x64xi32, #tpu.memory_space<vmem>> -> memref<64xi32, #tpu.memory_space<vmem>>
      %dma_wait3A_409 = arith.constant 0 : i32
      %dma_wait3A_410 = arith.constant 0 : i32
      %dma_wait3A_411 = tpu.memref_slice %arg14[%dma_wait3A_409, %dma_wait3A_410] : memref<10240x64xf32, #tpu.memory_space<vmem_shared>> -> memref<10240x64xf32, #tpu.memory_space<vmem_shared>>
      tpu.wait_indirect_dma semaphore(%arg25 : memref<!tpu.dma_semaphore, #tpu.memory_space<semaphore_mem>>) src(%arg13 : memref<64x64xf32, #tpu.memory_space<vmem>>) dst(%dma_wait3A_411 : memref<10240x64xf32, #tpu.memory_space<vmem_shared>>)
      %add3A_412 = arith.constant 3 : i32
      %add3A_413 = arith.addi %add3A_391, %add3A_412 : i32
      %dma_start3A_414 = arith.constant 0 : i32
      %dma_start3A_415 = tpu.memref_slice %arg7[%add3A_413, %dma_start3A_414] : memref<160x64xi32, #tpu.memory_space<vmem>> -> memref<1x64xi32, #tpu.memory_space<vmem>>
      %dma_start3A_416 = tpu.memref_squeeze %dma_start3A_415 : memref<1x64xi32, #tpu.memory_space<vmem>> -> memref<64xi32, #tpu.memory_space<vmem>>
      %dma_start3A_417 = arith.constant 0 : i32
      %dma_start3A_418 = arith.constant 0 : i32
      %dma_start3A_419 = tpu.memref_slice %arg15[%dma_start3A_417, %dma_start3A_418] : memref<10240x64xf32, #tpu.memory_space<vmem_shared>> -> memref<10240x64xf32, #tpu.memory_space<vmem_shared>>
      tpu.enqueue_indirect_dma source(%dma_start3A_419 : memref<10240x64xf32, #tpu.memory_space<vmem_shared>>) target(%arg13 : memref<64x64xf32, #tpu.memory_space<vmem>>) offsets(%dma_start3A_416 : memref<64xi32, #tpu.memory_space<vmem>>) semaphore(%arg20 : memref<!tpu.dma_semaphore, #tpu.memory_space<semaphore_mem>>)
      %add3A_420 = arith.constant 2 : i32
      %add3A_421 = arith.addi %mul3A_359, %add3A_420 : i32
      %dma_wait3A_422 = arith.constant 0 : i32
      %dma_wait3A_423 = tpu.memref_slice %arg7[%add3A_421, %dma_wait3A_422] : memref<160x64xi32, #tpu.memory_space<vmem>> -> memref<1x64xi32, #tpu.memory_space<vmem>>
      %dma_wait3A_424 = tpu.memref_squeeze %dma_wait3A_423 : memref<1x64xi32, #tpu.memory_space<vmem>> -> memref<64xi32, #tpu.memory_space<vmem>>
      %dma_wait3A_425 = arith.constant 0 : i32
      %dma_wait3A_426 = arith.constant 0 : i32
      %dma_wait3A_427 = tpu.memref_slice %arg15[%dma_wait3A_425, %dma_wait3A_426] : memref<10240x64xf32, #tpu.memory_space<vmem_shared>> -> memref<10240x64xf32, #tpu.memory_space<vmem_shared>>
      tpu.wait_indirect_dma semaphore(%arg18 : memref<!tpu.dma_semaphore, #tpu.memory_space<semaphore_mem>>) src(%dma_wait3A_427 : memref<10240x64xf32, #tpu.memory_space<vmem_shared>>) dst(%arg11 : memref<64x64xf32, #tpu.memory_space<vmem>>)
      %dma_start3A_428 = arith.constant 0 : i32
      %dma_start3A_429 = tpu.memref_slice %arg8[%add3A_421, %dma_start3A_428] : memref<160x64xi32, #tpu.memory_space<vmem>> -> memref<1x64xi32, #tpu.memory_space<vmem>>
      %dma_start3A_430 = tpu.memref_squeeze %dma_start3A_429 : memref<1x64xi32, #tpu.memory_space<vmem>> -> memref<64xi32, #tpu.memory_space<vmem>>
      %dma_start3A_431 = arith.constant 0 : i32
      %dma_start3A_432 = arith.constant 0 : i32
      %dma_start3A_433 = tpu.memref_slice %arg14[%dma_start3A_431, %dma_start3A_432] : memref<10240x64xf32, #tpu.memory_space<vmem_shared>> -> memref<10240x64xf32, #tpu.memory_space<vmem_shared>>
      tpu.enqueue_indirect_dma source(%arg11 : memref<64x64xf32, #tpu.memory_space<vmem>>) target(%dma_start3A_433 : memref<10240x64xf32, #tpu.memory_space<vmem_shared>>) offsets(%dma_start3A_430 : memref<64xi32, #tpu.memory_space<vmem>>) semaphore(%arg23 : memref<!tpu.dma_semaphore, #tpu.memory_space<semaphore_mem>>) {add = true}
      %sub3A_434 = arith.constant 2 : i32
      %sub3A_435 = arith.subi %add3A_421, %sub3A_434 : i32
      %dma_wait3A_436 = arith.constant 0 : i32
      %dma_wait3A_437 = tpu.memref_slice %arg8[%sub3A_435, %dma_wait3A_436] : memref<160x64xi32, #tpu.memory_space<vmem>> -> memref<1x64xi32, #tpu.memory_space<vmem>>
      %dma_wait3A_438 = tpu.memref_squeeze %dma_wait3A_437 : memref<1x64xi32, #tpu.memory_space<vmem>> -> memref<64xi32, #tpu.memory_space<vmem>>
      %dma_wait3A_439 = arith.constant 0 : i32
      %dma_wait3A_440 = arith.constant 0 : i32
      %dma_wait3A_441 = tpu.memref_slice %arg14[%dma_wait3A_439, %dma_wait3A_440] : memref<10240x64xf32, #tpu.memory_space<vmem_shared>> -> memref<10240x64xf32, #tpu.memory_space<vmem_shared>>
      tpu.wait_indirect_dma semaphore(%arg21 : memref<!tpu.dma_semaphore, #tpu.memory_space<semaphore_mem>>) src(%arg9 : memref<64x64xf32, #tpu.memory_space<vmem>>) dst(%dma_wait3A_441 : memref<10240x64xf32, #tpu.memory_space<vmem_shared>>)
      %add3A_442 = arith.constant 3 : i32
      %add3A_443 = arith.addi %add3A_421, %add3A_442 : i32
      %dma_start3A_444 = arith.constant 0 : i32
      %dma_start3A_445 = tpu.memref_slice %arg7[%add3A_443, %dma_start3A_444] : memref<160x64xi32, #tpu.memory_space<vmem>> -> memref<1x64xi32, #tpu.memory_space<vmem>>
      %dma_start3A_446 = tpu.memref_squeeze %dma_start3A_445 : memref<1x64xi32, #tpu.memory_space<vmem>> -> memref<64xi32, #tpu.memory_space<vmem>>
      %dma_start3A_447 = arith.constant 0 : i32
      %dma_start3A_448 = arith.constant 0 : i32
      %dma_start3A_449 = tpu.memref_slice %arg15[%dma_start3A_447, %dma_start3A_448] : memref<10240x64xf32, #tpu.memory_space<vmem_shared>> -> memref<10240x64xf32, #tpu.memory_space<vmem_shared>>
      tpu.enqueue_indirect_dma source(%dma_start3A_449 : memref<10240x64xf32, #tpu.memory_space<vmem_shared>>) target(%arg9 : memref<64x64xf32, #tpu.memory_space<vmem>>) offsets(%dma_start3A_446 : memref<64xi32, #tpu.memory_space<vmem>>) semaphore(%arg16 : memref<!tpu.dma_semaphore, #tpu.memory_space<semaphore_mem>>)
      %add3A_450 = arith.constant 3 : i32
      %add3A_451 = arith.addi %mul3A_359, %add3A_450 : i32
      %dma_wait3A_452 = arith.constant 0 : i32
      %dma_wait3A_453 = tpu.memref_slice %arg7[%add3A_451, %dma_wait3A_452] : memref<160x64xi32, #tpu.memory_space<vmem>> -> memref<1x64xi32, #tpu.memory_space<vmem>>
      %dma_wait3A_454 = tpu.memref_squeeze %dma_wait3A_453 : memref<1x64xi32, #tpu.memory_space<vmem>> -> memref<64xi32, #tpu.memory_space<vmem>>
      %dma_wait3A_455 = arith.constant 0 : i32
      %dma_wait3A_456 = arith.constant 0 : i32
      %dma_wait3A_457 = tpu.memref_slice %arg15[%dma_wait3A_455, %dma_wait3A_456] : memref<10240x64xf32, #tpu.memory_space<vmem_shared>> -> memref<10240x64xf32, #tpu.memory_space<vmem_shared>>
      tpu.wait_indirect_dma semaphore(%arg19 : memref<!tpu.dma_semaphore, #tpu.memory_space<semaphore_mem>>) src(%dma_wait3A_457 : memref<10240x64xf32, #tpu.memory_space<vmem_shared>>) dst(%arg12 : memref<64x64xf32, #tpu.memory_space<vmem>>)
      %dma_start3A_458 = arith.constant 0 : i32
      %dma_start3A_459 = tpu.memref_slice %arg8[%add3A_451, %dma_start3A_458] : memref<160x64xi32, #tpu.memory_space<vmem>> -> memref<1x64xi32, #tpu.memory_space<vmem>>
      %dma_start3A_460 = tpu.memref_squeeze %dma_start3A_459 : memref<1x64xi32, #tpu.memory_space<vmem>> -> memref<64xi32, #tpu.memory_space<vmem>>
      %dma_start3A_461 = arith.constant 0 : i32
      %dma_start3A_462 = arith.constant 0 : i32
      %dma_start3A_463 = tpu.memref_slice %arg14[%dma_start3A_461, %dma_start3A_462] : memref<10240x64xf32, #tpu.memory_space<vmem_shared>> -> memref<10240x64xf32, #tpu.memory_space<vmem_shared>>
      tpu.enqueue_indirect_dma source(%arg12 : memref<64x64xf32, #tpu.memory_space<vmem>>) target(%dma_start3A_463 : memref<10240x64xf32, #tpu.memory_space<vmem_shared>>) offsets(%dma_start3A_460 : memref<64xi32, #tpu.memory_space<vmem>>) semaphore(%arg24 : memref<!tpu.dma_semaphore, #tpu.memory_space<semaphore_mem>>) {add = true}
      %sub3A_464 = arith.constant 2 : i32
      %sub3A_465 = arith.subi %add3A_451, %sub3A_464 : i32
      %dma_wait3A_466 = arith.constant 0 : i32
      %dma_wait3A_467 = tpu.memref_slice %arg8[%sub3A_465, %dma_wait3A_466] : memref<160x64xi32, #tpu.memory_space<vmem>> -> memref<1x64xi32, #tpu.memory_space<vmem>>
      %dma_wait3A_468 = tpu.memref_squeeze %dma_wait3A_467 : memref<1x64xi32, #tpu.memory_space<vmem>> -> memref<64xi32, #tpu.memory_space<vmem>>
      %dma_wait3A_469 = arith.constant 0 : i32
      %dma_wait3A_470 = arith.constant 0 : i32
      %dma_wait3A_471 = tpu.memref_slice %arg14[%dma_wait3A_469, %dma_wait3A_470] : memref<10240x64xf32, #tpu.memory_space<vmem_shared>> -> memref<10240x64xf32, #tpu.memory_space<vmem_shared>>
      tpu.wait_indirect_dma semaphore(%arg22 : memref<!tpu.dma_semaphore, #tpu.memory_space<semaphore_mem>>) src(%arg10 : memref<64x64xf32, #tpu.memory_space<vmem>>) dst(%dma_wait3A_471 : memref<10240x64xf32, #tpu.memory_space<vmem_shared>>)
      %add3A_472 = arith.constant 3 : i32
      %add3A_473 = arith.addi %add3A_451, %add3A_472 : i32
      %dma_start3A_474 = arith.constant 0 : i32
      %dma_start3A_475 = tpu.memref_slice %arg7[%add3A_473, %dma_start3A_474] : memref<160x64xi32, #tpu.memory_space<vmem>> -> memref<1x64xi32, #tpu.memory_space<vmem>>
      %dma_start3A_476 = tpu.memref_squeeze %dma_start3A_475 : memref<1x64xi32, #tpu.memory_space<vmem>> -> memref<64xi32, #tpu.memory_space<vmem>>
      %dma_start3A_477 = arith.constant 0 : i32
      %dma_start3A_478 = arith.constant 0 : i32
      %dma_start3A_479 = tpu.memref_slice %arg15[%dma_start3A_477, %dma_start3A_478] : memref<10240x64xf32, #tpu.memory_space<vmem_shared>> -> memref<10240x64xf32, #tpu.memory_space<vmem_shared>>
      tpu.enqueue_indirect_dma source(%dma_start3A_479 : memref<10240x64xf32, #tpu.memory_space<vmem_shared>>) target(%arg10 : memref<64x64xf32, #tpu.memory_space<vmem>>) offsets(%dma_start3A_476 : memref<64xi32, #tpu.memory_space<vmem>>) semaphore(%arg17 : memref<!tpu.dma_semaphore, #tpu.memory_space<semaphore_mem>>)
      %add3A_480 = arith.constant 4 : i32
      %add3A_481 = arith.addi %mul3A_359, %add3A_480 : i32
      %dma_wait3A_482 = arith.constant 0 : i32
      %dma_wait3A_483 = tpu.memref_slice %arg7[%add3A_481, %dma_wait3A_482] : memref<160x64xi32, #tpu.memory_space<vmem>> -> memref<1x64xi32, #tpu.memory_space<vmem>>
      %dma_wait3A_484 = tpu.memref_squeeze %dma_wait3A_483 : memref<1x64xi32, #tpu.memory_space<vmem>> -> memref<64xi32, #tpu.memory_space<vmem>>
      %dma_wait3A_485 = arith.constant 0 : i32
      %dma_wait3A_486 = arith.constant 0 : i32
      %dma_wait3A_487 = tpu.memref_slice %arg15[%dma_wait3A_485, %dma_wait3A_486] : memref<10240x64xf32, #tpu.memory_space<vmem_shared>> -> memref<10240x64xf32, #tpu.memory_space<vmem_shared>>
      tpu.wait_indirect_dma semaphore(%arg20 : memref<!tpu.dma_semaphore, #tpu.memory_space<semaphore_mem>>) src(%dma_wait3A_487 : memref<10240x64xf32, #tpu.memory_space<vmem_shared>>) dst(%arg13 : memref<64x64xf32, #tpu.memory_space<vmem>>)
      %dma_start3A_488 = arith.constant 0 : i32
      %dma_start3A_489 = tpu.memref_slice %arg8[%add3A_481, %dma_start3A_488] : memref<160x64xi32, #tpu.memory_space<vmem>> -> memref<1x64xi32, #tpu.memory_space<vmem>>
      %dma_start3A_490 = tpu.memref_squeeze %dma_start3A_489 : memref<1x64xi32, #tpu.memory_space<vmem>> -> memref<64xi32, #tpu.memory_space<vmem>>
      %dma_start3A_491 = arith.constant 0 : i32
      %dma_start3A_492 = arith.constant 0 : i32
      %dma_start3A_493 = tpu.memref_slice %arg14[%dma_start3A_491, %dma_start3A_492] : memref<10240x64xf32, #tpu.memory_space<vmem_shared>> -> memref<10240x64xf32, #tpu.memory_space<vmem_shared>>
      tpu.enqueue_indirect_dma source(%arg13 : memref<64x64xf32, #tpu.memory_space<vmem>>) target(%dma_start3A_493 : memref<10240x64xf32, #tpu.memory_space<vmem_shared>>) offsets(%dma_start3A_490 : memref<64xi32, #tpu.memory_space<vmem>>) semaphore(%arg25 : memref<!tpu.dma_semaphore, #tpu.memory_space<semaphore_mem>>) {add = true}
      %sub3A_494 = arith.constant 2 : i32
      %sub3A_495 = arith.subi %add3A_481, %sub3A_494 : i32
      %dma_wait3A_496 = arith.constant 0 : i32
      %dma_wait3A_497 = tpu.memref_slice %arg8[%sub3A_495, %dma_wait3A_496] : memref<160x64xi32, #tpu.memory_space<vmem>> -> memref<1x64xi32, #tpu.memory_space<vmem>>
      %dma_wait3A_498 = tpu.memref_squeeze %dma_wait3A_497 : memref<1x64xi32, #tpu.memory_space<vmem>> -> memref<64xi32, #tpu.memory_space<vmem>>
      %dma_wait3A_499 = arith.constant 0 : i32
      %dma_wait3A_500 = arith.constant 0 : i32
      %dma_wait3A_501 = tpu.memref_slice %arg14[%dma_wait3A_499, %dma_wait3A_500] : memref<10240x64xf32, #tpu.memory_space<vmem_shared>> -> memref<10240x64xf32, #tpu.memory_space<vmem_shared>>
      tpu.wait_indirect_dma semaphore(%arg23 : memref<!tpu.dma_semaphore, #tpu.memory_space<semaphore_mem>>) src(%arg11 : memref<64x64xf32, #tpu.memory_space<vmem>>) dst(%dma_wait3A_501 : memref<10240x64xf32, #tpu.memory_space<vmem_shared>>)
      %add3A_502 = arith.constant 3 : i32
      %add3A_503 = arith.addi %add3A_481, %add3A_502 : i32
      %dma_start3A_504 = arith.constant 0 : i32
      %dma_start3A_505 = tpu.memref_slice %arg7[%add3A_503, %dma_start3A_504] : memref<160x64xi32, #tpu.memory_space<vmem>> -> memref<1x64xi32, #tpu.memory_space<vmem>>
      %dma_start3A_506 = tpu.memref_squeeze %dma_start3A_505 : memref<1x64xi32, #tpu.memory_space<vmem>> -> memref<64xi32, #tpu.memory_space<vmem>>
      %dma_start3A_507 = arith.constant 0 : i32
      %dma_start3A_508 = arith.constant 0 : i32
      %dma_start3A_509 = tpu.memref_slice %arg15[%dma_start3A_507, %dma_start3A_508] : memref<10240x64xf32, #tpu.memory_space<vmem_shared>> -> memref<10240x64xf32, #tpu.memory_space<vmem_shared>>
      tpu.enqueue_indirect_dma source(%dma_start3A_509 : memref<10240x64xf32, #tpu.memory_space<vmem_shared>>) target(%arg11 : memref<64x64xf32, #tpu.memory_space<vmem>>) offsets(%dma_start3A_506 : memref<64xi32, #tpu.memory_space<vmem>>) semaphore(%arg18 : memref<!tpu.dma_semaphore, #tpu.memory_space<semaphore_mem>>)
      %while3A_510 = arith.constant 0 : i32
      scf.yield %while3A_510 : i32
    }
    %sub3A_207 = arith.constant 5 : i32
    %sub3A_208 = arith.subi %select_n3A, %sub3A_207 : i32
    %add3A_209 = arith.constant 0 : i32
    %add3A_210 = arith.addi %sub3A_208, %add3A_209 : i32
    %dma_wait3A_211 = arith.constant 0 : i32
    %dma_wait3A_212 = tpu.memref_slice %arg7[%add3A_210, %dma_wait3A_211] : memref<160x64xi32, #tpu.memory_space<vmem>> -> memref<1x64xi32, #tpu.memory_space<vmem>>
    %dma_wait3A_213 = tpu.memref_squeeze %dma_wait3A_212 : memref<1x64xi32, #tpu.memory_space<vmem>> -> memref<64xi32, #tpu.memory_space<vmem>>
    %dma_wait3A_214 = arith.constant 0 : i32
    %dma_wait3A_215 = arith.constant 0 : i32
    %dma_wait3A_216 = tpu.memref_slice %arg15[%dma_wait3A_214, %dma_wait3A_215] : memref<10240x64xf32, #tpu.memory_space<vmem_shared>> -> memref<10240x64xf32, #tpu.memory_space<vmem_shared>>
    tpu.wait_indirect_dma semaphore(%arg16 : memref<!tpu.dma_semaphore, #tpu.memory_space<semaphore_mem>>) src(%dma_wait3A_216 : memref<10240x64xf32, #tpu.memory_space<vmem_shared>>) dst(%arg9 : memref<64x64xf32, #tpu.memory_space<vmem>>)
    %dma_start3A_217 = arith.constant 0 : i32
    %dma_start3A_218 = tpu.memref_slice %arg8[%add3A_210, %dma_start3A_217] : memref<160x64xi32, #tpu.memory_space<vmem>> -> memref<1x64xi32, #tpu.memory_space<vmem>>
    %dma_start3A_219 = tpu.memref_squeeze %dma_start3A_218 : memref<1x64xi32, #tpu.memory_space<vmem>> -> memref<64xi32, #tpu.memory_space<vmem>>
    %dma_start3A_220 = arith.constant 0 : i32
    %dma_start3A_221 = arith.constant 0 : i32
    %dma_start3A_222 = tpu.memref_slice %arg14[%dma_start3A_220, %dma_start3A_221] : memref<10240x64xf32, #tpu.memory_space<vmem_shared>> -> memref<10240x64xf32, #tpu.memory_space<vmem_shared>>
    tpu.enqueue_indirect_dma source(%arg9 : memref<64x64xf32, #tpu.memory_space<vmem>>) target(%dma_start3A_222 : memref<10240x64xf32, #tpu.memory_space<vmem_shared>>) offsets(%dma_start3A_219 : memref<64xi32, #tpu.memory_space<vmem>>) semaphore(%arg21 : memref<!tpu.dma_semaphore, #tpu.memory_space<semaphore_mem>>) {add = true}
    %sub3A_223 = arith.constant 2 : i32
    %sub3A_224 = arith.subi %add3A_210, %sub3A_223 : i32
    %dma_wait3A_225 = arith.constant 0 : i32
    %dma_wait3A_226 = tpu.memref_slice %arg8[%sub3A_224, %dma_wait3A_225] : memref<160x64xi32, #tpu.memory_space<vmem>> -> memref<1x64xi32, #tpu.memory_space<vmem>>
    %dma_wait3A_227 = tpu.memref_squeeze %dma_wait3A_226 : memref<1x64xi32, #tpu.memory_space<vmem>> -> memref<64xi32, #tpu.memory_space<vmem>>
    %dma_wait3A_228 = arith.constant 0 : i32
    %dma_wait3A_229 = arith.constant 0 : i32
    %dma_wait3A_230 = tpu.memref_slice %arg14[%dma_wait3A_228, %dma_wait3A_229] : memref<10240x64xf32, #tpu.memory_space<vmem_shared>> -> memref<10240x64xf32, #tpu.memory_space<vmem_shared>>
    tpu.wait_indirect_dma semaphore(%arg24 : memref<!tpu.dma_semaphore, #tpu.memory_space<semaphore_mem>>) src(%arg12 : memref<64x64xf32, #tpu.memory_space<vmem>>) dst(%dma_wait3A_230 : memref<10240x64xf32, #tpu.memory_space<vmem_shared>>)
    %add3A_231 = arith.constant 3 : i32
    %add3A_232 = arith.addi %add3A_210, %add3A_231 : i32
    %dma_start3A_233 = arith.constant 0 : i32
    %dma_start3A_234 = tpu.memref_slice %arg7[%add3A_232, %dma_start3A_233] : memref<160x64xi32, #tpu.memory_space<vmem>> -> memref<1x64xi32, #tpu.memory_space<vmem>>
    %dma_start3A_235 = tpu.memref_squeeze %dma_start3A_234 : memref<1x64xi32, #tpu.memory_space<vmem>> -> memref<64xi32, #tpu.memory_space<vmem>>
    %dma_start3A_236 = arith.constant 0 : i32
    %dma_start3A_237 = arith.constant 0 : i32
    %dma_start3A_238 = tpu.memref_slice %arg15[%dma_start3A_236, %dma_start3A_237] : memref<10240x64xf32, #tpu.memory_space<vmem_shared>> -> memref<10240x64xf32, #tpu.memory_space<vmem_shared>>
    tpu.enqueue_indirect_dma source(%dma_start3A_238 : memref<10240x64xf32, #tpu.memory_space<vmem_shared>>) target(%arg12 : memref<64x64xf32, #tpu.memory_space<vmem>>) offsets(%dma_start3A_235 : memref<64xi32, #tpu.memory_space<vmem>>) semaphore(%arg19 : memref<!tpu.dma_semaphore, #tpu.memory_space<semaphore_mem>>)
    %add3A_239 = arith.constant 1 : i32
    %add3A_240 = arith.addi %sub3A_208, %add3A_239 : i32
    %dma_wait3A_241 = arith.constant 0 : i32
    %dma_wait3A_242 = tpu.memref_slice %arg7[%add3A_240, %dma_wait3A_241] : memref<160x64xi32, #tpu.memory_space<vmem>> -> memref<1x64xi32, #tpu.memory_space<vmem>>
    %dma_wait3A_243 = tpu.memref_squeeze %dma_wait3A_242 : memref<1x64xi32, #tpu.memory_space<vmem>> -> memref<64xi32, #tpu.memory_space<vmem>>
    %dma_wait3A_244 = arith.constant 0 : i32
    %dma_wait3A_245 = arith.constant 0 : i32
    %dma_wait3A_246 = tpu.memref_slice %arg15[%dma_wait3A_244, %dma_wait3A_245] : memref<10240x64xf32, #tpu.memory_space<vmem_shared>> -> memref<10240x64xf32, #tpu.memory_space<vmem_shared>>
    tpu.wait_indirect_dma semaphore(%arg17 : memref<!tpu.dma_semaphore, #tpu.memory_space<semaphore_mem>>) src(%dma_wait3A_246 : memref<10240x64xf32, #tpu.memory_space<vmem_shared>>) dst(%arg10 : memref<64x64xf32, #tpu.memory_space<vmem>>)
    %dma_start3A_247 = arith.constant 0 : i32
    %dma_start3A_248 = tpu.memref_slice %arg8[%add3A_240, %dma_start3A_247] : memref<160x64xi32, #tpu.memory_space<vmem>> -> memref<1x64xi32, #tpu.memory_space<vmem>>
    %dma_start3A_249 = tpu.memref_squeeze %dma_start3A_248 : memref<1x64xi32, #tpu.memory_space<vmem>> -> memref<64xi32, #tpu.memory_space<vmem>>
    %dma_start3A_250 = arith.constant 0 : i32
    %dma_start3A_251 = arith.constant 0 : i32
    %dma_start3A_252 = tpu.memref_slice %arg14[%dma_start3A_250, %dma_start3A_251] : memref<10240x64xf32, #tpu.memory_space<vmem_shared>> -> memref<10240x64xf32, #tpu.memory_space<vmem_shared>>
    tpu.enqueue_indirect_dma source(%arg10 : memref<64x64xf32, #tpu.memory_space<vmem>>) target(%dma_start3A_252 : memref<10240x64xf32, #tpu.memory_space<vmem_shared>>) offsets(%dma_start3A_249 : memref<64xi32, #tpu.memory_space<vmem>>) semaphore(%arg22 : memref<!tpu.dma_semaphore, #tpu.memory_space<semaphore_mem>>) {add = true}
    %sub3A_253 = arith.constant 2 : i32
    %sub3A_254 = arith.subi %add3A_240, %sub3A_253 : i32
    %dma_wait3A_255 = arith.constant 0 : i32
    %dma_wait3A_256 = tpu.memref_slice %arg8[%sub3A_254, %dma_wait3A_255] : memref<160x64xi32, #tpu.memory_space<vmem>> -> memref<1x64xi32, #tpu.memory_space<vmem>>
    %dma_wait3A_257 = tpu.memref_squeeze %dma_wait3A_256 : memref<1x64xi32, #tpu.memory_space<vmem>> -> memref<64xi32, #tpu.memory_space<vmem>>
    %dma_wait3A_258 = arith.constant 0 : i32
    %dma_wait3A_259 = arith.constant 0 : i32
    %dma_wait3A_260 = tpu.memref_slice %arg14[%dma_wait3A_258, %dma_wait3A_259] : memref<10240x64xf32, #tpu.memory_space<vmem_shared>> -> memref<10240x64xf32, #tpu.memory_space<vmem_shared>>
    tpu.wait_indirect_dma semaphore(%arg25 : memref<!tpu.dma_semaphore, #tpu.memory_space<semaphore_mem>>) src(%arg13 : memref<64x64xf32, #tpu.memory_space<vmem>>) dst(%dma_wait3A_260 : memref<10240x64xf32, #tpu.memory_space<vmem_shared>>)
    %add3A_261 = arith.constant 3 : i32
    %add3A_262 = arith.addi %add3A_240, %add3A_261 : i32
    %dma_start3A_263 = arith.constant 0 : i32
    %dma_start3A_264 = tpu.memref_slice %arg7[%add3A_262, %dma_start3A_263] : memref<160x64xi32, #tpu.memory_space<vmem>> -> memref<1x64xi32, #tpu.memory_space<vmem>>
    %dma_start3A_265 = tpu.memref_squeeze %dma_start3A_264 : memref<1x64xi32, #tpu.memory_space<vmem>> -> memref<64xi32, #tpu.memory_space<vmem>>
    %dma_start3A_266 = arith.constant 0 : i32
    %dma_start3A_267 = arith.constant 0 : i32
    %dma_start3A_268 = tpu.memref_slice %arg15[%dma_start3A_266, %dma_start3A_267] : memref<10240x64xf32, #tpu.memory_space<vmem_shared>> -> memref<10240x64xf32, #tpu.memory_space<vmem_shared>>
    tpu.enqueue_indirect_dma source(%dma_start3A_268 : memref<10240x64xf32, #tpu.memory_space<vmem_shared>>) target(%arg13 : memref<64x64xf32, #tpu.memory_space<vmem>>) offsets(%dma_start3A_265 : memref<64xi32, #tpu.memory_space<vmem>>) semaphore(%arg20 : memref<!tpu.dma_semaphore, #tpu.memory_space<semaphore_mem>>)
    %add3A_269 = arith.constant 2 : i32
    %add3A_270 = arith.addi %sub3A_208, %add3A_269 : i32
    %dma_wait3A_271 = arith.constant 0 : i32
    %dma_wait3A_272 = tpu.memref_slice %arg7[%add3A_270, %dma_wait3A_271] : memref<160x64xi32, #tpu.memory_space<vmem>> -> memref<1x64xi32, #tpu.memory_space<vmem>>
    %dma_wait3A_273 = tpu.memref_squeeze %dma_wait3A_272 : memref<1x64xi32, #tpu.memory_space<vmem>> -> memref<64xi32, #tpu.memory_space<vmem>>
    %dma_wait3A_274 = arith.constant 0 : i32
    %dma_wait3A_275 = arith.constant 0 : i32
    %dma_wait3A_276 = tpu.memref_slice %arg15[%dma_wait3A_274, %dma_wait3A_275] : memref<10240x64xf32, #tpu.memory_space<vmem_shared>> -> memref<10240x64xf32, #tpu.memory_space<vmem_shared>>
    tpu.wait_indirect_dma semaphore(%arg18 : memref<!tpu.dma_semaphore, #tpu.memory_space<semaphore_mem>>) src(%dma_wait3A_276 : memref<10240x64xf32, #tpu.memory_space<vmem_shared>>) dst(%arg11 : memref<64x64xf32, #tpu.memory_space<vmem>>)
    %dma_start3A_277 = arith.constant 0 : i32
    %dma_start3A_278 = tpu.memref_slice %arg8[%add3A_270, %dma_start3A_277] : memref<160x64xi32, #tpu.memory_space<vmem>> -> memref<1x64xi32, #tpu.memory_space<vmem>>
    %dma_start3A_279 = tpu.memref_squeeze %dma_start3A_278 : memref<1x64xi32, #tpu.memory_space<vmem>> -> memref<64xi32, #tpu.memory_space<vmem>>
    %dma_start3A_280 = arith.constant 0 : i32
    %dma_start3A_281 = arith.constant 0 : i32
    %dma_start3A_282 = tpu.memref_slice %arg14[%dma_start3A_280, %dma_start3A_281] : memref<10240x64xf32, #tpu.memory_space<vmem_shared>> -> memref<10240x64xf32, #tpu.memory_space<vmem_shared>>
    tpu.enqueue_indirect_dma source(%arg11 : memref<64x64xf32, #tpu.memory_space<vmem>>) target(%dma_start3A_282 : memref<10240x64xf32, #tpu.memory_space<vmem_shared>>) offsets(%dma_start3A_279 : memref<64xi32, #tpu.memory_space<vmem>>) semaphore(%arg23 : memref<!tpu.dma_semaphore, #tpu.memory_space<semaphore_mem>>) {add = true}
    %add3A_283 = arith.constant 3 : i32
    %add3A_284 = arith.addi %sub3A_208, %add3A_283 : i32
    %dma_wait3A_285 = arith.constant 0 : i32
    %dma_wait3A_286 = tpu.memref_slice %arg7[%add3A_284, %dma_wait3A_285] : memref<160x64xi32, #tpu.memory_space<vmem>> -> memref<1x64xi32, #tpu.memory_space<vmem>>
    %dma_wait3A_287 = tpu.memref_squeeze %dma_wait3A_286 : memref<1x64xi32, #tpu.memory_space<vmem>> -> memref<64xi32, #tpu.memory_space<vmem>>
    %dma_wait3A_288 = arith.constant 0 : i32
    %dma_wait3A_289 = arith.constant 0 : i32
    %dma_wait3A_290 = tpu.memref_slice %arg15[%dma_wait3A_288, %dma_wait3A_289] : memref<10240x64xf32, #tpu.memory_space<vmem_shared>> -> memref<10240x64xf32, #tpu.memory_space<vmem_shared>>
    tpu.wait_indirect_dma semaphore(%arg19 : memref<!tpu.dma_semaphore, #tpu.memory_space<semaphore_mem>>) src(%dma_wait3A_290 : memref<10240x64xf32, #tpu.memory_space<vmem_shared>>) dst(%arg12 : memref<64x64xf32, #tpu.memory_space<vmem>>)
    %dma_start3A_291 = arith.constant 0 : i32
    %dma_start3A_292 = tpu.memref_slice %arg8[%add3A_284, %dma_start3A_291] : memref<160x64xi32, #tpu.memory_space<vmem>> -> memref<1x64xi32, #tpu.memory_space<vmem>>
    %dma_start3A_293 = tpu.memref_squeeze %dma_start3A_292 : memref<1x64xi32, #tpu.memory_space<vmem>> -> memref<64xi32, #tpu.memory_space<vmem>>
    %dma_start3A_294 = arith.constant 0 : i32
    %dma_start3A_295 = arith.constant 0 : i32
    %dma_start3A_296 = tpu.memref_slice %arg14[%dma_start3A_294, %dma_start3A_295] : memref<10240x64xf32, #tpu.memory_space<vmem_shared>> -> memref<10240x64xf32, #tpu.memory_space<vmem_shared>>
    tpu.enqueue_indirect_dma source(%arg12 : memref<64x64xf32, #tpu.memory_space<vmem>>) target(%dma_start3A_296 : memref<10240x64xf32, #tpu.memory_space<vmem_shared>>) offsets(%dma_start3A_293 : memref<64xi32, #tpu.memory_space<vmem>>) semaphore(%arg24 : memref<!tpu.dma_semaphore, #tpu.memory_space<semaphore_mem>>) {add = true}
    %add3A_297 = arith.constant 4 : i32
    %add3A_298 = arith.addi %sub3A_208, %add3A_297 : i32
    %dma_wait3A_299 = arith.constant 0 : i32
    %dma_wait3A_300 = tpu.memref_slice %arg7[%add3A_298, %dma_wait3A_299] : memref<160x64xi32, #tpu.memory_space<vmem>> -> memref<1x64xi32, #tpu.memory_space<vmem>>
    %dma_wait3A_301 = tpu.memref_squeeze %dma_wait3A_300 : memref<1x64xi32, #tpu.memory_space<vmem>> -> memref<64xi32, #tpu.memory_space<vmem>>
    %dma_wait3A_302 = arith.constant 0 : i32
    %dma_wait3A_303 = arith.constant 0 : i32
    %dma_wait3A_304 = tpu.memref_slice %arg15[%dma_wait3A_302, %dma_wait3A_303] : memref<10240x64xf32, #tpu.memory_space<vmem_shared>> -> memref<10240x64xf32, #tpu.memory_space<vmem_shared>>
    tpu.wait_indirect_dma semaphore(%arg20 : memref<!tpu.dma_semaphore, #tpu.memory_space<semaphore_mem>>) src(%dma_wait3A_304 : memref<10240x64xf32, #tpu.memory_space<vmem_shared>>) dst(%arg13 : memref<64x64xf32, #tpu.memory_space<vmem>>)
    %dma_start3A_305 = arith.constant 0 : i32
    %dma_start3A_306 = tpu.memref_slice %arg8[%add3A_298, %dma_start3A_305] : memref<160x64xi32, #tpu.memory_space<vmem>> -> memref<1x64xi32, #tpu.memory_space<vmem>>
    %dma_start3A_307 = tpu.memref_squeeze %dma_start3A_306 : memref<1x64xi32, #tpu.memory_space<vmem>> -> memref<64xi32, #tpu.memory_space<vmem>>
    %dma_start3A_308 = arith.constant 0 : i32
    %dma_start3A_309 = arith.constant 0 : i32
    %dma_start3A_310 = tpu.memref_slice %arg14[%dma_start3A_308, %dma_start3A_309] : memref<10240x64xf32, #tpu.memory_space<vmem_shared>> -> memref<10240x64xf32, #tpu.memory_space<vmem_shared>>
    tpu.enqueue_indirect_dma source(%arg13 : memref<64x64xf32, #tpu.memory_space<vmem>>) target(%dma_start3A_310 : memref<10240x64xf32, #tpu.memory_space<vmem_shared>>) offsets(%dma_start3A_307 : memref<64xi32, #tpu.memory_space<vmem>>) semaphore(%arg25 : memref<!tpu.dma_semaphore, #tpu.memory_space<semaphore_mem>>) {add = true}
    %add3A_311 = arith.constant 0 : i32
    %add3A_312 = arith.addi %sub3A_208, %add3A_311 : i32
    %dma_wait3A_313 = arith.constant 0 : i32
    %dma_wait3A_314 = tpu.memref_slice %arg8[%add3A_312, %dma_wait3A_313] : memref<160x64xi32, #tpu.memory_space<vmem>> -> memref<1x64xi32, #tpu.memory_space<vmem>>
    %dma_wait3A_315 = tpu.memref_squeeze %dma_wait3A_314 : memref<1x64xi32, #tpu.memory_space<vmem>> -> memref<64xi32, #tpu.memory_space<vmem>>
    %dma_wait3A_316 = arith.constant 0 : i32
    %dma_wait3A_317 = arith.constant 0 : i32
    %dma_wait3A_318 = tpu.memref_slice %arg14[%dma_wait3A_316, %dma_wait3A_317] : memref<10240x64xf32, #tpu.memory_space<vmem_shared>> -> memref<10240x64xf32, #tpu.memory_space<vmem_shared>>
    tpu.wait_indirect_dma semaphore(%arg21 : memref<!tpu.dma_semaphore, #tpu.memory_space<semaphore_mem>>) src(%arg9 : memref<64x64xf32, #tpu.memory_space<vmem>>) dst(%dma_wait3A_318 : memref<10240x64xf32, #tpu.memory_space<vmem_shared>>)
    %add3A_319 = arith.constant 1 : i32
    %add3A_320 = arith.addi %sub3A_208, %add3A_319 : i32
    %dma_wait3A_321 = arith.constant 0 : i32
    %dma_wait3A_322 = tpu.memref_slice %arg8[%add3A_320, %dma_wait3A_321] : memref<160x64xi32, #tpu.memory_space<vmem>> -> memref<1x64xi32, #tpu.memory_space<vmem>>
    %dma_wait3A_323 = tpu.memref_squeeze %dma_wait3A_322 : memref<1x64xi32, #tpu.memory_space<vmem>> -> memref<64xi32, #tpu.memory_space<vmem>>
    %dma_wait3A_324 = arith.constant 0 : i32
    %dma_wait3A_325 = arith.constant 0 : i32
    %dma_wait3A_326 = tpu.memref_slice %arg14[%dma_wait3A_324, %dma_wait3A_325] : memref<10240x64xf32, #tpu.memory_space<vmem_shared>> -> memref<10240x64xf32, #tpu.memory_space<vmem_shared>>
    tpu.wait_indirect_dma semaphore(%arg22 : memref<!tpu.dma_semaphore, #tpu.memory_space<semaphore_mem>>) src(%arg10 : memref<64x64xf32, #tpu.memory_space<vmem>>) dst(%dma_wait3A_326 : memref<10240x64xf32, #tpu.memory_space<vmem_shared>>)
    %add3A_327 = arith.constant 2 : i32
    %add3A_328 = arith.addi %sub3A_208, %add3A_327 : i32
    %dma_wait3A_329 = arith.constant 0 : i32
    %dma_wait3A_330 = tpu.memref_slice %arg8[%add3A_328, %dma_wait3A_329] : memref<160x64xi32, #tpu.memory_space<vmem>> -> memref<1x64xi32, #tpu.memory_space<vmem>>
    %dma_wait3A_331 = tpu.memref_squeeze %dma_wait3A_330 : memref<1x64xi32, #tpu.memory_space<vmem>> -> memref<64xi32, #tpu.memory_space<vmem>>
    %dma_wait3A_332 = arith.constant 0 : i32
    %dma_wait3A_333 = arith.constant 0 : i32
    %dma_wait3A_334 = tpu.memref_slice %arg14[%dma_wait3A_332, %dma_wait3A_333] : memref<10240x64xf32, #tpu.memory_space<vmem_shared>> -> memref<10240x64xf32, #tpu.memory_space<vmem_shared>>
    tpu.wait_indirect_dma semaphore(%arg23 : memref<!tpu.dma_semaphore, #tpu.memory_space<semaphore_mem>>) src(%arg11 : memref<64x64xf32, #tpu.memory_space<vmem>>) dst(%dma_wait3A_334 : memref<10240x64xf32, #tpu.memory_space<vmem_shared>>)
    %add3A_335 = arith.constant 3 : i32
    %add3A_336 = arith.addi %sub3A_208, %add3A_335 : i32
    %dma_wait3A_337 = arith.constant 0 : i32
    %dma_wait3A_338 = tpu.memref_slice %arg8[%add3A_336, %dma_wait3A_337] : memref<160x64xi32, #tpu.memory_space<vmem>> -> memref<1x64xi32, #tpu.memory_space<vmem>>
    %dma_wait3A_339 = tpu.memref_squeeze %dma_wait3A_338 : memref<1x64xi32, #tpu.memory_space<vmem>> -> memref<64xi32, #tpu.memory_space<vmem>>
    %dma_wait3A_340 = arith.constant 0 : i32
    %dma_wait3A_341 = arith.constant 0 : i32
    %dma_wait3A_342 = tpu.memref_slice %arg14[%dma_wait3A_340, %dma_wait3A_341] : memref<10240x64xf32, #tpu.memory_space<vmem_shared>> -> memref<10240x64xf32, #tpu.memory_space<vmem_shared>>
    tpu.wait_indirect_dma semaphore(%arg24 : memref<!tpu.dma_semaphore, #tpu.memory_space<semaphore_mem>>) src(%arg12 : memref<64x64xf32, #tpu.memory_space<vmem>>) dst(%dma_wait3A_342 : memref<10240x64xf32, #tpu.memory_space<vmem_shared>>)
    %add3A_343 = arith.constant 4 : i32
    %add3A_344 = arith.addi %sub3A_208, %add3A_343 : i32
    %dma_wait3A_345 = arith.constant 0 : i32
    %dma_wait3A_346 = tpu.memref_slice %arg8[%add3A_344, %dma_wait3A_345] : memref<160x64xi32, #tpu.memory_space<vmem>> -> memref<1x64xi32, #tpu.memory_space<vmem>>
    %dma_wait3A_347 = tpu.memref_squeeze %dma_wait3A_346 : memref<1x64xi32, #tpu.memory_space<vmem>> -> memref<64xi32, #tpu.memory_space<vmem>>
    %dma_wait3A_348 = arith.constant 0 : i32
    %dma_wait3A_349 = arith.constant 0 : i32
    %dma_wait3A_350 = tpu.memref_slice %arg14[%dma_wait3A_348, %dma_wait3A_349] : memref<10240x64xf32, #tpu.memory_space<vmem_shared>> -> memref<10240x64xf32, #tpu.memory_space<vmem_shared>>
    tpu.wait_indirect_dma semaphore(%arg25 : memref<!tpu.dma_semaphore, #tpu.memory_space<semaphore_mem>>) src(%arg13 : memref<64x64xf32, #tpu.memory_space<vmem>>) dst(%dma_wait3A_350 : memref<10240x64xf32, #tpu.memory_space<vmem_shared>>)
    %barrier3A_351 = arith.constant 0 : index
    tpu.barrier barrier_id(%barrier3A_351)
    %mul3A_352 = arith.constant 640 : i32
    %mul3A_353 = arith.muli %arg1, %mul3A_352 : i32
    %mul3A_354 = arith.constant 640 : i32
    %mul3A_355 = arith.muli %arg1, %mul3A_354 : i32
    "tpu.region"() ({
      %run_scoped3A = tpu.sem_alloc : memref<!tpu.dma_semaphore, #tpu.memory_space<semaphore_mem>>
      %dma_start3A_356 = arith.constant 0 : i32
      %dma_start3A_357 = tpu.memref_slice %arg6[%arg0, %mul3A_355, %dma_start3A_356] : memref<2x10240x64xf32, #tpu.memory_space<hbm>> -> memref<1x640x64xf32, #tpu.memory_space<hbm>>
      %dma_start3A_358 = tpu.memref_squeeze %dma_start3A_357 : memref<1x640x64xf32, #tpu.memory_space<hbm>> -> memref<640x64xf32, #tpu.memory_space<hbm>>
      %dma_start3A_359 = arith.constant 0 : i32
      %dma_start3A_360 = tpu.memref_slice %arg14[%mul3A_353, %dma_start3A_359] : memref<10240x64xf32, #tpu.memory_space<vmem_shared>> -> memref<640x64xf32, #tpu.memory_space<vmem_shared>>
      tpu.enqueue_dma source(%dma_start3A_360 : memref<640x64xf32, #tpu.memory_space<vmem_shared>>) target(%dma_start3A_358 : memref<640x64xf32, #tpu.memory_space<hbm>>) target_semaphore(%run_scoped3A : memref<!tpu.dma_semaphore, #tpu.memory_space<semaphore_mem>>)
      %dma_wait3A_361 = arith.constant 0 : i32
      %dma_wait3A_362 = tpu.memref_slice %arg6[%arg0, %mul3A_355, %dma_wait3A_361] : memref<2x10240x64xf32, #tpu.memory_space<hbm>> -> memref<1x640x64xf32, #tpu.memory_space<hbm>>
      %dma_wait3A_363 = tpu.memref_squeeze %dma_wait3A_362 : memref<1x640x64xf32, #tpu.memory_space<hbm>> -> memref<640x64xf32, #tpu.memory_space<hbm>>
      %dma_wait3A_364 = arith.constant 0 : i32
      %dma_wait3A_365 = tpu.memref_slice %arg14[%mul3A_353, %dma_wait3A_364] : memref<10240x64xf32, #tpu.memory_space<vmem_shared>> -> memref<640x64xf32, #tpu.memory_space<vmem_shared>>
      tpu.wait_dma2 semaphore(%run_scoped3A : memref<!tpu.dma_semaphore, #tpu.memory_space<semaphore_mem>>) src(%dma_wait3A_365 : memref<640x64xf32, #tpu.memory_space<vmem_shared>>) dst(%dma_wait3A_363 : memref<640x64xf32, #tpu.memory_space<hbm>>)
      tpu.yield
    }) : () -> ()
    return
  }
}

module attributes {stable_mosaic.version = 14 : i64} {
  func.func @_tc_prelude_body(%arg0: memref<32x10240xf32, #tpu.memory_space<vmem>>, %arg1: memref<10000x128xf32, #tpu.memory_space<vmem>>, %arg2: memref<128x64xf32, #tpu.memory_space<vmem>>, %arg3: memref<10240x64xf32, #tpu.memory_space<vmem>>, %arg4: memref<10240x1xf32, #tpu.memory_space<vmem>>) attributes {dimension_semantics = [], scalar_prefetch = 0 : i64, scratch_operands = 0 : i64, tpu.core_type = #tpu.core_type<tc>} {
    %broadcast_in_dim3A = arith.constant 1.000000e+00 : f32
    %broadcast_in_dim3A_0 = vector.broadcast %broadcast_in_dim3A : f32 to vector<32x1xf32>
    %get3A = arith.constant 0 : index
    %get3A_1 = arith.constant 0 : index
    %get3A_2 = vector.load %arg0[%get3A, %get3A_1] : memref<32x10240xf32, #tpu.memory_space<vmem>>, vector<32x10240xf32>
    %dot_general3A = arith.constant dense<0.000000e+00> : vector<10240x1xf32>
    %dot_general3A_3 = tpu.matmul %get3A_2, %broadcast_in_dim3A_0, %dot_general3A {dimension_numbers = #tpu.dot_dimension_numbers<[0], [0], [1], [1], [0, 1, 1, 1], [], []>, transpose_lhs_hint = false} : vector<32x10240xf32>, vector<32x1xf32>, vector<10240x1xf32> -> vector<10240x1xf32>
    %add3A = arith.constant 1.000000e+00 : f32
    %add3A_4 = vector.broadcast %add3A : f32 to vector<10240x1xf32>
    %add3A_5 = arith.addf %dot_general3A_3, %add3A_4 : vector<10240x1xf32>
    %rsqrt3A = math.rsqrt %add3A_5 : vector<10240x1xf32>
    %swap3A = arith.constant 0 : index
    %swap3A_6 = arith.constant 0 : index
    %swap3A_7 = vector.load %arg4[%swap3A, %swap3A_6] : memref<10240x1xf32, #tpu.memory_space<vmem>>, vector<10240x1xf32>
    tpu.vector_store %arg4[%swap3A, %swap3A_6], %rsqrt3A {strides = array<i32>} : memref<10240x1xf32, #tpu.memory_space<vmem>>, vector<10240x1xf32>,
    %get3A_8 = arith.constant 0 : index
    %get3A_9 = arith.constant 0 : index
    %get3A_10 = vector.load %arg1[%get3A_8, %get3A_9] : memref<10000x128xf32, #tpu.memory_space<vmem>>, vector<10000x128xf32>
    %broadcast_in_dim3A_11 = arith.constant 0.000000e+00 : f32
    %broadcast_in_dim3A_12 = vector.broadcast %broadcast_in_dim3A_11 : f32 to vector<240x128xf32>
    %concatenate3A = tpu.concatenate %get3A_10, %broadcast_in_dim3A_12 in 0 : vector<10000x128xf32>, vector<240x128xf32> -> vector<10240x128xf32>
    %mul3A = vector.broadcast %rsqrt3A : vector<10240x1xf32> to vector<10240x128xf32>
    %mul3A_13 = arith.mulf %mul3A, %concatenate3A : vector<10240x128xf32>
    %get3A_14 = arith.constant 0 : index
    %get3A_15 = arith.constant 0 : index
    %get3A_16 = vector.load %arg2[%get3A_14, %get3A_15] : memref<128x64xf32, #tpu.memory_space<vmem>>, vector<128x64xf32>
    %dot_general3A_17 = arith.constant dense<0.000000e+00> : vector<10240x64xf32>
    %dot_general3A_18 = tpu.matmul %mul3A_13, %get3A_16, %dot_general3A_17 {dimension_numbers = #tpu.dot_dimension_numbers<[1], [0], [0], [1], [0, 0, 1, 1], [], []>, transpose_lhs_hint = false} : vector<10240x128xf32>, vector<128x64xf32>, vector<10240x64xf32> -> vector<10240x64xf32>
    %swap3A_19 = arith.constant 0 : index
    %swap3A_20 = arith.constant 0 : index
    %swap3A_21 = vector.load %arg3[%swap3A_19, %swap3A_20] : memref<10240x64xf32, #tpu.memory_space<vmem>>, vector<10240x64xf32>
    tpu.vector_store %arg3[%swap3A_19, %swap3A_20], %dot_general3A_18 {strides = array<i32>} : memref<10240x64xf32, #tpu.memory_space<vmem>>, vector<10240x64xf32>,
    return
  }
}

module attributes {stable_mosaic.version = 14 : i64} {
  func.func @_tc_fixup_body(%arg0: memref<2x10240x64xf32, #tpu.memory_space<vmem>>, %arg1: memref<10240x64xf32, #tpu.memory_space<vmem>>, %arg2: memref<10240x1xf32, #tpu.memory_space<vmem>>, %arg3: memref<1x64xf32, #tpu.memory_space<vmem>>, %arg4: memref<64x64xf32, #tpu.memory_space<vmem>>, %arg5: memref<10240x64xf32, #tpu.memory_space<vmem>>) attributes {dimension_semantics = [], scalar_prefetch = 0 : i64, scratch_operands = 0 : i64, tpu.core_type = #tpu.core_type<tc>} {
    %get3A = arith.constant 0 : index
    %get3A_0 = arith.constant 0 : index
    %get3A_1 = vector.load %arg2[%get3A, %get3A_0] : memref<10240x1xf32, #tpu.memory_space<vmem>>, vector<10240x1xf32>
    %get3A_2 = arith.constant 0 : index
    %get3A_3 = arith.constant 0 : index
    %get3A_4 = arith.constant 0 : index
    %get3A_5 = vector.load %arg0[%get3A_2, %get3A_3, %get3A_4] : memref<2x10240x64xf32, #tpu.memory_space<vmem>>, vector<1x10240x64xf32>
    %get3A_6 = vector.shape_cast %get3A_5 : vector<1x10240x64xf32> to vector<10240x64xf32>
    %get3A_7 = arith.constant 1 : index
    %get3A_8 = arith.constant 0 : index
    %get3A_9 = arith.constant 0 : index
    %get3A_10 = vector.load %arg0[%get3A_7, %get3A_8, %get3A_9] : memref<2x10240x64xf32, #tpu.memory_space<vmem>>, vector<1x10240x64xf32>
    %get3A_11 = vector.shape_cast %get3A_10 : vector<1x10240x64xf32> to vector<10240x64xf32>
    %add3A = arith.addf %get3A_6, %get3A_11 : vector<10240x64xf32>
    %get3A_12 = arith.constant 0 : index
    %get3A_13 = arith.constant 0 : index
    %get3A_14 = vector.load %arg1[%get3A_12, %get3A_13] : memref<10240x64xf32, #tpu.memory_space<vmem>>, vector<10240x64xf32>
    %add3A_15 = arith.addf %add3A, %get3A_14 : vector<10240x64xf32>
    %mul3A = vector.broadcast %get3A_1 : vector<10240x1xf32> to vector<10240x64xf32>
    %mul3A_16 = arith.mulf %mul3A, %add3A_15 : vector<10240x64xf32>
    %get3A_17 = arith.constant 0 : index
    %get3A_18 = arith.constant 0 : index
    %get3A_19 = vector.load %arg3[%get3A_17, %get3A_18] : memref<1x64xf32, #tpu.memory_space<vmem>>, vector<1x64xf32>
    %add3A_20 = vector.broadcast %get3A_19 : vector<1x64xf32> to vector<10240x64xf32>
    %add3A_21 = arith.addf %mul3A_16, %add3A_20 : vector<10240x64xf32>
    %max3A = arith.constant 0.000000e+00 : f32
    %max3A_22 = vector.broadcast %max3A : f32 to vector<10240x64xf32>
    %max3A_23 = arith.maximumf %add3A_21, %max3A_22 : vector<10240x64xf32>
    %mul3A_24 = vector.broadcast %get3A_1 : vector<10240x1xf32> to vector<10240x64xf32>
    %mul3A_25 = arith.mulf %mul3A_24, %max3A_23 : vector<10240x64xf32>
    %get3A_26 = arith.constant 0 : index
    %get3A_27 = arith.constant 0 : index
    %get3A_28 = vector.load %arg4[%get3A_26, %get3A_27] : memref<64x64xf32, #tpu.memory_space<vmem>>, vector<64x64xf32>
    %dot_general3A = arith.constant dense<0.000000e+00> : vector<10240x64xf32>
    %dot_general3A_29 = tpu.matmul %mul3A_25, %get3A_28, %dot_general3A {dimension_numbers = #tpu.dot_dimension_numbers<[1], [0], [0], [1], [0, 0, 1, 1], [], []>, transpose_lhs_hint = false} : vector<10240x64xf32>, vector<64x64xf32>, vector<10240x64xf32> -> vector<10240x64xf32>
    %swap3A = arith.constant 0 : index
    %swap3A_30 = arith.constant 0 : index
    %swap3A_31 = vector.load %arg5[%swap3A, %swap3A_30] : memref<10240x64xf32, #tpu.memory_space<vmem>>, vector<10240x64xf32>
    tpu.vector_store %arg5[%swap3A, %swap3A_30], %dot_general3A_29 {strides = array<i32>} : memref<10240x64xf32, #tpu.memory_space<vmem>>, vector<10240x64xf32>,
    return
  }
}

module attributes {stable_mosaic.version = 14 : i64} {
  func.func @_tc_head_body(%arg0: memref<2x10240x64xf32, #tpu.memory_space<vmem>>, %arg1: memref<10240x64xf32, #tpu.memory_space<vmem>>, %arg2: memref<10240x1xf32, #tpu.memory_space<vmem>>, %arg3: memref<1x64xf32, #tpu.memory_space<vmem>>, %arg4: memref<10240x1xi32, #tpu.memory_space<vmem>>, %arg5: memref<3x10x64xf32, #tpu.memory_space<vmem>>, %arg6: memref<1x1xf32, #tpu.memory_space<vmem>>, %arg7: memref<128x11xf32, #tpu.memory_space<vmem>>) attributes {dimension_semantics = [], scalar_prefetch = 0 : i64, scratch_operands = 0 : i64, tpu.core_type = #tpu.core_type<tc>} {
    %get3A = arith.constant 0 : index
    %get3A_0 = arith.constant 0 : index
    %get3A_1 = vector.load %arg2[%get3A, %get3A_0] : memref<10240x1xf32, #tpu.memory_space<vmem>>, vector<10240x1xf32>
    %get3A_2 = arith.constant 0 : index
    %get3A_3 = arith.constant 0 : index
    %get3A_4 = arith.constant 0 : index
    %get3A_5 = vector.load %arg0[%get3A_2, %get3A_3, %get3A_4] : memref<2x10240x64xf32, #tpu.memory_space<vmem>>, vector<1x10240x64xf32>
    %get3A_6 = vector.shape_cast %get3A_5 : vector<1x10240x64xf32> to vector<10240x64xf32>
    %get3A_7 = arith.constant 1 : index
    %get3A_8 = arith.constant 0 : index
    %get3A_9 = arith.constant 0 : index
    %get3A_10 = vector.load %arg0[%get3A_7, %get3A_8, %get3A_9] : memref<2x10240x64xf32, #tpu.memory_space<vmem>>, vector<1x10240x64xf32>
    %get3A_11 = vector.shape_cast %get3A_10 : vector<1x10240x64xf32> to vector<10240x64xf32>
    %add3A = arith.addf %get3A_6, %get3A_11 : vector<10240x64xf32>
    %get3A_12 = arith.constant 0 : index
    %get3A_13 = arith.constant 0 : index
    %get3A_14 = vector.load %arg1[%get3A_12, %get3A_13] : memref<10240x64xf32, #tpu.memory_space<vmem>>, vector<10240x64xf32>
    %add3A_15 = arith.addf %add3A, %get3A_14 : vector<10240x64xf32>
    %mul3A = vector.broadcast %get3A_1 : vector<10240x1xf32> to vector<10240x64xf32>
    %mul3A_16 = arith.mulf %mul3A, %add3A_15 : vector<10240x64xf32>
    %get3A_17 = arith.constant 0 : index
    %get3A_18 = arith.constant 0 : index
    %get3A_19 = vector.load %arg3[%get3A_17, %get3A_18] : memref<1x64xf32, #tpu.memory_space<vmem>>, vector<1x64xf32>
    %add3A_20 = vector.broadcast %get3A_19 : vector<1x64xf32> to vector<10240x64xf32>
    %add3A_21 = arith.addf %mul3A_16, %add3A_20 : vector<10240x64xf32>
    %iota3A = tpu.iota {dimensions = array<i32: 1>} : vector<10240x128xi32>
    %get3A_22 = arith.constant 0 : index
    %get3A_23 = arith.constant 0 : index
    %get3A_24 = vector.load %arg4[%get3A_22, %get3A_23] : memref<10240x1xi32, #tpu.memory_space<vmem>>, vector<10240x1xi32>
    %eq3A = vector.broadcast %get3A_24 : vector<10240x1xi32> to vector<10240x128xi32>
    %eq3A_25 = arith.cmpi eq, %eq3A, %iota3A : vector<10240x128xi32>
    %convert_element_type3A = arith.extui %eq3A_25 : vector<10240x128xi1> to vector<10240x128xi32>
    %convert_element_type3A_26 = arith.sitofp %convert_element_type3A : vector<10240x128xi32> to vector<10240x128xf32>
    %dot_general3A = arith.constant dense<0.000000e+00> : vector<128x64xf32>
    %dot_general3A_27 = tpu.matmul %convert_element_type3A_26, %add3A_21, %dot_general3A {dimension_numbers = #tpu.dot_dimension_numbers<[0], [0], [1], [1], [0, 1, 1, 1], [], []>, transpose_lhs_hint = false} : vector<10240x128xf32>, vector<10240x64xf32>, vector<128x64xf32> -> vector<128x64xf32>
    %broadcast_in_dim3A = arith.constant 1.000000e+00 : f32
    %broadcast_in_dim3A_28 = vector.broadcast %broadcast_in_dim3A : f32 to vector<10240x1xf32>
    %dot_general3A_29 = arith.constant dense<0.000000e+00> : vector<128x1xf32>
    %dot_general3A_30 = tpu.matmul %convert_element_type3A_26, %broadcast_in_dim3A_28, %dot_general3A_29 {dimension_numbers = #tpu.dot_dimension_numbers<[0], [0], [1], [1], [0, 1, 1, 1], [], []>, transpose_lhs_hint = false} : vector<10240x128xf32>, vector<10240x1xf32>, vector<128x1xf32> -> vector<128x1xf32>
    %max3A = arith.constant 1.000000e+00 : f32
    %max3A_31 = vector.broadcast %max3A : f32 to vector<128x1xf32>
    %max3A_32 = arith.maximumf %dot_general3A_30, %max3A_31 : vector<128x1xf32>
    %div3A = vector.broadcast %max3A_32 : vector<128x1xf32> to vector<128x64xf32>
    %div3A_33 = arith.divf %dot_general3A_27, %div3A : vector<128x64xf32>
    %mul3A_34 = arith.mulf %div3A_33, %div3A_33 : vector<128x64xf32>
    %reduce_sum3A = arith.constant dense<0.000000e+00> : vector<128xf32>
    %reduce_sum3A_35 = vector.multi_reduction <add>, %mul3A_34, %reduce_sum3A [1] : vector<128x64xf32> to vector<128xf32>
    %broadcast_in_dim3A_36 = vector.shape_cast %reduce_sum3A_35 : vector<128xf32> to vector<128x1xf32>
    %mul3A_37 = arith.constant -2.000000e+00 : f32
    %mul3A_38 = vector.broadcast %mul3A_37 : f32 to vector<128x64xf32>
    %mul3A_39 = arith.mulf %mul3A_38, %div3A_33 : vector<128x64xf32>
    %broadcast_in_dim3A_40 = arith.constant 1.000000e+00 : f32
    %broadcast_in_dim3A_41 = vector.broadcast %broadcast_in_dim3A_40 : f32 to vector<128x1xf32>
    %concatenate3A = tpu.concatenate %mul3A_39, %broadcast_in_dim3A_41 in 1 : vector<128x64xf32>, vector<128x1xf32> -> vector<128x65xf32>
    %broadcast_in_dim3A_42 = arith.constant 1.000000e+00 : f32
    %broadcast_in_dim3A_43 = vector.broadcast %broadcast_in_dim3A_42 : f32 to vector<64x1xf32>
    %get3A_44 = arith.constant 0 : index
    %get3A_45 = arith.constant 0 : index
    %get3A_46 = arith.constant 0 : index
    %get3A_47 = vector.load %arg5[%get3A_44, %get3A_45, %get3A_46] : memref<3x10x64xf32, #tpu.memory_space<vmem>>, vector<1x10x64xf32>
    %get3A_48 = vector.shape_cast %get3A_47 : vector<1x10x64xf32> to vector<10x64xf32>
    %mul3A_49 = arith.mulf %get3A_48, %get3A_48 : vector<10x64xf32>
    %dot_general3A_50 = arith.constant dense<0.000000e+00> : vector<10x1xf32>
    %dot_general3A_51 = tpu.matmul %mul3A_49, %broadcast_in_dim3A_43, %dot_general3A_50 {dimension_numbers = #tpu.dot_dimension_numbers<[1], [0], [0], [1], [0, 0, 1, 1], [], []>, transpose_lhs_hint = false} : vector<10x64xf32>, vector<64x1xf32>, vector<10x1xf32> -> vector<10x1xf32>
    %concatenate3A_52 = tpu.concatenate %get3A_48, %dot_general3A_51 in 1 : vector<10x64xf32>, vector<10x1xf32> -> vector<10x65xf32>
    %dot_general3A_53 = arith.constant dense<0.000000e+00> : vector<128x10xf32>
    %dot_general3A_54 = tpu.matmul %concatenate3A, %concatenate3A_52, %dot_general3A_53 {dimension_numbers = #tpu.dot_dimension_numbers<[1], [1], [0], [0], [0, 0, 1, 0], [], []>, transpose_lhs_hint = false} : vector<128x65xf32>, vector<10x65xf32>, vector<128x10xf32> -> vector<128x10xf32>
    %add3A_55 = vector.broadcast %broadcast_in_dim3A_36 : vector<128x1xf32> to vector<128x10xf32>
    %add3A_56 = arith.addf %add3A_55, %dot_general3A_54 : vector<128x10xf32>
    %get3A_57 = arith.constant 1 : index
    %get3A_58 = arith.constant 0 : index
    %get3A_59 = arith.constant 0 : index
    %get3A_60 = vector.load %arg5[%get3A_57, %get3A_58, %get3A_59] : memref<3x10x64xf32, #tpu.memory_space<vmem>>, vector<1x10x64xf32>
    %get3A_61 = vector.shape_cast %get3A_60 : vector<1x10x64xf32> to vector<10x64xf32>
    %mul3A_62 = arith.mulf %get3A_61, %get3A_61 : vector<10x64xf32>
    %dot_general3A_63 = arith.constant dense<0.000000e+00> : vector<10x1xf32>
    %dot_general3A_64 = tpu.matmul %mul3A_62, %broadcast_in_dim3A_43, %dot_general3A_63 {dimension_numbers = #tpu.dot_dimension_numbers<[1], [0], [0], [1], [0, 0, 1, 1], [], []>, transpose_lhs_hint = false} : vector<10x64xf32>, vector<64x1xf32>, vector<10x1xf32> -> vector<10x1xf32>
    %concatenate3A_65 = tpu.concatenate %get3A_61, %dot_general3A_64 in 1 : vector<10x64xf32>, vector<10x1xf32> -> vector<10x65xf32>
    %dot_general3A_66 = arith.constant dense<0.000000e+00> : vector<128x10xf32>
    %dot_general3A_67 = tpu.matmul %concatenate3A, %concatenate3A_65, %dot_general3A_66 {dimension_numbers = #tpu.dot_dimension_numbers<[1], [1], [0], [0], [0, 0, 1, 0], [], []>, transpose_lhs_hint = false} : vector<128x65xf32>, vector<10x65xf32>, vector<128x10xf32> -> vector<128x10xf32>
    %add3A_68 = vector.broadcast %broadcast_in_dim3A_36 : vector<128x1xf32> to vector<128x10xf32>
    %add3A_69 = arith.addf %add3A_68, %dot_general3A_67 : vector<128x10xf32>
    %min3A = arith.minimumf %add3A_56, %add3A_69 : vector<128x10xf32>
    %get3A_70 = arith.constant 2 : index
    %get3A_71 = arith.constant 0 : index
    %get3A_72 = arith.constant 0 : index
    %get3A_73 = vector.load %arg5[%get3A_70, %get3A_71, %get3A_72] : memref<3x10x64xf32, #tpu.memory_space<vmem>>, vector<1x10x64xf32>
    %get3A_74 = vector.shape_cast %get3A_73 : vector<1x10x64xf32> to vector<10x64xf32>
    %mul3A_75 = arith.mulf %get3A_74, %get3A_74 : vector<10x64xf32>
    %dot_general3A_76 = arith.constant dense<0.000000e+00> : vector<10x1xf32>
    %dot_general3A_77 = tpu.matmul %mul3A_75, %broadcast_in_dim3A_43, %dot_general3A_76 {dimension_numbers = #tpu.dot_dimension_numbers<[1], [0], [0], [1], [0, 0, 1, 1], [], []>, transpose_lhs_hint = false} : vector<10x64xf32>, vector<64x1xf32>, vector<10x1xf32> -> vector<10x1xf32>
    %concatenate3A_78 = tpu.concatenate %get3A_74, %dot_general3A_77 in 1 : vector<10x64xf32>, vector<10x1xf32> -> vector<10x65xf32>
    %dot_general3A_79 = arith.constant dense<0.000000e+00> : vector<128x10xf32>
    %dot_general3A_80 = tpu.matmul %concatenate3A, %concatenate3A_78, %dot_general3A_79 {dimension_numbers = #tpu.dot_dimension_numbers<[1], [1], [0], [0], [0, 0, 1, 0], [], []>, transpose_lhs_hint = false} : vector<128x65xf32>, vector<10x65xf32>, vector<128x10xf32> -> vector<128x10xf32>
    %add3A_81 = vector.broadcast %broadcast_in_dim3A_36 : vector<128x1xf32> to vector<128x10xf32>
    %add3A_82 = arith.addf %add3A_81, %dot_general3A_80 : vector<128x10xf32>
    %min3A_83 = arith.minimumf %min3A, %add3A_82 : vector<128x10xf32>
    %neg3A = arith.constant 0.000000e+00 : f32
    %neg3A_84 = vector.broadcast %neg3A : f32 to vector<128x10xf32>
    %neg3A_85 = arith.subf %neg3A_84, %min3A_83 : vector<128x10xf32>
    %get3A_86 = arith.constant 0 : index
    %get3A_87 = arith.constant 0 : index
    %get3A_88 = vector.load %arg6[%get3A_86, %get3A_87] : memref<1x1xf32, #tpu.memory_space<vmem>>, vector<1x1xf32>
    %broadcast_in_dim3A_89 = arith.constant 1.000000e+00 : f32
    %broadcast_in_dim3A_90 = vector.broadcast %broadcast_in_dim3A_89 : f32 to vector<128x1xf32>
    %mul3A_91 = vector.broadcast %get3A_88 : vector<1x1xf32> to vector<128x1xf32>
    %mul3A_92 = arith.mulf %mul3A_91, %broadcast_in_dim3A_90 : vector<128x1xf32>
    %concatenate3A_93 = tpu.concatenate %neg3A_85, %mul3A_92 in 1 : vector<128x10xf32>, vector<128x1xf32> -> vector<128x11xf32>
    %swap3A = arith.constant 0 : index
    %swap3A_94 = arith.constant 0 : index
    %swap3A_95 = vector.load %arg7[%swap3A, %swap3A_94] : memref<128x11xf32, #tpu.memory_space<vmem>>, vector<128x11xf32>
    tpu.vector_store %arg7[%swap3A, %swap3A_94], %concatenate3A_93 {strides = array<i32>} : memref<128x11xf32, #tpu.memory_space<vmem>>, vector<128x11xf32>,
    return
  }
}

</mosaic_0001>

<sc_bundles>
// kernel: kernel.10.cloned.1.call-start
scs
__scs_entry_jumppad:
0x0: {  	(pc) =	sbr.rel $0x88, $3  }
0x1: {  	(tag) =	ssettag $0x0;
	lr =	simm.s32 $0x1  }
0x2: {  	[smem:$0x3F96] =	sst lr;
	_ =	strace $0xD0000000  }
0x3: {  	_ = 	snop  }
0x4: {  	_ = 	snop  }
0x5: {  	_ = 	snop  }
0x6: {  	_ = 	snop  }
0x7: {  	_ = 	snop  }
__scs_overlays_trampoline_lowered:
0x8: {  	[smem:$0x3FA5] =	sst s0  }
0x9: {  	[smem:$0x3FA6] =	sst s1  }
0xa: {  	[smem:$0x3FA7] =	sst s2  }
0xb: {  	[smem:$0x3FA8] =	sst s3  }
0xc: {  	[smem:$0x3FA9] =	sst s4  }
0xd: {  	[smem:$0x3FAA] =	sst s5  }
0xe: {  	[smem:$0x3FAB] =	sst s6  }
0xf: {  	[smem:$0x3FAC] =	sst s7  }
0x10: {  	[smem:$0x3FAD] =	sst s8  }
0x11: {  	[smem:$0x3FAE] =	sst s9;
	s0 =	simm.s32 @!p0 $0x0  }
0x12: {  	s1 =	sld [smem:$0x3F94];
	s0 =	simm.s32 @p0 $0x1  }
0x13: {  	[smem:$0x3FAF] =	sst s0;
	s0 =	simm.s32 @!p1 $0x0  }
0x14: {  	s2 =	sld [smem:$0x3F93];
	s0 =	simm.s32 @p1 $0x1  }
0x15: {  	[smem:$0x3FB0] =	sst s0;
	s0 =	simm.s32 @!p2 $0x0  }
0x16: {  	s3 =	sld [smem:$0x3FDB];
	s0 =	simm.s32 @p2 $0x1  }
0x17: {  	s4 =	simm.s32 $0x1BF5;
	[smem:$0x3FB2] =	sst s0  }
0x18: {  	s0 =	sld [smem:$0x3F95];
	_ =	swait.ge [sflag:s4], $0x0  }
0x19: {  	s7 =	sld [smem:$0x3F96]  }
0x1a: {  	s8 =	sadd.s32 $0xFFFFE003, lr  }
0x1b: {  	s9 =	sadd.s32 $0xFFFFFEF7, lr;
	s5 =	simm.s32 $0xFFFFFFFF;
	p2 =	slt.u32 s8, $0xFFFFF086  }
0x1c: {  	p1 =	slt.u32 s9, $0xF7A;
	s5 =	simm.s32 @!p2 $0x0  }
0x1d: {  	s5 =	simm.s32 @p1 $0x1;
	p0 =	seq.s32 s7, s2  }
0x1e: {  	s7 =	smul.u32 @!p0 $0xF7A, s2;
	p2 =	seq.s32 @!p0 s5, $0x0  }
0x1f: {  	s9 =	smul.u32 $0xF7A, s1;
	s8 =	simm.s32 @!p0 $0x1BF5;
	p2 =	por !p2, p0  }
0x20: {  	[sflag:s8] =	ssyncset.s32 @!p0 $0xFFFFF086;
	s6 =	sadd.s32 @!p0 s3, s7;
	s7 =	simm.s32 @!p0 $0x108  }
0x21: {  	s3 =	sadd.s32 s3, s9;
	s6 =	sadd.s32 @!p0 $0x88, s6;
	s7 =	simm.s32 @p2 $0x1082  }
0x22: {  	[simem:s7], [sflag:s8] =	dma.local @!p0 [hbm:s6], $0xF7A  }
0x23: {  	s9 =	sor.u32 $0xD0000000, s2;
	s6 =	simm.s32 $0x108;
	_ =	swait.ge @!p0 [sflag:s8], $0x0  }
0x24: {  	s3 =	sadd.s32 $0x88, s3;
	s6 =	simm.s32 @!p1 $0x1082;
	[sflag:s4] =	ssyncset.s32 $0xFFFFF086  }
0x25: {  	[simem:s6], [sflag:s4] =	dma.local [hbm:s3], $0xF7A  }
0x26: {  	[smem:$0x3F96] =	sst s1;
	(tag) =	ssettag s2;
	_ =	strace s9  }
0x27: {  	s1 =	sld [smem:$0x3FA6]  }
0x28: {  	s2 =	sld [smem:$0x3FA7]  }
0x29: {  	s4 =	sld [smem:$0x3FA9]  }
0x2a: {  	p0 =	seq.s32 s5, $0x0;
	s5 =	sld [smem:$0x3FAA]  }
0x2b: {  	s6 =	sld [smem:$0x3FAB]  }
0x2c: {  	s7 =	sld [smem:$0x3FAC]  }
0x2d: {  	s3 =	simm.s32 $0x108;
	s8 =	sld [smem:$0x3FAD]  }
0x2e: {  	s3 =	simm.s32 @!p0 $0x1082;
	s9 =	sld [smem:$0x3FAE]  }
0x2f: {  	lr =	sadd.s32 s0, s3;
	s0 =	sld [smem:$0x3FA5]  }
0x30: {  	s3 =	sld [smem:$0x3FA8]  }
0x31: {  	[smem:$0x3FB1] =	sst s10  }
0x32: {  	s10 =	sld [smem:$0x3FAF];
	_ =	sdelay $0x3  }
0x33: {  	p0 =	seq.s32 s10, $0x1;
	s10 =	sld [smem:$0x3FB1];
	_ =	sdelay $0x3  }
0x34: {  	[smem:$0x3FB1] =	sst s10  }
0x35: {  	s10 =	sld [smem:$0x3FB0];
	_ =	sdelay $0x3  }
0x36: {  	p1 =	seq.s32 s10, $0x1;
	s10 =	sld [smem:$0x3FB1];
	_ =	sdelay $0x3  }
0x37: {  	[smem:$0x3FB1] =	sst s10  }
0x38: {  	s10 =	sld [smem:$0x3FB2]  }
0x39: {  	_ = 	snop;
	(pc) =	sbr.ind lr, $3  }
0x3a: {  	_ = 	snop  }
0x3b: {  	_ = 	snop  }
0x3c: {  	p2 =	seq.s32 s10, $0x1;
	s10 =	sld [smem:$0x3FB1]  }
0x3d: {  	_ =	shalt  }
0x3e: {  	_ =	shalt  }
0x3f: {  	_ =	shalt  }
0x40: {  	_ =	shalt  }
0x41: {  	_ =	shalt  }
0x42: {  	_ =	shalt  }
0x43: {  	_ =	shalt  }
0x44: {  	_ =	shalt  }
0x45: {  	_ =	shalt  }
0x46: {  	_ =	shalt  }
0x47: {  	_ =	shalt  }
0x48: {  	_ =	shalt  }
0x49: {  	_ =	shalt  }
0x4a: {  	_ =	shalt  }
0x4b: {  	_ =	shalt  }
0x4c: {  	_ =	shalt  }
0x4d: {  	_ =	shalt  }
0x4e: {  	_ =	shalt  }
0x4f: {  	_ =	shalt  }
0x50: {  	_ =	shalt  }
0x51: {  	_ =	shalt  }
0x52: {  	_ =	shalt  }
0x53: {  	_ =	shalt  }
0x54: {  	_ =	shalt  }
0x55: {  	_ =	shalt  }
0x56: {  	_ =	shalt  }
0x57: {  	_ =	shalt  }
0x58: {  	_ =	shalt  }
0x59: {  	_ =	shalt  }
0x5a: {  	_ =	shalt  }
0x5b: {  	_ =	shalt  }
0x5c: {  	_ =	shalt  }
0x5d: {  	_ =	shalt  }
0x5e: {  	_ =	shalt  }
0x5f: {  	_ =	shalt  }
0x60: {  	_ =	shalt  }
0x61: {  	_ =	shalt  }
0x62: {  	_ =	shalt  }
0x63: {  	_ =	shalt  }
0x64: {  	_ =	shalt  }
0x65: {  	_ =	shalt  }
0x66: {  	_ =	shalt  }
0x67: {  	_ =	shalt  }
0x68: {  	_ =	shalt  }
0x69: {  	_ =	shalt  }
0x6a: {  	_ =	shalt  }
0x6b: {  	_ =	shalt  }
0x6c: {  	_ =	shalt  }
0x6d: {  	_ =	shalt  }
0x6e: {  	_ =	shalt  }
0x6f: {  	_ =	shalt  }
0x70: {  	_ =	shalt  }
0x71: {  	_ =	shalt  }
0x72: {  	_ =	shalt  }
0x73: {  	_ =	shalt  }
0x74: {  	_ =	shalt  }
0x75: {  	_ =	shalt  }
0x76: {  	_ =	shalt  }
0x77: {  	_ =	shalt  }
0x78: {  	_ =	shalt  }
0x79: {  	_ =	shalt  }
0x7a: {  	_ =	shalt  }
0x7b: {  	_ =	shalt  }
0x7c: {  	_ =	shalt  }
0x7d: {  	_ =	shalt  }
0x7e: {  	_ =	shalt  }
0x7f: {  	_ =	shalt  }
0x80: {  	_ =	shalt  }
0x81: {  	_ =	shalt  }
0x82: {  	_ =	shalt  }
0x83: {  	_ =	shalt  }
0x84: {  	_ =	shalt  }
0x85: {  	_ =	shalt  }
0x86: {  	_ =	shalt  }
0x87: {  	_ =	shalt  }
.Lfunc_end0:
.L_simem_size_0:
called_computation_lowered:
.L_overlay_start_0:
0x88: {  	s2 =	sld [smem:$0x3FD9]  }
0x89: {  	s3 =	sld [smem:$0x3FFE];
	_ =	sdelay $0x1  }
0x8a: {  	s1 =	srdreg.scid  }
0x8b: {  	s0 =	sand.u32 $0x1, s1  }
0x8c: {  	s16 =	sshll.u32 s0, $0xA;
	s2 =	sadd.s32 s3, s2  }
0x8d: {  	s2 =	sadd.s32 s2, s16  }
0x8e: {  	[smem:$0x3FBD] =	sst s2  }
0x8f: {  	_ = 	snop  }
0x90: {  	(tm) =	ssettm $0x1  }
0x91: {  	s17 =	sld [smem:$0x3FFB];
	_ =	sdelay $0x3  }
0x92: {  	_ =	strace s17  }
0x93: {  	s2 =	sld [smem:$0x3FFC];
	_ =	sdelay $0x3  }
0x94: {  	_ =	strace s2  }
0x95: {  	s2 =	sld [smem:$0x3FFD];
	_ =	sdelay $0x3  }
0x96: {  	_ =	strace s2  }
0x97: {  	_ =	strace $0x8FFFFFFF  }
0x98: {  	s18 =	sld [smem:$0x3FDB];
	_ =	sdelay $0x1  }
0x99: {  	s19 =	simm.s32 $_scs_section_size  }
0x9a: {  	s4 =	simm.s32 $_size__tile_overlayer_lowered;
	s5 =	simm.s32 $_tile_overlayer_lowered  }
0x9b: {  	s22 =	simm.s32 $0x1BFF;
	s21 =	sshll.u32 s5, $0x1;
	s2 =	sadd.s32 s19, s18  }
0x9c: {  	s6 =	simm.s32 $0x0;
	s20 =	sshll.u32 s4, $0x1;
	s4 =	sadd.s32 s21, s2  }
0x9d: {  	[timem:s6], [sflag:s22] =	dma.local [hbm:s4], s20  }
0x9e: {  	_ =	swait.ge [sflag:s22], s20  }
0x9f: {  	s3 =	ssub.s32 $0x0, s20;
	[sflag:s22] =	ssyncset.done $0x0  }
0xa0: {  	[sflag:s22] =	ssyncadd.s32 s3;
	_ =	sdelay $0x1  }
0xa1: {  	s23 =	simm.s32 $0x1B8B  }
0xa2: {  	_ =	swait.ge [sflag:s23], $0x1  }
0xa3: {  	[sflag:s23] =	ssyncset.done $0x0  }
0xa4: {  	s25 =	simm.s32 $0x1B8E;
	s24 =	sld [smem:$0x3FFE];
	[sflag:s23] =	ssyncadd.s32 $0xFFFFFFFF  }
0xa5: {  	s26 =	simm.s32 $execute0_lowered;
	[smem:$0x3FD2] =	sst s25  }
0xa6: {  	s4 =	sshll.u32 s26, $0x1;
	_ =	strace $0x80000046;
	[dreg:$0x1] =	wrdreg $0xFFFFFFFF  }
0xa7: {  	s28 =	simm.s32 $_size_execute0_lowered;
	s2 =	sadd.s32 s2, s4;
	[dreg:$0x0] =	wrdreg $0x0  }
0xa8: {  	s4 =	sshll.u32 s28, $0x1;
	[dreg:$0x2] =	wrdreg s2  }
0xa9: {  	[dreg:$0x3] =	wrdreg s4  }
0xaa: {  	[dreg:$0x4] =	wrdreg $0xC0  }
0xab: {  	_ =	task [dreg:s6], $0x5FFFF  }
0xac: {  	[dreg:$0x1] =	wrdreg $0xFFFFFFFF  }
0xad: {  	[dreg:$0x0] =	wrdreg $0x60  }
0xae: {  	[dreg:$0x2] =	wrdreg s24  }
0xaf: {  	[dreg:$0x3] =	wrdreg $0x9  }
0xb0: {  	_ =	task.clear_ibuf [dreg:s6], $0x4FFFF;
	_ =	strace $0x90000046  }
0xb1: {  	s29 =	simm.s32 $0x9;
	_ =	strace $0x80000048  }
0xb2: {  	_ =	swait.ge [sflag:s29], $0x1  }
0xb3: {  	[sflag:s29] =	ssyncadd.s32 $0xFFFFFFFF  }
0xb4: {  	_ =	strace $0x90000048  }
0xb5: {  	_ =	sfence  }
0xb6: {  	s30 =	sld [smem:$0x0];
	_ =	sdelay $0x2  }
0xb7: {  	s31 =	sshll.u32 s1, $0xD;
	s1 =	sshrl.u32 s1, $0x2  }
0xb8: {  	s3 =	sand.u32 $0x4000, s31;
	s1 =	sadd.s32 s1, s30  }
0xb9: {  	s0 =	sor.u32 s3, s0;
	s1 =	sshll.u32 s1, $0x11  }
0xba: {  	s0 =	sor.u32 s1, s0  }
0xbb: {  	s0 =	sadd.s32 $0x8F2B, s0  }
0xbc: {  	[sflag:s0] =	ssyncadd.remote.s32 $0x1  }
0xbd: {  	_ =	sfence.sel $0xFFFF  }
0xbe: {  	[dreg:$0x0] =	wrdreg $0xFFFFFFFF;
	(pc) =	sbr.abs _section_cstart, $3  }
0xbf: {  	[dreg:$0x1] =	wrdreg $0xFFFFFFFF  }
0xc0: {  	_ =	task.clear_ibuf [dreg:s6], $0x2FFFF;
	_ =	strace $0x9FFFFFFF  }
0xc1: {  	(tm) =	ssettm $0x7FFFFFFF  }
tec
execute0_lowered:
.L_overlay_start_1:
0x0: {  	(tag) =	ssettag $0x1  }
0x1: {  	s1 =	srdreg.scid;
	s0 =	stileid.u32  }
0x2: {  	s4 =	sand.u32 $0x1, s1;
	s2 =	sshll.u32 s0, $0x1  }
0x3: {  	s3 =	rddreg [dreg:$0x0];
	s5 =	sor.u32 s4, s2  }
0x4: {  	s7 =	simm.s32 $0x1;
	s8 =	simm.s32 $0x0;
	s5 =	smul.u32 $0x500, s5  }
0x5: {  	s1 =	rddreg [dreg:$0x1];
	s2 =	simm.s32 $0x0;
	s4 =	ssub.s32 $0x2, s4  }
0x6: {  	[smem:$0x7FF] =	sst s2;
	s6 =	sshrl.u32 s4, $0x1;
	s5 =	sadd.s32 s5, s3  }
0x7: {  	_ =	strace $0x80000047;
	s6 =	ssub.s32 s4, s6;
	s3 =	sadd.s32 $0x2200, s5  }
0x8: {  	v0 =	vimm.f32 $0.0e+00;
	v1 =	vimm.f32 $1.000000000e+00;
	s4 =	sadd.s32 $0xC200, s5;
	s5 =	smax.u32 s6, $0x1;
	s6 =	simm.s32 $0x2800  }
.LBB2_1:
0x9: {  	s9 =	simm.s32 $0x40;
	s10 =	simm.s32 $0x0  }
.LBB2_2:
0xa: {  	p0 =	sne.s32 s9, $0x9FC0;
	[tilespmem:s10+$0x0] =	vst v0;
	s10 =	smov.u32 s9;
	s9 =	sadd.s32 $0x40, s9  }
.Ltmp0:
0xb: {  	(pc) =	sbr.rel @p0 .LBB2_2-.Ltmp0, $2  }
0xc: {  	_ =	sdelay $0x2  }
0xd: {  	s10 =	sshra.s32 s10, $0x2  }
0xe: {  	[tilespmem:s10+$0x0] =	vst v0;
	s9 =	simm.s32 $0x0  }
0xf: {  	[tilespmem:s6], [sflag:$0x1] =	stream.linear.gather [hbm4b:s3+s9], $0x2800, $0x38;
	[tilespmem:$0x5000] =	vst v63  }
0x10: {  	_ =	swait.ge [sflag:s7], $0x2800  }
0x11: {  	[sflag:s7] =	ssyncset.done $0x0  }
0x12: {  	[sflag:s7] =	ssyncadd.s32 $0xFFFFD800  }
.LBB2_4:
0x13: {  	s10 =	sshra.s32 s9, $0x2  }
0x14: {  	v2 =	vld [tilespmem:s10+$0x2800];
	_ =	sdelay $0x7  }
0x15: {  	[tilespmem:v2+s2+$0x0] =	vst.idx.add.f32.msk $0xffff, v1  }
0x16: {  	v2 =	vld [tilespmem:s10+$0x2810];
	_ =	sdelay $0x7  }
0x17: {  	[tilespmem:v2+s2+$0x0] =	vst.idx.add.f32.msk $0xffff, v1  }
0x18: {  	v2 =	vld [tilespmem:s10+$0x2820];
	_ =	sdelay $0x7  }
0x19: {  	[tilespmem:v2+s2+$0x0] =	vst.idx.add.f32.msk $0xffff, v1  }
0x1a: {  	v2 =	vld [tilespmem:s10+$0x2830];
	_ =	sdelay $0x2  }
0x1b: {  	p0 =	sne.s32 s9, $0x9F00  }
.Ltmp1:
0x1c: {  	_ = 	snop;
	(pc) =	sbr.rel @p0 .LBB2_4-.Ltmp1, $2  }
0x1d: {  	_ =	sdelay $0x2  }
0x1e: {  	s9 =	sadd.s32 $0x100, s9;
	[tilespmem:v2+s2+$0x0] =	vst.idx.add.f32.msk $0xffff, v1  }
0x1f: {  	s8 =	sadd.s32 $0x1, s8  }
0x20: {  	p0 =	sne.s32 s8, s5  }
.Ltmp2:
0x21: {  	_ = 	snop;
	(pc) =	sbr.rel @p0 .LBB2_1-.Ltmp2, $4  }
0x22: {  	[hbm4b:s4+s2] =	stream.linear.scatter [tilespmem:s2], [sflag:$0x1], $0x2800, $0x38;
	[tilespmem:$0x5000] =	vst v63  }
0x23: {  	_ =	swait.ge [sflag:s7], $0x2800  }
0x24: {  	[sflag:s7] =	ssyncset.done $0x0  }
0x25: {  	[sflag:s7] =	ssyncadd.s32 $0xFFFFD800  }
0x26: {  	_ =	sfence.sel $0x180000  }
0x27: {  	[bflag:$0x0] =	sbarrier.arrive $0xFFFF  }
0x28: {  	p0 =	sne.s32 s0, $0x0;
	_ =	strace $0x90000047  }
0x29: {  	s0 =	sadd.s32 @!p0 $0x100000, s1;
	[bflag:$0x2] =	sbarrier.arrive $0xFFFF  }
0x2a: {  	[sflag:s0] =	ssyncadd.tile.s32 @!p0 $0x1;
	_ =	shalt  }
.Lfunc_end2:
_tile_overlayer_lowered:
.L_overlay_start_2:
0x2b: {  	(tag) =	ssettag $0x2  }
0x2c: {  	s0 =	rddreg [dreg:$0x0];
	s2 =	stileid.u32  }
0x2d: {  	s1 =	rddreg [dreg:$0x1];
	p0 =	sne.s32 s2, $0x0  }
0x2e: {  	s3 =	rddreg [dreg:$0x2];
	[bflag:$0x3] =	sbarrier.arrive $0xFFFF;
	s2 =	simm.s32 @!p0 $0x1C01  }
0x2f: {  	[timem:s3], [sflag:s2] =	dma.local @!p0 [hbm:s0], s1  }
0x30: {  	s0 =	simm.s32 @!p0 $0x1  }
0x31: {  	_ =	swait.ge @!p0 [sflag:s0], s1  }
0x32: {  	s1 =	ssub.s32 @!p0 $0x0, s1;
	[sflag:s0] =	ssyncset.done @!p0 $0x0  }
0x33: {  	[sflag:s0] =	ssyncadd.s32 @!p0 s1  }
0x34: {  	[bflag:$0x3] =	sbarrier.arrive $0xFFFF  }
0x35: {  	_ =	shalt  }

// kernel: kernel.13.cloned.1.call-start
scs
__scs_entry_jumppad:
0x0: {  	(pc) =	sbr.rel $0x88, $3  }
0x1: {  	(tag) =	ssettag $0x0;
	lr =	simm.s32 $0x1  }
0x2: {  	[smem:$0x3F96] =	sst lr;
	_ =	strace $0xD0000000  }
0x3: {  	_ = 	snop  }
0x4: {  	_ = 	snop  }
0x5: {  	_ = 	snop  }
0x6: {  	_ = 	snop  }
0x7: {  	_ = 	snop  }
__scs_overlays_trampoline_lowered:
0x8: {  	[smem:$0x3FA5] =	sst s0  }
0x9: {  	[smem:$0x3FA6] =	sst s1  }
0xa: {  	[smem:$0x3FA7] =	sst s2  }
0xb: {  	[smem:$0x3FA8] =	sst s3  }
0xc: {  	[smem:$0x3FA9] =	sst s4  }
0xd: {  	[smem:$0x3FAA] =	sst s5  }
0xe: {  	[smem:$0x3FAB] =	sst s6  }
0xf: {  	[smem:$0x3FAC] =	sst s7  }
0x10: {  	[smem:$0x3FAD] =	sst s8  }
0x11: {  	[smem:$0x3FAE] =	sst s9;
	s0 =	simm.s32 @!p0 $0x0  }
0x12: {  	s1 =	sld [smem:$0x3F94];
	s0 =	simm.s32 @p0 $0x1  }
0x13: {  	[smem:$0x3FAF] =	sst s0;
	s0 =	simm.s32 @!p1 $0x0  }
0x14: {  	s2 =	sld [smem:$0x3F93];
	s0 =	simm.s32 @p1 $0x1  }
0x15: {  	[smem:$0x3FB0] =	sst s0;
	s0 =	simm.s32 @!p2 $0x0  }
0x16: {  	s3 =	sld [smem:$0x3FDB];
	s0 =	simm.s32 @p2 $0x1  }
0x17: {  	s4 =	simm.s32 $0x1BF5;
	[smem:$0x3FB2] =	sst s0  }
0x18: {  	s0 =	sld [smem:$0x3F95];
	_ =	swait.ge [sflag:s4], $0x0  }
0x19: {  	s7 =	sld [smem:$0x3F96]  }
0x1a: {  	s8 =	sadd.s32 $0xFFFFE003, lr  }
0x1b: {  	s9 =	sadd.s32 $0xFFFFFEF7, lr;
	s5 =	simm.s32 $0xFFFFFFFF;
	p2 =	slt.u32 s8, $0xFFFFF086  }
0x1c: {  	p1 =	slt.u32 s9, $0xF7A;
	s5 =	simm.s32 @!p2 $0x0  }
0x1d: {  	s5 =	simm.s32 @p1 $0x1;
	p0 =	seq.s32 s7, s2  }
0x1e: {  	s7 =	smul.u32 @!p0 $0xF7A, s2;
	p2 =	seq.s32 @!p0 s5, $0x0  }
0x1f: {  	s9 =	smul.u32 $0xF7A, s1;
	s8 =	simm.s32 @!p0 $0x1BF5;
	p2 =	por !p2, p0  }
0x20: {  	[sflag:s8] =	ssyncset.s32 @!p0 $0xFFFFF086;
	s6 =	sadd.s32 @!p0 s3, s7;
	s7 =	simm.s32 @!p0 $0x108  }
0x21: {  	s3 =	sadd.s32 s3, s9;
	s6 =	sadd.s32 @!p0 $0x88, s6;
	s7 =	simm.s32 @p2 $0x1082  }
0x22: {  	[simem:s7], [sflag:s8] =	dma.local @!p0 [hbm:s6], $0xF7A  }
0x23: {  	s9 =	sor.u32 $0xD0000000, s2;
	s6 =	simm.s32 $0x108;
	_ =	swait.ge @!p0 [sflag:s8], $0x0  }
0x24: {  	s3 =	sadd.s32 $0x88, s3;
	s6 =	simm.s32 @!p1 $0x1082;
	[sflag:s4] =	ssyncset.s32 $0xFFFFF086  }
0x25: {  	[simem:s6], [sflag:s4] =	dma.local [hbm:s3], $0xF7A  }
0x26: {  	[smem:$0x3F96] =	sst s1;
	(tag) =	ssettag s2;
	_ =	strace s9  }
0x27: {  	s1 =	sld [smem:$0x3FA6]  }
0x28: {  	s2 =	sld [smem:$0x3FA7]  }
0x29: {  	s4 =	sld [smem:$0x3FA9]  }
0x2a: {  	p0 =	seq.s32 s5, $0x0;
	s5 =	sld [smem:$0x3FAA]  }
0x2b: {  	s6 =	sld [smem:$0x3FAB]  }
0x2c: {  	s7 =	sld [smem:$0x3FAC]  }
0x2d: {  	s3 =	simm.s32 $0x108;
	s8 =	sld [smem:$0x3FAD]  }
0x2e: {  	s3 =	simm.s32 @!p0 $0x1082;
	s9 =	sld [smem:$0x3FAE]  }
0x2f: {  	lr =	sadd.s32 s0, s3;
	s0 =	sld [smem:$0x3FA5]  }
0x30: {  	s3 =	sld [smem:$0x3FA8]  }
0x31: {  	[smem:$0x3FB1] =	sst s10  }
0x32: {  	s10 =	sld [smem:$0x3FAF];
	_ =	sdelay $0x3  }
0x33: {  	p0 =	seq.s32 s10, $0x1;
	s10 =	sld [smem:$0x3FB1];
	_ =	sdelay $0x3  }
0x34: {  	[smem:$0x3FB1] =	sst s10  }
0x35: {  	s10 =	sld [smem:$0x3FB0];
	_ =	sdelay $0x3  }
0x36: {  	p1 =	seq.s32 s10, $0x1;
	s10 =	sld [smem:$0x3FB1];
	_ =	sdelay $0x3  }
0x37: {  	[smem:$0x3FB1] =	sst s10  }
0x38: {  	s10 =	sld [smem:$0x3FB2]  }
0x39: {  	_ = 	snop;
	(pc) =	sbr.ind lr, $3  }
0x3a: {  	_ = 	snop  }
0x3b: {  	_ = 	snop  }
0x3c: {  	p2 =	seq.s32 s10, $0x1;
	s10 =	sld [smem:$0x3FB1]  }
0x3d: {  	_ =	shalt  }
0x3e: {  	_ =	shalt  }
0x3f: {  	_ =	shalt  }
0x40: {  	_ =	shalt  }
0x41: {  	_ =	shalt  }
0x42: {  	_ =	shalt  }
0x43: {  	_ =	shalt  }
0x44: {  	_ =	shalt  }
0x45: {  	_ =	shalt  }
0x46: {  	_ =	shalt  }
0x47: {  	_ =	shalt  }
0x48: {  	_ =	shalt  }
0x49: {  	_ =	shalt  }
0x4a: {  	_ =	shalt  }
0x4b: {  	_ =	shalt  }
0x4c: {  	_ =	shalt  }
0x4d: {  	_ =	shalt  }
0x4e: {  	_ =	shalt  }
0x4f: {  	_ =	shalt  }
0x50: {  	_ =	shalt  }
0x51: {  	_ =	shalt  }
0x52: {  	_ =	shalt  }
0x53: {  	_ =	shalt  }
0x54: {  	_ =	shalt  }
0x55: {  	_ =	shalt  }
0x56: {  	_ =	shalt  }
0x57: {  	_ =	shalt  }
0x58: {  	_ =	shalt  }
0x59: {  	_ =	shalt  }
0x5a: {  	_ =	shalt  }
0x5b: {  	_ =	shalt  }
0x5c: {  	_ =	shalt  }
0x5d: {  	_ =	shalt  }
0x5e: {  	_ =	shalt  }
0x5f: {  	_ =	shalt  }
0x60: {  	_ =	shalt  }
0x61: {  	_ =	shalt  }
0x62: {  	_ =	shalt  }
0x63: {  	_ =	shalt  }
0x64: {  	_ =	shalt  }
0x65: {  	_ =	shalt  }
0x66: {  	_ =	shalt  }
0x67: {  	_ =	shalt  }
0x68: {  	_ =	shalt  }
0x69: {  	_ =	shalt  }
0x6a: {  	_ =	shalt  }
0x6b: {  	_ =	shalt  }
0x6c: {  	_ =	shalt  }
0x6d: {  	_ =	shalt  }
0x6e: {  	_ =	shalt  }
0x6f: {  	_ =	shalt  }
0x70: {  	_ =	shalt  }
0x71: {  	_ =	shalt  }
0x72: {  	_ =	shalt  }
0x73: {  	_ =	shalt  }
0x74: {  	_ =	shalt  }
0x75: {  	_ =	shalt  }
0x76: {  	_ =	shalt  }
0x77: {  	_ =	shalt  }
0x78: {  	_ =	shalt  }
0x79: {  	_ =	shalt  }
0x7a: {  	_ =	shalt  }
0x7b: {  	_ =	shalt  }
0x7c: {  	_ =	shalt  }
0x7d: {  	_ =	shalt  }
0x7e: {  	_ =	shalt  }
0x7f: {  	_ =	shalt  }
0x80: {  	_ =	shalt  }
0x81: {  	_ =	shalt  }
0x82: {  	_ =	shalt  }
0x83: {  	_ =	shalt  }
0x84: {  	_ =	shalt  }
0x85: {  	_ =	shalt  }
0x86: {  	_ =	shalt  }
0x87: {  	_ =	shalt  }
.Lfunc_end0:
.L_simem_size_0:
called_computation.1_lowered:
.L_overlay_start_0:
0x88: {  	s2 =	sld [smem:$0x3FD9]  }
0x89: {  	s3 =	sld [smem:$0x3FFE];
	_ =	sdelay $0x1  }
0x8a: {  	s1 =	srdreg.scid  }
0x8b: {  	s0 =	sand.u32 $0x1, s1  }
0x8c: {  	s16 =	sshll.u32 s0, $0xA;
	s2 =	sadd.s32 s3, s2  }
0x8d: {  	s2 =	sadd.s32 s2, s16  }
0x8e: {  	[smem:$0x3FBD] =	sst s2  }
0x8f: {  	_ = 	snop  }
0x90: {  	(tm) =	ssettm $0x1  }
0x91: {  	s17 =	sld [smem:$0x3FFB];
	_ =	sdelay $0x3  }
0x92: {  	_ =	strace s17  }
0x93: {  	s2 =	sld [smem:$0x3FFC];
	_ =	sdelay $0x3  }
0x94: {  	_ =	strace s2  }
0x95: {  	s2 =	sld [smem:$0x3FFD];
	_ =	sdelay $0x3  }
0x96: {  	_ =	strace s2  }
0x97: {  	_ =	strace $0x8FFFFFFF  }
0x98: {  	s18 =	sld [smem:$0x3FDB];
	_ =	sdelay $0x1  }
0x99: {  	s19 =	simm.s32 $_scs_section_size  }
0x9a: {  	s4 =	simm.s32 $_size__tile_overlayer_lowered;
	s5 =	simm.s32 $_tile_overlayer_lowered  }
0x9b: {  	s22 =	simm.s32 $0x1BFF;
	s21 =	sshll.u32 s5, $0x1;
	s2 =	sadd.s32 s19, s18  }
0x9c: {  	s6 =	simm.s32 $0x0;
	s20 =	sshll.u32 s4, $0x1;
	s4 =	sadd.s32 s21, s2  }
0x9d: {  	[timem:s6], [sflag:s22] =	dma.local [hbm:s4], s20  }
0x9e: {  	_ =	swait.ge [sflag:s22], s20  }
0x9f: {  	s3 =	ssub.s32 $0x0, s20;
	[sflag:s22] =	ssyncset.done $0x0  }
0xa0: {  	[sflag:s22] =	ssyncadd.s32 s3;
	_ =	sdelay $0x1  }
0xa1: {  	s23 =	simm.s32 $0x1B8B  }
0xa2: {  	_ =	swait.ge [sflag:s23], $0x1  }
0xa3: {  	[sflag:s23] =	ssyncset.done $0x0  }
0xa4: {  	s25 =	simm.s32 $0x1B8E;
	s24 =	sld [smem:$0x3FFE];
	[sflag:s23] =	ssyncadd.s32 $0xFFFFFFFF  }
0xa5: {  	s26 =	simm.s32 $execute0_lowered;
	[smem:$0x3FD2] =	sst s25  }
0xa6: {  	s4 =	sshll.u32 s26, $0x1;
	_ =	strace $0x80000049;
	[dreg:$0x1] =	wrdreg $0xFFFFFFFF  }
0xa7: {  	s28 =	simm.s32 $_size_execute0_lowered;
	s2 =	sadd.s32 s2, s4;
	[dreg:$0x0] =	wrdreg $0x0  }
0xa8: {  	s4 =	sshll.u32 s28, $0x1;
	[dreg:$0x2] =	wrdreg s2  }
0xa9: {  	[dreg:$0x3] =	wrdreg s4  }
0xaa: {  	[dreg:$0x4] =	wrdreg $0xC0  }
0xab: {  	_ =	task [dreg:s6], $0x5FFFF  }
0xac: {  	[dreg:$0x1] =	wrdreg $0xFFFFFFFF  }
0xad: {  	[dreg:$0x0] =	wrdreg $0x60  }
0xae: {  	[dreg:$0x2] =	wrdreg s24  }
0xaf: {  	[dreg:$0x3] =	wrdreg $0x140000  }
0xb0: {  	[dreg:$0x4] =	wrdreg $0xA0000  }
0xb1: {  	[dreg:$0x5] =	wrdreg $0x9  }
0xb2: {  	_ =	task.clear_ibuf [dreg:s6], $0x6FFFF;
	_ =	strace $0x90000049  }
0xb3: {  	s29 =	simm.s32 $0x9;
	_ =	strace $0x8000004B  }
0xb4: {  	_ =	swait.ge [sflag:s29], $0x1  }
0xb5: {  	[sflag:s29] =	ssyncadd.s32 $0xFFFFFFFF  }
0xb6: {  	_ =	strace $0x9000004B  }
0xb7: {  	_ =	sfence  }
0xb8: {  	s30 =	sld [smem:$0x0];
	_ =	sdelay $0x2  }
0xb9: {  	s31 =	sshll.u32 s1, $0xD;
	s1 =	sshrl.u32 s1, $0x2  }
0xba: {  	s3 =	sand.u32 $0x4000, s31;
	s1 =	sadd.s32 s1, s30  }
0xbb: {  	s0 =	sor.u32 s3, s0;
	s1 =	sshll.u32 s1, $0x11  }
0xbc: {  	s0 =	sor.u32 s1, s0  }
0xbd: {  	s0 =	sadd.s32 $0x8F2B, s0  }
0xbe: {  	[sflag:s0] =	ssyncadd.remote.s32 $0x1  }
0xbf: {  	_ =	sfence.sel $0xFFFF  }
0xc0: {  	[dreg:$0x0] =	wrdreg $0xFFFFFFFF;
	(pc) =	sbr.abs _section_cstart, $3  }
0xc1: {  	[dreg:$0x1] =	wrdreg $0xFFFFFFFF  }
0xc2: {  	_ =	task.clear_ibuf [dreg:s6], $0x2FFFF;
	_ =	strace $0x9FFFFFFF  }
0xc3: {  	(tm) =	ssettm $0x7FFFFFFF  }
tec
execute0_lowered:
.L_overlay_start_1:
0x0: {  	(tag) =	ssettag $0x1  }
0x1: {  	s0 =	rddreg [dreg:$0x0]  }
0x2: {  	s2 =	rddreg [dreg:$0x1]  }
0x3: {  	s3 =	rddreg [dreg:$0x2]  }
0x4: {  	s12 =	stileid.u32;
	s1 =	srdreg.scid;
	s4 =	simm.s32 $0x0  }
0x5: {  	s28 =	simm.s32 $0x8000;
	s29 =	simm.s32 $0x2;
	s5 =	smul.u32 $0x2800, s12  }
0x6: {  	s31 =	simm.s32 $0x4;
	s30 =	simm.s32 $0x7;
	s6 =	smul.u32 $0xA000, s12  }
0x7: {  	s1 =	sand.u32 $0x1, s1;
	[smem:$0x7FF] =	sst s4;
	s11 =	smul.u32 $0x28000, s12  }
0x8: {  	s22 =	sshll.u32 s12, $0x6;
	p0 =	seq.s32 s1, $0x0;
	s19 =	smul.u32 $0xA0000, s1  }
0x9: {  	_ =	strace $0x8000004A;
	s1 =	ssub.s32 $0x2, s1;
	s7 =	sadd.s32 $0x28000, s5  }
0xa: {  	s8 =	sshrl.u32 s6, $0x3;
	s10 =	sshrl.u32 s1, $0x1;
	s21 =	sadd.s32 s6, s2  }
0xb: {  	s11 =	sshrl.u32 s11, $0x2;
	s5 =	smov.u32 @p0 s7;
	s8 =	sadd.s32 s8, s0  }
0xc: {  	s20 =	sadd.s32 s6, s19;
	s1 =	ssub.s32 s1, s10;
	s23 =	sadd.s32 s11, s3  }
0xd: {  	s6 =	sadd.s32 s6, s3;
	s26 =	sshrl.u32 s21, $0x3;
	s21 =	simm.s32 $0x5000  }
0xe: {  	s10 =	simm.s32 $0x0;
	s5 =	sshrl.u32 s5, $0x3;
	s7 =	sshrl.u32 s20, $0x3  }
0xf: {  	s8 =	sadd.s32 $0x20200, s8;
	s11 =	sadd.s32 $0x2000, s23;
	s24 =	sadd.s32 $0x4000, s23  }
0x10: {  	s17 =	sadd.s32 $0x6000, s23;
	s25 =	smax.u32 s1, $0x1;
	[dreg:$0x9] =	wrdreg s26  }
0x11: {  	s14 =	sshrl.u32 s6, $0x3;
	s20 =	simm.s32 $0x40;
	s1 =	simm.s32 $0x3  }
0x12: {  	s26 =	simm.s32 $0x6;
	s6 =	simm.s32 $0x8;
	s9 =	sadd.s32 s5, s0  }
0x13: {  	s5 =	sadd.s32 $0xC200, s0;
	s0 =	sadd.s32 s7, s0;
	[dreg:$0x4] =	wrdreg s8  }
0x14: {  	s7 =	sor.u32 $0x1C0B, s22;
	s8 =	sadd.s32 $0x8000, s23;
	[dreg:$0x8] =	wrdreg s25  }
0x15: {  	s15 =	sshrl.u32 s11, $0x3;
	s16 =	sshrl.u32 s24, $0x3;
	s17 =	sshrl.u32 s17, $0x3  }
0x16: {  	s22 =	simm.s32 $0x6000;
	s24 =	simm.s32 $0x7000;
	s13 =	sadd.s32 $0x16200, s9  }
0x17: {  	s25 =	simm.s32 $0x1;
	s9 =	sadd.s32 $0x2200, s9;
	[dreg:$0x5] =	wrdreg s13  }
0x18: {  	s23 =	simm.s32 $0x5;
	s0 =	sadd.s32 $0x34200, s0;
	[dreg:$0x6] =	wrdreg s9  }
0x19: {  	s18 =	sshrl.u32 s8, $0x3;
	s8 =	simm.s32 $0x9;
	[dreg:$0x7] =	wrdreg s0  }
0x1a: {  	s13 =	simm.s32 $0xB;
	s0 =	simm.s32 $0x9000;
	s9 =	simm.s32 $0xA  }
.LBB2_1:
0x1b: {  	s11 =	rddreg [dreg:$0x4]  }
0x1c: {  	s12 =	rddreg [dreg:$0x9]  }
0x1d: {  	[spmem:s12], [sflag:s7] =	dma.local [hbm:s11], $0x1400  }
0x1e: {  	_ =	swait.ge [sflag:s13], $0x1400  }
0x1f: {  	[sflag:s13] =	ssyncset.done $0x0  }
0x20: {  	[sflag:s13] =	ssyncadd.s32 $0xFFFFEC00  }
0x21: {  	[spmem:s14], [sflag:s7] =	dma.local [hbm:s5], $0x400  }
0x22: {  	_ =	swait.ge [sflag:s13], $0x400  }
0x23: {  	[sflag:s13] =	ssyncset.done $0x0  }
0x24: {  	[sflag:s13] =	ssyncadd.s32 $0xFFFFFC00  }
0x25: {  	[spmem:s15], [sflag:s7] =	dma.local [hbm:s5], $0x400  }
0x26: {  	_ =	swait.ge [sflag:s13], $0x400  }
0x27: {  	[sflag:s13] =	ssyncset.done $0x0  }
0x28: {  	[sflag:s13] =	ssyncadd.s32 $0xFFFFFC00  }
0x29: {  	[spmem:s16], [sflag:s7] =	dma.local [hbm:s5], $0x400  }
0x2a: {  	_ =	swait.ge [sflag:s13], $0x400  }
0x2b: {  	[sflag:s13] =	ssyncset.done $0x0  }
0x2c: {  	[sflag:s13] =	ssyncadd.s32 $0xFFFFFC00  }
0x2d: {  	[spmem:s17], [sflag:s7] =	dma.local [hbm:s5], $0x400  }
0x2e: {  	_ =	swait.ge [sflag:s13], $0x400  }
0x2f: {  	[sflag:s13] =	ssyncset.done $0x0  }
0x30: {  	[sflag:s13] =	ssyncadd.s32 $0xFFFFFC00  }
0x31: {  	[spmem:s18], [sflag:s7] =	dma.local [hbm:s5], $0x400  }
0x32: {  	_ =	swait.ge [sflag:s13], $0x400  }
0x33: {  	[sflag:s13] =	ssyncset.done $0x0  }
0x34: {  	s12 =	rddreg [dreg:$0x5];
	[sflag:s13] =	ssyncadd.s32 $0xFFFFFC00  }
0x35: {  	[tilespmem:s4], [sflag:$0xB] =	stream.linear.gather [hbm4b:s12+s4], $0x2800, $0x38;
	[tilespmem:$0x1E000] =	vst v63  }
0x36: {  	_ =	swait.ge [sflag:s13], $0x2800  }
0x37: {  	[sflag:s13] =	ssyncset.done $0x0  }
0x38: {  	s12 =	simm.s32 $0x2800;
	s19 =	rddreg [dreg:$0x6];
	[sflag:s13] =	ssyncadd.s32 $0xFFFFD800  }
0x39: {  	[tilespmem:s12], [sflag:$0xB] =	stream.linear.gather [hbm4b:s19+s4], $0x2800, $0x38;
	[tilespmem:$0x1E000] =	vst v63  }
0x3a: {  	_ =	swait.ge [sflag:s13], $0x2800  }
0x3b: {  	[sflag:s13] =	ssyncset.done $0x0  }
0x3c: {  	[sflag:s13] =	ssyncadd.s32 $0xFFFFD800  }
0x3d: {  	[bflag:$0x0] =	sbarrier.arrive $0xFFFF  }
0x3e: {  	[tilespmem:s21], [sflag:$0x1] =	stream.indirect.gather [spmem:s2], $0x40, s4, s20, $0xb8;
	[tilespmem:$0x1E000] =	vst v63  }
0x3f: {  	_ = 	snop  }
0x40: {  	[tilespmem:s22], [sflag:$0x2] =	stream.indirect.gather [spmem:s2], $0x40, s20, s20, $0xb8;
	[tilespmem:$0x1E000] =	vst v63  }
0x41: {  	s19 =	simm.s32 $0x80  }
0x42: {  	[tilespmem:s24], [sflag:$0x3] =	stream.indirect.gather [spmem:s2], $0x40, s19, s20, $0xb8;
	[tilespmem:$0x1E000] =	vst v63  }
0x43: {  	_ =	swait.ge [sflag:s25], $0x1000  }
0x44: {  	[sflag:s25] =	ssyncset.done $0x0  }
0x45: {  	[sflag:s25] =	ssyncadd.s32 $0xFFFFF000  }
0x46: {  	[spmem:s3] =	stream.indirect.scatter.add.f32 [tilespmem:s21], [sflag:$0x6], $0x40, s12, s20, $0xb8;
	[tilespmem:$0x1E000] =	vst v63  }
0x47: {  	s12 =	simm.s32 $0xC0  }
0x48: {  	[tilespmem:s28], [sflag:$0x4] =	stream.indirect.gather [spmem:s2], $0x40, s12, s20, $0xb8;
	[tilespmem:$0x1E000] =	vst v63  }
0x49: {  	_ =	swait.ge [sflag:s29], $0x1000  }
0x4a: {  	[sflag:s29] =	ssyncset.done $0x0  }
0x4b: {  	s19 =	simm.s32 $0x2840;
	[sflag:s29] =	ssyncadd.s32 $0xFFFFF000  }
0x4c: {  	[spmem:s3] =	stream.indirect.scatter.add.f32 [tilespmem:s22], [sflag:$0x7], $0x40, s19, s20, $0xb8;
	[tilespmem:$0x1E000] =	vst v63  }
0x4d: {  	s12 =	simm.s32 $0x100  }
0x4e: {  	[tilespmem:s0], [sflag:$0x5] =	stream.indirect.gather [spmem:s2], $0x40, s12, s20, $0xb8;
	[tilespmem:$0x1E000] =	vst v63  }
0x4f: {  	_ =	swait.ge [sflag:s1], $0x1000  }
0x50: {  	[sflag:s1] =	ssyncset.done $0x0  }
0x51: {  	s19 =	simm.s32 $0x2880;
	[sflag:s1] =	ssyncadd.s32 $0xFFFFF000  }
0x52: {  	[spmem:s3] =	stream.indirect.scatter.add.f32 [tilespmem:s24], [sflag:$0x8], $0x40, s19, s20, $0xb8;
	[tilespmem:$0x1E000] =	vst v63  }
0x53: {  	_ =	swait.ge [sflag:s26], $0x1000  }
0x54: {  	[sflag:s26] =	ssyncset.done $0x0  }
0x55: {  	s12 =	simm.s32 $0x140;
	[sflag:s26] =	ssyncadd.s32 $0xFFFFF000  }
0x56: {  	[tilespmem:s21], [sflag:$0x1] =	stream.indirect.gather [spmem:s2], $0x40, s12, s20, $0xb8;
	[tilespmem:$0x1E000] =	vst v63  }
0x57: {  	_ =	swait.ge [sflag:s31], $0x1000  }
0x58: {  	[sflag:s31] =	ssyncset.done $0x0  }
0x59: {  	s19 =	simm.s32 $0x28C0;
	[sflag:s31] =	ssyncadd.s32 $0xFFFFF000  }
0x5a: {  	[spmem:s3] =	stream.indirect.scatter.add.f32 [tilespmem:s28], [sflag:$0x9], $0x40, s19, s20, $0xb8;
	[tilespmem:$0x1E000] =	vst v63  }
0x5b: {  	_ =	swait.ge [sflag:s30], $0x1000  }
0x5c: {  	[sflag:s30] =	ssyncset.done $0x0  }
0x5d: {  	s12 =	simm.s32 $0x180;
	[sflag:s30] =	ssyncadd.s32 $0xFFFFF000  }
0x5e: {  	[tilespmem:s22], [sflag:$0x2] =	stream.indirect.gather [spmem:s2], $0x40, s12, s20, $0xb8;
	[tilespmem:$0x1E000] =	vst v63  }
0x5f: {  	_ =	swait.ge [sflag:s23], $0x1000  }
0x60: {  	[sflag:s23] =	ssyncset.done $0x0  }
0x61: {  	s19 =	simm.s32 $0x2900;
	[sflag:s23] =	ssyncadd.s32 $0xFFFFF000  }
0x62: {  	[spmem:s3] =	stream.indirect.scatter.add.f32 [tilespmem:s0], [sflag:$0xA], $0x40, s19, s20, $0xb8;
	[tilespmem:$0x1E000] =	vst v63  }
0x63: {  	_ =	swait.ge [sflag:s6], $0x1000  }
0x64: {  	[sflag:s6] =	ssyncset.done $0x0  }
0x65: {  	s12 =	simm.s32 $0x1C0;
	[sflag:s6] =	ssyncadd.s32 $0xFFFFF000  }
0x66: {  	[tilespmem:s24], [sflag:$0x3] =	stream.indirect.gather [spmem:s2], $0x40, s12, s20, $0xb8;
	[tilespmem:$0x1E000] =	vst v63  }
0x67: {  	_ =	swait.ge [sflag:s25], $0x1000  }
0x68: {  	[sflag:s25] =	ssyncset.done $0x0  }
0x69: {  	s19 =	simm.s32 $0x2940;
	[sflag:s25] =	ssyncadd.s32 $0xFFFFF000  }
0x6a: {  	[spmem:s3] =	stream.indirect.scatter.add.f32 [tilespmem:s21], [sflag:$0x6], $0x40, s19, s20, $0xb8;
	[tilespmem:$0x1E000] =	vst v63  }
0x6b: {  	_ =	swait.ge [sflag:s8], $0x1000  }
0x6c: {  	[sflag:s8] =	ssyncset.done $0x0  }
0x6d: {  	s12 =	simm.s32 $0x200;
	[sflag:s8] =	ssyncadd.s32 $0xFFFFF000  }
0x6e: {  	[tilespmem:s28], [sflag:$0x4] =	stream.indirect.gather [spmem:s2], $0x40, s12, s20, $0xb8;
	[tilespmem:$0x1E000] =	vst v63  }
0x6f: {  	_ =	swait.ge [sflag:s29], $0x1000  }
0x70: {  	[sflag:s29] =	ssyncset.done $0x0  }
0x71: {  	s19 =	simm.s32 $0x2980;
	[sflag:s29] =	ssyncadd.s32 $0xFFFFF000  }
0x72: {  	[spmem:s3] =	stream.indirect.scatter.add.f32 [tilespmem:s22], [sflag:$0x7], $0x40, s19, s20, $0xb8;
	[tilespmem:$0x1E000] =	vst v63  }
0x73: {  	_ =	swait.ge [sflag:s9], $0x1000  }
0x74: {  	[sflag:s9] =	ssyncset.done $0x0  }
0x75: {  	s12 =	simm.s32 $0x240;
	[sflag:s9] =	ssyncadd.s32 $0xFFFFF000  }
0x76: {  	[tilespmem:s0], [sflag:$0x5] =	stream.indirect.gather [spmem:s2], $0x40, s12, s20, $0xb8;
	[tilespmem:$0x1E000] =	vst v63  }
0x77: {  	_ =	swait.ge [sflag:s1], $0x1000  }
0x78: {  	[sflag:s1] =	ssyncset.done $0x0  }
0x79: {  	s19 =	simm.s32 $0x29C0;
	[sflag:s1] =	ssyncadd.s32 $0xFFFFF000  }
0x7a: {  	[spmem:s3] =	stream.indirect.scatter.add.f32 [tilespmem:s24], [sflag:$0x8], $0x40, s19, s20, $0xb8;
	[tilespmem:$0x1E000] =	vst v63  }
0x7b: {  	_ =	swait.ge [sflag:s26], $0x1000  }
0x7c: {  	[sflag:s26] =	ssyncset.done $0x0  }
0x7d: {  	s12 =	simm.s32 $0x280;
	[sflag:s26] =	ssyncadd.s32 $0xFFFFF000  }
0x7e: {  	[tilespmem:s21], [sflag:$0x1] =	stream.indirect.gather [spmem:s2], $0x40, s12, s20, $0xb8;
	[tilespmem:$0x1E000] =	vst v63  }
0x7f: {  	_ =	swait.ge [sflag:s31], $0x1000  }
0x80: {  	[sflag:s31] =	ssyncset.done $0x0  }
0x81: {  	s19 =	simm.s32 $0x2A00;
	[sflag:s31] =	ssyncadd.s32 $0xFFFFF000  }
0x82: {  	[spmem:s3] =	stream.indirect.scatter.add.f32 [tilespmem:s28], [sflag:$0x9], $0x40, s19, s20, $0xb8;
	[tilespmem:$0x1E000] =	vst v63  }
0x83: {  	_ =	swait.ge [sflag:s30], $0x1000  }
0x84: {  	[sflag:s30] =	ssyncset.done $0x0  }
0x85: {  	s12 =	simm.s32 $0x2C0;
	[sflag:s30] =	ssyncadd.s32 $0xFFFFF000  }
0x86: {  	[tilespmem:s22], [sflag:$0x2] =	stream.indirect.gather [spmem:s2], $0x40, s12, s20, $0xb8;
	[tilespmem:$0x1E000] =	vst v63  }
0x87: {  	_ =	swait.ge [sflag:s23], $0x1000  }
0x88: {  	[sflag:s23] =	ssyncset.done $0x0  }
0x89: {  	s19 =	simm.s32 $0x2A40;
	[sflag:s23] =	ssyncadd.s32 $0xFFFFF000  }
0x8a: {  	[spmem:s3] =	stream.indirect.scatter.add.f32 [tilespmem:s0], [sflag:$0xA], $0x40, s19, s20, $0xb8;
	[tilespmem:$0x1E000] =	vst v63  }
0x8b: {  	_ =	swait.ge [sflag:s6], $0x1000  }
0x8c: {  	[sflag:s6] =	ssyncset.done $0x0  }
0x8d: {  	s11 =	simm.s32 $0x500;
	s12 =	simm.s32 $0x300;
	[sflag:s6] =	ssyncadd.s32 $0xFFFFF000  }
.LBB2_2:
0x8e: {  	[tilespmem:s24], [sflag:$0x3] =	stream.indirect.gather [spmem:s2], $0x40, s12, s20, $0xb8;
	[tilespmem:$0x1E000] =	vst v63  }
0x8f: {  	s12 =	smov.u32 s11  }
0x90: {  	p0 =	sne.s32 s11, $0x9100;
	s11 =	sadd.s32 $0x500, s11;
	_ =	swait.ge [sflag:s25], $0x1000  }
0x91: {  	s12 =	sshra.s32 s12, $0x2;
	[sflag:s25] =	ssyncset.done $0x0  }
0x92: {  	s19 =	sadd.s32 $0x2940, s12;
	[sflag:s25] =	ssyncadd.s32 $0xFFFFF000  }
0x93: {  	[spmem:s3] =	stream.indirect.scatter.add.f32 [tilespmem:s21], [sflag:$0x6], $0x40, s19, s20, $0xb8;
	[tilespmem:$0x1E000] =	vst v63  }
0x94: {  	_ =	swait.ge [sflag:s8], $0x1000  }
0x95: {  	[sflag:s8] =	ssyncset.done $0x0  }
0x96: {  	s19 =	sadd.s32 $0x200, s12;
	[sflag:s8] =	ssyncadd.s32 $0xFFFFF000  }
0x97: {  	[tilespmem:s28], [sflag:$0x4] =	stream.indirect.gather [spmem:s2], $0x40, s19, s20, $0xb8;
	[tilespmem:$0x1E000] =	vst v63  }
0x98: {  	_ =	swait.ge [sflag:s29], $0x1000  }
0x99: {  	[sflag:s29] =	ssyncset.done $0x0  }
0x9a: {  	s19 =	sadd.s32 $0x2980, s12;
	[sflag:s29] =	ssyncadd.s32 $0xFFFFF000  }
0x9b: {  	[spmem:s3] =	stream.indirect.scatter.add.f32 [tilespmem:s22], [sflag:$0x7], $0x40, s19, s20, $0xb8;
	[tilespmem:$0x1E000] =	vst v63  }
0x9c: {  	_ =	swait.ge [sflag:s9], $0x1000  }
0x9d: {  	[sflag:s9] =	ssyncset.done $0x0  }
0x9e: {  	s19 =	sadd.s32 $0x240, s12;
	[sflag:s9] =	ssyncadd.s32 $0xFFFFF000  }
0x9f: {  	[tilespmem:s0], [sflag:$0x5] =	stream.indirect.gather [spmem:s2], $0x40, s19, s20, $0xb8;
	[tilespmem:$0x1E000] =	vst v63  }
0xa0: {  	_ =	swait.ge [sflag:s1], $0x1000  }
0xa1: {  	[sflag:s1] =	ssyncset.done $0x0  }
0xa2: {  	s19 =	sadd.s32 $0x29C0, s12;
	[sflag:s1] =	ssyncadd.s32 $0xFFFFF000  }
0xa3: {  	[spmem:s3] =	stream.indirect.scatter.add.f32 [tilespmem:s24], [sflag:$0x8], $0x40, s19, s20, $0xb8;
	[tilespmem:$0x1E000] =	vst v63  }
0xa4: {  	_ =	swait.ge [sflag:s26], $0x1000  }
0xa5: {  	[sflag:s26] =	ssyncset.done $0x0  }
0xa6: {  	s19 =	sadd.s32 $0x280, s12;
	[sflag:s26] =	ssyncadd.s32 $0xFFFFF000  }
0xa7: {  	[tilespmem:s21], [sflag:$0x1] =	stream.indirect.gather [spmem:s2], $0x40, s19, s20, $0xb8;
	[tilespmem:$0x1E000] =	vst v63  }
0xa8: {  	_ =	swait.ge [sflag:s31], $0x1000  }
0xa9: {  	[sflag:s31] =	ssyncset.done $0x0  }
0xaa: {  	s19 =	sadd.s32 $0x2A00, s12;
	[sflag:s31] =	ssyncadd.s32 $0xFFFFF000  }
0xab: {  	[spmem:s3] =	stream.indirect.scatter.add.f32 [tilespmem:s28], [sflag:$0x9], $0x40, s19, s20, $0xb8;
	[tilespmem:$0x1E000] =	vst v63  }
0xac: {  	_ =	swait.ge [sflag:s30], $0x1000  }
0xad: {  	[sflag:s30] =	ssyncset.done $0x0  }
0xae: {  	s19 =	sadd.s32 $0x2C0, s12;
	[sflag:s30] =	ssyncadd.s32 $0xFFFFF000  }
0xaf: {  	[tilespmem:s22], [sflag:$0x2] =	stream.indirect.gather [spmem:s2], $0x40, s19, s20, $0xb8;
	[tilespmem:$0x1E000] =	vst v63  }
0xb0: {  	_ =	swait.ge [sflag:s23], $0x1000  }
0xb1: {  	[sflag:s23] =	ssyncset.done $0x0  }
.Ltmp0:
0xb2: {  	s19 =	sadd.s32 $0x2A40, s12;
	[sflag:s23] =	ssyncadd.s32 $0xFFFFF000;
	(pc) =	sbr.rel @p0 .LBB2_2-.Ltmp0, $4  }
0xb3: {  	[spmem:s3] =	stream.indirect.scatter.add.f32 [tilespmem:s0], [sflag:$0xA], $0x40, s19, s20, $0xb8;
	[tilespmem:$0x1E000] =	vst v63  }
0xb4: {  	_ =	swait.ge [sflag:s6], $0x1000  }
0xb5: {  	[sflag:s6] =	ssyncset.done $0x0  }
0xb6: {  	s12 =	sadd.s32 $0x300, s12;
	[sflag:s6] =	ssyncadd.s32 $0xFFFFF000  }
0xb7: {  	[tilespmem:s24], [sflag:$0x3] =	stream.indirect.gather [spmem:s2], $0x40, s12, s20, $0xb8;
	[tilespmem:$0x1E000] =	vst v63  }
0xb8: {  	_ =	swait.ge [sflag:s25], $0x1000  }
0xb9: {  	[sflag:s25] =	ssyncset.done $0x0  }
0xba: {  	s11 =	simm.s32 $0x4EC0;
	[sflag:s25] =	ssyncadd.s32 $0xFFFFF000  }
0xbb: {  	[spmem:s3] =	stream.indirect.scatter.add.f32 [tilespmem:s21], [sflag:$0x6], $0x40, s11, s20, $0xb8;
	[tilespmem:$0x1E000] =	vst v63  }
0xbc: {  	_ =	swait.ge [sflag:s8], $0x1000  }
0xbd: {  	[sflag:s8] =	ssyncset.done $0x0  }
0xbe: {  	s12 =	simm.s32 $0x2780;
	[sflag:s8] =	ssyncadd.s32 $0xFFFFF000  }
0xbf: {  	[tilespmem:s28], [sflag:$0x4] =	stream.indirect.gather [spmem:s2], $0x40, s12, s20, $0xb8;
	[tilespmem:$0x1E000] =	vst v63  }
0xc0: {  	_ =	swait.ge [sflag:s29], $0x1000  }
0xc1: {  	[sflag:s29] =	ssyncset.done $0x0  }
0xc2: {  	s19 =	simm.s32 $0x4F00;
	[sflag:s29] =	ssyncadd.s32 $0xFFFFF000  }
0xc3: {  	[spmem:s3] =	stream.indirect.scatter.add.f32 [tilespmem:s22], [sflag:$0x7], $0x40, s19, s20, $0xb8;
	[tilespmem:$0x1E000] =	vst v63  }
0xc4: {  	_ =	swait.ge [sflag:s9], $0x1000  }
0xc5: {  	[sflag:s9] =	ssyncset.done $0x0  }
0xc6: {  	s12 =	simm.s32 $0x27C0;
	[sflag:s9] =	ssyncadd.s32 $0xFFFFF000  }
0xc7: {  	[tilespmem:s0], [sflag:$0x5] =	stream.indirect.gather [spmem:s2], $0x40, s12, s20, $0xb8;
	[tilespmem:$0x1E000] =	vst v63  }
0xc8: {  	_ =	swait.ge [sflag:s1], $0x1000  }
0xc9: {  	[sflag:s1] =	ssyncset.done $0x0  }
0xca: {  	s19 =	simm.s32 $0x4F40;
	[sflag:s1] =	ssyncadd.s32 $0xFFFFF000  }
0xcb: {  	[spmem:s3] =	stream.indirect.scatter.add.f32 [tilespmem:s24], [sflag:$0x8], $0x40, s19, s20, $0xb8;
	[tilespmem:$0x1E000] =	vst v63  }
0xcc: {  	_ =	swait.ge [sflag:s31], $0x1000  }
0xcd: {  	[sflag:s31] =	ssyncset.done $0x0  }
0xce: {  	s12 =	simm.s32 $0x4F80;
	[sflag:s31] =	ssyncadd.s32 $0xFFFFF000  }
0xcf: {  	[spmem:s3] =	stream.indirect.scatter.add.f32 [tilespmem:s28], [sflag:$0x9], $0x40, s12, s20, $0xb8;
	[tilespmem:$0x1E000] =	vst v63  }
0xd0: {  	_ =	swait.ge [sflag:s23], $0x1000  }
0xd1: {  	[sflag:s23] =	ssyncset.done $0x0  }
0xd2: {  	s19 =	simm.s32 $0x4FC0;
	[sflag:s23] =	ssyncadd.s32 $0xFFFFF000  }
0xd3: {  	[spmem:s3] =	stream.indirect.scatter.add.f32 [tilespmem:s0], [sflag:$0xA], $0x40, s19, s20, $0xb8;
	[tilespmem:$0x1E000] =	vst v63  }
0xd4: {  	_ =	swait.ge [sflag:s26], $0x1000  }
0xd5: {  	[sflag:s26] =	ssyncset.done $0x0  }
0xd6: {  	[sflag:s26] =	ssyncadd.s32 $0xFFFFF000  }
0xd7: {  	_ =	swait.ge [sflag:s30], $0x1000  }
0xd8: {  	[sflag:s30] =	ssyncset.done $0x0  }
0xd9: {  	[sflag:s30] =	ssyncadd.s32 $0xFFFFF000  }
0xda: {  	_ =	swait.ge [sflag:s6], $0x1000  }
0xdb: {  	[sflag:s6] =	ssyncset.done $0x0  }
0xdc: {  	[sflag:s6] =	ssyncadd.s32 $0xFFFFF000  }
0xdd: {  	_ =	swait.ge [sflag:s8], $0x1000  }
0xde: {  	[sflag:s8] =	ssyncset.done $0x0  }
0xdf: {  	[sflag:s8] =	ssyncadd.s32 $0xFFFFF000  }
0xe0: {  	_ =	swait.ge [sflag:s9], $0x1000  }
0xe1: {  	[sflag:s9] =	ssyncset.done $0x0  }
0xe2: {  	[sflag:s9] =	ssyncadd.s32 $0xFFFFF000  }
0xe3: {  	[bflag:$0x0] =	sbarrier.arrive $0xFFFF  }
0xe4: {  	s12 =	rddreg [dreg:$0x7]  }
0xe5: {  	[hbm:s12], [sflag:s7] =	dma.local [spmem:s14], $0x1400  }
0xe6: {  	_ =	swait.ge [sflag:s13], $0x1400  }
0xe7: {  	s10 =	sadd.s32 $0x1, s10;
	s19 =	rddreg [dreg:$0x8]  }
0xe8: {  	p0 =	sne.s32 s10, s19  }
.Ltmp1:
0xe9: {  	_ = 	snop;
	(pc) =	sbr.rel @p0 .LBB2_1-.Ltmp1, $3  }
0xea: {  	_ =	sdelay $0x1  }
0xeb: {  	[sflag:s13] =	ssyncset.done $0x0  }
0xec: {  	[sflag:s13] =	ssyncadd.s32 $0xFFFFEC00  }
0xed: {  	_ =	sfence.sel $0x180000  }
0xee: {  	[bflag:$0x0] =	sbarrier.arrive $0xFFFF  }
0xef: {  	_ =	strace $0x9000004A  }
0xf0: {  	s0 =	stileid.u32;
	[bflag:$0x2] =	sbarrier.arrive $0xFFFF  }
0xf1: {  	p0 =	sne.s32 s0, $0x0;
	s0 =	rddreg [dreg:$0x3]  }
0xf2: {  	s0 =	sadd.s32 @!p0 $0x100000, s0  }
0xf3: {  	[sflag:s0] =	ssyncadd.tile.s32 @!p0 $0x1;
	_ =	shalt  }
.Lfunc_end2:
_tile_overlayer_lowered:
.L_overlay_start_2:
0xf4: {  	(tag) =	ssettag $0x2  }
0xf5: {  	s0 =	rddreg [dreg:$0x0];
	s2 =	stileid.u32  }
0xf6: {  	s1 =	rddreg [dreg:$0x1];
	p0 =	sne.s32 s2, $0x0  }
0xf7: {  	s3 =	rddreg [dreg:$0x2];
	[bflag:$0x3] =	sbarrier.arrive $0xFFFF;
	s2 =	simm.s32 @!p0 $0x1C0B  }
0xf8: {  	[timem:s3], [sflag:s2] =	dma.local @!p0 [hbm:s0], s1  }
0xf9: {  	s0 =	simm.s32 @!p0 $0xB  }
0xfa: {  	_ =	swait.ge @!p0 [sflag:s0], s1  }
0xfb: {  	s1 =	ssub.s32 @!p0 $0x0, s1;
	[sflag:s0] =	ssyncset.done @!p0 $0x0  }
0xfc: {  	[sflag:s0] =	ssyncadd.s32 @!p0 s1  }
0xfd: {  	[bflag:$0x3] =	sbarrier.arrive $0xFFFF  }
0xfe: {  	_ =	shalt  }

// kernel: kernel.16.cloned.1.call-start
scs
__scs_entry_jumppad:
0x0: {  	(pc) =	sbr.rel $0x88, $3  }
0x1: {  	(tag) =	ssettag $0x0;
	lr =	simm.s32 $0x1  }
0x2: {  	[smem:$0x3F96] =	sst lr;
	_ =	strace $0xD0000000  }
0x3: {  	_ = 	snop  }
0x4: {  	_ = 	snop  }
0x5: {  	_ = 	snop  }
0x6: {  	_ = 	snop  }
0x7: {  	_ = 	snop  }
__scs_overlays_trampoline_lowered:
0x8: {  	[smem:$0x3FA5] =	sst s0  }
0x9: {  	[smem:$0x3FA6] =	sst s1  }
0xa: {  	[smem:$0x3FA7] =	sst s2  }
0xb: {  	[smem:$0x3FA8] =	sst s3  }
0xc: {  	[smem:$0x3FA9] =	sst s4  }
0xd: {  	[smem:$0x3FAA] =	sst s5  }
0xe: {  	[smem:$0x3FAB] =	sst s6  }
0xf: {  	[smem:$0x3FAC] =	sst s7  }
0x10: {  	[smem:$0x3FAD] =	sst s8  }
0x11: {  	[smem:$0x3FAE] =	sst s9;
	s0 =	simm.s32 @!p0 $0x0  }
0x12: {  	s1 =	sld [smem:$0x3F94];
	s0 =	simm.s32 @p0 $0x1  }
0x13: {  	[smem:$0x3FAF] =	sst s0;
	s0 =	simm.s32 @!p1 $0x0  }
0x14: {  	s2 =	sld [smem:$0x3F93];
	s0 =	simm.s32 @p1 $0x1  }
0x15: {  	[smem:$0x3FB0] =	sst s0;
	s0 =	simm.s32 @!p2 $0x0  }
0x16: {  	s3 =	sld [smem:$0x3FDB];
	s0 =	simm.s32 @p2 $0x1  }
0x17: {  	s4 =	simm.s32 $0x1BF5;
	[smem:$0x3FB2] =	sst s0  }
0x18: {  	s0 =	sld [smem:$0x3F95];
	_ =	swait.ge [sflag:s4], $0x0  }
0x19: {  	s7 =	sld [smem:$0x3F96]  }
0x1a: {  	s8 =	sadd.s32 $0xFFFFE003, lr  }
0x1b: {  	s9 =	sadd.s32 $0xFFFFFEF7, lr;
	s5 =	simm.s32 $0xFFFFFFFF;
	p2 =	slt.u32 s8, $0xFFFFF086  }
0x1c: {  	p1 =	slt.u32 s9, $0xF7A;
	s5 =	simm.s32 @!p2 $0x0  }
0x1d: {  	s5 =	simm.s32 @p1 $0x1;
	p0 =	seq.s32 s7, s2  }
0x1e: {  	s7 =	smul.u32 @!p0 $0xF7A, s2;
	p2 =	seq.s32 @!p0 s5, $0x0  }
0x1f: {  	s9 =	smul.u32 $0xF7A, s1;
	s8 =	simm.s32 @!p0 $0x1BF5;
	p2 =	por !p2, p0  }
0x20: {  	[sflag:s8] =	ssyncset.s32 @!p0 $0xFFFFF086;
	s6 =	sadd.s32 @!p0 s3, s7;
	s7 =	simm.s32 @!p0 $0x108  }
0x21: {  	s3 =	sadd.s32 s3, s9;
	s6 =	sadd.s32 @!p0 $0x88, s6;
	s7 =	simm.s32 @p2 $0x1082  }
0x22: {  	[simem:s7], [sflag:s8] =	dma.local @!p0 [hbm:s6], $0xF7A  }
0x23: {  	s9 =	sor.u32 $0xD0000000, s2;
	s6 =	simm.s32 $0x108;
	_ =	swait.ge @!p0 [sflag:s8], $0x0  }
0x24: {  	s3 =	sadd.s32 $0x88, s3;
	s6 =	simm.s32 @!p1 $0x1082;
	[sflag:s4] =	ssyncset.s32 $0xFFFFF086  }
0x25: {  	[simem:s6], [sflag:s4] =	dma.local [hbm:s3], $0xF7A  }
0x26: {  	[smem:$0x3F96] =	sst s1;
	(tag) =	ssettag s2;
	_ =	strace s9  }
0x27: {  	s1 =	sld [smem:$0x3FA6]  }
0x28: {  	s2 =	sld [smem:$0x3FA7]  }
0x29: {  	s4 =	sld [smem:$0x3FA9]  }
0x2a: {  	p0 =	seq.s32 s5, $0x0;
	s5 =	sld [smem:$0x3FAA]  }
0x2b: {  	s6 =	sld [smem:$0x3FAB]  }
0x2c: {  	s7 =	sld [smem:$0x3FAC]  }
0x2d: {  	s3 =	simm.s32 $0x108;
	s8 =	sld [smem:$0x3FAD]  }
0x2e: {  	s3 =	simm.s32 @!p0 $0x1082;
	s9 =	sld [smem:$0x3FAE]  }
0x2f: {  	lr =	sadd.s32 s0, s3;
	s0 =	sld [smem:$0x3FA5]  }
0x30: {  	s3 =	sld [smem:$0x3FA8]  }
0x31: {  	[smem:$0x3FB1] =	sst s10  }
0x32: {  	s10 =	sld [smem:$0x3FAF];
	_ =	sdelay $0x3  }
0x33: {  	p0 =	seq.s32 s10, $0x1;
	s10 =	sld [smem:$0x3FB1];
	_ =	sdelay $0x3  }
0x34: {  	[smem:$0x3FB1] =	sst s10  }
0x35: {  	s10 =	sld [smem:$0x3FB0];
	_ =	sdelay $0x3  }
0x36: {  	p1 =	seq.s32 s10, $0x1;
	s10 =	sld [smem:$0x3FB1];
	_ =	sdelay $0x3  }
0x37: {  	[smem:$0x3FB1] =	sst s10  }
0x38: {  	s10 =	sld [smem:$0x3FB2]  }
0x39: {  	_ = 	snop;
	(pc) =	sbr.ind lr, $3  }
0x3a: {  	_ = 	snop  }
0x3b: {  	_ = 	snop  }
0x3c: {  	p2 =	seq.s32 s10, $0x1;
	s10 =	sld [smem:$0x3FB1]  }
0x3d: {  	_ =	shalt  }
0x3e: {  	_ =	shalt  }
0x3f: {  	_ =	shalt  }
0x40: {  	_ =	shalt  }
0x41: {  	_ =	shalt  }
0x42: {  	_ =	shalt  }
0x43: {  	_ =	shalt  }
0x44: {  	_ =	shalt  }
0x45: {  	_ =	shalt  }
0x46: {  	_ =	shalt  }
0x47: {  	_ =	shalt  }
0x48: {  	_ =	shalt  }
0x49: {  	_ =	shalt  }
0x4a: {  	_ =	shalt  }
0x4b: {  	_ =	shalt  }
0x4c: {  	_ =	shalt  }
0x4d: {  	_ =	shalt  }
0x4e: {  	_ =	shalt  }
0x4f: {  	_ =	shalt  }
0x50: {  	_ =	shalt  }
0x51: {  	_ =	shalt  }
0x52: {  	_ =	shalt  }
0x53: {  	_ =	shalt  }
0x54: {  	_ =	shalt  }
0x55: {  	_ =	shalt  }
0x56: {  	_ =	shalt  }
0x57: {  	_ =	shalt  }
0x58: {  	_ =	shalt  }
0x59: {  	_ =	shalt  }
0x5a: {  	_ =	shalt  }
0x5b: {  	_ =	shalt  }
0x5c: {  	_ =	shalt  }
0x5d: {  	_ =	shalt  }
0x5e: {  	_ =	shalt  }
0x5f: {  	_ =	shalt  }
0x60: {  	_ =	shalt  }
0x61: {  	_ =	shalt  }
0x62: {  	_ =	shalt  }
0x63: {  	_ =	shalt  }
0x64: {  	_ =	shalt  }
0x65: {  	_ =	shalt  }
0x66: {  	_ =	shalt  }
0x67: {  	_ =	shalt  }
0x68: {  	_ =	shalt  }
0x69: {  	_ =	shalt  }
0x6a: {  	_ =	shalt  }
0x6b: {  	_ =	shalt  }
0x6c: {  	_ =	shalt  }
0x6d: {  	_ =	shalt  }
0x6e: {  	_ =	shalt  }
0x6f: {  	_ =	shalt  }
0x70: {  	_ =	shalt  }
0x71: {  	_ =	shalt  }
0x72: {  	_ =	shalt  }
0x73: {  	_ =	shalt  }
0x74: {  	_ =	shalt  }
0x75: {  	_ =	shalt  }
0x76: {  	_ =	shalt  }
0x77: {  	_ =	shalt  }
0x78: {  	_ =	shalt  }
0x79: {  	_ =	shalt  }
0x7a: {  	_ =	shalt  }
0x7b: {  	_ =	shalt  }
0x7c: {  	_ =	shalt  }
0x7d: {  	_ =	shalt  }
0x7e: {  	_ =	shalt  }
0x7f: {  	_ =	shalt  }
0x80: {  	_ =	shalt  }
0x81: {  	_ =	shalt  }
0x82: {  	_ =	shalt  }
0x83: {  	_ =	shalt  }
0x84: {  	_ =	shalt  }
0x85: {  	_ =	shalt  }
0x86: {  	_ =	shalt  }
0x87: {  	_ =	shalt  }
.Lfunc_end0:
.L_simem_size_0:
called_computation.2_lowered:
.L_overlay_start_0:
0x88: {  	s2 =	sld [smem:$0x3FD9]  }
0x89: {  	s3 =	sld [smem:$0x3FFE];
	_ =	sdelay $0x1  }
0x8a: {  	s1 =	srdreg.scid  }
0x8b: {  	s0 =	sand.u32 $0x1, s1  }
0x8c: {  	s16 =	sshll.u32 s0, $0xA;
	s2 =	sadd.s32 s3, s2  }
0x8d: {  	s2 =	sadd.s32 s2, s16  }
0x8e: {  	[smem:$0x3FBD] =	sst s2  }
0x8f: {  	_ = 	snop  }
0x90: {  	(tm) =	ssettm $0x1  }
0x91: {  	s17 =	sld [smem:$0x3FFB];
	_ =	sdelay $0x3  }
0x92: {  	_ =	strace s17  }
0x93: {  	s2 =	sld [smem:$0x3FFC];
	_ =	sdelay $0x3  }
0x94: {  	_ =	strace s2  }
0x95: {  	s2 =	sld [smem:$0x3FFD];
	_ =	sdelay $0x3  }
0x96: {  	_ =	strace s2  }
0x97: {  	_ =	strace $0x8FFFFFFF  }
0x98: {  	s18 =	sld [smem:$0x3FDB];
	_ =	sdelay $0x1  }
0x99: {  	s19 =	simm.s32 $_scs_section_size  }
0x9a: {  	s4 =	simm.s32 $_size__tile_overlayer_lowered;
	s5 =	simm.s32 $_tile_overlayer_lowered  }
0x9b: {  	s22 =	simm.s32 $0x1BFF;
	s21 =	sshll.u32 s5, $0x1;
	s2 =	sadd.s32 s19, s18  }
0x9c: {  	s6 =	simm.s32 $0x0;
	s20 =	sshll.u32 s4, $0x1;
	s4 =	sadd.s32 s21, s2  }
0x9d: {  	[timem:s6], [sflag:s22] =	dma.local [hbm:s4], s20  }
0x9e: {  	_ =	swait.ge [sflag:s22], s20  }
0x9f: {  	s3 =	ssub.s32 $0x0, s20;
	[sflag:s22] =	ssyncset.done $0x0  }
0xa0: {  	[sflag:s22] =	ssyncadd.s32 s3;
	_ =	sdelay $0x1  }
0xa1: {  	s23 =	simm.s32 $0x1B8B  }
0xa2: {  	_ =	swait.ge [sflag:s23], $0x1  }
0xa3: {  	[sflag:s23] =	ssyncset.done $0x0  }
0xa4: {  	s25 =	simm.s32 $0x1B8E;
	s24 =	sld [smem:$0x3FFE];
	[sflag:s23] =	ssyncadd.s32 $0xFFFFFFFF  }
0xa5: {  	s26 =	simm.s32 $execute0_lowered;
	[smem:$0x3FD2] =	sst s25  }
0xa6: {  	s4 =	sshll.u32 s26, $0x1;
	_ =	strace $0x8000004C;
	[dreg:$0x1] =	wrdreg $0xFFFFFFFF  }
0xa7: {  	s28 =	simm.s32 $_size_execute0_lowered;
	s2 =	sadd.s32 s2, s4;
	[dreg:$0x0] =	wrdreg $0x0  }
0xa8: {  	s4 =	sshll.u32 s28, $0x1;
	[dreg:$0x2] =	wrdreg s2  }
0xa9: {  	[dreg:$0x3] =	wrdreg s4  }
0xaa: {  	[dreg:$0x4] =	wrdreg $0xC0  }
0xab: {  	_ =	task [dreg:s6], $0x5FFFF  }
0xac: {  	[dreg:$0x1] =	wrdreg $0xFFFFFFFF  }
0xad: {  	[dreg:$0x0] =	wrdreg $0x60  }
0xae: {  	[dreg:$0x2] =	wrdreg s24  }
0xaf: {  	[dreg:$0x3] =	wrdreg $0x140000  }
0xb0: {  	[dreg:$0x4] =	wrdreg $0xA0000  }
0xb1: {  	[dreg:$0x5] =	wrdreg $0x9  }
0xb2: {  	_ =	task.clear_ibuf [dreg:s6], $0x6FFFF;
	_ =	strace $0x9000004C  }
0xb3: {  	s29 =	simm.s32 $0x9;
	_ =	strace $0x8000004E  }
0xb4: {  	_ =	swait.ge [sflag:s29], $0x1  }
0xb5: {  	[sflag:s29] =	ssyncadd.s32 $0xFFFFFFFF  }
0xb6: {  	_ =	strace $0x9000004E  }
0xb7: {  	_ =	sfence  }
0xb8: {  	s30 =	sld [smem:$0x0];
	_ =	sdelay $0x2  }
0xb9: {  	s31 =	sshll.u32 s1, $0xD;
	s1 =	sshrl.u32 s1, $0x2  }
0xba: {  	s3 =	sand.u32 $0x4000, s31;
	s1 =	sadd.s32 s1, s30  }
0xbb: {  	s0 =	sor.u32 s3, s0;
	s1 =	sshll.u32 s1, $0x11  }
0xbc: {  	s0 =	sor.u32 s1, s0  }
0xbd: {  	s0 =	sadd.s32 $0x8F2B, s0  }
0xbe: {  	[sflag:s0] =	ssyncadd.remote.s32 $0x1  }
0xbf: {  	_ =	sfence.sel $0xFFFF  }
0xc0: {  	[dreg:$0x0] =	wrdreg $0xFFFFFFFF;
	(pc) =	sbr.abs _section_cstart, $3  }
0xc1: {  	[dreg:$0x1] =	wrdreg $0xFFFFFFFF  }
0xc2: {  	_ =	task.clear_ibuf [dreg:s6], $0x2FFFF;
	_ =	strace $0x9FFFFFFF  }
0xc3: {  	(tm) =	ssettm $0x7FFFFFFF  }
tec
execute0_lowered:
.L_overlay_start_1:
0x0: {  	(tag) =	ssettag $0x1  }
0x1: {  	s0 =	rddreg [dreg:$0x0]  }
0x2: {  	s2 =	rddreg [dreg:$0x1]  }
0x3: {  	s3 =	rddreg [dreg:$0x2]  }
0x4: {  	s12 =	stileid.u32;
	s1 =	srdreg.scid;
	s4 =	simm.s32 $0x0  }
0x5: {  	s28 =	simm.s32 $0x8000;
	s29 =	simm.s32 $0x2;
	s5 =	smul.u32 $0x2800, s12  }
0x6: {  	s31 =	simm.s32 $0x4;
	s30 =	simm.s32 $0x7;
	s6 =	smul.u32 $0xA000, s12  }
0x7: {  	s1 =	sand.u32 $0x1, s1;
	[smem:$0x7FF] =	sst s4;
	s11 =	smul.u32 $0x28000, s12  }
0x8: {  	s22 =	sshll.u32 s12, $0x6;
	p0 =	seq.s32 s1, $0x0;
	s19 =	smul.u32 $0xA0000, s1  }
0x9: {  	_ =	strace $0x8000004D;
	s1 =	ssub.s32 $0x2, s1;
	s7 =	sadd.s32 $0x28000, s5  }
0xa: {  	s8 =	sshrl.u32 s6, $0x3;
	s10 =	sshrl.u32 s1, $0x1;
	s21 =	sadd.s32 s6, s2  }
0xb: {  	s11 =	sshrl.u32 s11, $0x2;
	s5 =	smov.u32 @p0 s7;
	s8 =	sadd.s32 s8, s0  }
0xc: {  	s20 =	sadd.s32 s6, s19;
	s1 =	ssub.s32 s1, s10;
	s23 =	sadd.s32 s11, s3  }
0xd: {  	s6 =	sadd.s32 s6, s3;
	s26 =	sshrl.u32 s21, $0x3;
	s21 =	simm.s32 $0x5000  }
0xe: {  	s10 =	simm.s32 $0x0;
	s5 =	sshrl.u32 s5, $0x3;
	s7 =	sshrl.u32 s20, $0x3  }
0xf: {  	s8 =	sadd.s32 $0x20200, s8;
	s11 =	sadd.s32 $0x2000, s23;
	s24 =	sadd.s32 $0x4000, s23  }
0x10: {  	s17 =	sadd.s32 $0x6000, s23;
	s25 =	smax.u32 s1, $0x1;
	[dreg:$0x9] =	wrdreg s26  }
0x11: {  	s14 =	sshrl.u32 s6, $0x3;
	s20 =	simm.s32 $0x40;
	s1 =	simm.s32 $0x3  }
0x12: {  	s26 =	simm.s32 $0x6;
	s6 =	simm.s32 $0x8;
	s9 =	sadd.s32 s5, s0  }
0x13: {  	s5 =	sadd.s32 $0xC200, s0;
	s0 =	sadd.s32 s7, s0;
	[dreg:$0x4] =	wrdreg s8  }
0x14: {  	s7 =	sor.u32 $0x1C0B, s22;
	s8 =	sadd.s32 $0x8000, s23;
	[dreg:$0x8] =	wrdreg s25  }
0x15: {  	s15 =	sshrl.u32 s11, $0x3;
	s16 =	sshrl.u32 s24, $0x3;
	s17 =	sshrl.u32 s17, $0x3  }
0x16: {  	s22 =	simm.s32 $0x6000;
	s24 =	simm.s32 $0x7000;
	s13 =	sadd.s32 $0x16200, s9  }
0x17: {  	s25 =	simm.s32 $0x1;
	s9 =	sadd.s32 $0x2200, s9;
	[dreg:$0x5] =	wrdreg s13  }
0x18: {  	s23 =	simm.s32 $0x5;
	s0 =	sadd.s32 $0x34200, s0;
	[dreg:$0x6] =	wrdreg s9  }
0x19: {  	s18 =	sshrl.u32 s8, $0x3;
	s8 =	simm.s32 $0x9;
	[dreg:$0x7] =	wrdreg s0  }
0x1a: {  	s13 =	simm.s32 $0xB;
	s0 =	simm.s32 $0x9000;
	s9 =	simm.s32 $0xA  }
.LBB2_1:
0x1b: {  	s11 =	rddreg [dreg:$0x4]  }
0x1c: {  	s12 =	rddreg [dreg:$0x9]  }
0x1d: {  	[spmem:s12], [sflag:s7] =	dma.local [hbm:s11], $0x1400  }
0x1e: {  	_ =	swait.ge [sflag:s13], $0x1400  }
0x1f: {  	[sflag:s13] =	ssyncset.done $0x0  }
0x20: {  	[sflag:s13] =	ssyncadd.s32 $0xFFFFEC00  }
0x21: {  	[spmem:s14], [sflag:s7] =	dma.local [hbm:s5], $0x400  }
0x22: {  	_ =	swait.ge [sflag:s13], $0x400  }
0x23: {  	[sflag:s13] =	ssyncset.done $0x0  }
0x24: {  	[sflag:s13] =	ssyncadd.s32 $0xFFFFFC00  }
0x25: {  	[spmem:s15], [sflag:s7] =	dma.local [hbm:s5], $0x400  }
0x26: {  	_ =	swait.ge [sflag:s13], $0x400  }
0x27: {  	[sflag:s13] =	ssyncset.done $0x0  }
0x28: {  	[sflag:s13] =	ssyncadd.s32 $0xFFFFFC00  }
0x29: {  	[spmem:s16], [sflag:s7] =	dma.local [hbm:s5], $0x400  }
0x2a: {  	_ =	swait.ge [sflag:s13], $0x400  }
0x2b: {  	[sflag:s13] =	ssyncset.done $0x0  }
0x2c: {  	[sflag:s13] =	ssyncadd.s32 $0xFFFFFC00  }
0x2d: {  	[spmem:s17], [sflag:s7] =	dma.local [hbm:s5], $0x400  }
0x2e: {  	_ =	swait.ge [sflag:s13], $0x400  }
0x2f: {  	[sflag:s13] =	ssyncset.done $0x0  }
0x30: {  	[sflag:s13] =	ssyncadd.s32 $0xFFFFFC00  }
0x31: {  	[spmem:s18], [sflag:s7] =	dma.local [hbm:s5], $0x400  }
0x32: {  	_ =	swait.ge [sflag:s13], $0x400  }
0x33: {  	[sflag:s13] =	ssyncset.done $0x0  }
0x34: {  	s12 =	rddreg [dreg:$0x5];
	[sflag:s13] =	ssyncadd.s32 $0xFFFFFC00  }
0x35: {  	[tilespmem:s4], [sflag:$0xB] =	stream.linear.gather [hbm4b:s12+s4], $0x2800, $0x38;
	[tilespmem:$0x1E000] =	vst v63  }
0x36: {  	_ =	swait.ge [sflag:s13], $0x2800  }
0x37: {  	[sflag:s13] =	ssyncset.done $0x0  }
0x38: {  	s12 =	simm.s32 $0x2800;
	s19 =	rddreg [dreg:$0x6];
	[sflag:s13] =	ssyncadd.s32 $0xFFFFD800  }
0x39: {  	[tilespmem:s12], [sflag:$0xB] =	stream.linear.gather [hbm4b:s19+s4], $0x2800, $0x38;
	[tilespmem:$0x1E000] =	vst v63  }
0x3a: {  	_ =	swait.ge [sflag:s13], $0x2800  }
0x3b: {  	[sflag:s13] =	ssyncset.done $0x0  }
0x3c: {  	[sflag:s13] =	ssyncadd.s32 $0xFFFFD800  }
0x3d: {  	[bflag:$0x0] =	sbarrier.arrive $0xFFFF  }
0x3e: {  	[tilespmem:s21], [sflag:$0x1] =	stream.indirect.gather [spmem:s2], $0x40, s4, s20, $0xb8;
	[tilespmem:$0x1E000] =	vst v63  }
0x3f: {  	_ = 	snop  }
0x40: {  	[tilespmem:s22], [sflag:$0x2] =	stream.indirect.gather [spmem:s2], $0x40, s20, s20, $0xb8;
	[tilespmem:$0x1E000] =	vst v63  }
0x41: {  	s19 =	simm.s32 $0x80  }
0x42: {  	[tilespmem:s24], [sflag:$0x3] =	stream.indirect.gather [spmem:s2], $0x40, s19, s20, $0xb8;
	[tilespmem:$0x1E000] =	vst v63  }
0x43: {  	_ =	swait.ge [sflag:s25], $0x1000  }
0x44: {  	[sflag:s25] =	ssyncset.done $0x0  }
0x45: {  	[sflag:s25] =	ssyncadd.s32 $0xFFFFF000  }
0x46: {  	[spmem:s3] =	stream.indirect.scatter.add.f32 [tilespmem:s21], [sflag:$0x6], $0x40, s12, s20, $0xb8;
	[tilespmem:$0x1E000] =	vst v63  }
0x47: {  	s12 =	simm.s32 $0xC0  }
0x48: {  	[tilespmem:s28], [sflag:$0x4] =	stream.indirect.gather [spmem:s2], $0x40, s12, s20, $0xb8;
	[tilespmem:$0x1E000] =	vst v63  }
0x49: {  	_ =	swait.ge [sflag:s29], $0x1000  }
0x4a: {  	[sflag:s29] =	ssyncset.done $0x0  }
0x4b: {  	s19 =	simm.s32 $0x2840;
	[sflag:s29] =	ssyncadd.s32 $0xFFFFF000  }
0x4c: {  	[spmem:s3] =	stream.indirect.scatter.add.f32 [tilespmem:s22], [sflag:$0x7], $0x40, s19, s20, $0xb8;
	[tilespmem:$0x1E000] =	vst v63  }
0x4d: {  	s12 =	simm.s32 $0x100  }
0x4e: {  	[tilespmem:s0], [sflag:$0x5] =	stream.indirect.gather [spmem:s2], $0x40, s12, s20, $0xb8;
	[tilespmem:$0x1E000] =	vst v63  }
0x4f: {  	_ =	swait.ge [sflag:s1], $0x1000  }
0x50: {  	[sflag:s1] =	ssyncset.done $0x0  }
0x51: {  	s19 =	simm.s32 $0x2880;
	[sflag:s1] =	ssyncadd.s32 $0xFFFFF000  }
0x52: {  	[spmem:s3] =	stream.indirect.scatter.add.f32 [tilespmem:s24], [sflag:$0x8], $0x40, s19, s20, $0xb8;
	[tilespmem:$0x1E000] =	vst v63  }
0x53: {  	_ =	swait.ge [sflag:s26], $0x1000  }
0x54: {  	[sflag:s26] =	ssyncset.done $0x0  }
0x55: {  	s12 =	simm.s32 $0x140;
	[sflag:s26] =	ssyncadd.s32 $0xFFFFF000  }
0x56: {  	[tilespmem:s21], [sflag:$0x1] =	stream.indirect.gather [spmem:s2], $0x40, s12, s20, $0xb8;
	[tilespmem:$0x1E000] =	vst v63  }
0x57: {  	_ =	swait.ge [sflag:s31], $0x1000  }
0x58: {  	[sflag:s31] =	ssyncset.done $0x0  }
0x59: {  	s19 =	simm.s32 $0x28C0;
	[sflag:s31] =	ssyncadd.s32 $0xFFFFF000  }
0x5a: {  	[spmem:s3] =	stream.indirect.scatter.add.f32 [tilespmem:s28], [sflag:$0x9], $0x40, s19, s20, $0xb8;
	[tilespmem:$0x1E000] =	vst v63  }
0x5b: {  	_ =	swait.ge [sflag:s30], $0x1000  }
0x5c: {  	[sflag:s30] =	ssyncset.done $0x0  }
0x5d: {  	s12 =	simm.s32 $0x180;
	[sflag:s30] =	ssyncadd.s32 $0xFFFFF000  }
0x5e: {  	[tilespmem:s22], [sflag:$0x2] =	stream.indirect.gather [spmem:s2], $0x40, s12, s20, $0xb8;
	[tilespmem:$0x1E000] =	vst v63  }
0x5f: {  	_ =	swait.ge [sflag:s23], $0x1000  }
0x60: {  	[sflag:s23] =	ssyncset.done $0x0  }
0x61: {  	s19 =	simm.s32 $0x2900;
	[sflag:s23] =	ssyncadd.s32 $0xFFFFF000  }
0x62: {  	[spmem:s3] =	stream.indirect.scatter.add.f32 [tilespmem:s0], [sflag:$0xA], $0x40, s19, s20, $0xb8;
	[tilespmem:$0x1E000] =	vst v63  }
0x63: {  	_ =	swait.ge [sflag:s6], $0x1000  }
0x64: {  	[sflag:s6] =	ssyncset.done $0x0  }
0x65: {  	s12 =	simm.s32 $0x1C0;
	[sflag:s6] =	ssyncadd.s32 $0xFFFFF000  }
0x66: {  	[tilespmem:s24], [sflag:$0x3] =	stream.indirect.gather [spmem:s2], $0x40, s12, s20, $0xb8;
	[tilespmem:$0x1E000] =	vst v63  }
0x67: {  	_ =	swait.ge [sflag:s25], $0x1000  }
0x68: {  	[sflag:s25] =	ssyncset.done $0x0  }
0x69: {  	s19 =	simm.s32 $0x2940;
	[sflag:s25] =	ssyncadd.s32 $0xFFFFF000  }
0x6a: {  	[spmem:s3] =	stream.indirect.scatter.add.f32 [tilespmem:s21], [sflag:$0x6], $0x40, s19, s20, $0xb8;
	[tilespmem:$0x1E000] =	vst v63  }
0x6b: {  	_ =	swait.ge [sflag:s8], $0x1000  }
0x6c: {  	[sflag:s8] =	ssyncset.done $0x0  }
0x6d: {  	s12 =	simm.s32 $0x200;
	[sflag:s8] =	ssyncadd.s32 $0xFFFFF000  }
0x6e: {  	[tilespmem:s28], [sflag:$0x4] =	stream.indirect.gather [spmem:s2], $0x40, s12, s20, $0xb8;
	[tilespmem:$0x1E000] =	vst v63  }
0x6f: {  	_ =	swait.ge [sflag:s29], $0x1000  }
0x70: {  	[sflag:s29] =	ssyncset.done $0x0  }
0x71: {  	s19 =	simm.s32 $0x2980;
	[sflag:s29] =	ssyncadd.s32 $0xFFFFF000  }
0x72: {  	[spmem:s3] =	stream.indirect.scatter.add.f32 [tilespmem:s22], [sflag:$0x7], $0x40, s19, s20, $0xb8;
	[tilespmem:$0x1E000] =	vst v63  }
0x73: {  	_ =	swait.ge [sflag:s9], $0x1000  }
0x74: {  	[sflag:s9] =	ssyncset.done $0x0  }
0x75: {  	s12 =	simm.s32 $0x240;
	[sflag:s9] =	ssyncadd.s32 $0xFFFFF000  }
0x76: {  	[tilespmem:s0], [sflag:$0x5] =	stream.indirect.gather [spmem:s2], $0x40, s12, s20, $0xb8;
	[tilespmem:$0x1E000] =	vst v63  }
0x77: {  	_ =	swait.ge [sflag:s1], $0x1000  }
0x78: {  	[sflag:s1] =	ssyncset.done $0x0  }
0x79: {  	s19 =	simm.s32 $0x29C0;
	[sflag:s1] =	ssyncadd.s32 $0xFFFFF000  }
0x7a: {  	[spmem:s3] =	stream.indirect.scatter.add.f32 [tilespmem:s24], [sflag:$0x8], $0x40, s19, s20, $0xb8;
	[tilespmem:$0x1E000] =	vst v63  }
0x7b: {  	_ =	swait.ge [sflag:s26], $0x1000  }
0x7c: {  	[sflag:s26] =	ssyncset.done $0x0  }
0x7d: {  	s12 =	simm.s32 $0x280;
	[sflag:s26] =	ssyncadd.s32 $0xFFFFF000  }
0x7e: {  	[tilespmem:s21], [sflag:$0x1] =	stream.indirect.gather [spmem:s2], $0x40, s12, s20, $0xb8;
	[tilespmem:$0x1E000] =	vst v63  }
0x7f: {  	_ =	swait.ge [sflag:s31], $0x1000  }
0x80: {  	[sflag:s31] =	ssyncset.done $0x0  }
0x81: {  	s19 =	simm.s32 $0x2A00;
	[sflag:s31] =	ssyncadd.s32 $0xFFFFF000  }
0x82: {  	[spmem:s3] =	stream.indirect.scatter.add.f32 [tilespmem:s28], [sflag:$0x9], $0x40, s19, s20, $0xb8;
	[tilespmem:$0x1E000] =	vst v63  }
0x83: {  	_ =	swait.ge [sflag:s30], $0x1000  }
0x84: {  	[sflag:s30] =	ssyncset.done $0x0  }
0x85: {  	s12 =	simm.s32 $0x2C0;
	[sflag:s30] =	ssyncadd.s32 $0xFFFFF000  }
0x86: {  	[tilespmem:s22], [sflag:$0x2] =	stream.indirect.gather [spmem:s2], $0x40, s12, s20, $0xb8;
	[tilespmem:$0x1E000] =	vst v63  }
0x87: {  	_ =	swait.ge [sflag:s23], $0x1000  }
0x88: {  	[sflag:s23] =	ssyncset.done $0x0  }
0x89: {  	s19 =	simm.s32 $0x2A40;
	[sflag:s23] =	ssyncadd.s32 $0xFFFFF000  }
0x8a: {  	[spmem:s3] =	stream.indirect.scatter.add.f32 [tilespmem:s0], [sflag:$0xA], $0x40, s19, s20, $0xb8;
	[tilespmem:$0x1E000] =	vst v63  }
0x8b: {  	_ =	swait.ge [sflag:s6], $0x1000  }
0x8c: {  	[sflag:s6] =	ssyncset.done $0x0  }
0x8d: {  	s11 =	simm.s32 $0x500;
	s12 =	simm.s32 $0x300;
	[sflag:s6] =	ssyncadd.s32 $0xFFFFF000  }
.LBB2_2:
0x8e: {  	[tilespmem:s24], [sflag:$0x3] =	stream.indirect.gather [spmem:s2], $0x40, s12, s20, $0xb8;
	[tilespmem:$0x1E000] =	vst v63  }
0x8f: {  	s12 =	smov.u32 s11  }
0x90: {  	p0 =	sne.s32 s11, $0x9100;
	s11 =	sadd.s32 $0x500, s11;
	_ =	swait.ge [sflag:s25], $0x1000  }
0x91: {  	s12 =	sshra.s32 s12, $0x2;
	[sflag:s25] =	ssyncset.done $0x0  }
0x92: {  	s19 =	sadd.s32 $0x2940, s12;
	[sflag:s25] =	ssyncadd.s32 $0xFFFFF000  }
0x93: {  	[spmem:s3] =	stream.indirect.scatter.add.f32 [tilespmem:s21], [sflag:$0x6], $0x40, s19, s20, $0xb8;
	[tilespmem:$0x1E000] =	vst v63  }
0x94: {  	_ =	swait.ge [sflag:s8], $0x1000  }
0x95: {  	[sflag:s8] =	ssyncset.done $0x0  }
0x96: {  	s19 =	sadd.s32 $0x200, s12;
	[sflag:s8] =	ssyncadd.s32 $0xFFFFF000  }
0x97: {  	[tilespmem:s28], [sflag:$0x4] =	stream.indirect.gather [spmem:s2], $0x40, s19, s20, $0xb8;
	[tilespmem:$0x1E000] =	vst v63  }
0x98: {  	_ =	swait.ge [sflag:s29], $0x1000  }
0x99: {  	[sflag:s29] =	ssyncset.done $0x0  }
0x9a: {  	s19 =	sadd.s32 $0x2980, s12;
	[sflag:s29] =	ssyncadd.s32 $0xFFFFF000  }
0x9b: {  	[spmem:s3] =	stream.indirect.scatter.add.f32 [tilespmem:s22], [sflag:$0x7], $0x40, s19, s20, $0xb8;
	[tilespmem:$0x1E000] =	vst v63  }
0x9c: {  	_ =	swait.ge [sflag:s9], $0x1000  }
0x9d: {  	[sflag:s9] =	ssyncset.done $0x0  }
0x9e: {  	s19 =	sadd.s32 $0x240, s12;
	[sflag:s9] =	ssyncadd.s32 $0xFFFFF000  }
0x9f: {  	[tilespmem:s0], [sflag:$0x5] =	stream.indirect.gather [spmem:s2], $0x40, s19, s20, $0xb8;
	[tilespmem:$0x1E000] =	vst v63  }
0xa0: {  	_ =	swait.ge [sflag:s1], $0x1000  }
0xa1: {  	[sflag:s1] =	ssyncset.done $0x0  }
0xa2: {  	s19 =	sadd.s32 $0x29C0, s12;
	[sflag:s1] =	ssyncadd.s32 $0xFFFFF000  }
0xa3: {  	[spmem:s3] =	stream.indirect.scatter.add.f32 [tilespmem:s24], [sflag:$0x8], $0x40, s19, s20, $0xb8;
	[tilespmem:$0x1E000] =	vst v63  }
0xa4: {  	_ =	swait.ge [sflag:s26], $0x1000  }
0xa5: {  	[sflag:s26] =	ssyncset.done $0x0  }
0xa6: {  	s19 =	sadd.s32 $0x280, s12;
	[sflag:s26] =	ssyncadd.s32 $0xFFFFF000  }
0xa7: {  	[tilespmem:s21], [sflag:$0x1] =	stream.indirect.gather [spmem:s2], $0x40, s19, s20, $0xb8;
	[tilespmem:$0x1E000] =	vst v63  }
0xa8: {  	_ =	swait.ge [sflag:s31], $0x1000  }
0xa9: {  	[sflag:s31] =	ssyncset.done $0x0  }
0xaa: {  	s19 =	sadd.s32 $0x2A00, s12;
	[sflag:s31] =	ssyncadd.s32 $0xFFFFF000  }
0xab: {  	[spmem:s3] =	stream.indirect.scatter.add.f32 [tilespmem:s28], [sflag:$0x9], $0x40, s19, s20, $0xb8;
	[tilespmem:$0x1E000] =	vst v63  }
0xac: {  	_ =	swait.ge [sflag:s30], $0x1000  }
0xad: {  	[sflag:s30] =	ssyncset.done $0x0  }
0xae: {  	s19 =	sadd.s32 $0x2C0, s12;
	[sflag:s30] =	ssyncadd.s32 $0xFFFFF000  }
0xaf: {  	[tilespmem:s22], [sflag:$0x2] =	stream.indirect.gather [spmem:s2], $0x40, s19, s20, $0xb8;
	[tilespmem:$0x1E000] =	vst v63  }
0xb0: {  	_ =	swait.ge [sflag:s23], $0x1000  }
0xb1: {  	[sflag:s23] =	ssyncset.done $0x0  }
.Ltmp0:
0xb2: {  	s19 =	sadd.s32 $0x2A40, s12;
	[sflag:s23] =	ssyncadd.s32 $0xFFFFF000;
	(pc) =	sbr.rel @p0 .LBB2_2-.Ltmp0, $4  }
0xb3: {  	[spmem:s3] =	stream.indirect.scatter.add.f32 [tilespmem:s0], [sflag:$0xA], $0x40, s19, s20, $0xb8;
	[tilespmem:$0x1E000] =	vst v63  }
0xb4: {  	_ =	swait.ge [sflag:s6], $0x1000  }
0xb5: {  	[sflag:s6] =	ssyncset.done $0x0  }
0xb6: {  	s12 =	sadd.s32 $0x300, s12;
	[sflag:s6] =	ssyncadd.s32 $0xFFFFF000  }
0xb7: {  	[tilespmem:s24], [sflag:$0x3] =	stream.indirect.gather [spmem:s2], $0x40, s12, s20, $0xb8;
	[tilespmem:$0x1E000] =	vst v63  }
0xb8: {  	_ =	swait.ge [sflag:s25], $0x1000  }
0xb9: {  	[sflag:s25] =	ssyncset.done $0x0  }
0xba: {  	s11 =	simm.s32 $0x4EC0;
	[sflag:s25] =	ssyncadd.s32 $0xFFFFF000  }
0xbb: {  	[spmem:s3] =	stream.indirect.scatter.add.f32 [tilespmem:s21], [sflag:$0x6], $0x40, s11, s20, $0xb8;
	[tilespmem:$0x1E000] =	vst v63  }
0xbc: {  	_ =	swait.ge [sflag:s8], $0x1000  }
0xbd: {  	[sflag:s8] =	ssyncset.done $0x0  }
0xbe: {  	s12 =	simm.s32 $0x2780;
	[sflag:s8] =	ssyncadd.s32 $0xFFFFF000  }
0xbf: {  	[tilespmem:s28], [sflag:$0x4] =	stream.indirect.gather [spmem:s2], $0x40, s12, s20, $0xb8;
	[tilespmem:$0x1E000] =	vst v63  }
0xc0: {  	_ =	swait.ge [sflag:s29], $0x1000  }
0xc1: {  	[sflag:s29] =	ssyncset.done $0x0  }
0xc2: {  	s19 =	simm.s32 $0x4F00;
	[sflag:s29] =	ssyncadd.s32 $0xFFFFF000  }
0xc3: {  	[spmem:s3] =	stream.indirect.scatter.add.f32 [tilespmem:s22], [sflag:$0x7], $0x40, s19, s20, $0xb8;
	[tilespmem:$0x1E000] =	vst v63  }
0xc4: {  	_ =	swait.ge [sflag:s9], $0x1000  }
0xc5: {  	[sflag:s9] =	ssyncset.done $0x0  }
0xc6: {  	s12 =	simm.s32 $0x27C0;
	[sflag:s9] =	ssyncadd.s32 $0xFFFFF000  }
0xc7: {  	[tilespmem:s0], [sflag:$0x5] =	stream.indirect.gather [spmem:s2], $0x40, s12, s20, $0xb8;
	[tilespmem:$0x1E000] =	vst v63  }
0xc8: {  	_ =	swait.ge [sflag:s1], $0x1000  }
0xc9: {  	[sflag:s1] =	ssyncset.done $0x0  }
0xca: {  	s19 =	simm.s32 $0x4F40;
	[sflag:s1] =	ssyncadd.s32 $0xFFFFF000  }
0xcb: {  	[spmem:s3] =	stream.indirect.scatter.add.f32 [tilespmem:s24], [sflag:$0x8], $0x40, s19, s20, $0xb8;
	[tilespmem:$0x1E000] =	vst v63  }
0xcc: {  	_ =	swait.ge [sflag:s31], $0x1000  }
0xcd: {  	[sflag:s31] =	ssyncset.done $0x0  }
0xce: {  	s12 =	simm.s32 $0x4F80;
	[sflag:s31] =	ssyncadd.s32 $0xFFFFF000  }
0xcf: {  	[spmem:s3] =	stream.indirect.scatter.add.f32 [tilespmem:s28], [sflag:$0x9], $0x40, s12, s20, $0xb8;
	[tilespmem:$0x1E000] =	vst v63  }
0xd0: {  	_ =	swait.ge [sflag:s23], $0x1000  }
0xd1: {  	[sflag:s23] =	ssyncset.done $0x0  }
0xd2: {  	s19 =	simm.s32 $0x4FC0;
	[sflag:s23] =	ssyncadd.s32 $0xFFFFF000  }
0xd3: {  	[spmem:s3] =	stream.indirect.scatter.add.f32 [tilespmem:s0], [sflag:$0xA], $0x40, s19, s20, $0xb8;
	[tilespmem:$0x1E000] =	vst v63  }
0xd4: {  	_ =	swait.ge [sflag:s26], $0x1000  }
0xd5: {  	[sflag:s26] =	ssyncset.done $0x0  }
0xd6: {  	[sflag:s26] =	ssyncadd.s32 $0xFFFFF000  }
0xd7: {  	_ =	swait.ge [sflag:s30], $0x1000  }
0xd8: {  	[sflag:s30] =	ssyncset.done $0x0  }
0xd9: {  	[sflag:s30] =	ssyncadd.s32 $0xFFFFF000  }
0xda: {  	_ =	swait.ge [sflag:s6], $0x1000  }
0xdb: {  	[sflag:s6] =	ssyncset.done $0x0  }
0xdc: {  	[sflag:s6] =	ssyncadd.s32 $0xFFFFF000  }
0xdd: {  	_ =	swait.ge [sflag:s8], $0x1000  }
0xde: {  	[sflag:s8] =	ssyncset.done $0x0  }
0xdf: {  	[sflag:s8] =	ssyncadd.s32 $0xFFFFF000  }
0xe0: {  	_ =	swait.ge [sflag:s9], $0x1000  }
0xe1: {  	[sflag:s9] =	ssyncset.done $0x0  }
0xe2: {  	[sflag:s9] =	ssyncadd.s32 $0xFFFFF000  }
0xe3: {  	[bflag:$0x0] =	sbarrier.arrive $0xFFFF  }
0xe4: {  	s12 =	rddreg [dreg:$0x7]  }
0xe5: {  	[hbm:s12], [sflag:s7] =	dma.local [spmem:s14], $0x1400  }
0xe6: {  	_ =	swait.ge [sflag:s13], $0x1400  }
0xe7: {  	s10 =	sadd.s32 $0x1, s10;
	s19 =	rddreg [dreg:$0x8]  }
0xe8: {  	p0 =	sne.s32 s10, s19  }
.Ltmp1:
0xe9: {  	_ = 	snop;
	(pc) =	sbr.rel @p0 .LBB2_1-.Ltmp1, $3  }
0xea: {  	_ =	sdelay $0x1  }
0xeb: {  	[sflag:s13] =	ssyncset.done $0x0  }
0xec: {  	[sflag:s13] =	ssyncadd.s32 $0xFFFFEC00  }
0xed: {  	_ =	sfence.sel $0x180000  }
0xee: {  	[bflag:$0x0] =	sbarrier.arrive $0xFFFF  }
0xef: {  	_ =	strace $0x9000004D  }
0xf0: {  	s0 =	stileid.u32;
	[bflag:$0x2] =	sbarrier.arrive $0xFFFF  }
0xf1: {  	p0 =	sne.s32 s0, $0x0;
	s0 =	rddreg [dreg:$0x3]  }
0xf2: {  	s0 =	sadd.s32 @!p0 $0x100000, s0  }
0xf3: {  	[sflag:s0] =	ssyncadd.tile.s32 @!p0 $0x1;
	_ =	shalt  }
.Lfunc_end2:
_tile_overlayer_lowered:
.L_overlay_start_2:
0xf4: {  	(tag) =	ssettag $0x2  }
0xf5: {  	s0 =	rddreg [dreg:$0x0];
	s2 =	stileid.u32  }
0xf6: {  	s1 =	rddreg [dreg:$0x1];
	p0 =	sne.s32 s2, $0x0  }
0xf7: {  	s3 =	rddreg [dreg:$0x2];
	[bflag:$0x3] =	sbarrier.arrive $0xFFFF;
	s2 =	simm.s32 @!p0 $0x1C0B  }
0xf8: {  	[timem:s3], [sflag:s2] =	dma.local @!p0 [hbm:s0], s1  }
0xf9: {  	s0 =	simm.s32 @!p0 $0xB  }
0xfa: {  	_ =	swait.ge @!p0 [sflag:s0], s1  }
0xfb: {  	s1 =	ssub.s32 @!p0 $0x0, s1;
	[sflag:s0] =	ssyncset.done @!p0 $0x0  }
0xfc: {  	[sflag:s0] =	ssyncadd.s32 @!p0 s1  }
0xfd: {  	[bflag:$0x3] =	sbarrier.arrive $0xFFFF  }
0xfe: {  	_ =	shalt  }

// kernel: kernel.19.cloned.1.call-start
scs
__scs_entry_jumppad:
0x0: {  	(pc) =	sbr.rel $0x88, $3  }
0x1: {  	(tag) =	ssettag $0x0;
	lr =	simm.s32 $0x1  }
0x2: {  	[smem:$0x3F96] =	sst lr;
	_ =	strace $0xD0000000  }
0x3: {  	_ = 	snop  }
0x4: {  	_ = 	snop  }
0x5: {  	_ = 	snop  }
0x6: {  	_ = 	snop  }
0x7: {  	_ = 	snop  }
__scs_overlays_trampoline_lowered:
0x8: {  	[smem:$0x3FA5] =	sst s0  }
0x9: {  	[smem:$0x3FA6] =	sst s1  }
0xa: {  	[smem:$0x3FA7] =	sst s2  }
0xb: {  	[smem:$0x3FA8] =	sst s3  }
0xc: {  	[smem:$0x3FA9] =	sst s4  }
0xd: {  	[smem:$0x3FAA] =	sst s5  }
0xe: {  	[smem:$0x3FAB] =	sst s6  }
0xf: {  	[smem:$0x3FAC] =	sst s7  }
0x10: {  	[smem:$0x3FAD] =	sst s8  }
0x11: {  	[smem:$0x3FAE] =	sst s9;
	s0 =	simm.s32 @!p0 $0x0  }
0x12: {  	s1 =	sld [smem:$0x3F94];
	s0 =	simm.s32 @p0 $0x1  }
0x13: {  	[smem:$0x3FAF] =	sst s0;
	s0 =	simm.s32 @!p1 $0x0  }
0x14: {  	s2 =	sld [smem:$0x3F93];
	s0 =	simm.s32 @p1 $0x1  }
0x15: {  	[smem:$0x3FB0] =	sst s0;
	s0 =	simm.s32 @!p2 $0x0  }
0x16: {  	s3 =	sld [smem:$0x3FDB];
	s0 =	simm.s32 @p2 $0x1  }
0x17: {  	s4 =	simm.s32 $0x1BF5;
	[smem:$0x3FB2] =	sst s0  }
0x18: {  	s0 =	sld [smem:$0x3F95];
	_ =	swait.ge [sflag:s4], $0x0  }
0x19: {  	s7 =	sld [smem:$0x3F96]  }
0x1a: {  	s8 =	sadd.s32 $0xFFFFE003, lr  }
0x1b: {  	s9 =	sadd.s32 $0xFFFFFEF7, lr;
	s5 =	simm.s32 $0xFFFFFFFF;
	p2 =	slt.u32 s8, $0xFFFFF086  }
0x1c: {  	p1 =	slt.u32 s9, $0xF7A;
	s5 =	simm.s32 @!p2 $0x0  }
0x1d: {  	s5 =	simm.s32 @p1 $0x1;
	p0 =	seq.s32 s7, s2  }
0x1e: {  	s7 =	smul.u32 @!p0 $0xF7A, s2;
	p2 =	seq.s32 @!p0 s5, $0x0  }
0x1f: {  	s9 =	smul.u32 $0xF7A, s1;
	s8 =	simm.s32 @!p0 $0x1BF5;
	p2 =	por !p2, p0  }
0x20: {  	[sflag:s8] =	ssyncset.s32 @!p0 $0xFFFFF086;
	s6 =	sadd.s32 @!p0 s3, s7;
	s7 =	simm.s32 @!p0 $0x108  }
0x21: {  	s3 =	sadd.s32 s3, s9;
	s6 =	sadd.s32 @!p0 $0x88, s6;
	s7 =	simm.s32 @p2 $0x1082  }
0x22: {  	[simem:s7], [sflag:s8] =	dma.local @!p0 [hbm:s6], $0xF7A  }
0x23: {  	s9 =	sor.u32 $0xD0000000, s2;
	s6 =	simm.s32 $0x108;
	_ =	swait.ge @!p0 [sflag:s8], $0x0  }
0x24: {  	s3 =	sadd.s32 $0x88, s3;
	s6 =	simm.s32 @!p1 $0x1082;
	[sflag:s4] =	ssyncset.s32 $0xFFFFF086  }
0x25: {  	[simem:s6], [sflag:s4] =	dma.local [hbm:s3], $0xF7A  }
0x26: {  	[smem:$0x3F96] =	sst s1;
	(tag) =	ssettag s2;
	_ =	strace s9  }
0x27: {  	s1 =	sld [smem:$0x3FA6]  }
0x28: {  	s2 =	sld [smem:$0x3FA7]  }
0x29: {  	s4 =	sld [smem:$0x3FA9]  }
0x2a: {  	p0 =	seq.s32 s5, $0x0;
	s5 =	sld [smem:$0x3FAA]  }
0x2b: {  	s6 =	sld [smem:$0x3FAB]  }
0x2c: {  	s7 =	sld [smem:$0x3FAC]  }
0x2d: {  	s3 =	simm.s32 $0x108;
	s8 =	sld [smem:$0x3FAD]  }
0x2e: {  	s3 =	simm.s32 @!p0 $0x1082;
	s9 =	sld [smem:$0x3FAE]  }
0x2f: {  	lr =	sadd.s32 s0, s3;
	s0 =	sld [smem:$0x3FA5]  }
0x30: {  	s3 =	sld [smem:$0x3FA8]  }
0x31: {  	[smem:$0x3FB1] =	sst s10  }
0x32: {  	s10 =	sld [smem:$0x3FAF];
	_ =	sdelay $0x3  }
0x33: {  	p0 =	seq.s32 s10, $0x1;
	s10 =	sld [smem:$0x3FB1];
	_ =	sdelay $0x3  }
0x34: {  	[smem:$0x3FB1] =	sst s10  }
0x35: {  	s10 =	sld [smem:$0x3FB0];
	_ =	sdelay $0x3  }
0x36: {  	p1 =	seq.s32 s10, $0x1;
	s10 =	sld [smem:$0x3FB1];
	_ =	sdelay $0x3  }
0x37: {  	[smem:$0x3FB1] =	sst s10  }
0x38: {  	s10 =	sld [smem:$0x3FB2]  }
0x39: {  	_ = 	snop;
	(pc) =	sbr.ind lr, $3  }
0x3a: {  	_ = 	snop  }
0x3b: {  	_ = 	snop  }
0x3c: {  	p2 =	seq.s32 s10, $0x1;
	s10 =	sld [smem:$0x3FB1]  }
0x3d: {  	_ =	shalt  }
0x3e: {  	_ =	shalt  }
0x3f: {  	_ =	shalt  }
0x40: {  	_ =	shalt  }
0x41: {  	_ =	shalt  }
0x42: {  	_ =	shalt  }
0x43: {  	_ =	shalt  }
0x44: {  	_ =	shalt  }
0x45: {  	_ =	shalt  }
0x46: {  	_ =	shalt  }
0x47: {  	_ =	shalt  }
0x48: {  	_ =	shalt  }
0x49: {  	_ =	shalt  }
0x4a: {  	_ =	shalt  }
0x4b: {  	_ =	shalt  }
0x4c: {  	_ =	shalt  }
0x4d: {  	_ =	shalt  }
0x4e: {  	_ =	shalt  }
0x4f: {  	_ =	shalt  }
0x50: {  	_ =	shalt  }
0x51: {  	_ =	shalt  }
0x52: {  	_ =	shalt  }
0x53: {  	_ =	shalt  }
0x54: {  	_ =	shalt  }
0x55: {  	_ =	shalt  }
0x56: {  	_ =	shalt  }
0x57: {  	_ =	shalt  }
0x58: {  	_ =	shalt  }
0x59: {  	_ =	shalt  }
0x5a: {  	_ =	shalt  }
0x5b: {  	_ =	shalt  }
0x5c: {  	_ =	shalt  }
0x5d: {  	_ =	shalt  }
0x5e: {  	_ =	shalt  }
0x5f: {  	_ =	shalt  }
0x60: {  	_ =	shalt  }
0x61: {  	_ =	shalt  }
0x62: {  	_ =	shalt  }
0x63: {  	_ =	shalt  }
0x64: {  	_ =	shalt  }
0x65: {  	_ =	shalt  }
0x66: {  	_ =	shalt  }
0x67: {  	_ =	shalt  }
0x68: {  	_ =	shalt  }
0x69: {  	_ =	shalt  }
0x6a: {  	_ =	shalt  }
0x6b: {  	_ =	shalt  }
0x6c: {  	_ =	shalt  }
0x6d: {  	_ =	shalt  }
0x6e: {  	_ =	shalt  }
0x6f: {  	_ =	shalt  }
0x70: {  	_ =	shalt  }
0x71: {  	_ =	shalt  }
0x72: {  	_ =	shalt  }
0x73: {  	_ =	shalt  }
0x74: {  	_ =	shalt  }
0x75: {  	_ =	shalt  }
0x76: {  	_ =	shalt  }
0x77: {  	_ =	shalt  }
0x78: {  	_ =	shalt  }
0x79: {  	_ =	shalt  }
0x7a: {  	_ =	shalt  }
0x7b: {  	_ =	shalt  }
0x7c: {  	_ =	shalt  }
0x7d: {  	_ =	shalt  }
0x7e: {  	_ =	shalt  }
0x7f: {  	_ =	shalt  }
0x80: {  	_ =	shalt  }
0x81: {  	_ =	shalt  }
0x82: {  	_ =	shalt  }
0x83: {  	_ =	shalt  }
0x84: {  	_ =	shalt  }
0x85: {  	_ =	shalt  }
0x86: {  	_ =	shalt  }
0x87: {  	_ =	shalt  }
.Lfunc_end0:
.L_simem_size_0:
called_computation.3_lowered:
.L_overlay_start_0:
0x88: {  	s2 =	sld [smem:$0x3FD9]  }
0x89: {  	s3 =	sld [smem:$0x3FFE];
	_ =	sdelay $0x1  }
0x8a: {  	s1 =	srdreg.scid  }
0x8b: {  	s0 =	sand.u32 $0x1, s1  }
0x8c: {  	s16 =	sshll.u32 s0, $0xA;
	s2 =	sadd.s32 s3, s2  }
0x8d: {  	s2 =	sadd.s32 s2, s16  }
0x8e: {  	[smem:$0x3FBD] =	sst s2  }
0x8f: {  	_ = 	snop  }
0x90: {  	(tm) =	ssettm $0x1  }
0x91: {  	s17 =	sld [smem:$0x3FFB];
	_ =	sdelay $0x3  }
0x92: {  	_ =	strace s17  }
0x93: {  	s2 =	sld [smem:$0x3FFC];
	_ =	sdelay $0x3  }
0x94: {  	_ =	strace s2  }
0x95: {  	s2 =	sld [smem:$0x3FFD];
	_ =	sdelay $0x3  }
0x96: {  	_ =	strace s2  }
0x97: {  	_ =	strace $0x8FFFFFFF  }
0x98: {  	s18 =	sld [smem:$0x3FDB];
	_ =	sdelay $0x1  }
0x99: {  	s19 =	simm.s32 $_scs_section_size  }
0x9a: {  	s4 =	simm.s32 $_size__tile_overlayer_lowered;
	s5 =	simm.s32 $_tile_overlayer_lowered  }
0x9b: {  	s22 =	simm.s32 $0x1BFF;
	s21 =	sshll.u32 s5, $0x1;
	s2 =	sadd.s32 s19, s18  }
0x9c: {  	s6 =	simm.s32 $0x0;
	s20 =	sshll.u32 s4, $0x1;
	s4 =	sadd.s32 s21, s2  }
0x9d: {  	[timem:s6], [sflag:s22] =	dma.local [hbm:s4], s20  }
0x9e: {  	_ =	swait.ge [sflag:s22], s20  }
0x9f: {  	s3 =	ssub.s32 $0x0, s20;
	[sflag:s22] =	ssyncset.done $0x0  }
0xa0: {  	[sflag:s22] =	ssyncadd.s32 s3;
	_ =	sdelay $0x1  }
0xa1: {  	s23 =	simm.s32 $0x1B8B  }
0xa2: {  	_ =	swait.ge [sflag:s23], $0x1  }
0xa3: {  	[sflag:s23] =	ssyncset.done $0x0  }
0xa4: {  	s25 =	simm.s32 $0x1B8E;
	s24 =	sld [smem:$0x3FFE];
	[sflag:s23] =	ssyncadd.s32 $0xFFFFFFFF  }
0xa5: {  	s26 =	simm.s32 $execute0_lowered;
	[smem:$0x3FD2] =	sst s25  }
0xa6: {  	s4 =	sshll.u32 s26, $0x1;
	_ =	strace $0x8000004F;
	[dreg:$0x1] =	wrdreg $0xFFFFFFFF  }
0xa7: {  	s28 =	simm.s32 $_size_execute0_lowered;
	s2 =	sadd.s32 s2, s4;
	[dreg:$0x0] =	wrdreg $0x0  }
0xa8: {  	s4 =	sshll.u32 s28, $0x1;
	[dreg:$0x2] =	wrdreg s2  }
0xa9: {  	[dreg:$0x3] =	wrdreg s4  }
0xaa: {  	[dreg:$0x4] =	wrdreg $0xC0  }
0xab: {  	_ =	task [dreg:s6], $0x5FFFF  }
0xac: {  	[dreg:$0x1] =	wrdreg $0xFFFFFFFF  }
0xad: {  	[dreg:$0x0] =	wrdreg $0x60  }
0xae: {  	[dreg:$0x2] =	wrdreg s24  }
0xaf: {  	[dreg:$0x3] =	wrdreg $0x140000  }
0xb0: {  	[dreg:$0x4] =	wrdreg $0xA0000  }
0xb1: {  	[dreg:$0x5] =	wrdreg $0x9  }
0xb2: {  	_ =	task.clear_ibuf [dreg:s6], $0x6FFFF;
	_ =	strace $0x9000004F  }
0xb3: {  	s29 =	simm.s32 $0x9;
	_ =	strace $0x80000051  }
0xb4: {  	_ =	swait.ge [sflag:s29], $0x1  }
0xb5: {  	[sflag:s29] =	ssyncadd.s32 $0xFFFFFFFF  }
0xb6: {  	_ =	strace $0x90000051  }
0xb7: {  	_ =	sfence  }
0xb8: {  	s30 =	sld [smem:$0x0];
	_ =	sdelay $0x2  }
0xb9: {  	s31 =	sshll.u32 s1, $0xD;
	s1 =	sshrl.u32 s1, $0x2  }
0xba: {  	s3 =	sand.u32 $0x4000, s31;
	s1 =	sadd.s32 s1, s30  }
0xbb: {  	s0 =	sor.u32 s3, s0;
	s1 =	sshll.u32 s1, $0x11  }
0xbc: {  	s0 =	sor.u32 s1, s0  }
0xbd: {  	s0 =	sadd.s32 $0x8F2B, s0  }
0xbe: {  	[sflag:s0] =	ssyncadd.remote.s32 $0x1  }
0xbf: {  	_ =	sfence.sel $0xFFFF  }
0xc0: {  	[dreg:$0x0] =	wrdreg $0xFFFFFFFF;
	(pc) =	sbr.abs _section_cstart, $3  }
0xc1: {  	[dreg:$0x1] =	wrdreg $0xFFFFFFFF  }
0xc2: {  	_ =	task.clear_ibuf [dreg:s6], $0x2FFFF;
	_ =	strace $0x9FFFFFFF  }
0xc3: {  	(tm) =	ssettm $0x7FFFFFFF  }
tec
execute0_lowered:
.L_overlay_start_1:
0x0: {  	(tag) =	ssettag $0x1  }
0x1: {  	s0 =	rddreg [dreg:$0x0]  }
0x2: {  	s2 =	rddreg [dreg:$0x1]  }
0x3: {  	s3 =	rddreg [dreg:$0x2]  }
0x4: {  	s12 =	stileid.u32;
	s1 =	srdreg.scid;
	s4 =	simm.s32 $0x0  }
0x5: {  	s28 =	simm.s32 $0x8000;
	s29 =	simm.s32 $0x2;
	s5 =	smul.u32 $0x2800, s12  }
0x6: {  	s31 =	simm.s32 $0x4;
	s30 =	simm.s32 $0x7;
	s6 =	smul.u32 $0xA000, s12  }
0x7: {  	s1 =	sand.u32 $0x1, s1;
	[smem:$0x7FF] =	sst s4;
	s11 =	smul.u32 $0x28000, s12  }
0x8: {  	s22 =	sshll.u32 s12, $0x6;
	p0 =	seq.s32 s1, $0x0;
	s19 =	smul.u32 $0xA0000, s1  }
0x9: {  	_ =	strace $0x80000050;
	s1 =	ssub.s32 $0x2, s1;
	s7 =	sadd.s32 $0x28000, s5  }
0xa: {  	s8 =	sshrl.u32 s6, $0x3;
	s10 =	sshrl.u32 s1, $0x1;
	s21 =	sadd.s32 s6, s2  }
0xb: {  	s11 =	sshrl.u32 s11, $0x2;
	s5 =	smov.u32 @p0 s7;
	s8 =	sadd.s32 s8, s0  }
0xc: {  	s20 =	sadd.s32 s6, s19;
	s1 =	ssub.s32 s1, s10;
	s23 =	sadd.s32 s11, s3  }
0xd: {  	s6 =	sadd.s32 s6, s3;
	s26 =	sshrl.u32 s21, $0x3;
	s21 =	simm.s32 $0x5000  }
0xe: {  	s10 =	simm.s32 $0x0;
	s5 =	sshrl.u32 s5, $0x3;
	s7 =	sshrl.u32 s20, $0x3  }
0xf: {  	s8 =	sadd.s32 $0x20200, s8;
	s11 =	sadd.s32 $0x2000, s23;
	s24 =	sadd.s32 $0x4000, s23  }
0x10: {  	s17 =	sadd.s32 $0x6000, s23;
	s25 =	smax.u32 s1, $0x1;
	[dreg:$0x9] =	wrdreg s26  }
0x11: {  	s14 =	sshrl.u32 s6, $0x3;
	s20 =	simm.s32 $0x40;
	s1 =	simm.s32 $0x3  }
0x12: {  	s26 =	simm.s32 $0x6;
	s6 =	simm.s32 $0x8;
	s9 =	sadd.s32 s5, s0  }
0x13: {  	s5 =	sadd.s32 $0xC200, s0;
	s0 =	sadd.s32 s7, s0;
	[dreg:$0x4] =	wrdreg s8  }
0x14: {  	s7 =	sor.u32 $0x1C0B, s22;
	s8 =	sadd.s32 $0x8000, s23;
	[dreg:$0x8] =	wrdreg s25  }
0x15: {  	s15 =	sshrl.u32 s11, $0x3;
	s16 =	sshrl.u32 s24, $0x3;
	s17 =	sshrl.u32 s17, $0x3  }
0x16: {  	s22 =	simm.s32 $0x6000;
	s24 =	simm.s32 $0x7000;
	s13 =	sadd.s32 $0x16200, s9  }
0x17: {  	s25 =	simm.s32 $0x1;
	s9 =	sadd.s32 $0x2200, s9;
	[dreg:$0x5] =	wrdreg s13  }
0x18: {  	s23 =	simm.s32 $0x5;
	s0 =	sadd.s32 $0x34200, s0;
	[dreg:$0x6] =	wrdreg s9  }
0x19: {  	s18 =	sshrl.u32 s8, $0x3;
	s8 =	simm.s32 $0x9;
	[dreg:$0x7] =	wrdreg s0  }
0x1a: {  	s13 =	simm.s32 $0xB;
	s0 =	simm.s32 $0x9000;
	s9 =	simm.s32 $0xA  }
.LBB2_1:
0x1b: {  	s11 =	rddreg [dreg:$0x4]  }
0x1c: {  	s12 =	rddreg [dreg:$0x9]  }
0x1d: {  	[spmem:s12], [sflag:s7] =	dma.local [hbm:s11], $0x1400  }
0x1e: {  	_ =	swait.ge [sflag:s13], $0x1400  }
0x1f: {  	[sflag:s13] =	ssyncset.done $0x0  }
0x20: {  	[sflag:s13] =	ssyncadd.s32 $0xFFFFEC00  }
0x21: {  	[spmem:s14], [sflag:s7] =	dma.local [hbm:s5], $0x400  }
0x22: {  	_ =	swait.ge [sflag:s13], $0x400  }
0x23: {  	[sflag:s13] =	ssyncset.done $0x0  }
0x24: {  	[sflag:s13] =	ssyncadd.s32 $0xFFFFFC00  }
0x25: {  	[spmem:s15], [sflag:s7] =	dma.local [hbm:s5], $0x400  }
0x26: {  	_ =	swait.ge [sflag:s13], $0x400  }
0x27: {  	[sflag:s13] =	ssyncset.done $0x0  }
0x28: {  	[sflag:s13] =	ssyncadd.s32 $0xFFFFFC00  }
0x29: {  	[spmem:s16], [sflag:s7] =	dma.local [hbm:s5], $0x400  }
0x2a: {  	_ =	swait.ge [sflag:s13], $0x400  }
0x2b: {  	[sflag:s13] =	ssyncset.done $0x0  }
0x2c: {  	[sflag:s13] =	ssyncadd.s32 $0xFFFFFC00  }
0x2d: {  	[spmem:s17], [sflag:s7] =	dma.local [hbm:s5], $0x400  }
0x2e: {  	_ =	swait.ge [sflag:s13], $0x400  }
0x2f: {  	[sflag:s13] =	ssyncset.done $0x0  }
0x30: {  	[sflag:s13] =	ssyncadd.s32 $0xFFFFFC00  }
0x31: {  	[spmem:s18], [sflag:s7] =	dma.local [hbm:s5], $0x400  }
0x32: {  	_ =	swait.ge [sflag:s13], $0x400  }
0x33: {  	[sflag:s13] =	ssyncset.done $0x0  }
0x34: {  	s12 =	rddreg [dreg:$0x5];
	[sflag:s13] =	ssyncadd.s32 $0xFFFFFC00  }
0x35: {  	[tilespmem:s4], [sflag:$0xB] =	stream.linear.gather [hbm4b:s12+s4], $0x2800, $0x38;
	[tilespmem:$0x1E000] =	vst v63  }
0x36: {  	_ =	swait.ge [sflag:s13], $0x2800  }
0x37: {  	[sflag:s13] =	ssyncset.done $0x0  }
0x38: {  	s12 =	simm.s32 $0x2800;
	s19 =	rddreg [dreg:$0x6];
	[sflag:s13] =	ssyncadd.s32 $0xFFFFD800  }
0x39: {  	[tilespmem:s12], [sflag:$0xB] =	stream.linear.gather [hbm4b:s19+s4], $0x2800, $0x38;
	[tilespmem:$0x1E000] =	vst v63  }
0x3a: {  	_ =	swait.ge [sflag:s13], $0x2800  }
0x3b: {  	[sflag:s13] =	ssyncset.done $0x0  }
0x3c: {  	[sflag:s13] =	ssyncadd.s32 $0xFFFFD800  }
0x3d: {  	[bflag:$0x0] =	sbarrier.arrive $0xFFFF  }
0x3e: {  	[tilespmem:s21], [sflag:$0x1] =	stream.indirect.gather [spmem:s2], $0x40, s4, s20, $0xb8;
	[tilespmem:$0x1E000] =	vst v63  }
0x3f: {  	_ = 	snop  }
0x40: {  	[tilespmem:s22], [sflag:$0x2] =	stream.indirect.gather [spmem:s2], $0x40, s20, s20, $0xb8;
	[tilespmem:$0x1E000] =	vst v63  }
0x41: {  	s19 =	simm.s32 $0x80  }
0x42: {  	[tilespmem:s24], [sflag:$0x3] =	stream.indirect.gather [spmem:s2], $0x40, s19, s20, $0xb8;
	[tilespmem:$0x1E000] =	vst v63  }
0x43: {  	_ =	swait.ge [sflag:s25], $0x1000  }
0x44: {  	[sflag:s25] =	ssyncset.done $0x0  }
0x45: {  	[sflag:s25] =	ssyncadd.s32 $0xFFFFF000  }
0x46: {  	[spmem:s3] =	stream.indirect.scatter.add.f32 [tilespmem:s21], [sflag:$0x6], $0x40, s12, s20, $0xb8;
	[tilespmem:$0x1E000] =	vst v63  }
0x47: {  	s12 =	simm.s32 $0xC0  }
0x48: {  	[tilespmem:s28], [sflag:$0x4] =	stream.indirect.gather [spmem:s2], $0x40, s12, s20, $0xb8;
	[tilespmem:$0x1E000] =	vst v63  }
0x49: {  	_ =	swait.ge [sflag:s29], $0x1000  }
0x4a: {  	[sflag:s29] =	ssyncset.done $0x0  }
0x4b: {  	s19 =	simm.s32 $0x2840;
	[sflag:s29] =	ssyncadd.s32 $0xFFFFF000  }
0x4c: {  	[spmem:s3] =	stream.indirect.scatter.add.f32 [tilespmem:s22], [sflag:$0x7], $0x40, s19, s20, $0xb8;
	[tilespmem:$0x1E000] =	vst v63  }
0x4d: {  	s12 =	simm.s32 $0x100  }
0x4e: {  	[tilespmem:s0], [sflag:$0x5] =	stream.indirect.gather [spmem:s2], $0x40, s12, s20, $0xb8;
	[tilespmem:$0x1E000] =	vst v63  }
0x4f: {  	_ =	swait.ge [sflag:s1], $0x1000  }
0x50: {  	[sflag:s1] =	ssyncset.done $0x0  }
0x51: {  	s19 =	simm.s32 $0x2880;
	[sflag:s1] =	ssyncadd.s32 $0xFFFFF000  }
0x52: {  	[spmem:s3] =	stream.indirect.scatter.add.f32 [tilespmem:s24], [sflag:$0x8], $0x40, s19, s20, $0xb8;
	[tilespmem:$0x1E000] =	vst v63  }
0x53: {  	_ =	swait.ge [sflag:s26], $0x1000  }
0x54: {  	[sflag:s26] =	ssyncset.done $0x0  }
0x55: {  	s12 =	simm.s32 $0x140;
	[sflag:s26] =	ssyncadd.s32 $0xFFFFF000  }
0x56: {  	[tilespmem:s21], [sflag:$0x1] =	stream.indirect.gather [spmem:s2], $0x40, s12, s20, $0xb8;
	[tilespmem:$0x1E000] =	vst v63  }
0x57: {  	_ =	swait.ge [sflag:s31], $0x1000  }
0x58: {  	[sflag:s31] =	ssyncset.done $0x0  }
0x59: {  	s19 =	simm.s32 $0x28C0;
	[sflag:s31] =	ssyncadd.s32 $0xFFFFF000  }
0x5a: {  	[spmem:s3] =	stream.indirect.scatter.add.f32 [tilespmem:s28], [sflag:$0x9], $0x40, s19, s20, $0xb8;
	[tilespmem:$0x1E000] =	vst v63  }
0x5b: {  	_ =	swait.ge [sflag:s30], $0x1000  }
0x5c: {  	[sflag:s30] =	ssyncset.done $0x0  }
0x5d: {  	s12 =	simm.s32 $0x180;
	[sflag:s30] =	ssyncadd.s32 $0xFFFFF000  }
0x5e: {  	[tilespmem:s22], [sflag:$0x2] =	stream.indirect.gather [spmem:s2], $0x40, s12, s20, $0xb8;
	[tilespmem:$0x1E000] =	vst v63  }
0x5f: {  	_ =	swait.ge [sflag:s23], $0x1000  }
0x60: {  	[sflag:s23] =	ssyncset.done $0x0  }
0x61: {  	s19 =	simm.s32 $0x2900;
	[sflag:s23] =	ssyncadd.s32 $0xFFFFF000  }
0x62: {  	[spmem:s3] =	stream.indirect.scatter.add.f32 [tilespmem:s0], [sflag:$0xA], $0x40, s19, s20, $0xb8;
	[tilespmem:$0x1E000] =	vst v63  }
0x63: {  	_ =	swait.ge [sflag:s6], $0x1000  }
0x64: {  	[sflag:s6] =	ssyncset.done $0x0  }
0x65: {  	s12 =	simm.s32 $0x1C0;
	[sflag:s6] =	ssyncadd.s32 $0xFFFFF000  }
0x66: {  	[tilespmem:s24], [sflag:$0x3] =	stream.indirect.gather [spmem:s2], $0x40, s12, s20, $0xb8;
	[tilespmem:$0x1E000] =	vst v63  }
0x67: {  	_ =	swait.ge [sflag:s25], $0x1000  }
0x68: {  	[sflag:s25] =	ssyncset.done $0x0  }
0x69: {  	s19 =	simm.s32 $0x2940;
	[sflag:s25] =	ssyncadd.s32 $0xFFFFF000  }
0x6a: {  	[spmem:s3] =	stream.indirect.scatter.add.f32 [tilespmem:s21], [sflag:$0x6], $0x40, s19, s20, $0xb8;
	[tilespmem:$0x1E000] =	vst v63  }
0x6b: {  	_ =	swait.ge [sflag:s8], $0x1000  }
0x6c: {  	[sflag:s8] =	ssyncset.done $0x0  }
0x6d: {  	s12 =	simm.s32 $0x200;
	[sflag:s8] =	ssyncadd.s32 $0xFFFFF000  }
0x6e: {  	[tilespmem:s28], [sflag:$0x4] =	stream.indirect.gather [spmem:s2], $0x40, s12, s20, $0xb8;
	[tilespmem:$0x1E000] =	vst v63  }
0x6f: {  	_ =	swait.ge [sflag:s29], $0x1000  }
0x70: {  	[sflag:s29] =	ssyncset.done $0x0  }
0x71: {  	s19 =	simm.s32 $0x2980;
	[sflag:s29] =	ssyncadd.s32 $0xFFFFF000  }
0x72: {  	[spmem:s3] =	stream.indirect.scatter.add.f32 [tilespmem:s22], [sflag:$0x7], $0x40, s19, s20, $0xb8;
	[tilespmem:$0x1E000] =	vst v63  }
0x73: {  	_ =	swait.ge [sflag:s9], $0x1000  }
0x74: {  	[sflag:s9] =	ssyncset.done $0x0  }
0x75: {  	s12 =	simm.s32 $0x240;
	[sflag:s9] =	ssyncadd.s32 $0xFFFFF000  }
0x76: {  	[tilespmem:s0], [sflag:$0x5] =	stream.indirect.gather [spmem:s2], $0x40, s12, s20, $0xb8;
	[tilespmem:$0x1E000] =	vst v63  }
0x77: {  	_ =	swait.ge [sflag:s1], $0x1000  }
0x78: {  	[sflag:s1] =	ssyncset.done $0x0  }
0x79: {  	s19 =	simm.s32 $0x29C0;
	[sflag:s1] =	ssyncadd.s32 $0xFFFFF000  }
0x7a: {  	[spmem:s3] =	stream.indirect.scatter.add.f32 [tilespmem:s24], [sflag:$0x8], $0x40, s19, s20, $0xb8;
	[tilespmem:$0x1E000] =	vst v63  }
0x7b: {  	_ =	swait.ge [sflag:s26], $0x1000  }
0x7c: {  	[sflag:s26] =	ssyncset.done $0x0  }
0x7d: {  	s12 =	simm.s32 $0x280;
	[sflag:s26] =	ssyncadd.s32 $0xFFFFF000  }
0x7e: {  	[tilespmem:s21], [sflag:$0x1] =	stream.indirect.gather [spmem:s2], $0x40, s12, s20, $0xb8;
	[tilespmem:$0x1E000] =	vst v63  }
0x7f: {  	_ =	swait.ge [sflag:s31], $0x1000  }
0x80: {  	[sflag:s31] =	ssyncset.done $0x0  }
0x81: {  	s19 =	simm.s32 $0x2A00;
	[sflag:s31] =	ssyncadd.s32 $0xFFFFF000  }
0x82: {  	[spmem:s3] =	stream.indirect.scatter.add.f32 [tilespmem:s28], [sflag:$0x9], $0x40, s19, s20, $0xb8;
	[tilespmem:$0x1E000] =	vst v63  }
0x83: {  	_ =	swait.ge [sflag:s30], $0x1000  }
0x84: {  	[sflag:s30] =	ssyncset.done $0x0  }
0x85: {  	s12 =	simm.s32 $0x2C0;
	[sflag:s30] =	ssyncadd.s32 $0xFFFFF000  }
0x86: {  	[tilespmem:s22], [sflag:$0x2] =	stream.indirect.gather [spmem:s2], $0x40, s12, s20, $0xb8;
	[tilespmem:$0x1E000] =	vst v63  }
0x87: {  	_ =	swait.ge [sflag:s23], $0x1000  }
0x88: {  	[sflag:s23] =	ssyncset.done $0x0  }
0x89: {  	s19 =	simm.s32 $0x2A40;
	[sflag:s23] =	ssyncadd.s32 $0xFFFFF000  }
0x8a: {  	[spmem:s3] =	stream.indirect.scatter.add.f32 [tilespmem:s0], [sflag:$0xA], $0x40, s19, s20, $0xb8;
	[tilespmem:$0x1E000] =	vst v63  }
0x8b: {  	_ =	swait.ge [sflag:s6], $0x1000  }
0x8c: {  	[sflag:s6] =	ssyncset.done $0x0  }
0x8d: {  	s11 =	simm.s32 $0x500;
	s12 =	simm.s32 $0x300;
	[sflag:s6] =	ssyncadd.s32 $0xFFFFF000  }
.LBB2_2:
0x8e: {  	[tilespmem:s24], [sflag:$0x3] =	stream.indirect.gather [spmem:s2], $0x40, s12, s20, $0xb8;
	[tilespmem:$0x1E000] =	vst v63  }
0x8f: {  	s12 =	smov.u32 s11  }
0x90: {  	p0 =	sne.s32 s11, $0x9100;
	s11 =	sadd.s32 $0x500, s11;
	_ =	swait.ge [sflag:s25], $0x1000  }
0x91: {  	s12 =	sshra.s32 s12, $0x2;
	[sflag:s25] =	ssyncset.done $0x0  }
0x92: {  	s19 =	sadd.s32 $0x2940, s12;
	[sflag:s25] =	ssyncadd.s32 $0xFFFFF000  }
0x93: {  	[spmem:s3] =	stream.indirect.scatter.add.f32 [tilespmem:s21], [sflag:$0x6], $0x40, s19, s20, $0xb8;
	[tilespmem:$0x1E000] =	vst v63  }
0x94: {  	_ =	swait.ge [sflag:s8], $0x1000  }
0x95: {  	[sflag:s8] =	ssyncset.done $0x0  }
0x96: {  	s19 =	sadd.s32 $0x200, s12;
	[sflag:s8] =	ssyncadd.s32 $0xFFFFF000  }
0x97: {  	[tilespmem:s28], [sflag:$0x4] =	stream.indirect.gather [spmem:s2], $0x40, s19, s20, $0xb8;
	[tilespmem:$0x1E000] =	vst v63  }
0x98: {  	_ =	swait.ge [sflag:s29], $0x1000  }
0x99: {  	[sflag:s29] =	ssyncset.done $0x0  }
0x9a: {  	s19 =	sadd.s32 $0x2980, s12;
	[sflag:s29] =	ssyncadd.s32 $0xFFFFF000  }
0x9b: {  	[spmem:s3] =	stream.indirect.scatter.add.f32 [tilespmem:s22], [sflag:$0x7], $0x40, s19, s20, $0xb8;
	[tilespmem:$0x1E000] =	vst v63  }
0x9c: {  	_ =	swait.ge [sflag:s9], $0x1000  }
0x9d: {  	[sflag:s9] =	ssyncset.done $0x0  }
0x9e: {  	s19 =	sadd.s32 $0x240, s12;
	[sflag:s9] =	ssyncadd.s32 $0xFFFFF000  }
0x9f: {  	[tilespmem:s0], [sflag:$0x5] =	stream.indirect.gather [spmem:s2], $0x40, s19, s20, $0xb8;
	[tilespmem:$0x1E000] =	vst v63  }
0xa0: {  	_ =	swait.ge [sflag:s1], $0x1000  }
0xa1: {  	[sflag:s1] =	ssyncset.done $0x0  }
0xa2: {  	s19 =	sadd.s32 $0x29C0, s12;
	[sflag:s1] =	ssyncadd.s32 $0xFFFFF000  }
0xa3: {  	[spmem:s3] =	stream.indirect.scatter.add.f32 [tilespmem:s24], [sflag:$0x8], $0x40, s19, s20, $0xb8;
	[tilespmem:$0x1E000] =	vst v63  }
0xa4: {  	_ =	swait.ge [sflag:s26], $0x1000  }
0xa5: {  	[sflag:s26] =	ssyncset.done $0x0  }
0xa6: {  	s19 =	sadd.s32 $0x280, s12;
	[sflag:s26] =	ssyncadd.s32 $0xFFFFF000  }
0xa7: {  	[tilespmem:s21], [sflag:$0x1] =	stream.indirect.gather [spmem:s2], $0x40, s19, s20, $0xb8;
	[tilespmem:$0x1E000] =	vst v63  }
0xa8: {  	_ =	swait.ge [sflag:s31], $0x1000  }
0xa9: {  	[sflag:s31] =	ssyncset.done $0x0  }
0xaa: {  	s19 =	sadd.s32 $0x2A00, s12;
	[sflag:s31] =	ssyncadd.s32 $0xFFFFF000  }
0xab: {  	[spmem:s3] =	stream.indirect.scatter.add.f32 [tilespmem:s28], [sflag:$0x9], $0x40, s19, s20, $0xb8;
	[tilespmem:$0x1E000] =	vst v63  }
0xac: {  	_ =	swait.ge [sflag:s30], $0x1000  }
0xad: {  	[sflag:s30] =	ssyncset.done $0x0  }
0xae: {  	s19 =	sadd.s32 $0x2C0, s12;
	[sflag:s30] =	ssyncadd.s32 $0xFFFFF000  }
0xaf: {  	[tilespmem:s22], [sflag:$0x2] =	stream.indirect.gather [spmem:s2], $0x40, s19, s20, $0xb8;
	[tilespmem:$0x1E000] =	vst v63  }
0xb0: {  	_ =	swait.ge [sflag:s23], $0x1000  }
0xb1: {  	[sflag:s23] =	ssyncset.done $0x0  }
.Ltmp0:
0xb2: {  	s19 =	sadd.s32 $0x2A40, s12;
	[sflag:s23] =	ssyncadd.s32 $0xFFFFF000;
	(pc) =	sbr.rel @p0 .LBB2_2-.Ltmp0, $4  }
0xb3: {  	[spmem:s3] =	stream.indirect.scatter.add.f32 [tilespmem:s0], [sflag:$0xA], $0x40, s19, s20, $0xb8;
	[tilespmem:$0x1E000] =	vst v63  }
0xb4: {  	_ =	swait.ge [sflag:s6], $0x1000  }
0xb5: {  	[sflag:s6] =	ssyncset.done $0x0  }
0xb6: {  	s12 =	sadd.s32 $0x300, s12;
	[sflag:s6] =	ssyncadd.s32 $0xFFFFF000  }
0xb7: {  	[tilespmem:s24], [sflag:$0x3] =	stream.indirect.gather [spmem:s2], $0x40, s12, s20, $0xb8;
	[tilespmem:$0x1E000] =	vst v63  }
0xb8: {  	_ =	swait.ge [sflag:s25], $0x1000  }
0xb9: {  	[sflag:s25] =	ssyncset.done $0x0  }
0xba: {  	s11 =	simm.s32 $0x4EC0;
	[sflag:s25] =	ssyncadd.s32 $0xFFFFF000  }
0xbb: {  	[spmem:s3] =	stream.indirect.scatter.add.f32 [tilespmem:s21], [sflag:$0x6], $0x40, s11, s20, $0xb8;
	[tilespmem:$0x1E000] =	vst v63  }
0xbc: {  	_ =	swait.ge [sflag:s8], $0x1000  }
0xbd: {  	[sflag:s8] =	ssyncset.done $0x0  }
0xbe: {  	s12 =	simm.s32 $0x2780;
	[sflag:s8] =	ssyncadd.s32 $0xFFFFF000  }
0xbf: {  	[tilespmem:s28], [sflag:$0x4] =	stream.indirect.gather [spmem:s2], $0x40, s12, s20, $0xb8;
	[tilespmem:$0x1E000] =	vst v63  }
0xc0: {  	_ =	swait.ge [sflag:s29], $0x1000  }
0xc1: {  	[sflag:s29] =	ssyncset.done $0x0  }
0xc2: {  	s19 =	simm.s32 $0x4F00;
	[sflag:s29] =	ssyncadd.s32 $0xFFFFF000  }
0xc3: {  	[spmem:s3] =	stream.indirect.scatter.add.f32 [tilespmem:s22], [sflag:$0x7], $0x40, s19, s20, $0xb8;
	[tilespmem:$0x1E000] =	vst v63  }
0xc4: {  	_ =	swait.ge [sflag:s9], $0x1000  }
0xc5: {  	[sflag:s9] =	ssyncset.done $0x0  }
0xc6: {  	s12 =	simm.s32 $0x27C0;
	[sflag:s9] =	ssyncadd.s32 $0xFFFFF000  }
0xc7: {  	[tilespmem:s0], [sflag:$0x5] =	stream.indirect.gather [spmem:s2], $0x40, s12, s20, $0xb8;
	[tilespmem:$0x1E000] =	vst v63  }
0xc8: {  	_ =	swait.ge [sflag:s1], $0x1000  }
0xc9: {  	[sflag:s1] =	ssyncset.done $0x0  }
0xca: {  	s19 =	simm.s32 $0x4F40;
	[sflag:s1] =	ssyncadd.s32 $0xFFFFF000  }
0xcb: {  	[spmem:s3] =	stream.indirect.scatter.add.f32 [tilespmem:s24], [sflag:$0x8], $0x40, s19, s20, $0xb8;
	[tilespmem:$0x1E000] =	vst v63  }
0xcc: {  	_ =	swait.ge [sflag:s31], $0x1000  }
0xcd: {  	[sflag:s31] =	ssyncset.done $0x0  }
0xce: {  	s12 =	simm.s32 $0x4F80;
	[sflag:s31] =	ssyncadd.s32 $0xFFFFF000  }
0xcf: {  	[spmem:s3] =	stream.indirect.scatter.add.f32 [tilespmem:s28], [sflag:$0x9], $0x40, s12, s20, $0xb8;
	[tilespmem:$0x1E000] =	vst v63  }
0xd0: {  	_ =	swait.ge [sflag:s23], $0x1000  }
0xd1: {  	[sflag:s23] =	ssyncset.done $0x0  }
0xd2: {  	s19 =	simm.s32 $0x4FC0;
	[sflag:s23] =	ssyncadd.s32 $0xFFFFF000  }
0xd3: {  	[spmem:s3] =	stream.indirect.scatter.add.f32 [tilespmem:s0], [sflag:$0xA], $0x40, s19, s20, $0xb8;
	[tilespmem:$0x1E000] =	vst v63  }
0xd4: {  	_ =	swait.ge [sflag:s26], $0x1000  }
0xd5: {  	[sflag:s26] =	ssyncset.done $0x0  }
0xd6: {  	[sflag:s26] =	ssyncadd.s32 $0xFFFFF000  }
0xd7: {  	_ =	swait.ge [sflag:s30], $0x1000  }
0xd8: {  	[sflag:s30] =	ssyncset.done $0x0  }
0xd9: {  	[sflag:s30] =	ssyncadd.s32 $0xFFFFF000  }
0xda: {  	_ =	swait.ge [sflag:s6], $0x1000  }
0xdb: {  	[sflag:s6] =	ssyncset.done $0x0  }
0xdc: {  	[sflag:s6] =	ssyncadd.s32 $0xFFFFF000  }
0xdd: {  	_ =	swait.ge [sflag:s8], $0x1000  }
0xde: {  	[sflag:s8] =	ssyncset.done $0x0  }
0xdf: {  	[sflag:s8] =	ssyncadd.s32 $0xFFFFF000  }
0xe0: {  	_ =	swait.ge [sflag:s9], $0x1000  }
0xe1: {  	[sflag:s9] =	ssyncset.done $0x0  }
0xe2: {  	[sflag:s9] =	ssyncadd.s32 $0xFFFFF000  }
0xe3: {  	[bflag:$0x0] =	sbarrier.arrive $0xFFFF  }
0xe4: {  	s12 =	rddreg [dreg:$0x7]  }
0xe5: {  	[hbm:s12], [sflag:s7] =	dma.local [spmem:s14], $0x1400  }
0xe6: {  	_ =	swait.ge [sflag:s13], $0x1400  }
0xe7: {  	s10 =	sadd.s32 $0x1, s10;
	s19 =	rddreg [dreg:$0x8]  }
0xe8: {  	p0 =	sne.s32 s10, s19  }
.Ltmp1:
0xe9: {  	_ = 	snop;
	(pc) =	sbr.rel @p0 .LBB2_1-.Ltmp1, $3  }
0xea: {  	_ =	sdelay $0x1  }
0xeb: {  	[sflag:s13] =	ssyncset.done $0x0  }
0xec: {  	[sflag:s13] =	ssyncadd.s32 $0xFFFFEC00  }
0xed: {  	_ =	sfence.sel $0x180000  }
0xee: {  	[bflag:$0x0] =	sbarrier.arrive $0xFFFF  }
0xef: {  	_ =	strace $0x90000050  }
0xf0: {  	s0 =	stileid.u32;
	[bflag:$0x2] =	sbarrier.arrive $0xFFFF  }
0xf1: {  	p0 =	sne.s32 s0, $0x0;
	s0 =	rddreg [dreg:$0x3]  }
0xf2: {  	s0 =	sadd.s32 @!p0 $0x100000, s0  }
0xf3: {  	[sflag:s0] =	ssyncadd.tile.s32 @!p0 $0x1;
	_ =	shalt  }
.Lfunc_end2:
_tile_overlayer_lowered:
.L_overlay_start_2:
0xf4: {  	(tag) =	ssettag $0x2  }
0xf5: {  	s0 =	rddreg [dreg:$0x0];
	s2 =	stileid.u32  }
0xf6: {  	s1 =	rddreg [dreg:$0x1];
	p0 =	sne.s32 s2, $0x0  }
0xf7: {  	s3 =	rddreg [dreg:$0x2];
	[bflag:$0x3] =	sbarrier.arrive $0xFFFF;
	s2 =	simm.s32 @!p0 $0x1C0B  }
0xf8: {  	[timem:s3], [sflag:s2] =	dma.local @!p0 [hbm:s0], s1  }
0xf9: {  	s0 =	simm.s32 @!p0 $0xB  }
0xfa: {  	_ =	swait.ge @!p0 [sflag:s0], s1  }
0xfb: {  	s1 =	ssub.s32 @!p0 $0x0, s1;
	[sflag:s0] =	ssyncset.done @!p0 $0x0  }
0xfc: {  	[sflag:s0] =	ssyncadd.s32 @!p0 s1  }
0xfd: {  	[bflag:$0x3] =	sbarrier.arrive $0xFFFF  }
0xfe: {  	_ =	shalt  }

</sc_bundles>
